<compile_context>
chip_gen: v7x
topology: tpu7x:2x2x1
jax: 0.10.2.dev20260603
libtpu: 0.0.44.dev20260713+nightly
codegen_flags: <defaults>
</compile_context>

<pallas_src>
import functools

import jax
import jax.numpy as jnp
from jax import lax
from jax.experimental import pallas as pl
from jax.experimental.pallas import tpu as pltpu
from jax.experimental.pallas import tpu_sc as plsc

N = 10000
E = 320000
D = 128

NC = 2
NS = 16
NW = NC * NS
C = 96
NCH = 106
E_PAD = NW * NCH * C
N_T = 10112
RPS = N_T // NS
CR = N_T // D
_STRIPE_OFFS = [min(j, RPS - C) for j in range(0, RPS, C)]



def _make_sc_aggregate():
    out_type = [jax.ShapeDtypeStruct((NC, N_T, D), jnp.float32)]
    scratch = [
        pltpu.VMEM_SHARED((N_T, D), jnp.float32),
        pltpu.VMEM((2, C), jnp.int32),
        pltpu.VMEM((2, C), jnp.int32),
        pltpu.VMEM((C, D), jnp.float32),
        pltpu.VMEM((C, D), jnp.float32),
        pltpu.SemaphoreType.DMA,
        pltpu.SemaphoreType.DMA,
    ]

    def body(feat, sd_hbm, *refs):
        agg_out, agg_sh, sd0, sd1, gb0, gb1, sem0, sem1 = refs
        sd = (sd0, sd1)
        gb = (gb0, gb1)
        sem = (sem0, sem1)
        cid = lax.axis_index("c")
        sid = lax.axis_index("s")
        wid = cid * NS + sid

        z16 = jnp.zeros((16,), jnp.float32)

        def zrow(i, carry):
            for l in range(D // 16):
                gb0[i, pl.ds(l * 16, 16)] = z16
            return carry

        lax.fori_loop(0, C, zrow, 0)

        base = pl.multiple_of(sid * RPS, 8)

        def fill_idx(j):
            for l in range(C // 16):
                sd0[0, pl.ds(l * 16, 16)] = (
                    base + j + l * 16 + lax.iota(jnp.int32, 16))

        for j in _STRIPE_OFFS:
            fill_idx(j)
            pltpu.sync_copy(gb0, agg_sh.at[sd0.at[0]])
        plsc.subcore_barrier()

        e0 = wid * NCH
        pltpu.sync_copy(sd_hbm.at[e0], sd0)
        pltpu.async_copy(feat.at[sd0.at[0]], gb0, sem0)

        def pair(i2, carry):
            for b in (0, 1):
                k = i2 * 2 + b
                nb = 1 - b

                @pl.when(k + 1 < NCH)
                def _prefetch():
                    pltpu.sync_copy(sd_hbm.at[e0 + k + 1], sd[nb])
                    pltpu.async_copy(feat.at[sd[nb].at[0]], gb[nb], sem[nb])

                pltpu.make_async_copy(feat.at[sd[b].at[0]], gb[b],
                                      sem[b]).wait()
                pltpu.sync_copy(gb[b], agg_sh.at[sd[b].at[1]], add=True)
            return carry

        lax.fori_loop(0, NCH // 2, pair, 0)
        plsc.subcore_barrier()

        for j in _STRIPE_OFFS:
            fill_idx(j)
            pltpu.async_copy(agg_sh.at[sd0.at[0]], gb0, sem0).wait()
            pltpu.sync_copy(gb0, agg_out.at[cid, pl.ds(base + j, C)])

    mesh = plsc.VectorSubcoreMesh(core_axis_name="c", subcore_axis_name="s")
    return pl.kernel(body, out_type=tuple(out_type), mesh=mesh,
                     scratch_types=scratch)


_sc_agg = _make_sc_aggregate()



def _dense1_body(agg_ref, cnt_ref, x_ref, wl_ref, bl_ref, wr_ref, out_ref):
    scale = 1.0 / jnp.clip(cnt_ref[:, 0], 1.0, None)
    mean = (agg_ref[0] + agg_ref[1]) * scale[:, None]
    h = (jnp.dot(mean, wl_ref[...], preferred_element_type=jnp.float32)
         + bl_ref[...][None, :]
         + jnp.dot(x_ref[...], wr_ref[...], preferred_element_type=jnp.float32))
    out_ref[...] = jnp.maximum(h, 0.0)


def _dense1(agg, cnt, x, wl, bl, wr, blk=400):
    return pl.pallas_call(
        _dense1_body,
        grid=(N // blk,),
        in_specs=[
            pl.BlockSpec((NC, blk, D), lambda i: (0, i, 0)),
            pl.BlockSpec((blk, 8), lambda i: (i, 0)),
            pl.BlockSpec((blk, D), lambda i: (i, 0)),
            pl.BlockSpec((D, D), lambda i: (0, 0)),
            pl.BlockSpec((D,), lambda i: (0,)),
            pl.BlockSpec((D, D), lambda i: (0, 0)),
        ],
        out_specs=pl.BlockSpec((blk, D), lambda i: (i, 0)),
        out_shape=jax.ShapeDtypeStruct((N, D), jnp.float32),
    )(agg, cnt, x, wl, bl, wr)


def _dense2_body(agg_ref, cnt_ref, h_ref, wl_ref, bl_ref, wr_ref,
                 w1_ref, b1_ref, w2_ref, b2_ref, out_ref):
    scale = 1.0 / jnp.clip(cnt_ref[:, 0], 1.0, None)
    mean = (agg_ref[0] + agg_ref[1]) * scale[:, None]
    g = (jnp.dot(mean, wl_ref[...], preferred_element_type=jnp.float32)
         + bl_ref[...][None, :]
         + jnp.dot(h_ref[...], wr_ref[...], preferred_element_type=jnp.float32))
    g = jnp.maximum(g, 0.0)
    g = jnp.maximum(jnp.dot(g, w1_ref[...], preferred_element_type=jnp.float32)
                    + b1_ref[...][None, :], 0.0)
    out_ref[...] = (jnp.dot(g, w2_ref[...], preferred_element_type=jnp.float32)
                    + b2_ref[...][None, :])


def _dense2(agg, cnt, h, wl, bl, wr, w1, b1, w2, b2, blk=400):
    return pl.pallas_call(
        _dense2_body,
        grid=(N // blk,),
        in_specs=[
            pl.BlockSpec((NC, blk, D), lambda i: (0, i, 0)),
            pl.BlockSpec((blk, 8), lambda i: (i, 0)),
            pl.BlockSpec((blk, D), lambda i: (i, 0)),
            pl.BlockSpec((D, D), lambda i: (0, 0)),
            pl.BlockSpec((D,), lambda i: (0,)),
            pl.BlockSpec((D, D), lambda i: (0, 0)),
            pl.BlockSpec((D, D), lambda i: (0, 0)),
            pl.BlockSpec((D,), lambda i: (0,)),
            pl.BlockSpec((D, D), lambda i: (0, 0)),
            pl.BlockSpec((D,), lambda i: (0,)),
        ],
        out_specs=pl.BlockSpec((blk, D), lambda i: (i, 0)),
        out_shape=jax.ShapeDtypeStruct((N, D), jnp.float32),
    )(agg, cnt, h, wl, bl, wr, w1, b1, w2, b2)



def kernel(x, edge_index, Wl0, bl0, Wr0, Wl1, bl1, Wr1, W1, b1, W2, b2):
    pad = E_PAD - E
    src1 = jnp.concatenate([edge_index[0], jnp.zeros((pad,), jnp.int32)])
    dst1 = jnp.concatenate([edge_index[1], jnp.full((pad,), N, jnp.int32)])
    sd = jnp.stack([src1.reshape(NW * NCH, C), dst1.reshape(NW * NCH, C)],
                   axis=1)
    cnt = jax.ops.segment_sum(jnp.ones((E,), jnp.float32), edge_index[1],
                              num_segments=N)
    cnt = jnp.broadcast_to(cnt[:, None], (N, 8))
    (agg,) = _sc_agg(x, sd)
    h = _dense1(agg, cnt, x, Wl0, bl0, Wr0)
    (agg,) = _sc_agg(h, sd)
    return _dense2(agg, cnt, h, Wl1, bl1, Wr1, W1, b1, W2, b2)

# --- scband reference (transcript-rebuilt; emitter-appended) ---
"""Pipeline reference for scband-graph-sage-37477884624977 (READ-ONLY COPY).

The authoritative reference and input builder live on the scoring server;
editing this copy changes nothing except your own understanding.
"""

import jax, jax.numpy as jnp
import numpy as np

N = 10000
E = 320000
D_IN = 128
D_EMB = 128
D_OUT = 128


def setup_inputs(seed: int = 0) -> dict:
    key = jax.random.key(seed)
    ks = jax.random.split(key, 14)
    x = jax.random.normal(ks[0], (N, D_IN), dtype=jnp.float32)
    edge_index = jax.random.randint(ks[1], (2, E), 0, N, dtype=jnp.int32)
    s_in = 1.0 / np.sqrt(D_IN)
    s_emb = 1.0 / np.sqrt(D_EMB)
    Wl0 = jax.random.uniform(ks[2], (D_IN, D_EMB), jnp.float32, -s_in, s_in)
    bl0 = jax.random.uniform(ks[3], (D_EMB,), jnp.float32, -s_in, s_in)
    Wr0 = jax.random.uniform(ks[4], (D_IN, D_EMB), jnp.float32, -s_in, s_in)
    Wl1 = jax.random.uniform(ks[5], (D_EMB, D_EMB), jnp.float32, -s_emb, s_emb)
    bl1 = jax.random.uniform(ks[6], (D_EMB,), jnp.float32, -s_emb, s_emb)
    Wr1 = jax.random.uniform(ks[7], (D_EMB, D_EMB), jnp.float32, -s_emb, s_emb)
    W1 = jax.random.uniform(ks[8], (D_EMB, D_EMB), jnp.float32, -s_emb, s_emb)
    b1 = jax.random.uniform(ks[9], (D_EMB,), jnp.float32, -s_emb, s_emb)
    W2 = jax.random.uniform(ks[10], (D_EMB, D_OUT), jnp.float32, -s_emb, s_emb)
    b2 = jax.random.uniform(ks[11], (D_OUT,), jnp.float32, -s_emb, s_emb)
    return {"x": x, "edge_index": edge_index, "Wl0": Wl0, "bl0": bl0, "Wr0": Wr0,
            "Wl1": Wl1, "bl1": bl1, "Wr1": Wr1, "W1": W1, "b1": b1, "W2": W2, "b2": b2}


def _sage_conv(x, edge_index, Wl, bl, Wr):
    # PyG SAGEConv with mean aggregation: out = lin_l(mean_neighbors) + lin_r(x)
    src = edge_index[0]
    dst = edge_index[1]
    msgs = jnp.take(x, src, axis=0)
    agg = jax.ops.segment_sum(msgs, dst, num_segments=N)
    cnt = jax.ops.segment_sum(jnp.ones((edge_index.shape[1],), x.dtype), dst, num_segments=N)
    mean = agg / jnp.clip(cnt, 1.0, None)[:, None]
    return mean @ Wl + bl + x @ Wr


def reference(x, edge_index, Wl0, bl0, Wr0, Wl1, bl1, Wr1, W1, b1, W2, b2):
    h = jax.nn.relu(_sage_conv(x, edge_index, Wl0, bl0, Wr0))
    h = jax.nn.relu(_sage_conv(h, edge_index, Wl1, bl1, Wr1))
    # dropout(p=0.1) is identity in eval mode
    h = jax.nn.relu(h)
    h = jax.nn.relu(h @ W1 + b1)
    h = h @ W2 + b2
    return h

if __name__ == "__main__":
    import jax
    _d = setup_inputs()
    print(jax.jit(kernel)(*tuple(_d.values())))

</pallas_src>

<mosaic_0001>
#map = affine_map<(d0, d1) -> (0, 0)>
#map1 = affine_map<(d0, d1) -> (0, 0, 0)>
module attributes {stable_mosaic.version = 14 : i64} {
  func.func @body(%arg0: i32, %arg1: i32, %arg2: memref<10000x128xf32, #tpu.memory_space<hbm>>, %arg3: memref<3392x2x96xi32, #tpu.memory_space<hbm>>, %arg4: memref<2x10112x128xf32, #tpu.memory_space<hbm>>, %arg5: memref<10112x128xf32, #tpu.memory_space<vmem_shared>>, %arg6: memref<2x96xi32, #tpu.memory_space<vmem>>, %arg7: memref<2x96xi32, #tpu.memory_space<vmem>>, %arg8: memref<96x128xf32, #tpu.memory_space<vmem>>, %arg9: memref<96x128xf32, #tpu.memory_space<vmem>>, %arg10: memref<!tpu.dma_semaphore, #tpu.memory_space<semaphore_mem>>, %arg11: memref<!tpu.dma_semaphore, #tpu.memory_space<semaphore_mem>>) attributes {dimension_semantics = [#tpu.dimension_semantics<core_parallel>, #tpu.dimension_semantics<subcore_parallel>], iteration_bounds = array<i64: 2, 16>, scalar_prefetch = 0 : i64, scratch_operands = 7 : i64, tpu.core_type = #tpu.core_type<sc_vector_subcore>, window_params = [{transform_indices = #map}, {transform_indices = #map1}, {transform_indices = #map1}]} {
    %mul3A = arith.constant 16 : i32
    %mul3A_0 = arith.muli %arg0, %mul3A : i32
    %add3A = arith.addi %mul3A_0, %arg1 : i32
    %broadcast_in_dim3A = arith.constant 0.000000e+00 : f32
    %broadcast_in_dim3A_1 = vector.broadcast %broadcast_in_dim3A : f32 to vector<16xf32>
    %scan3A = arith.constant 0 : i32
    %scan3A_2 = arith.constant 0 : i32
    %scan3A_3 = arith.constant 96 : i32
    %scan3A_4 = arith.addi %scan3A_2, %scan3A_3 : i32
    %scan3A_5 = arith.constant 1 : i32
    scf.for %scan3A_1231 = %scan3A_2 to %scan3A_4 step %scan3A_5  : i32 {
      %swap3A_1232 = arith.index_cast %scan3A_1231 : i32 to index
      %swap3A_1233 = arith.constant 0 : index
      %swap3A_1234 = tpu.vector_load %arg8[%swap3A_1232, %swap3A_1233] {strides = array<i32>} : memref<96x128xf32, #tpu.memory_space<vmem>>, vector<1x16xf32>,
      %swap3A_1235 = vector.shape_cast %swap3A_1234 : vector<1x16xf32> to vector<16xf32>
      %swap3A_1236 = vector.shape_cast %broadcast_in_dim3A_1 : vector<16xf32> to vector<1x16xf32>
      tpu.vector_store %arg8[%swap3A_1232, %swap3A_1233], %swap3A_1236 {strides = array<i32>} : memref<96x128xf32, #tpu.memory_space<vmem>>, vector<1x16xf32>,
      %swap3A_1237 = arith.index_cast %scan3A_1231 : i32 to index
      %swap3A_1238 = arith.constant 16 : index
      %swap3A_1239 = tpu.vector_load %arg8[%swap3A_1237, %swap3A_1238] {strides = array<i32>} : memref<96x128xf32, #tpu.memory_space<vmem>>, vector<1x16xf32>,
      %swap3A_1240 = vector.shape_cast %swap3A_1239 : vector<1x16xf32> to vector<16xf32>
      %swap3A_1241 = vector.shape_cast %broadcast_in_dim3A_1 : vector<16xf32> to vector<1x16xf32>
      tpu.vector_store %arg8[%swap3A_1237, %swap3A_1238], %swap3A_1241 {strides = array<i32>} : memref<96x128xf32, #tpu.memory_space<vmem>>, vector<1x16xf32>,
      %swap3A_1242 = arith.index_cast %scan3A_1231 : i32 to index
      %swap3A_1243 = arith.constant 32 : index
      %swap3A_1244 = tpu.vector_load %arg8[%swap3A_1242, %swap3A_1243] {strides = array<i32>} : memref<96x128xf32, #tpu.memory_space<vmem>>, vector<1x16xf32>,
      %swap3A_1245 = vector.shape_cast %swap3A_1244 : vector<1x16xf32> to vector<16xf32>
      %swap3A_1246 = vector.shape_cast %broadcast_in_dim3A_1 : vector<16xf32> to vector<1x16xf32>
      tpu.vector_store %arg8[%swap3A_1242, %swap3A_1243], %swap3A_1246 {strides = array<i32>} : memref<96x128xf32, #tpu.memory_space<vmem>>, vector<1x16xf32>,
      %swap3A_1247 = arith.index_cast %scan3A_1231 : i32 to index
      %swap3A_1248 = arith.constant 48 : index
      %swap3A_1249 = tpu.vector_load %arg8[%swap3A_1247, %swap3A_1248] {strides = array<i32>} : memref<96x128xf32, #tpu.memory_space<vmem>>, vector<1x16xf32>,
      %swap3A_1250 = vector.shape_cast %swap3A_1249 : vector<1x16xf32> to vector<16xf32>
      %swap3A_1251 = vector.shape_cast %broadcast_in_dim3A_1 : vector<16xf32> to vector<1x16xf32>
      tpu.vector_store %arg8[%swap3A_1247, %swap3A_1248], %swap3A_1251 {strides = array<i32>} : memref<96x128xf32, #tpu.memory_space<vmem>>, vector<1x16xf32>,
      %swap3A_1252 = arith.index_cast %scan3A_1231 : i32 to index
      %swap3A_1253 = arith.constant 64 : index
      %swap3A_1254 = tpu.vector_load %arg8[%swap3A_1252, %swap3A_1253] {strides = array<i32>} : memref<96x128xf32, #tpu.memory_space<vmem>>, vector<1x16xf32>,
      %swap3A_1255 = vector.shape_cast %swap3A_1254 : vector<1x16xf32> to vector<16xf32>
      %swap3A_1256 = vector.shape_cast %broadcast_in_dim3A_1 : vector<16xf32> to vector<1x16xf32>
      tpu.vector_store %arg8[%swap3A_1252, %swap3A_1253], %swap3A_1256 {strides = array<i32>} : memref<96x128xf32, #tpu.memory_space<vmem>>, vector<1x16xf32>,
      %swap3A_1257 = arith.index_cast %scan3A_1231 : i32 to index
      %swap3A_1258 = arith.constant 80 : index
      %swap3A_1259 = tpu.vector_load %arg8[%swap3A_1257, %swap3A_1258] {strides = array<i32>} : memref<96x128xf32, #tpu.memory_space<vmem>>, vector<1x16xf32>,
      %swap3A_1260 = vector.shape_cast %swap3A_1259 : vector<1x16xf32> to vector<16xf32>
      %swap3A_1261 = vector.shape_cast %broadcast_in_dim3A_1 : vector<16xf32> to vector<1x16xf32>
      tpu.vector_store %arg8[%swap3A_1257, %swap3A_1258], %swap3A_1261 {strides = array<i32>} : memref<96x128xf32, #tpu.memory_space<vmem>>, vector<1x16xf32>,
      %swap3A_1262 = arith.index_cast %scan3A_1231 : i32 to index
      %swap3A_1263 = arith.constant 96 : index
      %swap3A_1264 = tpu.vector_load %arg8[%swap3A_1262, %swap3A_1263] {strides = array<i32>} : memref<96x128xf32, #tpu.memory_space<vmem>>, vector<1x16xf32>,
      %swap3A_1265 = vector.shape_cast %swap3A_1264 : vector<1x16xf32> to vector<16xf32>
      %swap3A_1266 = vector.shape_cast %broadcast_in_dim3A_1 : vector<16xf32> to vector<1x16xf32>
      tpu.vector_store %arg8[%swap3A_1262, %swap3A_1263], %swap3A_1266 {strides = array<i32>} : memref<96x128xf32, #tpu.memory_space<vmem>>, vector<1x16xf32>,
      %swap3A_1267 = arith.index_cast %scan3A_1231 : i32 to index
      %swap3A_1268 = arith.constant 112 : index
      %swap3A_1269 = tpu.vector_load %arg8[%swap3A_1267, %swap3A_1268] {strides = array<i32>} : memref<96x128xf32, #tpu.memory_space<vmem>>, vector<1x16xf32>,
      %swap3A_1270 = vector.shape_cast %swap3A_1269 : vector<1x16xf32> to vector<16xf32>
      %swap3A_1271 = vector.shape_cast %broadcast_in_dim3A_1 : vector<16xf32> to vector<1x16xf32>
      tpu.vector_store %arg8[%swap3A_1267, %swap3A_1268], %swap3A_1271 {strides = array<i32>} : memref<96x128xf32, #tpu.memory_space<vmem>>, vector<1x16xf32>,
    }
    %scan3A_6 = arith.constant 96 : i32
    %mul3A_7 = arith.constant 632 : i32
    %mul3A_8 = arith.muli %arg1, %mul3A_7 : i32
    %multiple_of3A = tpu.assume_multiple %mul3A_8, 8 : i32
    %add3A_9 = arith.constant 0 : i32
    %add3A_10 = arith.addi %multiple_of3A, %add3A_9 : i32
    %add3A_11 = arith.constant 0 : i32
    %add3A_12 = arith.addi %add3A_10, %add3A_11 : i32
    %iota3A = tpu.iota {dimensions = array<i32: 0>} : vector<16xi32>
    %add3A_13 = vector.broadcast %add3A_12 : i32 to vector<16xi32>
    %add3A_14 = arith.addi %add3A_13, %iota3A : vector<16xi32>
    %swap3A = arith.constant 0 : i32
    %swap3A_15 = arith.index_cast %swap3A : i32 to index
    %swap3A_16 = arith.constant 0 : index
    %swap3A_17 = tpu.vector_load %arg6[%swap3A_15, %swap3A_16] {strides = array<i32>} : memref<2x96xi32, #tpu.memory_space<vmem>>, vector<1x16xi32>,
    %swap3A_18 = vector.shape_cast %swap3A_17 : vector<1x16xi32> to vector<16xi32>
    %swap3A_19 = vector.shape_cast %add3A_14 : vector<16xi32> to vector<1x16xi32>
    tpu.vector_store %arg6[%swap3A_15, %swap3A_16], %swap3A_19 {strides = array<i32>} : memref<2x96xi32, #tpu.memory_space<vmem>>, vector<1x16xi32>,
    %add3A_20 = arith.constant 0 : i32
    %add3A_21 = arith.addi %multiple_of3A, %add3A_20 : i32
    %add3A_22 = arith.constant 16 : i32
    %add3A_23 = arith.addi %add3A_21, %add3A_22 : i32
    %iota3A_24 = tpu.iota {dimensions = array<i32: 0>} : vector<16xi32>
    %add3A_25 = vector.broadcast %add3A_23 : i32 to vector<16xi32>
    %add3A_26 = arith.addi %add3A_25, %iota3A_24 : vector<16xi32>
    %swap3A_27 = arith.constant 0 : i32
    %swap3A_28 = arith.index_cast %swap3A_27 : i32 to index
    %swap3A_29 = arith.constant 16 : index
    %swap3A_30 = tpu.vector_load %arg6[%swap3A_28, %swap3A_29] {strides = array<i32>} : memref<2x96xi32, #tpu.memory_space<vmem>>, vector<1x16xi32>,
    %swap3A_31 = vector.shape_cast %swap3A_30 : vector<1x16xi32> to vector<16xi32>
    %swap3A_32 = vector.shape_cast %add3A_26 : vector<16xi32> to vector<1x16xi32>
    tpu.vector_store %arg6[%swap3A_28, %swap3A_29], %swap3A_32 {strides = array<i32>} : memref<2x96xi32, #tpu.memory_space<vmem>>, vector<1x16xi32>,
    %add3A_33 = arith.constant 0 : i32
    %add3A_34 = arith.addi %multiple_of3A, %add3A_33 : i32
    %add3A_35 = arith.constant 32 : i32
    %add3A_36 = arith.addi %add3A_34, %add3A_35 : i32
    %iota3A_37 = tpu.iota {dimensions = array<i32: 0>} : vector<16xi32>
    %add3A_38 = vector.broadcast %add3A_36 : i32 to vector<16xi32>
    %add3A_39 = arith.addi %add3A_38, %iota3A_37 : vector<16xi32>
    %swap3A_40 = arith.constant 0 : i32
    %swap3A_41 = arith.index_cast %swap3A_40 : i32 to index
    %swap3A_42 = arith.constant 32 : index
    %swap3A_43 = tpu.vector_load %arg6[%swap3A_41, %swap3A_42] {strides = array<i32>} : memref<2x96xi32, #tpu.memory_space<vmem>>, vector<1x16xi32>,
    %swap3A_44 = vector.shape_cast %swap3A_43 : vector<1x16xi32> to vector<16xi32>
    %swap3A_45 = vector.shape_cast %add3A_39 : vector<16xi32> to vector<1x16xi32>
    tpu.vector_store %arg6[%swap3A_41, %swap3A_42], %swap3A_45 {strides = array<i32>} : memref<2x96xi32, #tpu.memory_space<vmem>>, vector<1x16xi32>,
    %add3A_46 = arith.constant 0 : i32
    %add3A_47 = arith.addi %multiple_of3A, %add3A_46 : i32
    %add3A_48 = arith.constant 48 : i32
    %add3A_49 = arith.addi %add3A_47, %add3A_48 : i32
    %iota3A_50 = tpu.iota {dimensions = array<i32: 0>} : vector<16xi32>
    %add3A_51 = vector.broadcast %add3A_49 : i32 to vector<16xi32>
    %add3A_52 = arith.addi %add3A_51, %iota3A_50 : vector<16xi32>
    %swap3A_53 = arith.constant 0 : i32
    %swap3A_54 = arith.index_cast %swap3A_53 : i32 to index
    %swap3A_55 = arith.constant 48 : index
    %swap3A_56 = tpu.vector_load %arg6[%swap3A_54, %swap3A_55] {strides = array<i32>} : memref<2x96xi32, #tpu.memory_space<vmem>>, vector<1x16xi32>,
    %swap3A_57 = vector.shape_cast %swap3A_56 : vector<1x16xi32> to vector<16xi32>
    %swap3A_58 = vector.shape_cast %add3A_52 : vector<16xi32> to vector<1x16xi32>
    tpu.vector_store %arg6[%swap3A_54, %swap3A_55], %swap3A_58 {strides = array<i32>} : memref<2x96xi32, #tpu.memory_space<vmem>>, vector<1x16xi32>,
    %add3A_59 = arith.constant 0 : i32
    %add3A_60 = arith.addi %multiple_of3A, %add3A_59 : i32
    %add3A_61 = arith.constant 64 : i32
    %add3A_62 = arith.addi %add3A_60, %add3A_61 : i32
    %iota3A_63 = tpu.iota {dimensions = array<i32: 0>} : vector<16xi32>
    %add3A_64 = vector.broadcast %add3A_62 : i32 to vector<16xi32>
    %add3A_65 = arith.addi %add3A_64, %iota3A_63 : vector<16xi32>
    %swap3A_66 = arith.constant 0 : i32
    %swap3A_67 = arith.index_cast %swap3A_66 : i32 to index
    %swap3A_68 = arith.constant 64 : index
    %swap3A_69 = tpu.vector_load %arg6[%swap3A_67, %swap3A_68] {strides = array<i32>} : memref<2x96xi32, #tpu.memory_space<vmem>>, vector<1x16xi32>,
    %swap3A_70 = vector.shape_cast %swap3A_69 : vector<1x16xi32> to vector<16xi32>
    %swap3A_71 = vector.shape_cast %add3A_65 : vector<16xi32> to vector<1x16xi32>
    tpu.vector_store %arg6[%swap3A_67, %swap3A_68], %swap3A_71 {strides = array<i32>} : memref<2x96xi32, #tpu.memory_space<vmem>>, vector<1x16xi32>,
    %add3A_72 = arith.constant 0 : i32
    %add3A_73 = arith.addi %multiple_of3A, %add3A_72 : i32
    %add3A_74 = arith.constant 80 : i32
    %add3A_75 = arith.addi %add3A_73, %add3A_74 : i32
    %iota3A_76 = tpu.iota {dimensions = array<i32: 0>} : vector<16xi32>
    %add3A_77 = vector.broadcast %add3A_75 : i32 to vector<16xi32>
    %add3A_78 = arith.addi %add3A_77, %iota3A_76 : vector<16xi32>
    %swap3A_79 = arith.constant 0 : i32
    %swap3A_80 = arith.index_cast %swap3A_79 : i32 to index
    %swap3A_81 = arith.constant 80 : index
    %swap3A_82 = tpu.vector_load %arg6[%swap3A_80, %swap3A_81] {strides = array<i32>} : memref<2x96xi32, #tpu.memory_space<vmem>>, vector<1x16xi32>,
    %swap3A_83 = vector.shape_cast %swap3A_82 : vector<1x16xi32> to vector<16xi32>
    %swap3A_84 = vector.shape_cast %add3A_78 : vector<16xi32> to vector<1x16xi32>
    tpu.vector_store %arg6[%swap3A_80, %swap3A_81], %swap3A_84 {strides = array<i32>} : memref<2x96xi32, #tpu.memory_space<vmem>>, vector<1x16xi32>,
    %run_scoped3A = arith.constant 0 : i32
    "tpu.region"() ({
      %run_scoped3A_1231 = tpu.sem_alloc : memref<!tpu.dma_semaphore, #tpu.memory_space<semaphore_mem>>
      %dma_start3A_1232 = arith.constant 0 : i32
      %dma_start3A_1233 = tpu.memref_slice %arg6[%run_scoped3A, %dma_start3A_1232] : memref<2x96xi32, #tpu.memory_space<vmem>> -> memref<1x96xi32, #tpu.memory_space<vmem>>
      %dma_start3A_1234 = tpu.memref_squeeze %dma_start3A_1233 : memref<1x96xi32, #tpu.memory_space<vmem>> -> memref<96xi32, #tpu.memory_space<vmem>>
      %dma_start3A_1235 = arith.constant 0 : i32
      %dma_start3A_1236 = arith.constant 0 : i32
      %dma_start3A_1237 = tpu.memref_slice %arg5[%dma_start3A_1235, %dma_start3A_1236] : memref<10112x128xf32, #tpu.memory_space<vmem_shared>> -> memref<10112x128xf32, #tpu.memory_space<vmem_shared>>
      tpu.enqueue_indirect_dma source(%arg8 : memref<96x128xf32, #tpu.memory_space<vmem>>) target(%dma_start3A_1237 : memref<10112x128xf32, #tpu.memory_space<vmem_shared>>) offsets(%dma_start3A_1234 : memref<96xi32, #tpu.memory_space<vmem>>) semaphore(%run_scoped3A_1231 : memref<!tpu.dma_semaphore, #tpu.memory_space<semaphore_mem>>)
      %dma_wait3A_1238 = arith.constant 0 : i32
      %dma_wait3A_1239 = tpu.memref_slice %arg6[%run_scoped3A, %dma_wait3A_1238] : memref<2x96xi32, #tpu.memory_space<vmem>> -> memref<1x96xi32, #tpu.memory_space<vmem>>
      %dma_wait3A_1240 = tpu.memref_squeeze %dma_wait3A_1239 : memref<1x96xi32, #tpu.memory_space<vmem>> -> memref<96xi32, #tpu.memory_space<vmem>>
      %dma_wait3A_1241 = arith.constant 0 : i32
      %dma_wait3A_1242 = arith.constant 0 : i32
      %dma_wait3A_1243 = tpu.memref_slice %arg5[%dma_wait3A_1241, %dma_wait3A_1242] : memref<10112x128xf32, #tpu.memory_space<vmem_shared>> -> memref<10112x128xf32, #tpu.memory_space<vmem_shared>>
      tpu.wait_indirect_dma semaphore(%run_scoped3A_1231 : memref<!tpu.dma_semaphore, #tpu.memory_space<semaphore_mem>>) src(%arg8 : memref<96x128xf32, #tpu.memory_space<vmem>>) dst(%dma_wait3A_1243 : memref<10112x128xf32, #tpu.memory_space<vmem_shared>>)
      tpu.yield
    }) : () -> ()
    %add3A_85 = arith.constant 96 : i32
    %add3A_86 = arith.addi %multiple_of3A, %add3A_85 : i32
    %add3A_87 = arith.constant 0 : i32
    %add3A_88 = arith.addi %add3A_86, %add3A_87 : i32
    %iota3A_89 = tpu.iota {dimensions = array<i32: 0>} : vector<16xi32>
    %add3A_90 = vector.broadcast %add3A_88 : i32 to vector<16xi32>
    %add3A_91 = arith.addi %add3A_90, %iota3A_89 : vector<16xi32>
    %swap3A_92 = arith.constant 0 : i32
    %swap3A_93 = arith.index_cast %swap3A_92 : i32 to index
    %swap3A_94 = arith.constant 0 : index
    %swap3A_95 = tpu.vector_load %arg6[%swap3A_93, %swap3A_94] {strides = array<i32>} : memref<2x96xi32, #tpu.memory_space<vmem>>, vector<1x16xi32>,
    %swap3A_96 = vector.shape_cast %swap3A_95 : vector<1x16xi32> to vector<16xi32>
    %swap3A_97 = vector.shape_cast %add3A_91 : vector<16xi32> to vector<1x16xi32>
    tpu.vector_store %arg6[%swap3A_93, %swap3A_94], %swap3A_97 {strides = array<i32>} : memref<2x96xi32, #tpu.memory_space<vmem>>, vector<1x16xi32>,
    %add3A_98 = arith.constant 96 : i32
    %add3A_99 = arith.addi %multiple_of3A, %add3A_98 : i32
    %add3A_100 = arith.constant 16 : i32
    %add3A_101 = arith.addi %add3A_99, %add3A_100 : i32
    %iota3A_102 = tpu.iota {dimensions = array<i32: 0>} : vector<16xi32>
    %add3A_103 = vector.broadcast %add3A_101 : i32 to vector<16xi32>
    %add3A_104 = arith.addi %add3A_103, %iota3A_102 : vector<16xi32>
    %swap3A_105 = arith.constant 0 : i32
    %swap3A_106 = arith.index_cast %swap3A_105 : i32 to index
    %swap3A_107 = arith.constant 16 : index
    %swap3A_108 = tpu.vector_load %arg6[%swap3A_106, %swap3A_107] {strides = array<i32>} : memref<2x96xi32, #tpu.memory_space<vmem>>, vector<1x16xi32>,
    %swap3A_109 = vector.shape_cast %swap3A_108 : vector<1x16xi32> to vector<16xi32>
    %swap3A_110 = vector.shape_cast %add3A_104 : vector<16xi32> to vector<1x16xi32>
    tpu.vector_store %arg6[%swap3A_106, %swap3A_107], %swap3A_110 {strides = array<i32>} : memref<2x96xi32, #tpu.memory_space<vmem>>, vector<1x16xi32>,
    %add3A_111 = arith.constant 96 : i32
    %add3A_112 = arith.addi %multiple_of3A, %add3A_111 : i32
    %add3A_113 = arith.constant 32 : i32
    %add3A_114 = arith.addi %add3A_112, %add3A_113 : i32
    %iota3A_115 = tpu.iota {dimensions = array<i32: 0>} : vector<16xi32>
    %add3A_116 = vector.broadcast %add3A_114 : i32 to vector<16xi32>
    %add3A_117 = arith.addi %add3A_116, %iota3A_115 : vector<16xi32>
    %swap3A_118 = arith.constant 0 : i32
    %swap3A_119 = arith.index_cast %swap3A_118 : i32 to index
    %swap3A_120 = arith.constant 32 : index
    %swap3A_121 = tpu.vector_load %arg6[%swap3A_119, %swap3A_120] {strides = array<i32>} : memref<2x96xi32, #tpu.memory_space<vmem>>, vector<1x16xi32>,
    %swap3A_122 = vector.shape_cast %swap3A_121 : vector<1x16xi32> to vector<16xi32>
    %swap3A_123 = vector.shape_cast %add3A_117 : vector<16xi32> to vector<1x16xi32>
    tpu.vector_store %arg6[%swap3A_119, %swap3A_120], %swap3A_123 {strides = array<i32>} : memref<2x96xi32, #tpu.memory_space<vmem>>, vector<1x16xi32>,
    %add3A_124 = arith.constant 96 : i32
    %add3A_125 = arith.addi %multiple_of3A, %add3A_124 : i32
    %add3A_126 = arith.constant 48 : i32
    %add3A_127 = arith.addi %add3A_125, %add3A_126 : i32
    %iota3A_128 = tpu.iota {dimensions = array<i32: 0>} : vector<16xi32>
    %add3A_129 = vector.broadcast %add3A_127 : i32 to vector<16xi32>
    %add3A_130 = arith.addi %add3A_129, %iota3A_128 : vector<16xi32>
    %swap3A_131 = arith.constant 0 : i32
    %swap3A_132 = arith.index_cast %swap3A_131 : i32 to index
    %swap3A_133 = arith.constant 48 : index
    %swap3A_134 = tpu.vector_load %arg6[%swap3A_132, %swap3A_133] {strides = array<i32>} : memref<2x96xi32, #tpu.memory_space<vmem>>, vector<1x16xi32>,
    %swap3A_135 = vector.shape_cast %swap3A_134 : vector<1x16xi32> to vector<16xi32>
    %swap3A_136 = vector.shape_cast %add3A_130 : vector<16xi32> to vector<1x16xi32>
    tpu.vector_store %arg6[%swap3A_132, %swap3A_133], %swap3A_136 {strides = array<i32>} : memref<2x96xi32, #tpu.memory_space<vmem>>, vector<1x16xi32>,
    %add3A_137 = arith.constant 96 : i32
    %add3A_138 = arith.addi %multiple_of3A, %add3A_137 : i32
    %add3A_139 = arith.constant 64 : i32
    %add3A_140 = arith.addi %add3A_138, %add3A_139 : i32
    %iota3A_141 = tpu.iota {dimensions = array<i32: 0>} : vector<16xi32>
    %add3A_142 = vector.broadcast %add3A_140 : i32 to vector<16xi32>
    %add3A_143 = arith.addi %add3A_142, %iota3A_141 : vector<16xi32>
    %swap3A_144 = arith.constant 0 : i32
    %swap3A_145 = arith.index_cast %swap3A_144 : i32 to index
    %swap3A_146 = arith.constant 64 : index
    %swap3A_147 = tpu.vector_load %arg6[%swap3A_145, %swap3A_146] {strides = array<i32>} : memref<2x96xi32, #tpu.memory_space<vmem>>, vector<1x16xi32>,
    %swap3A_148 = vector.shape_cast %swap3A_147 : vector<1x16xi32> to vector<16xi32>
    %swap3A_149 = vector.shape_cast %add3A_143 : vector<16xi32> to vector<1x16xi32>
    tpu.vector_store %arg6[%swap3A_145, %swap3A_146], %swap3A_149 {strides = array<i32>} : memref<2x96xi32, #tpu.memory_space<vmem>>, vector<1x16xi32>,
    %add3A_150 = arith.constant 96 : i32
    %add3A_151 = arith.addi %multiple_of3A, %add3A_150 : i32
    %add3A_152 = arith.constant 80 : i32
    %add3A_153 = arith.addi %add3A_151, %add3A_152 : i32
    %iota3A_154 = tpu.iota {dimensions = array<i32: 0>} : vector<16xi32>
    %add3A_155 = vector.broadcast %add3A_153 : i32 to vector<16xi32>
    %add3A_156 = arith.addi %add3A_155, %iota3A_154 : vector<16xi32>
    %swap3A_157 = arith.constant 0 : i32
    %swap3A_158 = arith.index_cast %swap3A_157 : i32 to index
    %swap3A_159 = arith.constant 80 : index
    %swap3A_160 = tpu.vector_load %arg6[%swap3A_158, %swap3A_159] {strides = array<i32>} : memref<2x96xi32, #tpu.memory_space<vmem>>, vector<1x16xi32>,
    %swap3A_161 = vector.shape_cast %swap3A_160 : vector<1x16xi32> to vector<16xi32>
    %swap3A_162 = vector.shape_cast %add3A_156 : vector<16xi32> to vector<1x16xi32>
    tpu.vector_store %arg6[%swap3A_158, %swap3A_159], %swap3A_162 {strides = array<i32>} : memref<2x96xi32, #tpu.memory_space<vmem>>, vector<1x16xi32>,
    %run_scoped3A_163 = arith.constant 0 : i32
    "tpu.region"() ({
      %run_scoped3A_1231 = tpu.sem_alloc : memref<!tpu.dma_semaphore, #tpu.memory_space<semaphore_mem>>
      %dma_start3A_1232 = arith.constant 0 : i32
      %dma_start3A_1233 = tpu.memref_slice %arg6[%run_scoped3A_163, %dma_start3A_1232] : memref<2x96xi32, #tpu.memory_space<vmem>> -> memref<1x96xi32, #tpu.memory_space<vmem>>
      %dma_start3A_1234 = tpu.memref_squeeze %dma_start3A_1233 : memref<1x96xi32, #tpu.memory_space<vmem>> -> memref<96xi32, #tpu.memory_space<vmem>>
      %dma_start3A_1235 = arith.constant 0 : i32
      %dma_start3A_1236 = arith.constant 0 : i32
      %dma_start3A_1237 = tpu.memref_slice %arg5[%dma_start3A_1235, %dma_start3A_1236] : memref<10112x128xf32, #tpu.memory_space<vmem_shared>> -> memref<10112x128xf32, #tpu.memory_space<vmem_shared>>
      tpu.enqueue_indirect_dma source(%arg8 : memref<96x128xf32, #tpu.memory_space<vmem>>) target(%dma_start3A_1237 : memref<10112x128xf32, #tpu.memory_space<vmem_shared>>) offsets(%dma_start3A_1234 : memref<96xi32, #tpu.memory_space<vmem>>) semaphore(%run_scoped3A_1231 : memref<!tpu.dma_semaphore, #tpu.memory_space<semaphore_mem>>)
      %dma_wait3A_1238 = arith.constant 0 : i32
      %dma_wait3A_1239 = tpu.memref_slice %arg6[%run_scoped3A_163, %dma_wait3A_1238] : memref<2x96xi32, #tpu.memory_space<vmem>> -> memref<1x96xi32, #tpu.memory_space<vmem>>
      %dma_wait3A_1240 = tpu.memref_squeeze %dma_wait3A_1239 : memref<1x96xi32, #tpu.memory_space<vmem>> -> memref<96xi32, #tpu.memory_space<vmem>>
      %dma_wait3A_1241 = arith.constant 0 : i32
      %dma_wait3A_1242 = arith.constant 0 : i32
      %dma_wait3A_1243 = tpu.memref_slice %arg5[%dma_wait3A_1241, %dma_wait3A_1242] : memref<10112x128xf32, #tpu.memory_space<vmem_shared>> -> memref<10112x128xf32, #tpu.memory_space<vmem_shared>>
      tpu.wait_indirect_dma semaphore(%run_scoped3A_1231 : memref<!tpu.dma_semaphore, #tpu.memory_space<semaphore_mem>>) src(%arg8 : memref<96x128xf32, #tpu.memory_space<vmem>>) dst(%dma_wait3A_1243 : memref<10112x128xf32, #tpu.memory_space<vmem_shared>>)
      tpu.yield
    }) : () -> ()
    %add3A_164 = arith.constant 192 : i32
    %add3A_165 = arith.addi %multiple_of3A, %add3A_164 : i32
    %add3A_166 = arith.constant 0 : i32
    %add3A_167 = arith.addi %add3A_165, %add3A_166 : i32
    %iota3A_168 = tpu.iota {dimensions = array<i32: 0>} : vector<16xi32>
    %add3A_169 = vector.broadcast %add3A_167 : i32 to vector<16xi32>
    %add3A_170 = arith.addi %add3A_169, %iota3A_168 : vector<16xi32>
    %swap3A_171 = arith.constant 0 : i32
    %swap3A_172 = arith.index_cast %swap3A_171 : i32 to index
    %swap3A_173 = arith.constant 0 : index
    %swap3A_174 = tpu.vector_load %arg6[%swap3A_172, %swap3A_173] {strides = array<i32>} : memref<2x96xi32, #tpu.memory_space<vmem>>, vector<1x16xi32>,
    %swap3A_175 = vector.shape_cast %swap3A_174 : vector<1x16xi32> to vector<16xi32>
    %swap3A_176 = vector.shape_cast %add3A_170 : vector<16xi32> to vector<1x16xi32>
    tpu.vector_store %arg6[%swap3A_172, %swap3A_173], %swap3A_176 {strides = array<i32>} : memref<2x96xi32, #tpu.memory_space<vmem>>, vector<1x16xi32>,
    %add3A_177 = arith.constant 192 : i32
    %add3A_178 = arith.addi %multiple_of3A, %add3A_177 : i32
    %add3A_179 = arith.constant 16 : i32
    %add3A_180 = arith.addi %add3A_178, %add3A_179 : i32
    %iota3A_181 = tpu.iota {dimensions = array<i32: 0>} : vector<16xi32>
    %add3A_182 = vector.broadcast %add3A_180 : i32 to vector<16xi32>
    %add3A_183 = arith.addi %add3A_182, %iota3A_181 : vector<16xi32>
    %swap3A_184 = arith.constant 0 : i32
    %swap3A_185 = arith.index_cast %swap3A_184 : i32 to index
    %swap3A_186 = arith.constant 16 : index
    %swap3A_187 = tpu.vector_load %arg6[%swap3A_185, %swap3A_186] {strides = array<i32>} : memref<2x96xi32, #tpu.memory_space<vmem>>, vector<1x16xi32>,
    %swap3A_188 = vector.shape_cast %swap3A_187 : vector<1x16xi32> to vector<16xi32>
    %swap3A_189 = vector.shape_cast %add3A_183 : vector<16xi32> to vector<1x16xi32>
    tpu.vector_store %arg6[%swap3A_185, %swap3A_186], %swap3A_189 {strides = array<i32>} : memref<2x96xi32, #tpu.memory_space<vmem>>, vector<1x16xi32>,
    %add3A_190 = arith.constant 192 : i32
    %add3A_191 = arith.addi %multiple_of3A, %add3A_190 : i32
    %add3A_192 = arith.constant 32 : i32
    %add3A_193 = arith.addi %add3A_191, %add3A_192 : i32
    %iota3A_194 = tpu.iota {dimensions = array<i32: 0>} : vector<16xi32>
    %add3A_195 = vector.broadcast %add3A_193 : i32 to vector<16xi32>
    %add3A_196 = arith.addi %add3A_195, %iota3A_194 : vector<16xi32>
    %swap3A_197 = arith.constant 0 : i32
    %swap3A_198 = arith.index_cast %swap3A_197 : i32 to index
    %swap3A_199 = arith.constant 32 : index
    %swap3A_200 = tpu.vector_load %arg6[%swap3A_198, %swap3A_199] {strides = array<i32>} : memref<2x96xi32, #tpu.memory_space<vmem>>, vector<1x16xi32>,
    %swap3A_201 = vector.shape_cast %swap3A_200 : vector<1x16xi32> to vector<16xi32>
    %swap3A_202 = vector.shape_cast %add3A_196 : vector<16xi32> to vector<1x16xi32>
    tpu.vector_store %arg6[%swap3A_198, %swap3A_199], %swap3A_202 {strides = array<i32>} : memref<2x96xi32, #tpu.memory_space<vmem>>, vector<1x16xi32>,
    %add3A_203 = arith.constant 192 : i32
    %add3A_204 = arith.addi %multiple_of3A, %add3A_203 : i32
    %add3A_205 = arith.constant 48 : i32
    %add3A_206 = arith.addi %add3A_204, %add3A_205 : i32
    %iota3A_207 = tpu.iota {dimensions = array<i32: 0>} : vector<16xi32>
    %add3A_208 = vector.broadcast %add3A_206 : i32 to vector<16xi32>
    %add3A_209 = arith.addi %add3A_208, %iota3A_207 : vector<16xi32>
    %swap3A_210 = arith.constant 0 : i32
    %swap3A_211 = arith.index_cast %swap3A_210 : i32 to index
    %swap3A_212 = arith.constant 48 : index
    %swap3A_213 = tpu.vector_load %arg6[%swap3A_211, %swap3A_212] {strides = array<i32>} : memref<2x96xi32, #tpu.memory_space<vmem>>, vector<1x16xi32>,
    %swap3A_214 = vector.shape_cast %swap3A_213 : vector<1x16xi32> to vector<16xi32>
    %swap3A_215 = vector.shape_cast %add3A_209 : vector<16xi32> to vector<1x16xi32>
    tpu.vector_store %arg6[%swap3A_211, %swap3A_212], %swap3A_215 {strides = array<i32>} : memref<2x96xi32, #tpu.memory_space<vmem>>, vector<1x16xi32>,
    %add3A_216 = arith.constant 192 : i32
    %add3A_217 = arith.addi %multiple_of3A, %add3A_216 : i32
    %add3A_218 = arith.constant 64 : i32
    %add3A_219 = arith.addi %add3A_217, %add3A_218 : i32
    %iota3A_220 = tpu.iota {dimensions = array<i32: 0>} : vector<16xi32>
    %add3A_221 = vector.broadcast %add3A_219 : i32 to vector<16xi32>
    %add3A_222 = arith.addi %add3A_221, %iota3A_220 : vector<16xi32>
    %swap3A_223 = arith.constant 0 : i32
    %swap3A_224 = arith.index_cast %swap3A_223 : i32 to index
    %swap3A_225 = arith.constant 64 : index
    %swap3A_226 = tpu.vector_load %arg6[%swap3A_224, %swap3A_225] {strides = array<i32>} : memref<2x96xi32, #tpu.memory_space<vmem>>, vector<1x16xi32>,
    %swap3A_227 = vector.shape_cast %swap3A_226 : vector<1x16xi32> to vector<16xi32>
    %swap3A_228 = vector.shape_cast %add3A_222 : vector<16xi32> to vector<1x16xi32>
    tpu.vector_store %arg6[%swap3A_224, %swap3A_225], %swap3A_228 {strides = array<i32>} : memref<2x96xi32, #tpu.memory_space<vmem>>, vector<1x16xi32>,
    %add3A_229 = arith.constant 192 : i32
    %add3A_230 = arith.addi %multiple_of3A, %add3A_229 : i32
    %add3A_231 = arith.constant 80 : i32
    %add3A_232 = arith.addi %add3A_230, %add3A_231 : i32
    %iota3A_233 = tpu.iota {dimensions = array<i32: 0>} : vector<16xi32>
    %add3A_234 = vector.broadcast %add3A_232 : i32 to vector<16xi32>
    %add3A_235 = arith.addi %add3A_234, %iota3A_233 : vector<16xi32>
    %swap3A_236 = arith.constant 0 : i32
    %swap3A_237 = arith.index_cast %swap3A_236 : i32 to index
    %swap3A_238 = arith.constant 80 : index
    %swap3A_239 = tpu.vector_load %arg6[%swap3A_237, %swap3A_238] {strides = array<i32>} : memref<2x96xi32, #tpu.memory_space<vmem>>, vector<1x16xi32>,
    %swap3A_240 = vector.shape_cast %swap3A_239 : vector<1x16xi32> to vector<16xi32>
    %swap3A_241 = vector.shape_cast %add3A_235 : vector<16xi32> to vector<1x16xi32>
    tpu.vector_store %arg6[%swap3A_237, %swap3A_238], %swap3A_241 {strides = array<i32>} : memref<2x96xi32, #tpu.memory_space<vmem>>, vector<1x16xi32>,
    %run_scoped3A_242 = arith.constant 0 : i32
    "tpu.region"() ({
      %run_scoped3A_1231 = tpu.sem_alloc : memref<!tpu.dma_semaphore, #tpu.memory_space<semaphore_mem>>
      %dma_start3A_1232 = arith.constant 0 : i32
      %dma_start3A_1233 = tpu.memref_slice %arg6[%run_scoped3A_242, %dma_start3A_1232] : memref<2x96xi32, #tpu.memory_space<vmem>> -> memref<1x96xi32, #tpu.memory_space<vmem>>
      %dma_start3A_1234 = tpu.memref_squeeze %dma_start3A_1233 : memref<1x96xi32, #tpu.memory_space<vmem>> -> memref<96xi32, #tpu.memory_space<vmem>>
      %dma_start3A_1235 = arith.constant 0 : i32
      %dma_start3A_1236 = arith.constant 0 : i32
      %dma_start3A_1237 = tpu.memref_slice %arg5[%dma_start3A_1235, %dma_start3A_1236] : memref<10112x128xf32, #tpu.memory_space<vmem_shared>> -> memref<10112x128xf32, #tpu.memory_space<vmem_shared>>
      tpu.enqueue_indirect_dma source(%arg8 : memref<96x128xf32, #tpu.memory_space<vmem>>) target(%dma_start3A_1237 : memref<10112x128xf32, #tpu.memory_space<vmem_shared>>) offsets(%dma_start3A_1234 : memref<96xi32, #tpu.memory_space<vmem>>) semaphore(%run_scoped3A_1231 : memref<!tpu.dma_semaphore, #tpu.memory_space<semaphore_mem>>)
      %dma_wait3A_1238 = arith.constant 0 : i32
      %dma_wait3A_1239 = tpu.memref_slice %arg6[%run_scoped3A_242, %dma_wait3A_1238] : memref<2x96xi32, #tpu.memory_space<vmem>> -> memref<1x96xi32, #tpu.memory_space<vmem>>
      %dma_wait3A_1240 = tpu.memref_squeeze %dma_wait3A_1239 : memref<1x96xi32, #tpu.memory_space<vmem>> -> memref<96xi32, #tpu.memory_space<vmem>>
      %dma_wait3A_1241 = arith.constant 0 : i32
      %dma_wait3A_1242 = arith.constant 0 : i32
      %dma_wait3A_1243 = tpu.memref_slice %arg5[%dma_wait3A_1241, %dma_wait3A_1242] : memref<10112x128xf32, #tpu.memory_space<vmem_shared>> -> memref<10112x128xf32, #tpu.memory_space<vmem_shared>>
      tpu.wait_indirect_dma semaphore(%run_scoped3A_1231 : memref<!tpu.dma_semaphore, #tpu.memory_space<semaphore_mem>>) src(%arg8 : memref<96x128xf32, #tpu.memory_space<vmem>>) dst(%dma_wait3A_1243 : memref<10112x128xf32, #tpu.memory_space<vmem_shared>>)
      tpu.yield
    }) : () -> ()
    %add3A_243 = arith.constant 288 : i32
    %add3A_244 = arith.addi %multiple_of3A, %add3A_243 : i32
    %add3A_245 = arith.constant 0 : i32
    %add3A_246 = arith.addi %add3A_244, %add3A_245 : i32
    %iota3A_247 = tpu.iota {dimensions = array<i32: 0>} : vector<16xi32>
    %add3A_248 = vector.broadcast %add3A_246 : i32 to vector<16xi32>
    %add3A_249 = arith.addi %add3A_248, %iota3A_247 : vector<16xi32>
    %swap3A_250 = arith.constant 0 : i32
    %swap3A_251 = arith.index_cast %swap3A_250 : i32 to index
    %swap3A_252 = arith.constant 0 : index
    %swap3A_253 = tpu.vector_load %arg6[%swap3A_251, %swap3A_252] {strides = array<i32>} : memref<2x96xi32, #tpu.memory_space<vmem>>, vector<1x16xi32>,
    %swap3A_254 = vector.shape_cast %swap3A_253 : vector<1x16xi32> to vector<16xi32>
    %swap3A_255 = vector.shape_cast %add3A_249 : vector<16xi32> to vector<1x16xi32>
    tpu.vector_store %arg6[%swap3A_251, %swap3A_252], %swap3A_255 {strides = array<i32>} : memref<2x96xi32, #tpu.memory_space<vmem>>, vector<1x16xi32>,
    %add3A_256 = arith.constant 288 : i32
    %add3A_257 = arith.addi %multiple_of3A, %add3A_256 : i32
    %add3A_258 = arith.constant 16 : i32
    %add3A_259 = arith.addi %add3A_257, %add3A_258 : i32
    %iota3A_260 = tpu.iota {dimensions = array<i32: 0>} : vector<16xi32>
    %add3A_261 = vector.broadcast %add3A_259 : i32 to vector<16xi32>
    %add3A_262 = arith.addi %add3A_261, %iota3A_260 : vector<16xi32>
    %swap3A_263 = arith.constant 0 : i32
    %swap3A_264 = arith.index_cast %swap3A_263 : i32 to index
    %swap3A_265 = arith.constant 16 : index
    %swap3A_266 = tpu.vector_load %arg6[%swap3A_264, %swap3A_265] {strides = array<i32>} : memref<2x96xi32, #tpu.memory_space<vmem>>, vector<1x16xi32>,
    %swap3A_267 = vector.shape_cast %swap3A_266 : vector<1x16xi32> to vector<16xi32>
    %swap3A_268 = vector.shape_cast %add3A_262 : vector<16xi32> to vector<1x16xi32>
    tpu.vector_store %arg6[%swap3A_264, %swap3A_265], %swap3A_268 {strides = array<i32>} : memref<2x96xi32, #tpu.memory_space<vmem>>, vector<1x16xi32>,
    %add3A_269 = arith.constant 288 : i32
    %add3A_270 = arith.addi %multiple_of3A, %add3A_269 : i32
    %add3A_271 = arith.constant 32 : i32
    %add3A_272 = arith.addi %add3A_270, %add3A_271 : i32
    %iota3A_273 = tpu.iota {dimensions = array<i32: 0>} : vector<16xi32>
    %add3A_274 = vector.broadcast %add3A_272 : i32 to vector<16xi32>
    %add3A_275 = arith.addi %add3A_274, %iota3A_273 : vector<16xi32>
    %swap3A_276 = arith.constant 0 : i32
    %swap3A_277 = arith.index_cast %swap3A_276 : i32 to index
    %swap3A_278 = arith.constant 32 : index
    %swap3A_279 = tpu.vector_load %arg6[%swap3A_277, %swap3A_278] {strides = array<i32>} : memref<2x96xi32, #tpu.memory_space<vmem>>, vector<1x16xi32>,
    %swap3A_280 = vector.shape_cast %swap3A_279 : vector<1x16xi32> to vector<16xi32>
    %swap3A_281 = vector.shape_cast %add3A_275 : vector<16xi32> to vector<1x16xi32>
    tpu.vector_store %arg6[%swap3A_277, %swap3A_278], %swap3A_281 {strides = array<i32>} : memref<2x96xi32, #tpu.memory_space<vmem>>, vector<1x16xi32>,
    %add3A_282 = arith.constant 288 : i32
    %add3A_283 = arith.addi %multiple_of3A, %add3A_282 : i32
    %add3A_284 = arith.constant 48 : i32
    %add3A_285 = arith.addi %add3A_283, %add3A_284 : i32
    %iota3A_286 = tpu.iota {dimensions = array<i32: 0>} : vector<16xi32>
    %add3A_287 = vector.broadcast %add3A_285 : i32 to vector<16xi32>
    %add3A_288 = arith.addi %add3A_287, %iota3A_286 : vector<16xi32>
    %swap3A_289 = arith.constant 0 : i32
    %swap3A_290 = arith.index_cast %swap3A_289 : i32 to index
    %swap3A_291 = arith.constant 48 : index
    %swap3A_292 = tpu.vector_load %arg6[%swap3A_290, %swap3A_291] {strides = array<i32>} : memref<2x96xi32, #tpu.memory_space<vmem>>, vector<1x16xi32>,
    %swap3A_293 = vector.shape_cast %swap3A_292 : vector<1x16xi32> to vector<16xi32>
    %swap3A_294 = vector.shape_cast %add3A_288 : vector<16xi32> to vector<1x16xi32>
    tpu.vector_store %arg6[%swap3A_290, %swap3A_291], %swap3A_294 {strides = array<i32>} : memref<2x96xi32, #tpu.memory_space<vmem>>, vector<1x16xi32>,
    %add3A_295 = arith.constant 288 : i32
    %add3A_296 = arith.addi %multiple_of3A, %add3A_295 : i32
    %add3A_297 = arith.constant 64 : i32
    %add3A_298 = arith.addi %add3A_296, %add3A_297 : i32
    %iota3A_299 = tpu.iota {dimensions = array<i32: 0>} : vector<16xi32>
    %add3A_300 = vector.broadcast %add3A_298 : i32 to vector<16xi32>
    %add3A_301 = arith.addi %add3A_300, %iota3A_299 : vector<16xi32>
    %swap3A_302 = arith.constant 0 : i32
    %swap3A_303 = arith.index_cast %swap3A_302 : i32 to index
    %swap3A_304 = arith.constant 64 : index
    %swap3A_305 = tpu.vector_load %arg6[%swap3A_303, %swap3A_304] {strides = array<i32>} : memref<2x96xi32, #tpu.memory_space<vmem>>, vector<1x16xi32>,
    %swap3A_306 = vector.shape_cast %swap3A_305 : vector<1x16xi32> to vector<16xi32>
    %swap3A_307 = vector.shape_cast %add3A_301 : vector<16xi32> to vector<1x16xi32>
    tpu.vector_store %arg6[%swap3A_303, %swap3A_304], %swap3A_307 {strides = array<i32>} : memref<2x96xi32, #tpu.memory_space<vmem>>, vector<1x16xi32>,
    %add3A_308 = arith.constant 288 : i32
    %add3A_309 = arith.addi %multiple_of3A, %add3A_308 : i32
    %add3A_310 = arith.constant 80 : i32
    %add3A_311 = arith.addi %add3A_309, %add3A_310 : i32
    %iota3A_312 = tpu.iota {dimensions = array<i32: 0>} : vector<16xi32>
    %add3A_313 = vector.broadcast %add3A_311 : i32 to vector<16xi32>
    %add3A_314 = arith.addi %add3A_313, %iota3A_312 : vector<16xi32>
    %swap3A_315 = arith.constant 0 : i32
    %swap3A_316 = arith.index_cast %swap3A_315 : i32 to index
    %swap3A_317 = arith.constant 80 : index
    %swap3A_318 = tpu.vector_load %arg6[%swap3A_316, %swap3A_317] {strides = array<i32>} : memref<2x96xi32, #tpu.memory_space<vmem>>, vector<1x16xi32>,
    %swap3A_319 = vector.shape_cast %swap3A_318 : vector<1x16xi32> to vector<16xi32>
    %swap3A_320 = vector.shape_cast %add3A_314 : vector<16xi32> to vector<1x16xi32>
    tpu.vector_store %arg6[%swap3A_316, %swap3A_317], %swap3A_320 {strides = array<i32>} : memref<2x96xi32, #tpu.memory_space<vmem>>, vector<1x16xi32>,
    %run_scoped3A_321 = arith.constant 0 : i32
    "tpu.region"() ({
      %run_scoped3A_1231 = tpu.sem_alloc : memref<!tpu.dma_semaphore, #tpu.memory_space<semaphore_mem>>
      %dma_start3A_1232 = arith.constant 0 : i32
      %dma_start3A_1233 = tpu.memref_slice %arg6[%run_scoped3A_321, %dma_start3A_1232] : memref<2x96xi32, #tpu.memory_space<vmem>> -> memref<1x96xi32, #tpu.memory_space<vmem>>
      %dma_start3A_1234 = tpu.memref_squeeze %dma_start3A_1233 : memref<1x96xi32, #tpu.memory_space<vmem>> -> memref<96xi32, #tpu.memory_space<vmem>>
      %dma_start3A_1235 = arith.constant 0 : i32
      %dma_start3A_1236 = arith.constant 0 : i32
      %dma_start3A_1237 = tpu.memref_slice %arg5[%dma_start3A_1235, %dma_start3A_1236] : memref<10112x128xf32, #tpu.memory_space<vmem_shared>> -> memref<10112x128xf32, #tpu.memory_space<vmem_shared>>
      tpu.enqueue_indirect_dma source(%arg8 : memref<96x128xf32, #tpu.memory_space<vmem>>) target(%dma_start3A_1237 : memref<10112x128xf32, #tpu.memory_space<vmem_shared>>) offsets(%dma_start3A_1234 : memref<96xi32, #tpu.memory_space<vmem>>) semaphore(%run_scoped3A_1231 : memref<!tpu.dma_semaphore, #tpu.memory_space<semaphore_mem>>)
      %dma_wait3A_1238 = arith.constant 0 : i32
      %dma_wait3A_1239 = tpu.memref_slice %arg6[%run_scoped3A_321, %dma_wait3A_1238] : memref<2x96xi32, #tpu.memory_space<vmem>> -> memref<1x96xi32, #tpu.memory_space<vmem>>
      %dma_wait3A_1240 = tpu.memref_squeeze %dma_wait3A_1239 : memref<1x96xi32, #tpu.memory_space<vmem>> -> memref<96xi32, #tpu.memory_space<vmem>>
      %dma_wait3A_1241 = arith.constant 0 : i32
      %dma_wait3A_1242 = arith.constant 0 : i32
      %dma_wait3A_1243 = tpu.memref_slice %arg5[%dma_wait3A_1241, %dma_wait3A_1242] : memref<10112x128xf32, #tpu.memory_space<vmem_shared>> -> memref<10112x128xf32, #tpu.memory_space<vmem_shared>>
      tpu.wait_indirect_dma semaphore(%run_scoped3A_1231 : memref<!tpu.dma_semaphore, #tpu.memory_space<semaphore_mem>>) src(%arg8 : memref<96x128xf32, #tpu.memory_space<vmem>>) dst(%dma_wait3A_1243 : memref<10112x128xf32, #tpu.memory_space<vmem_shared>>)
      tpu.yield
    }) : () -> ()
    %add3A_322 = arith.constant 384 : i32
    %add3A_323 = arith.addi %multiple_of3A, %add3A_322 : i32
    %add3A_324 = arith.constant 0 : i32
    %add3A_325 = arith.addi %add3A_323, %add3A_324 : i32
    %iota3A_326 = tpu.iota {dimensions = array<i32: 0>} : vector<16xi32>
    %add3A_327 = vector.broadcast %add3A_325 : i32 to vector<16xi32>
    %add3A_328 = arith.addi %add3A_327, %iota3A_326 : vector<16xi32>
    %swap3A_329 = arith.constant 0 : i32
    %swap3A_330 = arith.index_cast %swap3A_329 : i32 to index
    %swap3A_331 = arith.constant 0 : index
    %swap3A_332 = tpu.vector_load %arg6[%swap3A_330, %swap3A_331] {strides = array<i32>} : memref<2x96xi32, #tpu.memory_space<vmem>>, vector<1x16xi32>,
    %swap3A_333 = vector.shape_cast %swap3A_332 : vector<1x16xi32> to vector<16xi32>
    %swap3A_334 = vector.shape_cast %add3A_328 : vector<16xi32> to vector<1x16xi32>
    tpu.vector_store %arg6[%swap3A_330, %swap3A_331], %swap3A_334 {strides = array<i32>} : memref<2x96xi32, #tpu.memory_space<vmem>>, vector<1x16xi32>,
    %add3A_335 = arith.constant 384 : i32
    %add3A_336 = arith.addi %multiple_of3A, %add3A_335 : i32
    %add3A_337 = arith.constant 16 : i32
    %add3A_338 = arith.addi %add3A_336, %add3A_337 : i32
    %iota3A_339 = tpu.iota {dimensions = array<i32: 0>} : vector<16xi32>
    %add3A_340 = vector.broadcast %add3A_338 : i32 to vector<16xi32>
    %add3A_341 = arith.addi %add3A_340, %iota3A_339 : vector<16xi32>
    %swap3A_342 = arith.constant 0 : i32
    %swap3A_343 = arith.index_cast %swap3A_342 : i32 to index
    %swap3A_344 = arith.constant 16 : index
    %swap3A_345 = tpu.vector_load %arg6[%swap3A_343, %swap3A_344] {strides = array<i32>} : memref<2x96xi32, #tpu.memory_space<vmem>>, vector<1x16xi32>,
    %swap3A_346 = vector.shape_cast %swap3A_345 : vector<1x16xi32> to vector<16xi32>
    %swap3A_347 = vector.shape_cast %add3A_341 : vector<16xi32> to vector<1x16xi32>
    tpu.vector_store %arg6[%swap3A_343, %swap3A_344], %swap3A_347 {strides = array<i32>} : memref<2x96xi32, #tpu.memory_space<vmem>>, vector<1x16xi32>,
    %add3A_348 = arith.constant 384 : i32
    %add3A_349 = arith.addi %multiple_of3A, %add3A_348 : i32
    %add3A_350 = arith.constant 32 : i32
    %add3A_351 = arith.addi %add3A_349, %add3A_350 : i32
    %iota3A_352 = tpu.iota {dimensions = array<i32: 0>} : vector<16xi32>
    %add3A_353 = vector.broadcast %add3A_351 : i32 to vector<16xi32>
    %add3A_354 = arith.addi %add3A_353, %iota3A_352 : vector<16xi32>
    %swap3A_355 = arith.constant 0 : i32
    %swap3A_356 = arith.index_cast %swap3A_355 : i32 to index
    %swap3A_357 = arith.constant 32 : index
    %swap3A_358 = tpu.vector_load %arg6[%swap3A_356, %swap3A_357] {strides = array<i32>} : memref<2x96xi32, #tpu.memory_space<vmem>>, vector<1x16xi32>,
    %swap3A_359 = vector.shape_cast %swap3A_358 : vector<1x16xi32> to vector<16xi32>
    %swap3A_360 = vector.shape_cast %add3A_354 : vector<16xi32> to vector<1x16xi32>
    tpu.vector_store %arg6[%swap3A_356, %swap3A_357], %swap3A_360 {strides = array<i32>} : memref<2x96xi32, #tpu.memory_space<vmem>>, vector<1x16xi32>,
    %add3A_361 = arith.constant 384 : i32
    %add3A_362 = arith.addi %multiple_of3A, %add3A_361 : i32
    %add3A_363 = arith.constant 48 : i32
    %add3A_364 = arith.addi %add3A_362, %add3A_363 : i32
    %iota3A_365 = tpu.iota {dimensions = array<i32: 0>} : vector<16xi32>
    %add3A_366 = vector.broadcast %add3A_364 : i32 to vector<16xi32>
    %add3A_367 = arith.addi %add3A_366, %iota3A_365 : vector<16xi32>
    %swap3A_368 = arith.constant 0 : i32
    %swap3A_369 = arith.index_cast %swap3A_368 : i32 to index
    %swap3A_370 = arith.constant 48 : index
    %swap3A_371 = tpu.vector_load %arg6[%swap3A_369, %swap3A_370] {strides = array<i32>} : memref<2x96xi32, #tpu.memory_space<vmem>>, vector<1x16xi32>,
    %swap3A_372 = vector.shape_cast %swap3A_371 : vector<1x16xi32> to vector<16xi32>
    %swap3A_373 = vector.shape_cast %add3A_367 : vector<16xi32> to vector<1x16xi32>
    tpu.vector_store %arg6[%swap3A_369, %swap3A_370], %swap3A_373 {strides = array<i32>} : memref<2x96xi32, #tpu.memory_space<vmem>>, vector<1x16xi32>,
    %add3A_374 = arith.constant 384 : i32
    %add3A_375 = arith.addi %multiple_of3A, %add3A_374 : i32
    %add3A_376 = arith.constant 64 : i32
    %add3A_377 = arith.addi %add3A_375, %add3A_376 : i32
    %iota3A_378 = tpu.iota {dimensions = array<i32: 0>} : vector<16xi32>
    %add3A_379 = vector.broadcast %add3A_377 : i32 to vector<16xi32>
    %add3A_380 = arith.addi %add3A_379, %iota3A_378 : vector<16xi32>
    %swap3A_381 = arith.constant 0 : i32
    %swap3A_382 = arith.index_cast %swap3A_381 : i32 to index
    %swap3A_383 = arith.constant 64 : index
    %swap3A_384 = tpu.vector_load %arg6[%swap3A_382, %swap3A_383] {strides = array<i32>} : memref<2x96xi32, #tpu.memory_space<vmem>>, vector<1x16xi32>,
    %swap3A_385 = vector.shape_cast %swap3A_384 : vector<1x16xi32> to vector<16xi32>
    %swap3A_386 = vector.shape_cast %add3A_380 : vector<16xi32> to vector<1x16xi32>
    tpu.vector_store %arg6[%swap3A_382, %swap3A_383], %swap3A_386 {strides = array<i32>} : memref<2x96xi32, #tpu.memory_space<vmem>>, vector<1x16xi32>,
    %add3A_387 = arith.constant 384 : i32
    %add3A_388 = arith.addi %multiple_of3A, %add3A_387 : i32
    %add3A_389 = arith.constant 80 : i32
    %add3A_390 = arith.addi %add3A_388, %add3A_389 : i32
    %iota3A_391 = tpu.iota {dimensions = array<i32: 0>} : vector<16xi32>
    %add3A_392 = vector.broadcast %add3A_390 : i32 to vector<16xi32>
    %add3A_393 = arith.addi %add3A_392, %iota3A_391 : vector<16xi32>
    %swap3A_394 = arith.constant 0 : i32
    %swap3A_395 = arith.index_cast %swap3A_394 : i32 to index
    %swap3A_396 = arith.constant 80 : index
    %swap3A_397 = tpu.vector_load %arg6[%swap3A_395, %swap3A_396] {strides = array<i32>} : memref<2x96xi32, #tpu.memory_space<vmem>>, vector<1x16xi32>,
    %swap3A_398 = vector.shape_cast %swap3A_397 : vector<1x16xi32> to vector<16xi32>
    %swap3A_399 = vector.shape_cast %add3A_393 : vector<16xi32> to vector<1x16xi32>
    tpu.vector_store %arg6[%swap3A_395, %swap3A_396], %swap3A_399 {strides = array<i32>} : memref<2x96xi32, #tpu.memory_space<vmem>>, vector<1x16xi32>,
    %run_scoped3A_400 = arith.constant 0 : i32
    "tpu.region"() ({
      %run_scoped3A_1231 = tpu.sem_alloc : memref<!tpu.dma_semaphore, #tpu.memory_space<semaphore_mem>>
      %dma_start3A_1232 = arith.constant 0 : i32
      %dma_start3A_1233 = tpu.memref_slice %arg6[%run_scoped3A_400, %dma_start3A_1232] : memref<2x96xi32, #tpu.memory_space<vmem>> -> memref<1x96xi32, #tpu.memory_space<vmem>>
      %dma_start3A_1234 = tpu.memref_squeeze %dma_start3A_1233 : memref<1x96xi32, #tpu.memory_space<vmem>> -> memref<96xi32, #tpu.memory_space<vmem>>
      %dma_start3A_1235 = arith.constant 0 : i32
      %dma_start3A_1236 = arith.constant 0 : i32
      %dma_start3A_1237 = tpu.memref_slice %arg5[%dma_start3A_1235, %dma_start3A_1236] : memref<10112x128xf32, #tpu.memory_space<vmem_shared>> -> memref<10112x128xf32, #tpu.memory_space<vmem_shared>>
      tpu.enqueue_indirect_dma source(%arg8 : memref<96x128xf32, #tpu.memory_space<vmem>>) target(%dma_start3A_1237 : memref<10112x128xf32, #tpu.memory_space<vmem_shared>>) offsets(%dma_start3A_1234 : memref<96xi32, #tpu.memory_space<vmem>>) semaphore(%run_scoped3A_1231 : memref<!tpu.dma_semaphore, #tpu.memory_space<semaphore_mem>>)
      %dma_wait3A_1238 = arith.constant 0 : i32
      %dma_wait3A_1239 = tpu.memref_slice %arg6[%run_scoped3A_400, %dma_wait3A_1238] : memref<2x96xi32, #tpu.memory_space<vmem>> -> memref<1x96xi32, #tpu.memory_space<vmem>>
      %dma_wait3A_1240 = tpu.memref_squeeze %dma_wait3A_1239 : memref<1x96xi32, #tpu.memory_space<vmem>> -> memref<96xi32, #tpu.memory_space<vmem>>
      %dma_wait3A_1241 = arith.constant 0 : i32
      %dma_wait3A_1242 = arith.constant 0 : i32
      %dma_wait3A_1243 = tpu.memref_slice %arg5[%dma_wait3A_1241, %dma_wait3A_1242] : memref<10112x128xf32, #tpu.memory_space<vmem_shared>> -> memref<10112x128xf32, #tpu.memory_space<vmem_shared>>
      tpu.wait_indirect_dma semaphore(%run_scoped3A_1231 : memref<!tpu.dma_semaphore, #tpu.memory_space<semaphore_mem>>) src(%arg8 : memref<96x128xf32, #tpu.memory_space<vmem>>) dst(%dma_wait3A_1243 : memref<10112x128xf32, #tpu.memory_space<vmem_shared>>)
      tpu.yield
    }) : () -> ()
    %add3A_401 = arith.constant 480 : i32
    %add3A_402 = arith.addi %multiple_of3A, %add3A_401 : i32
    %add3A_403 = arith.constant 0 : i32
    %add3A_404 = arith.addi %add3A_402, %add3A_403 : i32
    %iota3A_405 = tpu.iota {dimensions = array<i32: 0>} : vector<16xi32>
    %add3A_406 = vector.broadcast %add3A_404 : i32 to vector<16xi32>
    %add3A_407 = arith.addi %add3A_406, %iota3A_405 : vector<16xi32>
    %swap3A_408 = arith.constant 0 : i32
    %swap3A_409 = arith.index_cast %swap3A_408 : i32 to index
    %swap3A_410 = arith.constant 0 : index
    %swap3A_411 = tpu.vector_load %arg6[%swap3A_409, %swap3A_410] {strides = array<i32>} : memref<2x96xi32, #tpu.memory_space<vmem>>, vector<1x16xi32>,
    %swap3A_412 = vector.shape_cast %swap3A_411 : vector<1x16xi32> to vector<16xi32>
    %swap3A_413 = vector.shape_cast %add3A_407 : vector<16xi32> to vector<1x16xi32>
    tpu.vector_store %arg6[%swap3A_409, %swap3A_410], %swap3A_413 {strides = array<i32>} : memref<2x96xi32, #tpu.memory_space<vmem>>, vector<1x16xi32>,
    %add3A_414 = arith.constant 480 : i32
    %add3A_415 = arith.addi %multiple_of3A, %add3A_414 : i32
    %add3A_416 = arith.constant 16 : i32
    %add3A_417 = arith.addi %add3A_415, %add3A_416 : i32
    %iota3A_418 = tpu.iota {dimensions = array<i32: 0>} : vector<16xi32>
    %add3A_419 = vector.broadcast %add3A_417 : i32 to vector<16xi32>
    %add3A_420 = arith.addi %add3A_419, %iota3A_418 : vector<16xi32>
    %swap3A_421 = arith.constant 0 : i32
    %swap3A_422 = arith.index_cast %swap3A_421 : i32 to index
    %swap3A_423 = arith.constant 16 : index
    %swap3A_424 = tpu.vector_load %arg6[%swap3A_422, %swap3A_423] {strides = array<i32>} : memref<2x96xi32, #tpu.memory_space<vmem>>, vector<1x16xi32>,
    %swap3A_425 = vector.shape_cast %swap3A_424 : vector<1x16xi32> to vector<16xi32>
    %swap3A_426 = vector.shape_cast %add3A_420 : vector<16xi32> to vector<1x16xi32>
    tpu.vector_store %arg6[%swap3A_422, %swap3A_423], %swap3A_426 {strides = array<i32>} : memref<2x96xi32, #tpu.memory_space<vmem>>, vector<1x16xi32>,
    %add3A_427 = arith.constant 480 : i32
    %add3A_428 = arith.addi %multiple_of3A, %add3A_427 : i32
    %add3A_429 = arith.constant 32 : i32
    %add3A_430 = arith.addi %add3A_428, %add3A_429 : i32
    %iota3A_431 = tpu.iota {dimensions = array<i32: 0>} : vector<16xi32>
    %add3A_432 = vector.broadcast %add3A_430 : i32 to vector<16xi32>
    %add3A_433 = arith.addi %add3A_432, %iota3A_431 : vector<16xi32>
    %swap3A_434 = arith.constant 0 : i32
    %swap3A_435 = arith.index_cast %swap3A_434 : i32 to index
    %swap3A_436 = arith.constant 32 : index
    %swap3A_437 = tpu.vector_load %arg6[%swap3A_435, %swap3A_436] {strides = array<i32>} : memref<2x96xi32, #tpu.memory_space<vmem>>, vector<1x16xi32>,
    %swap3A_438 = vector.shape_cast %swap3A_437 : vector<1x16xi32> to vector<16xi32>
    %swap3A_439 = vector.shape_cast %add3A_433 : vector<16xi32> to vector<1x16xi32>
    tpu.vector_store %arg6[%swap3A_435, %swap3A_436], %swap3A_439 {strides = array<i32>} : memref<2x96xi32, #tpu.memory_space<vmem>>, vector<1x16xi32>,
    %add3A_440 = arith.constant 480 : i32
    %add3A_441 = arith.addi %multiple_of3A, %add3A_440 : i32
    %add3A_442 = arith.constant 48 : i32
    %add3A_443 = arith.addi %add3A_441, %add3A_442 : i32
    %iota3A_444 = tpu.iota {dimensions = array<i32: 0>} : vector<16xi32>
    %add3A_445 = vector.broadcast %add3A_443 : i32 to vector<16xi32>
    %add3A_446 = arith.addi %add3A_445, %iota3A_444 : vector<16xi32>
    %swap3A_447 = arith.constant 0 : i32
    %swap3A_448 = arith.index_cast %swap3A_447 : i32 to index
    %swap3A_449 = arith.constant 48 : index
    %swap3A_450 = tpu.vector_load %arg6[%swap3A_448, %swap3A_449] {strides = array<i32>} : memref<2x96xi32, #tpu.memory_space<vmem>>, vector<1x16xi32>,
    %swap3A_451 = vector.shape_cast %swap3A_450 : vector<1x16xi32> to vector<16xi32>
    %swap3A_452 = vector.shape_cast %add3A_446 : vector<16xi32> to vector<1x16xi32>
    tpu.vector_store %arg6[%swap3A_448, %swap3A_449], %swap3A_452 {strides = array<i32>} : memref<2x96xi32, #tpu.memory_space<vmem>>, vector<1x16xi32>,
    %add3A_453 = arith.constant 480 : i32
    %add3A_454 = arith.addi %multiple_of3A, %add3A_453 : i32
    %add3A_455 = arith.constant 64 : i32
    %add3A_456 = arith.addi %add3A_454, %add3A_455 : i32
    %iota3A_457 = tpu.iota {dimensions = array<i32: 0>} : vector<16xi32>
    %add3A_458 = vector.broadcast %add3A_456 : i32 to vector<16xi32>
    %add3A_459 = arith.addi %add3A_458, %iota3A_457 : vector<16xi32>
    %swap3A_460 = arith.constant 0 : i32
    %swap3A_461 = arith.index_cast %swap3A_460 : i32 to index
    %swap3A_462 = arith.constant 64 : index
    %swap3A_463 = tpu.vector_load %arg6[%swap3A_461, %swap3A_462] {strides = array<i32>} : memref<2x96xi32, #tpu.memory_space<vmem>>, vector<1x16xi32>,
    %swap3A_464 = vector.shape_cast %swap3A_463 : vector<1x16xi32> to vector<16xi32>
    %swap3A_465 = vector.shape_cast %add3A_459 : vector<16xi32> to vector<1x16xi32>
    tpu.vector_store %arg6[%swap3A_461, %swap3A_462], %swap3A_465 {strides = array<i32>} : memref<2x96xi32, #tpu.memory_space<vmem>>, vector<1x16xi32>,
    %add3A_466 = arith.constant 480 : i32
    %add3A_467 = arith.addi %multiple_of3A, %add3A_466 : i32
    %add3A_468 = arith.constant 80 : i32
    %add3A_469 = arith.addi %add3A_467, %add3A_468 : i32
    %iota3A_470 = tpu.iota {dimensions = array<i32: 0>} : vector<16xi32>
    %add3A_471 = vector.broadcast %add3A_469 : i32 to vector<16xi32>
    %add3A_472 = arith.addi %add3A_471, %iota3A_470 : vector<16xi32>
    %swap3A_473 = arith.constant 0 : i32
    %swap3A_474 = arith.index_cast %swap3A_473 : i32 to index
    %swap3A_475 = arith.constant 80 : index
    %swap3A_476 = tpu.vector_load %arg6[%swap3A_474, %swap3A_475] {strides = array<i32>} : memref<2x96xi32, #tpu.memory_space<vmem>>, vector<1x16xi32>,
    %swap3A_477 = vector.shape_cast %swap3A_476 : vector<1x16xi32> to vector<16xi32>
    %swap3A_478 = vector.shape_cast %add3A_472 : vector<16xi32> to vector<1x16xi32>
    tpu.vector_store %arg6[%swap3A_474, %swap3A_475], %swap3A_478 {strides = array<i32>} : memref<2x96xi32, #tpu.memory_space<vmem>>, vector<1x16xi32>,
    %run_scoped3A_479 = arith.constant 0 : i32
    "tpu.region"() ({
      %run_scoped3A_1231 = tpu.sem_alloc : memref<!tpu.dma_semaphore, #tpu.memory_space<semaphore_mem>>
      %dma_start3A_1232 = arith.constant 0 : i32
      %dma_start3A_1233 = tpu.memref_slice %arg6[%run_scoped3A_479, %dma_start3A_1232] : memref<2x96xi32, #tpu.memory_space<vmem>> -> memref<1x96xi32, #tpu.memory_space<vmem>>
      %dma_start3A_1234 = tpu.memref_squeeze %dma_start3A_1233 : memref<1x96xi32, #tpu.memory_space<vmem>> -> memref<96xi32, #tpu.memory_space<vmem>>
      %dma_start3A_1235 = arith.constant 0 : i32
      %dma_start3A_1236 = arith.constant 0 : i32
      %dma_start3A_1237 = tpu.memref_slice %arg5[%dma_start3A_1235, %dma_start3A_1236] : memref<10112x128xf32, #tpu.memory_space<vmem_shared>> -> memref<10112x128xf32, #tpu.memory_space<vmem_shared>>
      tpu.enqueue_indirect_dma source(%arg8 : memref<96x128xf32, #tpu.memory_space<vmem>>) target(%dma_start3A_1237 : memref<10112x128xf32, #tpu.memory_space<vmem_shared>>) offsets(%dma_start3A_1234 : memref<96xi32, #tpu.memory_space<vmem>>) semaphore(%run_scoped3A_1231 : memref<!tpu.dma_semaphore, #tpu.memory_space<semaphore_mem>>)
      %dma_wait3A_1238 = arith.constant 0 : i32
      %dma_wait3A_1239 = tpu.memref_slice %arg6[%run_scoped3A_479, %dma_wait3A_1238] : memref<2x96xi32, #tpu.memory_space<vmem>> -> memref<1x96xi32, #tpu.memory_space<vmem>>
      %dma_wait3A_1240 = tpu.memref_squeeze %dma_wait3A_1239 : memref<1x96xi32, #tpu.memory_space<vmem>> -> memref<96xi32, #tpu.memory_space<vmem>>
      %dma_wait3A_1241 = arith.constant 0 : i32
      %dma_wait3A_1242 = arith.constant 0 : i32
      %dma_wait3A_1243 = tpu.memref_slice %arg5[%dma_wait3A_1241, %dma_wait3A_1242] : memref<10112x128xf32, #tpu.memory_space<vmem_shared>> -> memref<10112x128xf32, #tpu.memory_space<vmem_shared>>
      tpu.wait_indirect_dma semaphore(%run_scoped3A_1231 : memref<!tpu.dma_semaphore, #tpu.memory_space<semaphore_mem>>) src(%arg8 : memref<96x128xf32, #tpu.memory_space<vmem>>) dst(%dma_wait3A_1243 : memref<10112x128xf32, #tpu.memory_space<vmem_shared>>)
      tpu.yield
    }) : () -> ()
    %add3A_480 = arith.constant 536 : i32
    %add3A_481 = arith.addi %multiple_of3A, %add3A_480 : i32
    %add3A_482 = arith.constant 0 : i32
    %add3A_483 = arith.addi %add3A_481, %add3A_482 : i32
    %iota3A_484 = tpu.iota {dimensions = array<i32: 0>} : vector<16xi32>
    %add3A_485 = vector.broadcast %add3A_483 : i32 to vector<16xi32>
    %add3A_486 = arith.addi %add3A_485, %iota3A_484 : vector<16xi32>
    %swap3A_487 = arith.constant 0 : i32
    %swap3A_488 = arith.index_cast %swap3A_487 : i32 to index
    %swap3A_489 = arith.constant 0 : index
    %swap3A_490 = tpu.vector_load %arg6[%swap3A_488, %swap3A_489] {strides = array<i32>} : memref<2x96xi32, #tpu.memory_space<vmem>>, vector<1x16xi32>,
    %swap3A_491 = vector.shape_cast %swap3A_490 : vector<1x16xi32> to vector<16xi32>
    %swap3A_492 = vector.shape_cast %add3A_486 : vector<16xi32> to vector<1x16xi32>
    tpu.vector_store %arg6[%swap3A_488, %swap3A_489], %swap3A_492 {strides = array<i32>} : memref<2x96xi32, #tpu.memory_space<vmem>>, vector<1x16xi32>,
    %add3A_493 = arith.constant 536 : i32
    %add3A_494 = arith.addi %multiple_of3A, %add3A_493 : i32
    %add3A_495 = arith.constant 16 : i32
    %add3A_496 = arith.addi %add3A_494, %add3A_495 : i32
    %iota3A_497 = tpu.iota {dimensions = array<i32: 0>} : vector<16xi32>
    %add3A_498 = vector.broadcast %add3A_496 : i32 to vector<16xi32>
    %add3A_499 = arith.addi %add3A_498, %iota3A_497 : vector<16xi32>
    %swap3A_500 = arith.constant 0 : i32
    %swap3A_501 = arith.index_cast %swap3A_500 : i32 to index
    %swap3A_502 = arith.constant 16 : index
    %swap3A_503 = tpu.vector_load %arg6[%swap3A_501, %swap3A_502] {strides = array<i32>} : memref<2x96xi32, #tpu.memory_space<vmem>>, vector<1x16xi32>,
    %swap3A_504 = vector.shape_cast %swap3A_503 : vector<1x16xi32> to vector<16xi32>
    %swap3A_505 = vector.shape_cast %add3A_499 : vector<16xi32> to vector<1x16xi32>
    tpu.vector_store %arg6[%swap3A_501, %swap3A_502], %swap3A_505 {strides = array<i32>} : memref<2x96xi32, #tpu.memory_space<vmem>>, vector<1x16xi32>,
    %add3A_506 = arith.constant 536 : i32
    %add3A_507 = arith.addi %multiple_of3A, %add3A_506 : i32
    %add3A_508 = arith.constant 32 : i32
    %add3A_509 = arith.addi %add3A_507, %add3A_508 : i32
    %iota3A_510 = tpu.iota {dimensions = array<i32: 0>} : vector<16xi32>
    %add3A_511 = vector.broadcast %add3A_509 : i32 to vector<16xi32>
    %add3A_512 = arith.addi %add3A_511, %iota3A_510 : vector<16xi32>
    %swap3A_513 = arith.constant 0 : i32
    %swap3A_514 = arith.index_cast %swap3A_513 : i32 to index
    %swap3A_515 = arith.constant 32 : index
    %swap3A_516 = tpu.vector_load %arg6[%swap3A_514, %swap3A_515] {strides = array<i32>} : memref<2x96xi32, #tpu.memory_space<vmem>>, vector<1x16xi32>,
    %swap3A_517 = vector.shape_cast %swap3A_516 : vector<1x16xi32> to vector<16xi32>
    %swap3A_518 = vector.shape_cast %add3A_512 : vector<16xi32> to vector<1x16xi32>
    tpu.vector_store %arg6[%swap3A_514, %swap3A_515], %swap3A_518 {strides = array<i32>} : memref<2x96xi32, #tpu.memory_space<vmem>>, vector<1x16xi32>,
    %add3A_519 = arith.constant 536 : i32
    %add3A_520 = arith.addi %multiple_of3A, %add3A_519 : i32
    %add3A_521 = arith.constant 48 : i32
    %add3A_522 = arith.addi %add3A_520, %add3A_521 : i32
    %iota3A_523 = tpu.iota {dimensions = array<i32: 0>} : vector<16xi32>
    %add3A_524 = vector.broadcast %add3A_522 : i32 to vector<16xi32>
    %add3A_525 = arith.addi %add3A_524, %iota3A_523 : vector<16xi32>
    %swap3A_526 = arith.constant 0 : i32
    %swap3A_527 = arith.index_cast %swap3A_526 : i32 to index
    %swap3A_528 = arith.constant 48 : index
    %swap3A_529 = tpu.vector_load %arg6[%swap3A_527, %swap3A_528] {strides = array<i32>} : memref<2x96xi32, #tpu.memory_space<vmem>>, vector<1x16xi32>,
    %swap3A_530 = vector.shape_cast %swap3A_529 : vector<1x16xi32> to vector<16xi32>
    %swap3A_531 = vector.shape_cast %add3A_525 : vector<16xi32> to vector<1x16xi32>
    tpu.vector_store %arg6[%swap3A_527, %swap3A_528], %swap3A_531 {strides = array<i32>} : memref<2x96xi32, #tpu.memory_space<vmem>>, vector<1x16xi32>,
    %add3A_532 = arith.constant 536 : i32
    %add3A_533 = arith.addi %multiple_of3A, %add3A_532 : i32
    %add3A_534 = arith.constant 64 : i32
    %add3A_535 = arith.addi %add3A_533, %add3A_534 : i32
    %iota3A_536 = tpu.iota {dimensions = array<i32: 0>} : vector<16xi32>
    %add3A_537 = vector.broadcast %add3A_535 : i32 to vector<16xi32>
    %add3A_538 = arith.addi %add3A_537, %iota3A_536 : vector<16xi32>
    %swap3A_539 = arith.constant 0 : i32
    %swap3A_540 = arith.index_cast %swap3A_539 : i32 to index
    %swap3A_541 = arith.constant 64 : index
    %swap3A_542 = tpu.vector_load %arg6[%swap3A_540, %swap3A_541] {strides = array<i32>} : memref<2x96xi32, #tpu.memory_space<vmem>>, vector<1x16xi32>,
    %swap3A_543 = vector.shape_cast %swap3A_542 : vector<1x16xi32> to vector<16xi32>
    %swap3A_544 = vector.shape_cast %add3A_538 : vector<16xi32> to vector<1x16xi32>
    tpu.vector_store %arg6[%swap3A_540, %swap3A_541], %swap3A_544 {strides = array<i32>} : memref<2x96xi32, #tpu.memory_space<vmem>>, vector<1x16xi32>,
    %add3A_545 = arith.constant 536 : i32
    %add3A_546 = arith.addi %multiple_of3A, %add3A_545 : i32
    %add3A_547 = arith.constant 80 : i32
    %add3A_548 = arith.addi %add3A_546, %add3A_547 : i32
    %iota3A_549 = tpu.iota {dimensions = array<i32: 0>} : vector<16xi32>
    %add3A_550 = vector.broadcast %add3A_548 : i32 to vector<16xi32>
    %add3A_551 = arith.addi %add3A_550, %iota3A_549 : vector<16xi32>
    %swap3A_552 = arith.constant 0 : i32
    %swap3A_553 = arith.index_cast %swap3A_552 : i32 to index
    %swap3A_554 = arith.constant 80 : index
    %swap3A_555 = tpu.vector_load %arg6[%swap3A_553, %swap3A_554] {strides = array<i32>} : memref<2x96xi32, #tpu.memory_space<vmem>>, vector<1x16xi32>,
    %swap3A_556 = vector.shape_cast %swap3A_555 : vector<1x16xi32> to vector<16xi32>
    %swap3A_557 = vector.shape_cast %add3A_551 : vector<16xi32> to vector<1x16xi32>
    tpu.vector_store %arg6[%swap3A_553, %swap3A_554], %swap3A_557 {strides = array<i32>} : memref<2x96xi32, #tpu.memory_space<vmem>>, vector<1x16xi32>,
    %run_scoped3A_558 = arith.constant 0 : i32
    "tpu.region"() ({
      %run_scoped3A_1231 = tpu.sem_alloc : memref<!tpu.dma_semaphore, #tpu.memory_space<semaphore_mem>>
      %dma_start3A_1232 = arith.constant 0 : i32
      %dma_start3A_1233 = tpu.memref_slice %arg6[%run_scoped3A_558, %dma_start3A_1232] : memref<2x96xi32, #tpu.memory_space<vmem>> -> memref<1x96xi32, #tpu.memory_space<vmem>>
      %dma_start3A_1234 = tpu.memref_squeeze %dma_start3A_1233 : memref<1x96xi32, #tpu.memory_space<vmem>> -> memref<96xi32, #tpu.memory_space<vmem>>
      %dma_start3A_1235 = arith.constant 0 : i32
      %dma_start3A_1236 = arith.constant 0 : i32
      %dma_start3A_1237 = tpu.memref_slice %arg5[%dma_start3A_1235, %dma_start3A_1236] : memref<10112x128xf32, #tpu.memory_space<vmem_shared>> -> memref<10112x128xf32, #tpu.memory_space<vmem_shared>>
      tpu.enqueue_indirect_dma source(%arg8 : memref<96x128xf32, #tpu.memory_space<vmem>>) target(%dma_start3A_1237 : memref<10112x128xf32, #tpu.memory_space<vmem_shared>>) offsets(%dma_start3A_1234 : memref<96xi32, #tpu.memory_space<vmem>>) semaphore(%run_scoped3A_1231 : memref<!tpu.dma_semaphore, #tpu.memory_space<semaphore_mem>>)
      %dma_wait3A_1238 = arith.constant 0 : i32
      %dma_wait3A_1239 = tpu.memref_slice %arg6[%run_scoped3A_558, %dma_wait3A_1238] : memref<2x96xi32, #tpu.memory_space<vmem>> -> memref<1x96xi32, #tpu.memory_space<vmem>>
      %dma_wait3A_1240 = tpu.memref_squeeze %dma_wait3A_1239 : memref<1x96xi32, #tpu.memory_space<vmem>> -> memref<96xi32, #tpu.memory_space<vmem>>
      %dma_wait3A_1241 = arith.constant 0 : i32
      %dma_wait3A_1242 = arith.constant 0 : i32
      %dma_wait3A_1243 = tpu.memref_slice %arg5[%dma_wait3A_1241, %dma_wait3A_1242] : memref<10112x128xf32, #tpu.memory_space<vmem_shared>> -> memref<10112x128xf32, #tpu.memory_space<vmem_shared>>
      tpu.wait_indirect_dma semaphore(%run_scoped3A_1231 : memref<!tpu.dma_semaphore, #tpu.memory_space<semaphore_mem>>) src(%arg8 : memref<96x128xf32, #tpu.memory_space<vmem>>) dst(%dma_wait3A_1243 : memref<10112x128xf32, #tpu.memory_space<vmem_shared>>)
      tpu.yield
    }) : () -> ()
    %barrier3A = arith.constant 0 : index
    tpu.barrier barrier_id(%barrier3A)
    %mul3A_559 = arith.constant 106 : i32
    %mul3A_560 = arith.muli %add3A, %mul3A_559 : i32
    "tpu.region"() ({
      %run_scoped3A_1231 = tpu.sem_alloc : memref<!tpu.dma_semaphore, #tpu.memory_space<semaphore_mem>>
      %dma_start3A_1232 = arith.constant 0 : i32
      %dma_start3A_1233 = arith.constant 0 : i32
      %dma_start3A_1234 = tpu.memref_slice %arg3[%mul3A_560, %dma_start3A_1232, %dma_start3A_1233] : memref<3392x2x96xi32, #tpu.memory_space<hbm>> -> memref<1x2x96xi32, #tpu.memory_space<hbm>>
      %dma_start3A_1235 = tpu.memref_squeeze %dma_start3A_1234 : memref<1x2x96xi32, #tpu.memory_space<hbm>> -> memref<2x96xi32, #tpu.memory_space<hbm>>
      %dma_start3A_1236 = arith.constant 0 : i32
      %dma_start3A_1237 = arith.constant 0 : i32
      %dma_start3A_1238 = tpu.memref_slice %arg3[%mul3A_560, %dma_start3A_1236, %dma_start3A_1237] : memref<3392x2x96xi32, #tpu.memory_space<hbm>> -> memref<1x2x96xi32, #tpu.memory_space<hbm>>
      %dma_start3A_1239 = tpu.memref_squeeze %dma_start3A_1238 : memref<1x2x96xi32, #tpu.memory_space<hbm>> -> memref<2x96xi32, #tpu.memory_space<hbm>>
      tpu.enqueue_dma source(%dma_start3A_1239 : memref<2x96xi32, #tpu.memory_space<hbm>>) target(%arg6 : memref<2x96xi32, #tpu.memory_space<vmem>>) target_semaphore(%run_scoped3A_1231 : memref<!tpu.dma_semaphore, #tpu.memory_space<semaphore_mem>>)
      %dma_wait3A_1240 = arith.constant 0 : i32
      %dma_wait3A_1241 = arith.constant 0 : i32
      %dma_wait3A_1242 = tpu.memref_slice %arg3[%mul3A_560, %dma_wait3A_1240, %dma_wait3A_1241] : memref<3392x2x96xi32, #tpu.memory_space<hbm>> -> memref<1x2x96xi32, #tpu.memory_space<hbm>>
      %dma_wait3A_1243 = tpu.memref_squeeze %dma_wait3A_1242 : memref<1x2x96xi32, #tpu.memory_space<hbm>> -> memref<2x96xi32, #tpu.memory_space<hbm>>
      %dma_wait3A_1244 = arith.constant 0 : i32
      %dma_wait3A_1245 = arith.constant 0 : i32
      %dma_wait3A_1246 = tpu.memref_slice %arg3[%mul3A_560, %dma_wait3A_1244, %dma_wait3A_1245] : memref<3392x2x96xi32, #tpu.memory_space<hbm>> -> memref<1x2x96xi32, #tpu.memory_space<hbm>>
      %dma_wait3A_1247 = tpu.memref_squeeze %dma_wait3A_1246 : memref<1x2x96xi32, #tpu.memory_space<hbm>> -> memref<2x96xi32, #tpu.memory_space<hbm>>
      tpu.wait_dma2 semaphore(%run_scoped3A_1231 : memref<!tpu.dma_semaphore, #tpu.memory_space<semaphore_mem>>) src(%dma_wait3A_1247 : memref<2x96xi32, #tpu.memory_space<hbm>>) dst(%arg6 : memref<2x96xi32, #tpu.memory_space<vmem>>)
      tpu.yield
    }) : () -> ()
    %dma_start3A = arith.constant 0 : i32
    %dma_start3A_561 = arith.constant 0 : i32
    %dma_start3A_562 = tpu.memref_slice %arg6[%dma_start3A, %dma_start3A_561] : memref<2x96xi32, #tpu.memory_space<vmem>> -> memref<1x96xi32, #tpu.memory_space<vmem>>
    %dma_start3A_563 = tpu.memref_squeeze %dma_start3A_562 : memref<1x96xi32, #tpu.memory_space<vmem>> -> memref<96xi32, #tpu.memory_space<vmem>>
    %dma_start3A_564 = arith.constant 0 : i32
    %dma_start3A_565 = arith.constant 0 : i32
    %dma_start3A_566 = tpu.memref_slice %arg2[%dma_start3A_564, %dma_start3A_565] : memref<10000x128xf32, #tpu.memory_space<hbm>> -> memref<10000x128xf32, #tpu.memory_space<hbm>>
    tpu.enqueue_indirect_dma source(%dma_start3A_566 : memref<10000x128xf32, #tpu.memory_space<hbm>>) target(%arg8 : memref<96x128xf32, #tpu.memory_space<vmem>>) offsets(%dma_start3A_563 : memref<96xi32, #tpu.memory_space<vmem>>) semaphore(%arg10 : memref<!tpu.dma_semaphore, #tpu.memory_space<semaphore_mem>>)
    %scan3A_567 = arith.constant 0 : i32
    %scan3A_568 = arith.constant 0 : i32
    %scan3A_569 = arith.constant 53 : i32
    %scan3A_570 = arith.addi %scan3A_568, %scan3A_569 : i32
    %scan3A_571 = arith.constant 1 : i32
    scf.for %scan3A_1231 = %scan3A_568 to %scan3A_570 step %scan3A_571  : i32 {
      %mul3A_1232 = arith.constant 2 : i32
      %mul3A_1233 = arith.muli %scan3A_1231, %mul3A_1232 : i32
      %add3A_1234 = arith.constant 0 : i32
      %add3A_1235 = arith.addi %mul3A_1233, %add3A_1234 : i32
      %add3A_1236 = arith.constant 1 : i32
      %add3A_1237 = arith.addi %add3A_1235, %add3A_1236 : i32
      %lt3A = arith.constant 106 : i32
      %lt3A_1238 = arith.cmpi slt, %add3A_1237, %lt3A : i32
      %convert_element_type3A = arith.extui %lt3A_1238 : i1 to i32
      %cond3A = arith.constant 0 : i32
      %cond3A_1239 = arith.cmpi ne, %convert_element_type3A, %cond3A : i32
      scf.if %cond3A_1239 {
        %add3A_1267 = arith.addi %mul3A_560, %add3A_1235 : i32
        %add3A_1268 = arith.constant 1 : i32
        %add3A_1269 = arith.addi %add3A_1267, %add3A_1268 : i32
        "tpu.region"() ({
          %run_scoped3A_1277 = tpu.sem_alloc : memref<!tpu.dma_semaphore, #tpu.memory_space<semaphore_mem>>
          %dma_start3A_1278 = arith.constant 0 : i32
          %dma_start3A_1279 = arith.constant 0 : i32
          %dma_start3A_1280 = tpu.memref_slice %arg3[%add3A_1269, %dma_start3A_1278, %dma_start3A_1279] : memref<3392x2x96xi32, #tpu.memory_space<hbm>> -> memref<1x2x96xi32, #tpu.memory_space<hbm>>
          %dma_start3A_1281 = tpu.memref_squeeze %dma_start3A_1280 : memref<1x2x96xi32, #tpu.memory_space<hbm>> -> memref<2x96xi32, #tpu.memory_space<hbm>>
          %dma_start3A_1282 = arith.constant 0 : i32
          %dma_start3A_1283 = arith.constant 0 : i32
          %dma_start3A_1284 = tpu.memref_slice %arg3[%add3A_1269, %dma_start3A_1282, %dma_start3A_1283] : memref<3392x2x96xi32, #tpu.memory_space<hbm>> -> memref<1x2x96xi32, #tpu.memory_space<hbm>>
          %dma_start3A_1285 = tpu.memref_squeeze %dma_start3A_1284 : memref<1x2x96xi32, #tpu.memory_space<hbm>> -> memref<2x96xi32, #tpu.memory_space<hbm>>
          tpu.enqueue_dma source(%dma_start3A_1285 : memref<2x96xi32, #tpu.memory_space<hbm>>) target(%arg7 : memref<2x96xi32, #tpu.memory_space<vmem>>) target_semaphore(%run_scoped3A_1277 : memref<!tpu.dma_semaphore, #tpu.memory_space<semaphore_mem>>)
          %dma_wait3A_1286 = arith.constant 0 : i32
          %dma_wait3A_1287 = arith.constant 0 : i32
          %dma_wait3A_1288 = tpu.memref_slice %arg3[%add3A_1269, %dma_wait3A_1286, %dma_wait3A_1287] : memref<3392x2x96xi32, #tpu.memory_space<hbm>> -> memref<1x2x96xi32, #tpu.memory_space<hbm>>
          %dma_wait3A_1289 = tpu.memref_squeeze %dma_wait3A_1288 : memref<1x2x96xi32, #tpu.memory_space<hbm>> -> memref<2x96xi32, #tpu.memory_space<hbm>>
          %dma_wait3A_1290 = arith.constant 0 : i32
          %dma_wait3A_1291 = arith.constant 0 : i32
          %dma_wait3A_1292 = tpu.memref_slice %arg3[%add3A_1269, %dma_wait3A_1290, %dma_wait3A_1291] : memref<3392x2x96xi32, #tpu.memory_space<hbm>> -> memref<1x2x96xi32, #tpu.memory_space<hbm>>
          %dma_wait3A_1293 = tpu.memref_squeeze %dma_wait3A_1292 : memref<1x2x96xi32, #tpu.memory_space<hbm>> -> memref<2x96xi32, #tpu.memory_space<hbm>>
          tpu.wait_dma2 semaphore(%run_scoped3A_1277 : memref<!tpu.dma_semaphore, #tpu.memory_space<semaphore_mem>>) src(%dma_wait3A_1293 : memref<2x96xi32, #tpu.memory_space<hbm>>) dst(%arg7 : memref<2x96xi32, #tpu.memory_space<vmem>>)
          tpu.yield
        }) : () -> ()
        %dma_start3A_1270 = arith.constant 0 : i32
        %dma_start3A_1271 = arith.constant 0 : i32
        %dma_start3A_1272 = tpu.memref_slice %arg7[%dma_start3A_1270, %dma_start3A_1271] : memref<2x96xi32, #tpu.memory_space<vmem>> -> memref<1x96xi32, #tpu.memory_space<vmem>>
        %dma_start3A_1273 = tpu.memref_squeeze %dma_start3A_1272 : memref<1x96xi32, #tpu.memory_space<vmem>> -> memref<96xi32, #tpu.memory_space<vmem>>
        %dma_start3A_1274 = arith.constant 0 : i32
        %dma_start3A_1275 = arith.constant 0 : i32
        %dma_start3A_1276 = tpu.memref_slice %arg2[%dma_start3A_1274, %dma_start3A_1275] : memref<10000x128xf32, #tpu.memory_space<hbm>> -> memref<10000x128xf32, #tpu.memory_space<hbm>>
        tpu.enqueue_indirect_dma source(%dma_start3A_1276 : memref<10000x128xf32, #tpu.memory_space<hbm>>) target(%arg9 : memref<96x128xf32, #tpu.memory_space<vmem>>) offsets(%dma_start3A_1273 : memref<96xi32, #tpu.memory_space<vmem>>) semaphore(%arg11 : memref<!tpu.dma_semaphore, #tpu.memory_space<semaphore_mem>>)
      } else {
      }
      %dma_wait3A_1240 = arith.constant 0 : i32
      %dma_wait3A_1241 = arith.constant 0 : i32
      %dma_wait3A_1242 = tpu.memref_slice %arg6[%dma_wait3A_1240, %dma_wait3A_1241] : memref<2x96xi32, #tpu.memory_space<vmem>> -> memref<1x96xi32, #tpu.memory_space<vmem>>
      %dma_wait3A_1243 = tpu.memref_squeeze %dma_wait3A_1242 : memref<1x96xi32, #tpu.memory_space<vmem>> -> memref<96xi32, #tpu.memory_space<vmem>>
      %dma_wait3A_1244 = arith.constant 0 : i32
      %dma_wait3A_1245 = arith.constant 0 : i32
      %dma_wait3A_1246 = tpu.memref_slice %arg2[%dma_wait3A_1244, %dma_wait3A_1245] : memref<10000x128xf32, #tpu.memory_space<hbm>> -> memref<10000x128xf32, #tpu.memory_space<hbm>>
      tpu.wait_indirect_dma semaphore(%arg10 : memref<!tpu.dma_semaphore, #tpu.memory_space<semaphore_mem>>) src(%dma_wait3A_1246 : memref<10000x128xf32, #tpu.memory_space<hbm>>) dst(%arg8 : memref<96x128xf32, #tpu.memory_space<vmem>>)
      %run_scoped3A_1247 = arith.constant 1 : i32
      "tpu.region"() ({
        %run_scoped3A_1267 = tpu.sem_alloc : memref<!tpu.dma_semaphore, #tpu.memory_space<semaphore_mem>>
        %dma_start3A_1268 = arith.constant 0 : i32
        %dma_start3A_1269 = tpu.memref_slice %arg6[%run_scoped3A_1247, %dma_start3A_1268] : memref<2x96xi32, #tpu.memory_space<vmem>> -> memref<1x96xi32, #tpu.memory_space<vmem>>
        %dma_start3A_1270 = tpu.memref_squeeze %dma_start3A_1269 : memref<1x96xi32, #tpu.memory_space<vmem>> -> memref<96xi32, #tpu.memory_space<vmem>>
        %dma_start3A_1271 = arith.constant 0 : i32
        %dma_start3A_1272 = arith.constant 0 : i32
        %dma_start3A_1273 = tpu.memref_slice %arg5[%dma_start3A_1271, %dma_start3A_1272] : memref<10112x128xf32, #tpu.memory_space<vmem_shared>> -> memref<10112x128xf32, #tpu.memory_space<vmem_shared>>
        tpu.enqueue_indirect_dma source(%arg8 : memref<96x128xf32, #tpu.memory_space<vmem>>) target(%dma_start3A_1273 : memref<10112x128xf32, #tpu.memory_space<vmem_shared>>) offsets(%dma_start3A_1270 : memref<96xi32, #tpu.memory_space<vmem>>) semaphore(%run_scoped3A_1267 : memref<!tpu.dma_semaphore, #tpu.memory_space<semaphore_mem>>) {add = true}
        %dma_wait3A_1274 = arith.constant 0 : i32
        %dma_wait3A_1275 = tpu.memref_slice %arg6[%run_scoped3A_1247, %dma_wait3A_1274] : memref<2x96xi32, #tpu.memory_space<vmem>> -> memref<1x96xi32, #tpu.memory_space<vmem>>
        %dma_wait3A_1276 = tpu.memref_squeeze %dma_wait3A_1275 : memref<1x96xi32, #tpu.memory_space<vmem>> -> memref<96xi32, #tpu.memory_space<vmem>>
        %dma_wait3A_1277 = arith.constant 0 : i32
        %dma_wait3A_1278 = arith.constant 0 : i32
        %dma_wait3A_1279 = tpu.memref_slice %arg5[%dma_wait3A_1277, %dma_wait3A_1278] : memref<10112x128xf32, #tpu.memory_space<vmem_shared>> -> memref<10112x128xf32, #tpu.memory_space<vmem_shared>>
        tpu.wait_indirect_dma semaphore(%run_scoped3A_1267 : memref<!tpu.dma_semaphore, #tpu.memory_space<semaphore_mem>>) src(%arg8 : memref<96x128xf32, #tpu.memory_space<vmem>>) dst(%dma_wait3A_1279 : memref<10112x128xf32, #tpu.memory_space<vmem_shared>>)
        tpu.yield
      }) : () -> ()
      %mul3A_1248 = arith.constant 2 : i32
      %mul3A_1249 = arith.muli %scan3A_1231, %mul3A_1248 : i32
      %add3A_1250 = arith.constant 1 : i32
      %add3A_1251 = arith.addi %mul3A_1249, %add3A_1250 : i32
      %add3A_1252 = arith.constant 1 : i32
      %add3A_1253 = arith.addi %add3A_1251, %add3A_1252 : i32
      %lt3A_1254 = arith.constant 106 : i32
      %lt3A_1255 = arith.cmpi slt, %add3A_1253, %lt3A_1254 : i32
      %convert_element_type3A_1256 = arith.extui %lt3A_1255 : i1 to i32
      %cond3A_1257 = arith.constant 0 : i32
      %cond3A_1258 = arith.cmpi ne, %convert_element_type3A_1256, %cond3A_1257 : i32
      scf.if %cond3A_1258 {
        %add3A_1267 = arith.addi %mul3A_560, %add3A_1251 : i32
        %add3A_1268 = arith.constant 1 : i32
        %add3A_1269 = arith.addi %add3A_1267, %add3A_1268 : i32
        "tpu.region"() ({
          %run_scoped3A_1277 = tpu.sem_alloc : memref<!tpu.dma_semaphore, #tpu.memory_space<semaphore_mem>>
          %dma_start3A_1278 = arith.constant 0 : i32
          %dma_start3A_1279 = arith.constant 0 : i32
          %dma_start3A_1280 = tpu.memref_slice %arg3[%add3A_1269, %dma_start3A_1278, %dma_start3A_1279] : memref<3392x2x96xi32, #tpu.memory_space<hbm>> -> memref<1x2x96xi32, #tpu.memory_space<hbm>>
          %dma_start3A_1281 = tpu.memref_squeeze %dma_start3A_1280 : memref<1x2x96xi32, #tpu.memory_space<hbm>> -> memref<2x96xi32, #tpu.memory_space<hbm>>
          %dma_start3A_1282 = arith.constant 0 : i32
          %dma_start3A_1283 = arith.constant 0 : i32
          %dma_start3A_1284 = tpu.memref_slice %arg3[%add3A_1269, %dma_start3A_1282, %dma_start3A_1283] : memref<3392x2x96xi32, #tpu.memory_space<hbm>> -> memref<1x2x96xi32, #tpu.memory_space<hbm>>
          %dma_start3A_1285 = tpu.memref_squeeze %dma_start3A_1284 : memref<1x2x96xi32, #tpu.memory_space<hbm>> -> memref<2x96xi32, #tpu.memory_space<hbm>>
          tpu.enqueue_dma source(%dma_start3A_1285 : memref<2x96xi32, #tpu.memory_space<hbm>>) target(%arg6 : memref<2x96xi32, #tpu.memory_space<vmem>>) target_semaphore(%run_scoped3A_1277 : memref<!tpu.dma_semaphore, #tpu.memory_space<semaphore_mem>>)
          %dma_wait3A_1286 = arith.constant 0 : i32
          %dma_wait3A_1287 = arith.constant 0 : i32
          %dma_wait3A_1288 = tpu.memref_slice %arg3[%add3A_1269, %dma_wait3A_1286, %dma_wait3A_1287] : memref<3392x2x96xi32, #tpu.memory_space<hbm>> -> memref<1x2x96xi32, #tpu.memory_space<hbm>>
          %dma_wait3A_1289 = tpu.memref_squeeze %dma_wait3A_1288 : memref<1x2x96xi32, #tpu.memory_space<hbm>> -> memref<2x96xi32, #tpu.memory_space<hbm>>
          %dma_wait3A_1290 = arith.constant 0 : i32
          %dma_wait3A_1291 = arith.constant 0 : i32
          %dma_wait3A_1292 = tpu.memref_slice %arg3[%add3A_1269, %dma_wait3A_1290, %dma_wait3A_1291] : memref<3392x2x96xi32, #tpu.memory_space<hbm>> -> memref<1x2x96xi32, #tpu.memory_space<hbm>>
          %dma_wait3A_1293 = tpu.memref_squeeze %dma_wait3A_1292 : memref<1x2x96xi32, #tpu.memory_space<hbm>> -> memref<2x96xi32, #tpu.memory_space<hbm>>
          tpu.wait_dma2 semaphore(%run_scoped3A_1277 : memref<!tpu.dma_semaphore, #tpu.memory_space<semaphore_mem>>) src(%dma_wait3A_1293 : memref<2x96xi32, #tpu.memory_space<hbm>>) dst(%arg6 : memref<2x96xi32, #tpu.memory_space<vmem>>)
          tpu.yield
        }) : () -> ()
        %dma_start3A_1270 = arith.constant 0 : i32
        %dma_start3A_1271 = arith.constant 0 : i32
        %dma_start3A_1272 = tpu.memref_slice %arg6[%dma_start3A_1270, %dma_start3A_1271] : memref<2x96xi32, #tpu.memory_space<vmem>> -> memref<1x96xi32, #tpu.memory_space<vmem>>
        %dma_start3A_1273 = tpu.memref_squeeze %dma_start3A_1272 : memref<1x96xi32, #tpu.memory_space<vmem>> -> memref<96xi32, #tpu.memory_space<vmem>>
        %dma_start3A_1274 = arith.constant 0 : i32
        %dma_start3A_1275 = arith.constant 0 : i32
        %dma_start3A_1276 = tpu.memref_slice %arg2[%dma_start3A_1274, %dma_start3A_1275] : memref<10000x128xf32, #tpu.memory_space<hbm>> -> memref<10000x128xf32, #tpu.memory_space<hbm>>
        tpu.enqueue_indirect_dma source(%dma_start3A_1276 : memref<10000x128xf32, #tpu.memory_space<hbm>>) target(%arg8 : memref<96x128xf32, #tpu.memory_space<vmem>>) offsets(%dma_start3A_1273 : memref<96xi32, #tpu.memory_space<vmem>>) semaphore(%arg10 : memref<!tpu.dma_semaphore, #tpu.memory_space<semaphore_mem>>)
      } else {
      }
      %dma_wait3A_1259 = arith.constant 0 : i32
      %dma_wait3A_1260 = arith.constant 0 : i32
      %dma_wait3A_1261 = tpu.memref_slice %arg7[%dma_wait3A_1259, %dma_wait3A_1260] : memref<2x96xi32, #tpu.memory_space<vmem>> -> memref<1x96xi32, #tpu.memory_space<vmem>>
      %dma_wait3A_1262 = tpu.memref_squeeze %dma_wait3A_1261 : memref<1x96xi32, #tpu.memory_space<vmem>> -> memref<96xi32, #tpu.memory_space<vmem>>
      %dma_wait3A_1263 = arith.constant 0 : i32
      %dma_wait3A_1264 = arith.constant 0 : i32
      %dma_wait3A_1265 = tpu.memref_slice %arg2[%dma_wait3A_1263, %dma_wait3A_1264] : memref<10000x128xf32, #tpu.memory_space<hbm>> -> memref<10000x128xf32, #tpu.memory_space<hbm>>
      tpu.wait_indirect_dma semaphore(%arg11 : memref<!tpu.dma_semaphore, #tpu.memory_space<semaphore_mem>>) src(%dma_wait3A_1265 : memref<10000x128xf32, #tpu.memory_space<hbm>>) dst(%arg9 : memref<96x128xf32, #tpu.memory_space<vmem>>)
      %run_scoped3A_1266 = arith.constant 1 : i32
      "tpu.region"() ({
        %run_scoped3A_1267 = tpu.sem_alloc : memref<!tpu.dma_semaphore, #tpu.memory_space<semaphore_mem>>
        %dma_start3A_1268 = arith.constant 0 : i32
        %dma_start3A_1269 = tpu.memref_slice %arg7[%run_scoped3A_1266, %dma_start3A_1268] : memref<2x96xi32, #tpu.memory_space<vmem>> -> memref<1x96xi32, #tpu.memory_space<vmem>>
        %dma_start3A_1270 = tpu.memref_squeeze %dma_start3A_1269 : memref<1x96xi32, #tpu.memory_space<vmem>> -> memref<96xi32, #tpu.memory_space<vmem>>
        %dma_start3A_1271 = arith.constant 0 : i32
        %dma_start3A_1272 = arith.constant 0 : i32
        %dma_start3A_1273 = tpu.memref_slice %arg5[%dma_start3A_1271, %dma_start3A_1272] : memref<10112x128xf32, #tpu.memory_space<vmem_shared>> -> memref<10112x128xf32, #tpu.memory_space<vmem_shared>>
        tpu.enqueue_indirect_dma source(%arg9 : memref<96x128xf32, #tpu.memory_space<vmem>>) target(%dma_start3A_1273 : memref<10112x128xf32, #tpu.memory_space<vmem_shared>>) offsets(%dma_start3A_1270 : memref<96xi32, #tpu.memory_space<vmem>>) semaphore(%run_scoped3A_1267 : memref<!tpu.dma_semaphore, #tpu.memory_space<semaphore_mem>>) {add = true}
        %dma_wait3A_1274 = arith.constant 0 : i32
        %dma_wait3A_1275 = tpu.memref_slice %arg7[%run_scoped3A_1266, %dma_wait3A_1274] : memref<2x96xi32, #tpu.memory_space<vmem>> -> memref<1x96xi32, #tpu.memory_space<vmem>>
        %dma_wait3A_1276 = tpu.memref_squeeze %dma_wait3A_1275 : memref<1x96xi32, #tpu.memory_space<vmem>> -> memref<96xi32, #tpu.memory_space<vmem>>
        %dma_wait3A_1277 = arith.constant 0 : i32
        %dma_wait3A_1278 = arith.constant 0 : i32
        %dma_wait3A_1279 = tpu.memref_slice %arg5[%dma_wait3A_1277, %dma_wait3A_1278] : memref<10112x128xf32, #tpu.memory_space<vmem_shared>> -> memref<10112x128xf32, #tpu.memory_space<vmem_shared>>
        tpu.wait_indirect_dma semaphore(%run_scoped3A_1267 : memref<!tpu.dma_semaphore, #tpu.memory_space<semaphore_mem>>) src(%arg9 : memref<96x128xf32, #tpu.memory_space<vmem>>) dst(%dma_wait3A_1279 : memref<10112x128xf32, #tpu.memory_space<vmem_shared>>)
        tpu.yield
      }) : () -> ()
    }
    %scan3A_572 = arith.constant 53 : i32
    %barrier3A_573 = arith.constant 0 : index
    tpu.barrier barrier_id(%barrier3A_573)
    %add3A_574 = arith.constant 0 : i32
    %add3A_575 = arith.addi %multiple_of3A, %add3A_574 : i32
    %add3A_576 = arith.constant 0 : i32
    %add3A_577 = arith.addi %add3A_575, %add3A_576 : i32
    %iota3A_578 = tpu.iota {dimensions = array<i32: 0>} : vector<16xi32>
    %add3A_579 = vector.broadcast %add3A_577 : i32 to vector<16xi32>
    %add3A_580 = arith.addi %add3A_579, %iota3A_578 : vector<16xi32>
    %swap3A_581 = arith.constant 0 : i32
    %swap3A_582 = arith.index_cast %swap3A_581 : i32 to index
    %swap3A_583 = arith.constant 0 : index
    %swap3A_584 = tpu.vector_load %arg6[%swap3A_582, %swap3A_583] {strides = array<i32>} : memref<2x96xi32, #tpu.memory_space<vmem>>, vector<1x16xi32>,
    %swap3A_585 = vector.shape_cast %swap3A_584 : vector<1x16xi32> to vector<16xi32>
    %swap3A_586 = vector.shape_cast %add3A_580 : vector<16xi32> to vector<1x16xi32>
    tpu.vector_store %arg6[%swap3A_582, %swap3A_583], %swap3A_586 {strides = array<i32>} : memref<2x96xi32, #tpu.memory_space<vmem>>, vector<1x16xi32>,
    %add3A_587 = arith.constant 0 : i32
    %add3A_588 = arith.addi %multiple_of3A, %add3A_587 : i32
    %add3A_589 = arith.constant 16 : i32
    %add3A_590 = arith.addi %add3A_588, %add3A_589 : i32
    %iota3A_591 = tpu.iota {dimensions = array<i32: 0>} : vector<16xi32>
    %add3A_592 = vector.broadcast %add3A_590 : i32 to vector<16xi32>
    %add3A_593 = arith.addi %add3A_592, %iota3A_591 : vector<16xi32>
    %swap3A_594 = arith.constant 0 : i32
    %swap3A_595 = arith.index_cast %swap3A_594 : i32 to index
    %swap3A_596 = arith.constant 16 : index
    %swap3A_597 = tpu.vector_load %arg6[%swap3A_595, %swap3A_596] {strides = array<i32>} : memref<2x96xi32, #tpu.memory_space<vmem>>, vector<1x16xi32>,
    %swap3A_598 = vector.shape_cast %swap3A_597 : vector<1x16xi32> to vector<16xi32>
    %swap3A_599 = vector.shape_cast %add3A_593 : vector<16xi32> to vector<1x16xi32>
    tpu.vector_store %arg6[%swap3A_595, %swap3A_596], %swap3A_599 {strides = array<i32>} : memref<2x96xi32, #tpu.memory_space<vmem>>, vector<1x16xi32>,
    %add3A_600 = arith.constant 0 : i32
    %add3A_601 = arith.addi %multiple_of3A, %add3A_600 : i32
    %add3A_602 = arith.constant 32 : i32
    %add3A_603 = arith.addi %add3A_601, %add3A_602 : i32
    %iota3A_604 = tpu.iota {dimensions = array<i32: 0>} : vector<16xi32>
    %add3A_605 = vector.broadcast %add3A_603 : i32 to vector<16xi32>
    %add3A_606 = arith.addi %add3A_605, %iota3A_604 : vector<16xi32>
    %swap3A_607 = arith.constant 0 : i32
    %swap3A_608 = arith.index_cast %swap3A_607 : i32 to index
    %swap3A_609 = arith.constant 32 : index
    %swap3A_610 = tpu.vector_load %arg6[%swap3A_608, %swap3A_609] {strides = array<i32>} : memref<2x96xi32, #tpu.memory_space<vmem>>, vector<1x16xi32>,
    %swap3A_611 = vector.shape_cast %swap3A_610 : vector<1x16xi32> to vector<16xi32>
    %swap3A_612 = vector.shape_cast %add3A_606 : vector<16xi32> to vector<1x16xi32>
    tpu.vector_store %arg6[%swap3A_608, %swap3A_609], %swap3A_612 {strides = array<i32>} : memref<2x96xi32, #tpu.memory_space<vmem>>, vector<1x16xi32>,
    %add3A_613 = arith.constant 0 : i32
    %add3A_614 = arith.addi %multiple_of3A, %add3A_613 : i32
    %add3A_615 = arith.constant 48 : i32
    %add3A_616 = arith.addi %add3A_614, %add3A_615 : i32
    %iota3A_617 = tpu.iota {dimensions = array<i32: 0>} : vector<16xi32>
    %add3A_618 = vector.broadcast %add3A_616 : i32 to vector<16xi32>
    %add3A_619 = arith.addi %add3A_618, %iota3A_617 : vector<16xi32>
    %swap3A_620 = arith.constant 0 : i32
    %swap3A_621 = arith.index_cast %swap3A_620 : i32 to index
    %swap3A_622 = arith.constant 48 : index
    %swap3A_623 = tpu.vector_load %arg6[%swap3A_621, %swap3A_622] {strides = array<i32>} : memref<2x96xi32, #tpu.memory_space<vmem>>, vector<1x16xi32>,
    %swap3A_624 = vector.shape_cast %swap3A_623 : vector<1x16xi32> to vector<16xi32>
    %swap3A_625 = vector.shape_cast %add3A_619 : vector<16xi32> to vector<1x16xi32>
    tpu.vector_store %arg6[%swap3A_621, %swap3A_622], %swap3A_625 {strides = array<i32>} : memref<2x96xi32, #tpu.memory_space<vmem>>, vector<1x16xi32>,
    %add3A_626 = arith.constant 0 : i32
    %add3A_627 = arith.addi %multiple_of3A, %add3A_626 : i32
    %add3A_628 = arith.constant 64 : i32
    %add3A_629 = arith.addi %add3A_627, %add3A_628 : i32
    %iota3A_630 = tpu.iota {dimensions = array<i32: 0>} : vector<16xi32>
    %add3A_631 = vector.broadcast %add3A_629 : i32 to vector<16xi32>
    %add3A_632 = arith.addi %add3A_631, %iota3A_630 : vector<16xi32>
    %swap3A_633 = arith.constant 0 : i32
    %swap3A_634 = arith.index_cast %swap3A_633 : i32 to index
    %swap3A_635 = arith.constant 64 : index
    %swap3A_636 = tpu.vector_load %arg6[%swap3A_634, %swap3A_635] {strides = array<i32>} : memref<2x96xi32, #tpu.memory_space<vmem>>, vector<1x16xi32>,
    %swap3A_637 = vector.shape_cast %swap3A_636 : vector<1x16xi32> to vector<16xi32>
    %swap3A_638 = vector.shape_cast %add3A_632 : vector<16xi32> to vector<1x16xi32>
    tpu.vector_store %arg6[%swap3A_634, %swap3A_635], %swap3A_638 {strides = array<i32>} : memref<2x96xi32, #tpu.memory_space<vmem>>, vector<1x16xi32>,
    %add3A_639 = arith.constant 0 : i32
    %add3A_640 = arith.addi %multiple_of3A, %add3A_639 : i32
    %add3A_641 = arith.constant 80 : i32
    %add3A_642 = arith.addi %add3A_640, %add3A_641 : i32
    %iota3A_643 = tpu.iota {dimensions = array<i32: 0>} : vector<16xi32>
    %add3A_644 = vector.broadcast %add3A_642 : i32 to vector<16xi32>
    %add3A_645 = arith.addi %add3A_644, %iota3A_643 : vector<16xi32>
    %swap3A_646 = arith.constant 0 : i32
    %swap3A_647 = arith.index_cast %swap3A_646 : i32 to index
    %swap3A_648 = arith.constant 80 : index
    %swap3A_649 = tpu.vector_load %arg6[%swap3A_647, %swap3A_648] {strides = array<i32>} : memref<2x96xi32, #tpu.memory_space<vmem>>, vector<1x16xi32>,
    %swap3A_650 = vector.shape_cast %swap3A_649 : vector<1x16xi32> to vector<16xi32>
    %swap3A_651 = vector.shape_cast %add3A_645 : vector<16xi32> to vector<1x16xi32>
    tpu.vector_store %arg6[%swap3A_647, %swap3A_648], %swap3A_651 {strides = array<i32>} : memref<2x96xi32, #tpu.memory_space<vmem>>, vector<1x16xi32>,
    %dma_start3A_652 = arith.constant 0 : i32
    %dma_start3A_653 = arith.constant 0 : i32
    %dma_start3A_654 = tpu.memref_slice %arg6[%dma_start3A_652, %dma_start3A_653] : memref<2x96xi32, #tpu.memory_space<vmem>> -> memref<1x96xi32, #tpu.memory_space<vmem>>
    %dma_start3A_655 = tpu.memref_squeeze %dma_start3A_654 : memref<1x96xi32, #tpu.memory_space<vmem>> -> memref<96xi32, #tpu.memory_space<vmem>>
    %dma_start3A_656 = arith.constant 0 : i32
    %dma_start3A_657 = arith.constant 0 : i32
    %dma_start3A_658 = tpu.memref_slice %arg5[%dma_start3A_656, %dma_start3A_657] : memref<10112x128xf32, #tpu.memory_space<vmem_shared>> -> memref<10112x128xf32, #tpu.memory_space<vmem_shared>>
    tpu.enqueue_indirect_dma source(%dma_start3A_658 : memref<10112x128xf32, #tpu.memory_space<vmem_shared>>) target(%arg8 : memref<96x128xf32, #tpu.memory_space<vmem>>) offsets(%dma_start3A_655 : memref<96xi32, #tpu.memory_space<vmem>>) semaphore(%arg10 : memref<!tpu.dma_semaphore, #tpu.memory_space<semaphore_mem>>)
    %dma_wait3A = arith.constant 0 : i32
    %dma_wait3A_659 = arith.constant 0 : i32
    %dma_wait3A_660 = tpu.memref_slice %arg6[%dma_wait3A, %dma_wait3A_659] : memref<2x96xi32, #tpu.memory_space<vmem>> -> memref<1x96xi32, #tpu.memory_space<vmem>>
    %dma_wait3A_661 = tpu.memref_squeeze %dma_wait3A_660 : memref<1x96xi32, #tpu.memory_space<vmem>> -> memref<96xi32, #tpu.memory_space<vmem>>
    %dma_wait3A_662 = arith.constant 0 : i32
    %dma_wait3A_663 = arith.constant 0 : i32
    %dma_wait3A_664 = tpu.memref_slice %arg5[%dma_wait3A_662, %dma_wait3A_663] : memref<10112x128xf32, #tpu.memory_space<vmem_shared>> -> memref<10112x128xf32, #tpu.memory_space<vmem_shared>>
    tpu.wait_indirect_dma semaphore(%arg10 : memref<!tpu.dma_semaphore, #tpu.memory_space<semaphore_mem>>) src(%dma_wait3A_664 : memref<10112x128xf32, #tpu.memory_space<vmem_shared>>) dst(%arg8 : memref<96x128xf32, #tpu.memory_space<vmem>>)
    %add3A_665 = arith.constant 0 : i32
    %add3A_666 = arith.addi %multiple_of3A, %add3A_665 : i32
    "tpu.region"() ({
      %run_scoped3A_1231 = tpu.sem_alloc : memref<!tpu.dma_semaphore, #tpu.memory_space<semaphore_mem>>
      %dma_start3A_1232 = arith.constant 0 : i32
      %dma_start3A_1233 = tpu.memref_slice %arg4[%arg0, %add3A_666, %dma_start3A_1232] : memref<2x10112x128xf32, #tpu.memory_space<hbm>> -> memref<1x96x128xf32, #tpu.memory_space<hbm>>
      %dma_start3A_1234 = tpu.memref_squeeze %dma_start3A_1233 : memref<1x96x128xf32, #tpu.memory_space<hbm>> -> memref<96x128xf32, #tpu.memory_space<hbm>>
      %dma_start3A_1235 = arith.constant 0 : i32
      %dma_start3A_1236 = tpu.memref_slice %arg4[%arg0, %add3A_666, %dma_start3A_1235] : memref<2x10112x128xf32, #tpu.memory_space<hbm>> -> memref<1x96x128xf32, #tpu.memory_space<hbm>>
      %dma_start3A_1237 = tpu.memref_squeeze %dma_start3A_1236 : memref<1x96x128xf32, #tpu.memory_space<hbm>> -> memref<96x128xf32, #tpu.memory_space<hbm>>
      tpu.enqueue_dma source(%arg8 : memref<96x128xf32, #tpu.memory_space<vmem>>) target(%dma_start3A_1237 : memref<96x128xf32, #tpu.memory_space<hbm>>) target_semaphore(%run_scoped3A_1231 : memref<!tpu.dma_semaphore, #tpu.memory_space<semaphore_mem>>)
      %dma_wait3A_1238 = arith.constant 0 : i32
      %dma_wait3A_1239 = tpu.memref_slice %arg4[%arg0, %add3A_666, %dma_wait3A_1238] : memref<2x10112x128xf32, #tpu.memory_space<hbm>> -> memref<1x96x128xf32, #tpu.memory_space<hbm>>
      %dma_wait3A_1240 = tpu.memref_squeeze %dma_wait3A_1239 : memref<1x96x128xf32, #tpu.memory_space<hbm>> -> memref<96x128xf32, #tpu.memory_space<hbm>>
      %dma_wait3A_1241 = arith.constant 0 : i32
      %dma_wait3A_1242 = tpu.memref_slice %arg4[%arg0, %add3A_666, %dma_wait3A_1241] : memref<2x10112x128xf32, #tpu.memory_space<hbm>> -> memref<1x96x128xf32, #tpu.memory_space<hbm>>
      %dma_wait3A_1243 = tpu.memref_squeeze %dma_wait3A_1242 : memref<1x96x128xf32, #tpu.memory_space<hbm>> -> memref<96x128xf32, #tpu.memory_space<hbm>>
      tpu.wait_dma2 semaphore(%run_scoped3A_1231 : memref<!tpu.dma_semaphore, #tpu.memory_space<semaphore_mem>>) src(%arg8 : memref<96x128xf32, #tpu.memory_space<vmem>>) dst(%dma_wait3A_1243 : memref<96x128xf32, #tpu.memory_space<hbm>>)
      tpu.yield
    }) : () -> ()
    %add3A_667 = arith.constant 96 : i32
    %add3A_668 = arith.addi %multiple_of3A, %add3A_667 : i32
    %add3A_669 = arith.constant 0 : i32
    %add3A_670 = arith.addi %add3A_668, %add3A_669 : i32
    %iota3A_671 = tpu.iota {dimensions = array<i32: 0>} : vector<16xi32>
    %add3A_672 = vector.broadcast %add3A_670 : i32 to vector<16xi32>
    %add3A_673 = arith.addi %add3A_672, %iota3A_671 : vector<16xi32>
    %swap3A_674 = arith.constant 0 : i32
    %swap3A_675 = arith.index_cast %swap3A_674 : i32 to index
    %swap3A_676 = arith.constant 0 : index
    %swap3A_677 = tpu.vector_load %arg6[%swap3A_675, %swap3A_676] {strides = array<i32>} : memref<2x96xi32, #tpu.memory_space<vmem>>, vector<1x16xi32>,
    %swap3A_678 = vector.shape_cast %swap3A_677 : vector<1x16xi32> to vector<16xi32>
    %swap3A_679 = vector.shape_cast %add3A_673 : vector<16xi32> to vector<1x16xi32>
    tpu.vector_store %arg6[%swap3A_675, %swap3A_676], %swap3A_679 {strides = array<i32>} : memref<2x96xi32, #tpu.memory_space<vmem>>, vector<1x16xi32>,
    %add3A_680 = arith.constant 96 : i32
    %add3A_681 = arith.addi %multiple_of3A, %add3A_680 : i32
    %add3A_682 = arith.constant 16 : i32
    %add3A_683 = arith.addi %add3A_681, %add3A_682 : i32
    %iota3A_684 = tpu.iota {dimensions = array<i32: 0>} : vector<16xi32>
    %add3A_685 = vector.broadcast %add3A_683 : i32 to vector<16xi32>
    %add3A_686 = arith.addi %add3A_685, %iota3A_684 : vector<16xi32>
    %swap3A_687 = arith.constant 0 : i32
    %swap3A_688 = arith.index_cast %swap3A_687 : i32 to index
    %swap3A_689 = arith.constant 16 : index
    %swap3A_690 = tpu.vector_load %arg6[%swap3A_688, %swap3A_689] {strides = array<i32>} : memref<2x96xi32, #tpu.memory_space<vmem>>, vector<1x16xi32>,
    %swap3A_691 = vector.shape_cast %swap3A_690 : vector<1x16xi32> to vector<16xi32>
    %swap3A_692 = vector.shape_cast %add3A_686 : vector<16xi32> to vector<1x16xi32>
    tpu.vector_store %arg6[%swap3A_688, %swap3A_689], %swap3A_692 {strides = array<i32>} : memref<2x96xi32, #tpu.memory_space<vmem>>, vector<1x16xi32>,
    %add3A_693 = arith.constant 96 : i32
    %add3A_694 = arith.addi %multiple_of3A, %add3A_693 : i32
    %add3A_695 = arith.constant 32 : i32
    %add3A_696 = arith.addi %add3A_694, %add3A_695 : i32
    %iota3A_697 = tpu.iota {dimensions = array<i32: 0>} : vector<16xi32>
    %add3A_698 = vector.broadcast %add3A_696 : i32 to vector<16xi32>
    %add3A_699 = arith.addi %add3A_698, %iota3A_697 : vector<16xi32>
    %swap3A_700 = arith.constant 0 : i32
    %swap3A_701 = arith.index_cast %swap3A_700 : i32 to index
    %swap3A_702 = arith.constant 32 : index
    %swap3A_703 = tpu.vector_load %arg6[%swap3A_701, %swap3A_702] {strides = array<i32>} : memref<2x96xi32, #tpu.memory_space<vmem>>, vector<1x16xi32>,
    %swap3A_704 = vector.shape_cast %swap3A_703 : vector<1x16xi32> to vector<16xi32>
    %swap3A_705 = vector.shape_cast %add3A_699 : vector<16xi32> to vector<1x16xi32>
    tpu.vector_store %arg6[%swap3A_701, %swap3A_702], %swap3A_705 {strides = array<i32>} : memref<2x96xi32, #tpu.memory_space<vmem>>, vector<1x16xi32>,
    %add3A_706 = arith.constant 96 : i32
    %add3A_707 = arith.addi %multiple_of3A, %add3A_706 : i32
    %add3A_708 = arith.constant 48 : i32
    %add3A_709 = arith.addi %add3A_707, %add3A_708 : i32
    %iota3A_710 = tpu.iota {dimensions = array<i32: 0>} : vector<16xi32>
    %add3A_711 = vector.broadcast %add3A_709 : i32 to vector<16xi32>
    %add3A_712 = arith.addi %add3A_711, %iota3A_710 : vector<16xi32>
    %swap3A_713 = arith.constant 0 : i32
    %swap3A_714 = arith.index_cast %swap3A_713 : i32 to index
    %swap3A_715 = arith.constant 48 : index
    %swap3A_716 = tpu.vector_load %arg6[%swap3A_714, %swap3A_715] {strides = array<i32>} : memref<2x96xi32, #tpu.memory_space<vmem>>, vector<1x16xi32>,
    %swap3A_717 = vector.shape_cast %swap3A_716 : vector<1x16xi32> to vector<16xi32>
    %swap3A_718 = vector.shape_cast %add3A_712 : vector<16xi32> to vector<1x16xi32>
    tpu.vector_store %arg6[%swap3A_714, %swap3A_715], %swap3A_718 {strides = array<i32>} : memref<2x96xi32, #tpu.memory_space<vmem>>, vector<1x16xi32>,
    %add3A_719 = arith.constant 96 : i32
    %add3A_720 = arith.addi %multiple_of3A, %add3A_719 : i32
    %add3A_721 = arith.constant 64 : i32
    %add3A_722 = arith.addi %add3A_720, %add3A_721 : i32
    %iota3A_723 = tpu.iota {dimensions = array<i32: 0>} : vector<16xi32>
    %add3A_724 = vector.broadcast %add3A_722 : i32 to vector<16xi32>
    %add3A_725 = arith.addi %add3A_724, %iota3A_723 : vector<16xi32>
    %swap3A_726 = arith.constant 0 : i32
    %swap3A_727 = arith.index_cast %swap3A_726 : i32 to index
    %swap3A_728 = arith.constant 64 : index
    %swap3A_729 = tpu.vector_load %arg6[%swap3A_727, %swap3A_728] {strides = array<i32>} : memref<2x96xi32, #tpu.memory_space<vmem>>, vector<1x16xi32>,
    %swap3A_730 = vector.shape_cast %swap3A_729 : vector<1x16xi32> to vector<16xi32>
    %swap3A_731 = vector.shape_cast %add3A_725 : vector<16xi32> to vector<1x16xi32>
    tpu.vector_store %arg6[%swap3A_727, %swap3A_728], %swap3A_731 {strides = array<i32>} : memref<2x96xi32, #tpu.memory_space<vmem>>, vector<1x16xi32>,
    %add3A_732 = arith.constant 96 : i32
    %add3A_733 = arith.addi %multiple_of3A, %add3A_732 : i32
    %add3A_734 = arith.constant 80 : i32
    %add3A_735 = arith.addi %add3A_733, %add3A_734 : i32
    %iota3A_736 = tpu.iota {dimensions = array<i32: 0>} : vector<16xi32>
    %add3A_737 = vector.broadcast %add3A_735 : i32 to vector<16xi32>
    %add3A_738 = arith.addi %add3A_737, %iota3A_736 : vector<16xi32>
    %swap3A_739 = arith.constant 0 : i32
    %swap3A_740 = arith.index_cast %swap3A_739 : i32 to index
    %swap3A_741 = arith.constant 80 : index
    %swap3A_742 = tpu.vector_load %arg6[%swap3A_740, %swap3A_741] {strides = array<i32>} : memref<2x96xi32, #tpu.memory_space<vmem>>, vector<1x16xi32>,
    %swap3A_743 = vector.shape_cast %swap3A_742 : vector<1x16xi32> to vector<16xi32>
    %swap3A_744 = vector.shape_cast %add3A_738 : vector<16xi32> to vector<1x16xi32>
    tpu.vector_store %arg6[%swap3A_740, %swap3A_741], %swap3A_744 {strides = array<i32>} : memref<2x96xi32, #tpu.memory_space<vmem>>, vector<1x16xi32>,
    %dma_start3A_745 = arith.constant 0 : i32
    %dma_start3A_746 = arith.constant 0 : i32
    %dma_start3A_747 = tpu.memref_slice %arg6[%dma_start3A_745, %dma_start3A_746] : memref<2x96xi32, #tpu.memory_space<vmem>> -> memref<1x96xi32, #tpu.memory_space<vmem>>
    %dma_start3A_748 = tpu.memref_squeeze %dma_start3A_747 : memref<1x96xi32, #tpu.memory_space<vmem>> -> memref<96xi32, #tpu.memory_space<vmem>>
    %dma_start3A_749 = arith.constant 0 : i32
    %dma_start3A_750 = arith.constant 0 : i32
    %dma_start3A_751 = tpu.memref_slice %arg5[%dma_start3A_749, %dma_start3A_750] : memref<10112x128xf32, #tpu.memory_space<vmem_shared>> -> memref<10112x128xf32, #tpu.memory_space<vmem_shared>>
    tpu.enqueue_indirect_dma source(%dma_start3A_751 : memref<10112x128xf32, #tpu.memory_space<vmem_shared>>) target(%arg8 : memref<96x128xf32, #tpu.memory_space<vmem>>) offsets(%dma_start3A_748 : memref<96xi32, #tpu.memory_space<vmem>>) semaphore(%arg10 : memref<!tpu.dma_semaphore, #tpu.memory_space<semaphore_mem>>)
    %dma_wait3A_752 = arith.constant 0 : i32
    %dma_wait3A_753 = arith.constant 0 : i32
    %dma_wait3A_754 = tpu.memref_slice %arg6[%dma_wait3A_752, %dma_wait3A_753] : memref<2x96xi32, #tpu.memory_space<vmem>> -> memref<1x96xi32, #tpu.memory_space<vmem>>
    %dma_wait3A_755 = tpu.memref_squeeze %dma_wait3A_754 : memref<1x96xi32, #tpu.memory_space<vmem>> -> memref<96xi32, #tpu.memory_space<vmem>>
    %dma_wait3A_756 = arith.constant 0 : i32
    %dma_wait3A_757 = arith.constant 0 : i32
    %dma_wait3A_758 = tpu.memref_slice %arg5[%dma_wait3A_756, %dma_wait3A_757] : memref<10112x128xf32, #tpu.memory_space<vmem_shared>> -> memref<10112x128xf32, #tpu.memory_space<vmem_shared>>
    tpu.wait_indirect_dma semaphore(%arg10 : memref<!tpu.dma_semaphore, #tpu.memory_space<semaphore_mem>>) src(%dma_wait3A_758 : memref<10112x128xf32, #tpu.memory_space<vmem_shared>>) dst(%arg8 : memref<96x128xf32, #tpu.memory_space<vmem>>)
    %add3A_759 = arith.constant 96 : i32
    %add3A_760 = arith.addi %multiple_of3A, %add3A_759 : i32
    "tpu.region"() ({
      %run_scoped3A_1231 = tpu.sem_alloc : memref<!tpu.dma_semaphore, #tpu.memory_space<semaphore_mem>>
      %dma_start3A_1232 = arith.constant 0 : i32
      %dma_start3A_1233 = tpu.memref_slice %arg4[%arg0, %add3A_760, %dma_start3A_1232] : memref<2x10112x128xf32, #tpu.memory_space<hbm>> -> memref<1x96x128xf32, #tpu.memory_space<hbm>>
      %dma_start3A_1234 = tpu.memref_squeeze %dma_start3A_1233 : memref<1x96x128xf32, #tpu.memory_space<hbm>> -> memref<96x128xf32, #tpu.memory_space<hbm>>
      %dma_start3A_1235 = arith.constant 0 : i32
      %dma_start3A_1236 = tpu.memref_slice %arg4[%arg0, %add3A_760, %dma_start3A_1235] : memref<2x10112x128xf32, #tpu.memory_space<hbm>> -> memref<1x96x128xf32, #tpu.memory_space<hbm>>
      %dma_start3A_1237 = tpu.memref_squeeze %dma_start3A_1236 : memref<1x96x128xf32, #tpu.memory_space<hbm>> -> memref<96x128xf32, #tpu.memory_space<hbm>>
      tpu.enqueue_dma source(%arg8 : memref<96x128xf32, #tpu.memory_space<vmem>>) target(%dma_start3A_1237 : memref<96x128xf32, #tpu.memory_space<hbm>>) target_semaphore(%run_scoped3A_1231 : memref<!tpu.dma_semaphore, #tpu.memory_space<semaphore_mem>>)
      %dma_wait3A_1238 = arith.constant 0 : i32
      %dma_wait3A_1239 = tpu.memref_slice %arg4[%arg0, %add3A_760, %dma_wait3A_1238] : memref<2x10112x128xf32, #tpu.memory_space<hbm>> -> memref<1x96x128xf32, #tpu.memory_space<hbm>>
      %dma_wait3A_1240 = tpu.memref_squeeze %dma_wait3A_1239 : memref<1x96x128xf32, #tpu.memory_space<hbm>> -> memref<96x128xf32, #tpu.memory_space<hbm>>
      %dma_wait3A_1241 = arith.constant 0 : i32
      %dma_wait3A_1242 = tpu.memref_slice %arg4[%arg0, %add3A_760, %dma_wait3A_1241] : memref<2x10112x128xf32, #tpu.memory_space<hbm>> -> memref<1x96x128xf32, #tpu.memory_space<hbm>>
      %dma_wait3A_1243 = tpu.memref_squeeze %dma_wait3A_1242 : memref<1x96x128xf32, #tpu.memory_space<hbm>> -> memref<96x128xf32, #tpu.memory_space<hbm>>
      tpu.wait_dma2 semaphore(%run_scoped3A_1231 : memref<!tpu.dma_semaphore, #tpu.memory_space<semaphore_mem>>) src(%arg8 : memref<96x128xf32, #tpu.memory_space<vmem>>) dst(%dma_wait3A_1243 : memref<96x128xf32, #tpu.memory_space<hbm>>)
      tpu.yield
    }) : () -> ()
    %add3A_761 = arith.constant 192 : i32
    %add3A_762 = arith.addi %multiple_of3A, %add3A_761 : i32
    %add3A_763 = arith.constant 0 : i32
    %add3A_764 = arith.addi %add3A_762, %add3A_763 : i32
    %iota3A_765 = tpu.iota {dimensions = array<i32: 0>} : vector<16xi32>
    %add3A_766 = vector.broadcast %add3A_764 : i32 to vector<16xi32>
    %add3A_767 = arith.addi %add3A_766, %iota3A_765 : vector<16xi32>
    %swap3A_768 = arith.constant 0 : i32
    %swap3A_769 = arith.index_cast %swap3A_768 : i32 to index
    %swap3A_770 = arith.constant 0 : index
    %swap3A_771 = tpu.vector_load %arg6[%swap3A_769, %swap3A_770] {strides = array<i32>} : memref<2x96xi32, #tpu.memory_space<vmem>>, vector<1x16xi32>,
    %swap3A_772 = vector.shape_cast %swap3A_771 : vector<1x16xi32> to vector<16xi32>
    %swap3A_773 = vector.shape_cast %add3A_767 : vector<16xi32> to vector<1x16xi32>
    tpu.vector_store %arg6[%swap3A_769, %swap3A_770], %swap3A_773 {strides = array<i32>} : memref<2x96xi32, #tpu.memory_space<vmem>>, vector<1x16xi32>,
    %add3A_774 = arith.constant 192 : i32
    %add3A_775 = arith.addi %multiple_of3A, %add3A_774 : i32
    %add3A_776 = arith.constant 16 : i32
    %add3A_777 = arith.addi %add3A_775, %add3A_776 : i32
    %iota3A_778 = tpu.iota {dimensions = array<i32: 0>} : vector<16xi32>
    %add3A_779 = vector.broadcast %add3A_777 : i32 to vector<16xi32>
    %add3A_780 = arith.addi %add3A_779, %iota3A_778 : vector<16xi32>
    %swap3A_781 = arith.constant 0 : i32
    %swap3A_782 = arith.index_cast %swap3A_781 : i32 to index
    %swap3A_783 = arith.constant 16 : index
    %swap3A_784 = tpu.vector_load %arg6[%swap3A_782, %swap3A_783] {strides = array<i32>} : memref<2x96xi32, #tpu.memory_space<vmem>>, vector<1x16xi32>,
    %swap3A_785 = vector.shape_cast %swap3A_784 : vector<1x16xi32> to vector<16xi32>
    %swap3A_786 = vector.shape_cast %add3A_780 : vector<16xi32> to vector<1x16xi32>
    tpu.vector_store %arg6[%swap3A_782, %swap3A_783], %swap3A_786 {strides = array<i32>} : memref<2x96xi32, #tpu.memory_space<vmem>>, vector<1x16xi32>,
    %add3A_787 = arith.constant 192 : i32
    %add3A_788 = arith.addi %multiple_of3A, %add3A_787 : i32
    %add3A_789 = arith.constant 32 : i32
    %add3A_790 = arith.addi %add3A_788, %add3A_789 : i32
    %iota3A_791 = tpu.iota {dimensions = array<i32: 0>} : vector<16xi32>
    %add3A_792 = vector.broadcast %add3A_790 : i32 to vector<16xi32>
    %add3A_793 = arith.addi %add3A_792, %iota3A_791 : vector<16xi32>
    %swap3A_794 = arith.constant 0 : i32
    %swap3A_795 = arith.index_cast %swap3A_794 : i32 to index
    %swap3A_796 = arith.constant 32 : index
    %swap3A_797 = tpu.vector_load %arg6[%swap3A_795, %swap3A_796] {strides = array<i32>} : memref<2x96xi32, #tpu.memory_space<vmem>>, vector<1x16xi32>,
    %swap3A_798 = vector.shape_cast %swap3A_797 : vector<1x16xi32> to vector<16xi32>
    %swap3A_799 = vector.shape_cast %add3A_793 : vector<16xi32> to vector<1x16xi32>
    tpu.vector_store %arg6[%swap3A_795, %swap3A_796], %swap3A_799 {strides = array<i32>} : memref<2x96xi32, #tpu.memory_space<vmem>>, vector<1x16xi32>,
    %add3A_800 = arith.constant 192 : i32
    %add3A_801 = arith.addi %multiple_of3A, %add3A_800 : i32
    %add3A_802 = arith.constant 48 : i32
    %add3A_803 = arith.addi %add3A_801, %add3A_802 : i32
    %iota3A_804 = tpu.iota {dimensions = array<i32: 0>} : vector<16xi32>
    %add3A_805 = vector.broadcast %add3A_803 : i32 to vector<16xi32>
    %add3A_806 = arith.addi %add3A_805, %iota3A_804 : vector<16xi32>
    %swap3A_807 = arith.constant 0 : i32
    %swap3A_808 = arith.index_cast %swap3A_807 : i32 to index
    %swap3A_809 = arith.constant 48 : index
    %swap3A_810 = tpu.vector_load %arg6[%swap3A_808, %swap3A_809] {strides = array<i32>} : memref<2x96xi32, #tpu.memory_space<vmem>>, vector<1x16xi32>,
    %swap3A_811 = vector.shape_cast %swap3A_810 : vector<1x16xi32> to vector<16xi32>
    %swap3A_812 = vector.shape_cast %add3A_806 : vector<16xi32> to vector<1x16xi32>
    tpu.vector_store %arg6[%swap3A_808, %swap3A_809], %swap3A_812 {strides = array<i32>} : memref<2x96xi32, #tpu.memory_space<vmem>>, vector<1x16xi32>,
    %add3A_813 = arith.constant 192 : i32
    %add3A_814 = arith.addi %multiple_of3A, %add3A_813 : i32
    %add3A_815 = arith.constant 64 : i32
    %add3A_816 = arith.addi %add3A_814, %add3A_815 : i32
    %iota3A_817 = tpu.iota {dimensions = array<i32: 0>} : vector<16xi32>
    %add3A_818 = vector.broadcast %add3A_816 : i32 to vector<16xi32>
    %add3A_819 = arith.addi %add3A_818, %iota3A_817 : vector<16xi32>
    %swap3A_820 = arith.constant 0 : i32
    %swap3A_821 = arith.index_cast %swap3A_820 : i32 to index
    %swap3A_822 = arith.constant 64 : index
    %swap3A_823 = tpu.vector_load %arg6[%swap3A_821, %swap3A_822] {strides = array<i32>} : memref<2x96xi32, #tpu.memory_space<vmem>>, vector<1x16xi32>,
    %swap3A_824 = vector.shape_cast %swap3A_823 : vector<1x16xi32> to vector<16xi32>
    %swap3A_825 = vector.shape_cast %add3A_819 : vector<16xi32> to vector<1x16xi32>
    tpu.vector_store %arg6[%swap3A_821, %swap3A_822], %swap3A_825 {strides = array<i32>} : memref<2x96xi32, #tpu.memory_space<vmem>>, vector<1x16xi32>,
    %add3A_826 = arith.constant 192 : i32
    %add3A_827 = arith.addi %multiple_of3A, %add3A_826 : i32
    %add3A_828 = arith.constant 80 : i32
    %add3A_829 = arith.addi %add3A_827, %add3A_828 : i32
    %iota3A_830 = tpu.iota {dimensions = array<i32: 0>} : vector<16xi32>
    %add3A_831 = vector.broadcast %add3A_829 : i32 to vector<16xi32>
    %add3A_832 = arith.addi %add3A_831, %iota3A_830 : vector<16xi32>
    %swap3A_833 = arith.constant 0 : i32
    %swap3A_834 = arith.index_cast %swap3A_833 : i32 to index
    %swap3A_835 = arith.constant 80 : index
    %swap3A_836 = tpu.vector_load %arg6[%swap3A_834, %swap3A_835] {strides = array<i32>} : memref<2x96xi32, #tpu.memory_space<vmem>>, vector<1x16xi32>,
    %swap3A_837 = vector.shape_cast %swap3A_836 : vector<1x16xi32> to vector<16xi32>
    %swap3A_838 = vector.shape_cast %add3A_832 : vector<16xi32> to vector<1x16xi32>
    tpu.vector_store %arg6[%swap3A_834, %swap3A_835], %swap3A_838 {strides = array<i32>} : memref<2x96xi32, #tpu.memory_space<vmem>>, vector<1x16xi32>,
    %dma_start3A_839 = arith.constant 0 : i32
    %dma_start3A_840 = arith.constant 0 : i32
    %dma_start3A_841 = tpu.memref_slice %arg6[%dma_start3A_839, %dma_start3A_840] : memref<2x96xi32, #tpu.memory_space<vmem>> -> memref<1x96xi32, #tpu.memory_space<vmem>>
    %dma_start3A_842 = tpu.memref_squeeze %dma_start3A_841 : memref<1x96xi32, #tpu.memory_space<vmem>> -> memref<96xi32, #tpu.memory_space<vmem>>
    %dma_start3A_843 = arith.constant 0 : i32
    %dma_start3A_844 = arith.constant 0 : i32
    %dma_start3A_845 = tpu.memref_slice %arg5[%dma_start3A_843, %dma_start3A_844] : memref<10112x128xf32, #tpu.memory_space<vmem_shared>> -> memref<10112x128xf32, #tpu.memory_space<vmem_shared>>
    tpu.enqueue_indirect_dma source(%dma_start3A_845 : memref<10112x128xf32, #tpu.memory_space<vmem_shared>>) target(%arg8 : memref<96x128xf32, #tpu.memory_space<vmem>>) offsets(%dma_start3A_842 : memref<96xi32, #tpu.memory_space<vmem>>) semaphore(%arg10 : memref<!tpu.dma_semaphore, #tpu.memory_space<semaphore_mem>>)
    %dma_wait3A_846 = arith.constant 0 : i32
    %dma_wait3A_847 = arith.constant 0 : i32
    %dma_wait3A_848 = tpu.memref_slice %arg6[%dma_wait3A_846, %dma_wait3A_847] : memref<2x96xi32, #tpu.memory_space<vmem>> -> memref<1x96xi32, #tpu.memory_space<vmem>>
    %dma_wait3A_849 = tpu.memref_squeeze %dma_wait3A_848 : memref<1x96xi32, #tpu.memory_space<vmem>> -> memref<96xi32, #tpu.memory_space<vmem>>
    %dma_wait3A_850 = arith.constant 0 : i32
    %dma_wait3A_851 = arith.constant 0 : i32
    %dma_wait3A_852 = tpu.memref_slice %arg5[%dma_wait3A_850, %dma_wait3A_851] : memref<10112x128xf32, #tpu.memory_space<vmem_shared>> -> memref<10112x128xf32, #tpu.memory_space<vmem_shared>>
    tpu.wait_indirect_dma semaphore(%arg10 : memref<!tpu.dma_semaphore, #tpu.memory_space<semaphore_mem>>) src(%dma_wait3A_852 : memref<10112x128xf32, #tpu.memory_space<vmem_shared>>) dst(%arg8 : memref<96x128xf32, #tpu.memory_space<vmem>>)
    %add3A_853 = arith.constant 192 : i32
    %add3A_854 = arith.addi %multiple_of3A, %add3A_853 : i32
    "tpu.region"() ({
      %run_scoped3A_1231 = tpu.sem_alloc : memref<!tpu.dma_semaphore, #tpu.memory_space<semaphore_mem>>
      %dma_start3A_1232 = arith.constant 0 : i32
      %dma_start3A_1233 = tpu.memref_slice %arg4[%arg0, %add3A_854, %dma_start3A_1232] : memref<2x10112x128xf32, #tpu.memory_space<hbm>> -> memref<1x96x128xf32, #tpu.memory_space<hbm>>
      %dma_start3A_1234 = tpu.memref_squeeze %dma_start3A_1233 : memref<1x96x128xf32, #tpu.memory_space<hbm>> -> memref<96x128xf32, #tpu.memory_space<hbm>>
      %dma_start3A_1235 = arith.constant 0 : i32
      %dma_start3A_1236 = tpu.memref_slice %arg4[%arg0, %add3A_854, %dma_start3A_1235] : memref<2x10112x128xf32, #tpu.memory_space<hbm>> -> memref<1x96x128xf32, #tpu.memory_space<hbm>>
      %dma_start3A_1237 = tpu.memref_squeeze %dma_start3A_1236 : memref<1x96x128xf32, #tpu.memory_space<hbm>> -> memref<96x128xf32, #tpu.memory_space<hbm>>
      tpu.enqueue_dma source(%arg8 : memref<96x128xf32, #tpu.memory_space<vmem>>) target(%dma_start3A_1237 : memref<96x128xf32, #tpu.memory_space<hbm>>) target_semaphore(%run_scoped3A_1231 : memref<!tpu.dma_semaphore, #tpu.memory_space<semaphore_mem>>)
      %dma_wait3A_1238 = arith.constant 0 : i32
      %dma_wait3A_1239 = tpu.memref_slice %arg4[%arg0, %add3A_854, %dma_wait3A_1238] : memref<2x10112x128xf32, #tpu.memory_space<hbm>> -> memref<1x96x128xf32, #tpu.memory_space<hbm>>
      %dma_wait3A_1240 = tpu.memref_squeeze %dma_wait3A_1239 : memref<1x96x128xf32, #tpu.memory_space<hbm>> -> memref<96x128xf32, #tpu.memory_space<hbm>>
      %dma_wait3A_1241 = arith.constant 0 : i32
      %dma_wait3A_1242 = tpu.memref_slice %arg4[%arg0, %add3A_854, %dma_wait3A_1241] : memref<2x10112x128xf32, #tpu.memory_space<hbm>> -> memref<1x96x128xf32, #tpu.memory_space<hbm>>
      %dma_wait3A_1243 = tpu.memref_squeeze %dma_wait3A_1242 : memref<1x96x128xf32, #tpu.memory_space<hbm>> -> memref<96x128xf32, #tpu.memory_space<hbm>>
      tpu.wait_dma2 semaphore(%run_scoped3A_1231 : memref<!tpu.dma_semaphore, #tpu.memory_space<semaphore_mem>>) src(%arg8 : memref<96x128xf32, #tpu.memory_space<vmem>>) dst(%dma_wait3A_1243 : memref<96x128xf32, #tpu.memory_space<hbm>>)
      tpu.yield
    }) : () -> ()
    %add3A_855 = arith.constant 288 : i32
    %add3A_856 = arith.addi %multiple_of3A, %add3A_855 : i32
    %add3A_857 = arith.constant 0 : i32
    %add3A_858 = arith.addi %add3A_856, %add3A_857 : i32
    %iota3A_859 = tpu.iota {dimensions = array<i32: 0>} : vector<16xi32>
    %add3A_860 = vector.broadcast %add3A_858 : i32 to vector<16xi32>
    %add3A_861 = arith.addi %add3A_860, %iota3A_859 : vector<16xi32>
    %swap3A_862 = arith.constant 0 : i32
    %swap3A_863 = arith.index_cast %swap3A_862 : i32 to index
    %swap3A_864 = arith.constant 0 : index
    %swap3A_865 = tpu.vector_load %arg6[%swap3A_863, %swap3A_864] {strides = array<i32>} : memref<2x96xi32, #tpu.memory_space<vmem>>, vector<1x16xi32>,
    %swap3A_866 = vector.shape_cast %swap3A_865 : vector<1x16xi32> to vector<16xi32>
    %swap3A_867 = vector.shape_cast %add3A_861 : vector<16xi32> to vector<1x16xi32>
    tpu.vector_store %arg6[%swap3A_863, %swap3A_864], %swap3A_867 {strides = array<i32>} : memref<2x96xi32, #tpu.memory_space<vmem>>, vector<1x16xi32>,
    %add3A_868 = arith.constant 288 : i32
    %add3A_869 = arith.addi %multiple_of3A, %add3A_868 : i32
    %add3A_870 = arith.constant 16 : i32
    %add3A_871 = arith.addi %add3A_869, %add3A_870 : i32
    %iota3A_872 = tpu.iota {dimensions = array<i32: 0>} : vector<16xi32>
    %add3A_873 = vector.broadcast %add3A_871 : i32 to vector<16xi32>
    %add3A_874 = arith.addi %add3A_873, %iota3A_872 : vector<16xi32>
    %swap3A_875 = arith.constant 0 : i32
    %swap3A_876 = arith.index_cast %swap3A_875 : i32 to index
    %swap3A_877 = arith.constant 16 : index
    %swap3A_878 = tpu.vector_load %arg6[%swap3A_876, %swap3A_877] {strides = array<i32>} : memref<2x96xi32, #tpu.memory_space<vmem>>, vector<1x16xi32>,
    %swap3A_879 = vector.shape_cast %swap3A_878 : vector<1x16xi32> to vector<16xi32>
    %swap3A_880 = vector.shape_cast %add3A_874 : vector<16xi32> to vector<1x16xi32>
    tpu.vector_store %arg6[%swap3A_876, %swap3A_877], %swap3A_880 {strides = array<i32>} : memref<2x96xi32, #tpu.memory_space<vmem>>, vector<1x16xi32>,
    %add3A_881 = arith.constant 288 : i32
    %add3A_882 = arith.addi %multiple_of3A, %add3A_881 : i32
    %add3A_883 = arith.constant 32 : i32
    %add3A_884 = arith.addi %add3A_882, %add3A_883 : i32
    %iota3A_885 = tpu.iota {dimensions = array<i32: 0>} : vector<16xi32>
    %add3A_886 = vector.broadcast %add3A_884 : i32 to vector<16xi32>
    %add3A_887 = arith.addi %add3A_886, %iota3A_885 : vector<16xi32>
    %swap3A_888 = arith.constant 0 : i32
    %swap3A_889 = arith.index_cast %swap3A_888 : i32 to index
    %swap3A_890 = arith.constant 32 : index
    %swap3A_891 = tpu.vector_load %arg6[%swap3A_889, %swap3A_890] {strides = array<i32>} : memref<2x96xi32, #tpu.memory_space<vmem>>, vector<1x16xi32>,
    %swap3A_892 = vector.shape_cast %swap3A_891 : vector<1x16xi32> to vector<16xi32>
    %swap3A_893 = vector.shape_cast %add3A_887 : vector<16xi32> to vector<1x16xi32>
    tpu.vector_store %arg6[%swap3A_889, %swap3A_890], %swap3A_893 {strides = array<i32>} : memref<2x96xi32, #tpu.memory_space<vmem>>, vector<1x16xi32>,
    %add3A_894 = arith.constant 288 : i32
    %add3A_895 = arith.addi %multiple_of3A, %add3A_894 : i32
    %add3A_896 = arith.constant 48 : i32
    %add3A_897 = arith.addi %add3A_895, %add3A_896 : i32
    %iota3A_898 = tpu.iota {dimensions = array<i32: 0>} : vector<16xi32>
    %add3A_899 = vector.broadcast %add3A_897 : i32 to vector<16xi32>
    %add3A_900 = arith.addi %add3A_899, %iota3A_898 : vector<16xi32>
    %swap3A_901 = arith.constant 0 : i32
    %swap3A_902 = arith.index_cast %swap3A_901 : i32 to index
    %swap3A_903 = arith.constant 48 : index
    %swap3A_904 = tpu.vector_load %arg6[%swap3A_902, %swap3A_903] {strides = array<i32>} : memref<2x96xi32, #tpu.memory_space<vmem>>, vector<1x16xi32>,
    %swap3A_905 = vector.shape_cast %swap3A_904 : vector<1x16xi32> to vector<16xi32>
    %swap3A_906 = vector.shape_cast %add3A_900 : vector<16xi32> to vector<1x16xi32>
    tpu.vector_store %arg6[%swap3A_902, %swap3A_903], %swap3A_906 {strides = array<i32>} : memref<2x96xi32, #tpu.memory_space<vmem>>, vector<1x16xi32>,
    %add3A_907 = arith.constant 288 : i32
    %add3A_908 = arith.addi %multiple_of3A, %add3A_907 : i32
    %add3A_909 = arith.constant 64 : i32
    %add3A_910 = arith.addi %add3A_908, %add3A_909 : i32
    %iota3A_911 = tpu.iota {dimensions = array<i32: 0>} : vector<16xi32>
    %add3A_912 = vector.broadcast %add3A_910 : i32 to vector<16xi32>
    %add3A_913 = arith.addi %add3A_912, %iota3A_911 : vector<16xi32>
    %swap3A_914 = arith.constant 0 : i32
    %swap3A_915 = arith.index_cast %swap3A_914 : i32 to index
    %swap3A_916 = arith.constant 64 : index
    %swap3A_917 = tpu.vector_load %arg6[%swap3A_915, %swap3A_916] {strides = array<i32>} : memref<2x96xi32, #tpu.memory_space<vmem>>, vector<1x16xi32>,
    %swap3A_918 = vector.shape_cast %swap3A_917 : vector<1x16xi32> to vector<16xi32>
    %swap3A_919 = vector.shape_cast %add3A_913 : vector<16xi32> to vector<1x16xi32>
    tpu.vector_store %arg6[%swap3A_915, %swap3A_916], %swap3A_919 {strides = array<i32>} : memref<2x96xi32, #tpu.memory_space<vmem>>, vector<1x16xi32>,
    %add3A_920 = arith.constant 288 : i32
    %add3A_921 = arith.addi %multiple_of3A, %add3A_920 : i32
    %add3A_922 = arith.constant 80 : i32
    %add3A_923 = arith.addi %add3A_921, %add3A_922 : i32
    %iota3A_924 = tpu.iota {dimensions = array<i32: 0>} : vector<16xi32>
    %add3A_925 = vector.broadcast %add3A_923 : i32 to vector<16xi32>
    %add3A_926 = arith.addi %add3A_925, %iota3A_924 : vector<16xi32>
    %swap3A_927 = arith.constant 0 : i32
    %swap3A_928 = arith.index_cast %swap3A_927 : i32 to index
    %swap3A_929 = arith.constant 80 : index
    %swap3A_930 = tpu.vector_load %arg6[%swap3A_928, %swap3A_929] {strides = array<i32>} : memref<2x96xi32, #tpu.memory_space<vmem>>, vector<1x16xi32>,
    %swap3A_931 = vector.shape_cast %swap3A_930 : vector<1x16xi32> to vector<16xi32>
    %swap3A_932 = vector.shape_cast %add3A_926 : vector<16xi32> to vector<1x16xi32>
    tpu.vector_store %arg6[%swap3A_928, %swap3A_929], %swap3A_932 {strides = array<i32>} : memref<2x96xi32, #tpu.memory_space<vmem>>, vector<1x16xi32>,
    %dma_start3A_933 = arith.constant 0 : i32
    %dma_start3A_934 = arith.constant 0 : i32
    %dma_start3A_935 = tpu.memref_slice %arg6[%dma_start3A_933, %dma_start3A_934] : memref<2x96xi32, #tpu.memory_space<vmem>> -> memref<1x96xi32, #tpu.memory_space<vmem>>
    %dma_start3A_936 = tpu.memref_squeeze %dma_start3A_935 : memref<1x96xi32, #tpu.memory_space<vmem>> -> memref<96xi32, #tpu.memory_space<vmem>>
    %dma_start3A_937 = arith.constant 0 : i32
    %dma_start3A_938 = arith.constant 0 : i32
    %dma_start3A_939 = tpu.memref_slice %arg5[%dma_start3A_937, %dma_start3A_938] : memref<10112x128xf32, #tpu.memory_space<vmem_shared>> -> memref<10112x128xf32, #tpu.memory_space<vmem_shared>>
    tpu.enqueue_indirect_dma source(%dma_start3A_939 : memref<10112x128xf32, #tpu.memory_space<vmem_shared>>) target(%arg8 : memref<96x128xf32, #tpu.memory_space<vmem>>) offsets(%dma_start3A_936 : memref<96xi32, #tpu.memory_space<vmem>>) semaphore(%arg10 : memref<!tpu.dma_semaphore, #tpu.memory_space<semaphore_mem>>)
    %dma_wait3A_940 = arith.constant 0 : i32
    %dma_wait3A_941 = arith.constant 0 : i32
    %dma_wait3A_942 = tpu.memref_slice %arg6[%dma_wait3A_940, %dma_wait3A_941] : memref<2x96xi32, #tpu.memory_space<vmem>> -> memref<1x96xi32, #tpu.memory_space<vmem>>
    %dma_wait3A_943 = tpu.memref_squeeze %dma_wait3A_942 : memref<1x96xi32, #tpu.memory_space<vmem>> -> memref<96xi32, #tpu.memory_space<vmem>>
    %dma_wait3A_944 = arith.constant 0 : i32
    %dma_wait3A_945 = arith.constant 0 : i32
    %dma_wait3A_946 = tpu.memref_slice %arg5[%dma_wait3A_944, %dma_wait3A_945] : memref<10112x128xf32, #tpu.memory_space<vmem_shared>> -> memref<10112x128xf32, #tpu.memory_space<vmem_shared>>
    tpu.wait_indirect_dma semaphore(%arg10 : memref<!tpu.dma_semaphore, #tpu.memory_space<semaphore_mem>>) src(%dma_wait3A_946 : memref<10112x128xf32, #tpu.memory_space<vmem_shared>>) dst(%arg8 : memref<96x128xf32, #tpu.memory_space<vmem>>)
    %add3A_947 = arith.constant 288 : i32
    %add3A_948 = arith.addi %multiple_of3A, %add3A_947 : i32
    "tpu.region"() ({
      %run_scoped3A_1231 = tpu.sem_alloc : memref<!tpu.dma_semaphore, #tpu.memory_space<semaphore_mem>>
      %dma_start3A_1232 = arith.constant 0 : i32
      %dma_start3A_1233 = tpu.memref_slice %arg4[%arg0, %add3A_948, %dma_start3A_1232] : memref<2x10112x128xf32, #tpu.memory_space<hbm>> -> memref<1x96x128xf32, #tpu.memory_space<hbm>>
      %dma_start3A_1234 = tpu.memref_squeeze %dma_start3A_1233 : memref<1x96x128xf32, #tpu.memory_space<hbm>> -> memref<96x128xf32, #tpu.memory_space<hbm>>
      %dma_start3A_1235 = arith.constant 0 : i32
      %dma_start3A_1236 = tpu.memref_slice %arg4[%arg0, %add3A_948, %dma_start3A_1235] : memref<2x10112x128xf32, #tpu.memory_space<hbm>> -> memref<1x96x128xf32, #tpu.memory_space<hbm>>
      %dma_start3A_1237 = tpu.memref_squeeze %dma_start3A_1236 : memref<1x96x128xf32, #tpu.memory_space<hbm>> -> memref<96x128xf32, #tpu.memory_space<hbm>>
      tpu.enqueue_dma source(%arg8 : memref<96x128xf32, #tpu.memory_space<vmem>>) target(%dma_start3A_1237 : memref<96x128xf32, #tpu.memory_space<hbm>>) target_semaphore(%run_scoped3A_1231 : memref<!tpu.dma_semaphore, #tpu.memory_space<semaphore_mem>>)
      %dma_wait3A_1238 = arith.constant 0 : i32
      %dma_wait3A_1239 = tpu.memref_slice %arg4[%arg0, %add3A_948, %dma_wait3A_1238] : memref<2x10112x128xf32, #tpu.memory_space<hbm>> -> memref<1x96x128xf32, #tpu.memory_space<hbm>>
      %dma_wait3A_1240 = tpu.memref_squeeze %dma_wait3A_1239 : memref<1x96x128xf32, #tpu.memory_space<hbm>> -> memref<96x128xf32, #tpu.memory_space<hbm>>
      %dma_wait3A_1241 = arith.constant 0 : i32
      %dma_wait3A_1242 = tpu.memref_slice %arg4[%arg0, %add3A_948, %dma_wait3A_1241] : memref<2x10112x128xf32, #tpu.memory_space<hbm>> -> memref<1x96x128xf32, #tpu.memory_space<hbm>>
      %dma_wait3A_1243 = tpu.memref_squeeze %dma_wait3A_1242 : memref<1x96x128xf32, #tpu.memory_space<hbm>> -> memref<96x128xf32, #tpu.memory_space<hbm>>
      tpu.wait_dma2 semaphore(%run_scoped3A_1231 : memref<!tpu.dma_semaphore, #tpu.memory_space<semaphore_mem>>) src(%arg8 : memref<96x128xf32, #tpu.memory_space<vmem>>) dst(%dma_wait3A_1243 : memref<96x128xf32, #tpu.memory_space<hbm>>)
      tpu.yield
    }) : () -> ()
    %add3A_949 = arith.constant 384 : i32
    %add3A_950 = arith.addi %multiple_of3A, %add3A_949 : i32
    %add3A_951 = arith.constant 0 : i32
    %add3A_952 = arith.addi %add3A_950, %add3A_951 : i32
    %iota3A_953 = tpu.iota {dimensions = array<i32: 0>} : vector<16xi32>
    %add3A_954 = vector.broadcast %add3A_952 : i32 to vector<16xi32>
    %add3A_955 = arith.addi %add3A_954, %iota3A_953 : vector<16xi32>
    %swap3A_956 = arith.constant 0 : i32
    %swap3A_957 = arith.index_cast %swap3A_956 : i32 to index
    %swap3A_958 = arith.constant 0 : index
    %swap3A_959 = tpu.vector_load %arg6[%swap3A_957, %swap3A_958] {strides = array<i32>} : memref<2x96xi32, #tpu.memory_space<vmem>>, vector<1x16xi32>,
    %swap3A_960 = vector.shape_cast %swap3A_959 : vector<1x16xi32> to vector<16xi32>
    %swap3A_961 = vector.shape_cast %add3A_955 : vector<16xi32> to vector<1x16xi32>
    tpu.vector_store %arg6[%swap3A_957, %swap3A_958], %swap3A_961 {strides = array<i32>} : memref<2x96xi32, #tpu.memory_space<vmem>>, vector<1x16xi32>,
    %add3A_962 = arith.constant 384 : i32
    %add3A_963 = arith.addi %multiple_of3A, %add3A_962 : i32
    %add3A_964 = arith.constant 16 : i32
    %add3A_965 = arith.addi %add3A_963, %add3A_964 : i32
    %iota3A_966 = tpu.iota {dimensions = array<i32: 0>} : vector<16xi32>
    %add3A_967 = vector.broadcast %add3A_965 : i32 to vector<16xi32>
    %add3A_968 = arith.addi %add3A_967, %iota3A_966 : vector<16xi32>
    %swap3A_969 = arith.constant 0 : i32
    %swap3A_970 = arith.index_cast %swap3A_969 : i32 to index
    %swap3A_971 = arith.constant 16 : index
    %swap3A_972 = tpu.vector_load %arg6[%swap3A_970, %swap3A_971] {strides = array<i32>} : memref<2x96xi32, #tpu.memory_space<vmem>>, vector<1x16xi32>,
    %swap3A_973 = vector.shape_cast %swap3A_972 : vector<1x16xi32> to vector<16xi32>
    %swap3A_974 = vector.shape_cast %add3A_968 : vector<16xi32> to vector<1x16xi32>
    tpu.vector_store %arg6[%swap3A_970, %swap3A_971], %swap3A_974 {strides = array<i32>} : memref<2x96xi32, #tpu.memory_space<vmem>>, vector<1x16xi32>,
    %add3A_975 = arith.constant 384 : i32
    %add3A_976 = arith.addi %multiple_of3A, %add3A_975 : i32
    %add3A_977 = arith.constant 32 : i32
    %add3A_978 = arith.addi %add3A_976, %add3A_977 : i32
    %iota3A_979 = tpu.iota {dimensions = array<i32: 0>} : vector<16xi32>
    %add3A_980 = vector.broadcast %add3A_978 : i32 to vector<16xi32>
    %add3A_981 = arith.addi %add3A_980, %iota3A_979 : vector<16xi32>
    %swap3A_982 = arith.constant 0 : i32
    %swap3A_983 = arith.index_cast %swap3A_982 : i32 to index
    %swap3A_984 = arith.constant 32 : index
    %swap3A_985 = tpu.vector_load %arg6[%swap3A_983, %swap3A_984] {strides = array<i32>} : memref<2x96xi32, #tpu.memory_space<vmem>>, vector<1x16xi32>,
    %swap3A_986 = vector.shape_cast %swap3A_985 : vector<1x16xi32> to vector<16xi32>
    %swap3A_987 = vector.shape_cast %add3A_981 : vector<16xi32> to vector<1x16xi32>
    tpu.vector_store %arg6[%swap3A_983, %swap3A_984], %swap3A_987 {strides = array<i32>} : memref<2x96xi32, #tpu.memory_space<vmem>>, vector<1x16xi32>,
    %add3A_988 = arith.constant 384 : i32
    %add3A_989 = arith.addi %multiple_of3A, %add3A_988 : i32
    %add3A_990 = arith.constant 48 : i32
    %add3A_991 = arith.addi %add3A_989, %add3A_990 : i32
    %iota3A_992 = tpu.iota {dimensions = array<i32: 0>} : vector<16xi32>
    %add3A_993 = vector.broadcast %add3A_991 : i32 to vector<16xi32>
    %add3A_994 = arith.addi %add3A_993, %iota3A_992 : vector<16xi32>
    %swap3A_995 = arith.constant 0 : i32
    %swap3A_996 = arith.index_cast %swap3A_995 : i32 to index
    %swap3A_997 = arith.constant 48 : index
    %swap3A_998 = tpu.vector_load %arg6[%swap3A_996, %swap3A_997] {strides = array<i32>} : memref<2x96xi32, #tpu.memory_space<vmem>>, vector<1x16xi32>,
    %swap3A_999 = vector.shape_cast %swap3A_998 : vector<1x16xi32> to vector<16xi32>
    %swap3A_1000 = vector.shape_cast %add3A_994 : vector<16xi32> to vector<1x16xi32>
    tpu.vector_store %arg6[%swap3A_996, %swap3A_997], %swap3A_1000 {strides = array<i32>} : memref<2x96xi32, #tpu.memory_space<vmem>>, vector<1x16xi32>,
    %add3A_1001 = arith.constant 384 : i32
    %add3A_1002 = arith.addi %multiple_of3A, %add3A_1001 : i32
    %add3A_1003 = arith.constant 64 : i32
    %add3A_1004 = arith.addi %add3A_1002, %add3A_1003 : i32
    %iota3A_1005 = tpu.iota {dimensions = array<i32: 0>} : vector<16xi32>
    %add3A_1006 = vector.broadcast %add3A_1004 : i32 to vector<16xi32>
    %add3A_1007 = arith.addi %add3A_1006, %iota3A_1005 : vector<16xi32>
    %swap3A_1008 = arith.constant 0 : i32
    %swap3A_1009 = arith.index_cast %swap3A_1008 : i32 to index
    %swap3A_1010 = arith.constant 64 : index
    %swap3A_1011 = tpu.vector_load %arg6[%swap3A_1009, %swap3A_1010] {strides = array<i32>} : memref<2x96xi32, #tpu.memory_space<vmem>>, vector<1x16xi32>,
    %swap3A_1012 = vector.shape_cast %swap3A_1011 : vector<1x16xi32> to vector<16xi32>
    %swap3A_1013 = vector.shape_cast %add3A_1007 : vector<16xi32> to vector<1x16xi32>
    tpu.vector_store %arg6[%swap3A_1009, %swap3A_1010], %swap3A_1013 {strides = array<i32>} : memref<2x96xi32, #tpu.memory_space<vmem>>, vector<1x16xi32>,
    %add3A_1014 = arith.constant 384 : i32
    %add3A_1015 = arith.addi %multiple_of3A, %add3A_1014 : i32
    %add3A_1016 = arith.constant 80 : i32
    %add3A_1017 = arith.addi %add3A_1015, %add3A_1016 : i32
    %iota3A_1018 = tpu.iota {dimensions = array<i32: 0>} : vector<16xi32>
    %add3A_1019 = vector.broadcast %add3A_1017 : i32 to vector<16xi32>
    %add3A_1020 = arith.addi %add3A_1019, %iota3A_1018 : vector<16xi32>
    %swap3A_1021 = arith.constant 0 : i32
    %swap3A_1022 = arith.index_cast %swap3A_1021 : i32 to index
    %swap3A_1023 = arith.constant 80 : index
    %swap3A_1024 = tpu.vector_load %arg6[%swap3A_1022, %swap3A_1023] {strides = array<i32>} : memref<2x96xi32, #tpu.memory_space<vmem>>, vector<1x16xi32>,
    %swap3A_1025 = vector.shape_cast %swap3A_1024 : vector<1x16xi32> to vector<16xi32>
    %swap3A_1026 = vector.shape_cast %add3A_1020 : vector<16xi32> to vector<1x16xi32>
    tpu.vector_store %arg6[%swap3A_1022, %swap3A_1023], %swap3A_1026 {strides = array<i32>} : memref<2x96xi32, #tpu.memory_space<vmem>>, vector<1x16xi32>,
    %dma_start3A_1027 = arith.constant 0 : i32
    %dma_start3A_1028 = arith.constant 0 : i32
    %dma_start3A_1029 = tpu.memref_slice %arg6[%dma_start3A_1027, %dma_start3A_1028] : memref<2x96xi32, #tpu.memory_space<vmem>> -> memref<1x96xi32, #tpu.memory_space<vmem>>
    %dma_start3A_1030 = tpu.memref_squeeze %dma_start3A_1029 : memref<1x96xi32, #tpu.memory_space<vmem>> -> memref<96xi32, #tpu.memory_space<vmem>>
    %dma_start3A_1031 = arith.constant 0 : i32
    %dma_start3A_1032 = arith.constant 0 : i32
    %dma_start3A_1033 = tpu.memref_slice %arg5[%dma_start3A_1031, %dma_start3A_1032] : memref<10112x128xf32, #tpu.memory_space<vmem_shared>> -> memref<10112x128xf32, #tpu.memory_space<vmem_shared>>
    tpu.enqueue_indirect_dma source(%dma_start3A_1033 : memref<10112x128xf32, #tpu.memory_space<vmem_shared>>) target(%arg8 : memref<96x128xf32, #tpu.memory_space<vmem>>) offsets(%dma_start3A_1030 : memref<96xi32, #tpu.memory_space<vmem>>) semaphore(%arg10 : memref<!tpu.dma_semaphore, #tpu.memory_space<semaphore_mem>>)
    %dma_wait3A_1034 = arith.constant 0 : i32
    %dma_wait3A_1035 = arith.constant 0 : i32
    %dma_wait3A_1036 = tpu.memref_slice %arg6[%dma_wait3A_1034, %dma_wait3A_1035] : memref<2x96xi32, #tpu.memory_space<vmem>> -> memref<1x96xi32, #tpu.memory_space<vmem>>
    %dma_wait3A_1037 = tpu.memref_squeeze %dma_wait3A_1036 : memref<1x96xi32, #tpu.memory_space<vmem>> -> memref<96xi32, #tpu.memory_space<vmem>>
    %dma_wait3A_1038 = arith.constant 0 : i32
    %dma_wait3A_1039 = arith.constant 0 : i32
    %dma_wait3A_1040 = tpu.memref_slice %arg5[%dma_wait3A_1038, %dma_wait3A_1039] : memref<10112x128xf32, #tpu.memory_space<vmem_shared>> -> memref<10112x128xf32, #tpu.memory_space<vmem_shared>>
    tpu.wait_indirect_dma semaphore(%arg10 : memref<!tpu.dma_semaphore, #tpu.memory_space<semaphore_mem>>) src(%dma_wait3A_1040 : memref<10112x128xf32, #tpu.memory_space<vmem_shared>>) dst(%arg8 : memref<96x128xf32, #tpu.memory_space<vmem>>)
    %add3A_1041 = arith.constant 384 : i32
    %add3A_1042 = arith.addi %multiple_of3A, %add3A_1041 : i32
    "tpu.region"() ({
      %run_scoped3A_1231 = tpu.sem_alloc : memref<!tpu.dma_semaphore, #tpu.memory_space<semaphore_mem>>
      %dma_start3A_1232 = arith.constant 0 : i32
      %dma_start3A_1233 = tpu.memref_slice %arg4[%arg0, %add3A_1042, %dma_start3A_1232] : memref<2x10112x128xf32, #tpu.memory_space<hbm>> -> memref<1x96x128xf32, #tpu.memory_space<hbm>>
      %dma_start3A_1234 = tpu.memref_squeeze %dma_start3A_1233 : memref<1x96x128xf32, #tpu.memory_space<hbm>> -> memref<96x128xf32, #tpu.memory_space<hbm>>
      %dma_start3A_1235 = arith.constant 0 : i32
      %dma_start3A_1236 = tpu.memref_slice %arg4[%arg0, %add3A_1042, %dma_start3A_1235] : memref<2x10112x128xf32, #tpu.memory_space<hbm>> -> memref<1x96x128xf32, #tpu.memory_space<hbm>>
      %dma_start3A_1237 = tpu.memref_squeeze %dma_start3A_1236 : memref<1x96x128xf32, #tpu.memory_space<hbm>> -> memref<96x128xf32, #tpu.memory_space<hbm>>
      tpu.enqueue_dma source(%arg8 : memref<96x128xf32, #tpu.memory_space<vmem>>) target(%dma_start3A_1237 : memref<96x128xf32, #tpu.memory_space<hbm>>) target_semaphore(%run_scoped3A_1231 : memref<!tpu.dma_semaphore, #tpu.memory_space<semaphore_mem>>)
      %dma_wait3A_1238 = arith.constant 0 : i32
      %dma_wait3A_1239 = tpu.memref_slice %arg4[%arg0, %add3A_1042, %dma_wait3A_1238] : memref<2x10112x128xf32, #tpu.memory_space<hbm>> -> memref<1x96x128xf32, #tpu.memory_space<hbm>>
      %dma_wait3A_1240 = tpu.memref_squeeze %dma_wait3A_1239 : memref<1x96x128xf32, #tpu.memory_space<hbm>> -> memref<96x128xf32, #tpu.memory_space<hbm>>
      %dma_wait3A_1241 = arith.constant 0 : i32
      %dma_wait3A_1242 = tpu.memref_slice %arg4[%arg0, %add3A_1042, %dma_wait3A_1241] : memref<2x10112x128xf32, #tpu.memory_space<hbm>> -> memref<1x96x128xf32, #tpu.memory_space<hbm>>
      %dma_wait3A_1243 = tpu.memref_squeeze %dma_wait3A_1242 : memref<1x96x128xf32, #tpu.memory_space<hbm>> -> memref<96x128xf32, #tpu.memory_space<hbm>>
      tpu.wait_dma2 semaphore(%run_scoped3A_1231 : memref<!tpu.dma_semaphore, #tpu.memory_space<semaphore_mem>>) src(%arg8 : memref<96x128xf32, #tpu.memory_space<vmem>>) dst(%dma_wait3A_1243 : memref<96x128xf32, #tpu.memory_space<hbm>>)
      tpu.yield
    }) : () -> ()
    %add3A_1043 = arith.constant 480 : i32
    %add3A_1044 = arith.addi %multiple_of3A, %add3A_1043 : i32
    %add3A_1045 = arith.constant 0 : i32
    %add3A_1046 = arith.addi %add3A_1044, %add3A_1045 : i32
    %iota3A_1047 = tpu.iota {dimensions = array<i32: 0>} : vector<16xi32>
    %add3A_1048 = vector.broadcast %add3A_1046 : i32 to vector<16xi32>
    %add3A_1049 = arith.addi %add3A_1048, %iota3A_1047 : vector<16xi32>
    %swap3A_1050 = arith.constant 0 : i32
    %swap3A_1051 = arith.index_cast %swap3A_1050 : i32 to index
    %swap3A_1052 = arith.constant 0 : index
    %swap3A_1053 = tpu.vector_load %arg6[%swap3A_1051, %swap3A_1052] {strides = array<i32>} : memref<2x96xi32, #tpu.memory_space<vmem>>, vector<1x16xi32>,
    %swap3A_1054 = vector.shape_cast %swap3A_1053 : vector<1x16xi32> to vector<16xi32>
    %swap3A_1055 = vector.shape_cast %add3A_1049 : vector<16xi32> to vector<1x16xi32>
    tpu.vector_store %arg6[%swap3A_1051, %swap3A_1052], %swap3A_1055 {strides = array<i32>} : memref<2x96xi32, #tpu.memory_space<vmem>>, vector<1x16xi32>,
    %add3A_1056 = arith.constant 480 : i32
    %add3A_1057 = arith.addi %multiple_of3A, %add3A_1056 : i32
    %add3A_1058 = arith.constant 16 : i32
    %add3A_1059 = arith.addi %add3A_1057, %add3A_1058 : i32
    %iota3A_1060 = tpu.iota {dimensions = array<i32: 0>} : vector<16xi32>
    %add3A_1061 = vector.broadcast %add3A_1059 : i32 to vector<16xi32>
    %add3A_1062 = arith.addi %add3A_1061, %iota3A_1060 : vector<16xi32>
    %swap3A_1063 = arith.constant 0 : i32
    %swap3A_1064 = arith.index_cast %swap3A_1063 : i32 to index
    %swap3A_1065 = arith.constant 16 : index
    %swap3A_1066 = tpu.vector_load %arg6[%swap3A_1064, %swap3A_1065] {strides = array<i32>} : memref<2x96xi32, #tpu.memory_space<vmem>>, vector<1x16xi32>,
    %swap3A_1067 = vector.shape_cast %swap3A_1066 : vector<1x16xi32> to vector<16xi32>
    %swap3A_1068 = vector.shape_cast %add3A_1062 : vector<16xi32> to vector<1x16xi32>
    tpu.vector_store %arg6[%swap3A_1064, %swap3A_1065], %swap3A_1068 {strides = array<i32>} : memref<2x96xi32, #tpu.memory_space<vmem>>, vector<1x16xi32>,
    %add3A_1069 = arith.constant 480 : i32
    %add3A_1070 = arith.addi %multiple_of3A, %add3A_1069 : i32
    %add3A_1071 = arith.constant 32 : i32
    %add3A_1072 = arith.addi %add3A_1070, %add3A_1071 : i32
    %iota3A_1073 = tpu.iota {dimensions = array<i32: 0>} : vector<16xi32>
    %add3A_1074 = vector.broadcast %add3A_1072 : i32 to vector<16xi32>
    %add3A_1075 = arith.addi %add3A_1074, %iota3A_1073 : vector<16xi32>
    %swap3A_1076 = arith.constant 0 : i32
    %swap3A_1077 = arith.index_cast %swap3A_1076 : i32 to index
    %swap3A_1078 = arith.constant 32 : index
    %swap3A_1079 = tpu.vector_load %arg6[%swap3A_1077, %swap3A_1078] {strides = array<i32>} : memref<2x96xi32, #tpu.memory_space<vmem>>, vector<1x16xi32>,
    %swap3A_1080 = vector.shape_cast %swap3A_1079 : vector<1x16xi32> to vector<16xi32>
    %swap3A_1081 = vector.shape_cast %add3A_1075 : vector<16xi32> to vector<1x16xi32>
    tpu.vector_store %arg6[%swap3A_1077, %swap3A_1078], %swap3A_1081 {strides = array<i32>} : memref<2x96xi32, #tpu.memory_space<vmem>>, vector<1x16xi32>,
    %add3A_1082 = arith.constant 480 : i32
    %add3A_1083 = arith.addi %multiple_of3A, %add3A_1082 : i32
    %add3A_1084 = arith.constant 48 : i32
    %add3A_1085 = arith.addi %add3A_1083, %add3A_1084 : i32
    %iota3A_1086 = tpu.iota {dimensions = array<i32: 0>} : vector<16xi32>
    %add3A_1087 = vector.broadcast %add3A_1085 : i32 to vector<16xi32>
    %add3A_1088 = arith.addi %add3A_1087, %iota3A_1086 : vector<16xi32>
    %swap3A_1089 = arith.constant 0 : i32
    %swap3A_1090 = arith.index_cast %swap3A_1089 : i32 to index
    %swap3A_1091 = arith.constant 48 : index
    %swap3A_1092 = tpu.vector_load %arg6[%swap3A_1090, %swap3A_1091] {strides = array<i32>} : memref<2x96xi32, #tpu.memory_space<vmem>>, vector<1x16xi32>,
    %swap3A_1093 = vector.shape_cast %swap3A_1092 : vector<1x16xi32> to vector<16xi32>
    %swap3A_1094 = vector.shape_cast %add3A_1088 : vector<16xi32> to vector<1x16xi32>
    tpu.vector_store %arg6[%swap3A_1090, %swap3A_1091], %swap3A_1094 {strides = array<i32>} : memref<2x96xi32, #tpu.memory_space<vmem>>, vector<1x16xi32>,
    %add3A_1095 = arith.constant 480 : i32
    %add3A_1096 = arith.addi %multiple_of3A, %add3A_1095 : i32
    %add3A_1097 = arith.constant 64 : i32
    %add3A_1098 = arith.addi %add3A_1096, %add3A_1097 : i32
    %iota3A_1099 = tpu.iota {dimensions = array<i32: 0>} : vector<16xi32>
    %add3A_1100 = vector.broadcast %add3A_1098 : i32 to vector<16xi32>
    %add3A_1101 = arith.addi %add3A_1100, %iota3A_1099 : vector<16xi32>
    %swap3A_1102 = arith.constant 0 : i32
    %swap3A_1103 = arith.index_cast %swap3A_1102 : i32 to index
    %swap3A_1104 = arith.constant 64 : index
    %swap3A_1105 = tpu.vector_load %arg6[%swap3A_1103, %swap3A_1104] {strides = array<i32>} : memref<2x96xi32, #tpu.memory_space<vmem>>, vector<1x16xi32>,
    %swap3A_1106 = vector.shape_cast %swap3A_1105 : vector<1x16xi32> to vector<16xi32>
    %swap3A_1107 = vector.shape_cast %add3A_1101 : vector<16xi32> to vector<1x16xi32>
    tpu.vector_store %arg6[%swap3A_1103, %swap3A_1104], %swap3A_1107 {strides = array<i32>} : memref<2x96xi32, #tpu.memory_space<vmem>>, vector<1x16xi32>,
    %add3A_1108 = arith.constant 480 : i32
    %add3A_1109 = arith.addi %multiple_of3A, %add3A_1108 : i32
    %add3A_1110 = arith.constant 80 : i32
    %add3A_1111 = arith.addi %add3A_1109, %add3A_1110 : i32
    %iota3A_1112 = tpu.iota {dimensions = array<i32: 0>} : vector<16xi32>
    %add3A_1113 = vector.broadcast %add3A_1111 : i32 to vector<16xi32>
    %add3A_1114 = arith.addi %add3A_1113, %iota3A_1112 : vector<16xi32>
    %swap3A_1115 = arith.constant 0 : i32
    %swap3A_1116 = arith.index_cast %swap3A_1115 : i32 to index
    %swap3A_1117 = arith.constant 80 : index
    %swap3A_1118 = tpu.vector_load %arg6[%swap3A_1116, %swap3A_1117] {strides = array<i32>} : memref<2x96xi32, #tpu.memory_space<vmem>>, vector<1x16xi32>,
    %swap3A_1119 = vector.shape_cast %swap3A_1118 : vector<1x16xi32> to vector<16xi32>
    %swap3A_1120 = vector.shape_cast %add3A_1114 : vector<16xi32> to vector<1x16xi32>
    tpu.vector_store %arg6[%swap3A_1116, %swap3A_1117], %swap3A_1120 {strides = array<i32>} : memref<2x96xi32, #tpu.memory_space<vmem>>, vector<1x16xi32>,
    %dma_start3A_1121 = arith.constant 0 : i32
    %dma_start3A_1122 = arith.constant 0 : i32
    %dma_start3A_1123 = tpu.memref_slice %arg6[%dma_start3A_1121, %dma_start3A_1122] : memref<2x96xi32, #tpu.memory_space<vmem>> -> memref<1x96xi32, #tpu.memory_space<vmem>>
    %dma_start3A_1124 = tpu.memref_squeeze %dma_start3A_1123 : memref<1x96xi32, #tpu.memory_space<vmem>> -> memref<96xi32, #tpu.memory_space<vmem>>
    %dma_start3A_1125 = arith.constant 0 : i32
    %dma_start3A_1126 = arith.constant 0 : i32
    %dma_start3A_1127 = tpu.memref_slice %arg5[%dma_start3A_1125, %dma_start3A_1126] : memref<10112x128xf32, #tpu.memory_space<vmem_shared>> -> memref<10112x128xf32, #tpu.memory_space<vmem_shared>>
    tpu.enqueue_indirect_dma source(%dma_start3A_1127 : memref<10112x128xf32, #tpu.memory_space<vmem_shared>>) target(%arg8 : memref<96x128xf32, #tpu.memory_space<vmem>>) offsets(%dma_start3A_1124 : memref<96xi32, #tpu.memory_space<vmem>>) semaphore(%arg10 : memref<!tpu.dma_semaphore, #tpu.memory_space<semaphore_mem>>)
    %dma_wait3A_1128 = arith.constant 0 : i32
    %dma_wait3A_1129 = arith.constant 0 : i32
    %dma_wait3A_1130 = tpu.memref_slice %arg6[%dma_wait3A_1128, %dma_wait3A_1129] : memref<2x96xi32, #tpu.memory_space<vmem>> -> memref<1x96xi32, #tpu.memory_space<vmem>>
    %dma_wait3A_1131 = tpu.memref_squeeze %dma_wait3A_1130 : memref<1x96xi32, #tpu.memory_space<vmem>> -> memref<96xi32, #tpu.memory_space<vmem>>
    %dma_wait3A_1132 = arith.constant 0 : i32
    %dma_wait3A_1133 = arith.constant 0 : i32
    %dma_wait3A_1134 = tpu.memref_slice %arg5[%dma_wait3A_1132, %dma_wait3A_1133] : memref<10112x128xf32, #tpu.memory_space<vmem_shared>> -> memref<10112x128xf32, #tpu.memory_space<vmem_shared>>
    tpu.wait_indirect_dma semaphore(%arg10 : memref<!tpu.dma_semaphore, #tpu.memory_space<semaphore_mem>>) src(%dma_wait3A_1134 : memref<10112x128xf32, #tpu.memory_space<vmem_shared>>) dst(%arg8 : memref<96x128xf32, #tpu.memory_space<vmem>>)
    %add3A_1135 = arith.constant 480 : i32
    %add3A_1136 = arith.addi %multiple_of3A, %add3A_1135 : i32
    "tpu.region"() ({
      %run_scoped3A_1231 = tpu.sem_alloc : memref<!tpu.dma_semaphore, #tpu.memory_space<semaphore_mem>>
      %dma_start3A_1232 = arith.constant 0 : i32
      %dma_start3A_1233 = tpu.memref_slice %arg4[%arg0, %add3A_1136, %dma_start3A_1232] : memref<2x10112x128xf32, #tpu.memory_space<hbm>> -> memref<1x96x128xf32, #tpu.memory_space<hbm>>
      %dma_start3A_1234 = tpu.memref_squeeze %dma_start3A_1233 : memref<1x96x128xf32, #tpu.memory_space<hbm>> -> memref<96x128xf32, #tpu.memory_space<hbm>>
      %dma_start3A_1235 = arith.constant 0 : i32
      %dma_start3A_1236 = tpu.memref_slice %arg4[%arg0, %add3A_1136, %dma_start3A_1235] : memref<2x10112x128xf32, #tpu.memory_space<hbm>> -> memref<1x96x128xf32, #tpu.memory_space<hbm>>
      %dma_start3A_1237 = tpu.memref_squeeze %dma_start3A_1236 : memref<1x96x128xf32, #tpu.memory_space<hbm>> -> memref<96x128xf32, #tpu.memory_space<hbm>>
      tpu.enqueue_dma source(%arg8 : memref<96x128xf32, #tpu.memory_space<vmem>>) target(%dma_start3A_1237 : memref<96x128xf32, #tpu.memory_space<hbm>>) target_semaphore(%run_scoped3A_1231 : memref<!tpu.dma_semaphore, #tpu.memory_space<semaphore_mem>>)
      %dma_wait3A_1238 = arith.constant 0 : i32
      %dma_wait3A_1239 = tpu.memref_slice %arg4[%arg0, %add3A_1136, %dma_wait3A_1238] : memref<2x10112x128xf32, #tpu.memory_space<hbm>> -> memref<1x96x128xf32, #tpu.memory_space<hbm>>
      %dma_wait3A_1240 = tpu.memref_squeeze %dma_wait3A_1239 : memref<1x96x128xf32, #tpu.memory_space<hbm>> -> memref<96x128xf32, #tpu.memory_space<hbm>>
      %dma_wait3A_1241 = arith.constant 0 : i32
      %dma_wait3A_1242 = tpu.memref_slice %arg4[%arg0, %add3A_1136, %dma_wait3A_1241] : memref<2x10112x128xf32, #tpu.memory_space<hbm>> -> memref<1x96x128xf32, #tpu.memory_space<hbm>>
      %dma_wait3A_1243 = tpu.memref_squeeze %dma_wait3A_1242 : memref<1x96x128xf32, #tpu.memory_space<hbm>> -> memref<96x128xf32, #tpu.memory_space<hbm>>
      tpu.wait_dma2 semaphore(%run_scoped3A_1231 : memref<!tpu.dma_semaphore, #tpu.memory_space<semaphore_mem>>) src(%arg8 : memref<96x128xf32, #tpu.memory_space<vmem>>) dst(%dma_wait3A_1243 : memref<96x128xf32, #tpu.memory_space<hbm>>)
      tpu.yield
    }) : () -> ()
    %add3A_1137 = arith.constant 536 : i32
    %add3A_1138 = arith.addi %multiple_of3A, %add3A_1137 : i32
    %add3A_1139 = arith.constant 0 : i32
    %add3A_1140 = arith.addi %add3A_1138, %add3A_1139 : i32
    %iota3A_1141 = tpu.iota {dimensions = array<i32: 0>} : vector<16xi32>
    %add3A_1142 = vector.broadcast %add3A_1140 : i32 to vector<16xi32>
    %add3A_1143 = arith.addi %add3A_1142, %iota3A_1141 : vector<16xi32>
    %swap3A_1144 = arith.constant 0 : i32
    %swap3A_1145 = arith.index_cast %swap3A_1144 : i32 to index
    %swap3A_1146 = arith.constant 0 : index
    %swap3A_1147 = tpu.vector_load %arg6[%swap3A_1145, %swap3A_1146] {strides = array<i32>} : memref<2x96xi32, #tpu.memory_space<vmem>>, vector<1x16xi32>,
    %swap3A_1148 = vector.shape_cast %swap3A_1147 : vector<1x16xi32> to vector<16xi32>
    %swap3A_1149 = vector.shape_cast %add3A_1143 : vector<16xi32> to vector<1x16xi32>
    tpu.vector_store %arg6[%swap3A_1145, %swap3A_1146], %swap3A_1149 {strides = array<i32>} : memref<2x96xi32, #tpu.memory_space<vmem>>, vector<1x16xi32>,
    %add3A_1150 = arith.constant 536 : i32
    %add3A_1151 = arith.addi %multiple_of3A, %add3A_1150 : i32
    %add3A_1152 = arith.constant 16 : i32
    %add3A_1153 = arith.addi %add3A_1151, %add3A_1152 : i32
    %iota3A_1154 = tpu.iota {dimensions = array<i32: 0>} : vector<16xi32>
    %add3A_1155 = vector.broadcast %add3A_1153 : i32 to vector<16xi32>
    %add3A_1156 = arith.addi %add3A_1155, %iota3A_1154 : vector<16xi32>
    %swap3A_1157 = arith.constant 0 : i32
    %swap3A_1158 = arith.index_cast %swap3A_1157 : i32 to index
    %swap3A_1159 = arith.constant 16 : index
    %swap3A_1160 = tpu.vector_load %arg6[%swap3A_1158, %swap3A_1159] {strides = array<i32>} : memref<2x96xi32, #tpu.memory_space<vmem>>, vector<1x16xi32>,
    %swap3A_1161 = vector.shape_cast %swap3A_1160 : vector<1x16xi32> to vector<16xi32>
    %swap3A_1162 = vector.shape_cast %add3A_1156 : vector<16xi32> to vector<1x16xi32>
    tpu.vector_store %arg6[%swap3A_1158, %swap3A_1159], %swap3A_1162 {strides = array<i32>} : memref<2x96xi32, #tpu.memory_space<vmem>>, vector<1x16xi32>,
    %add3A_1163 = arith.constant 536 : i32
    %add3A_1164 = arith.addi %multiple_of3A, %add3A_1163 : i32
    %add3A_1165 = arith.constant 32 : i32
    %add3A_1166 = arith.addi %add3A_1164, %add3A_1165 : i32
    %iota3A_1167 = tpu.iota {dimensions = array<i32: 0>} : vector<16xi32>
    %add3A_1168 = vector.broadcast %add3A_1166 : i32 to vector<16xi32>
    %add3A_1169 = arith.addi %add3A_1168, %iota3A_1167 : vector<16xi32>
    %swap3A_1170 = arith.constant 0 : i32
    %swap3A_1171 = arith.index_cast %swap3A_1170 : i32 to index
    %swap3A_1172 = arith.constant 32 : index
    %swap3A_1173 = tpu.vector_load %arg6[%swap3A_1171, %swap3A_1172] {strides = array<i32>} : memref<2x96xi32, #tpu.memory_space<vmem>>, vector<1x16xi32>,
    %swap3A_1174 = vector.shape_cast %swap3A_1173 : vector<1x16xi32> to vector<16xi32>
    %swap3A_1175 = vector.shape_cast %add3A_1169 : vector<16xi32> to vector<1x16xi32>
    tpu.vector_store %arg6[%swap3A_1171, %swap3A_1172], %swap3A_1175 {strides = array<i32>} : memref<2x96xi32, #tpu.memory_space<vmem>>, vector<1x16xi32>,
    %add3A_1176 = arith.constant 536 : i32
    %add3A_1177 = arith.addi %multiple_of3A, %add3A_1176 : i32
    %add3A_1178 = arith.constant 48 : i32
    %add3A_1179 = arith.addi %add3A_1177, %add3A_1178 : i32
    %iota3A_1180 = tpu.iota {dimensions = array<i32: 0>} : vector<16xi32>
    %add3A_1181 = vector.broadcast %add3A_1179 : i32 to vector<16xi32>
    %add3A_1182 = arith.addi %add3A_1181, %iota3A_1180 : vector<16xi32>
    %swap3A_1183 = arith.constant 0 : i32
    %swap3A_1184 = arith.index_cast %swap3A_1183 : i32 to index
    %swap3A_1185 = arith.constant 48 : index
    %swap3A_1186 = tpu.vector_load %arg6[%swap3A_1184, %swap3A_1185] {strides = array<i32>} : memref<2x96xi32, #tpu.memory_space<vmem>>, vector<1x16xi32>,
    %swap3A_1187 = vector.shape_cast %swap3A_1186 : vector<1x16xi32> to vector<16xi32>
    %swap3A_1188 = vector.shape_cast %add3A_1182 : vector<16xi32> to vector<1x16xi32>
    tpu.vector_store %arg6[%swap3A_1184, %swap3A_1185], %swap3A_1188 {strides = array<i32>} : memref<2x96xi32, #tpu.memory_space<vmem>>, vector<1x16xi32>,
    %add3A_1189 = arith.constant 536 : i32
    %add3A_1190 = arith.addi %multiple_of3A, %add3A_1189 : i32
    %add3A_1191 = arith.constant 64 : i32
    %add3A_1192 = arith.addi %add3A_1190, %add3A_1191 : i32
    %iota3A_1193 = tpu.iota {dimensions = array<i32: 0>} : vector<16xi32>
    %add3A_1194 = vector.broadcast %add3A_1192 : i32 to vector<16xi32>
    %add3A_1195 = arith.addi %add3A_1194, %iota3A_1193 : vector<16xi32>
    %swap3A_1196 = arith.constant 0 : i32
    %swap3A_1197 = arith.index_cast %swap3A_1196 : i32 to index
    %swap3A_1198 = arith.constant 64 : index
    %swap3A_1199 = tpu.vector_load %arg6[%swap3A_1197, %swap3A_1198] {strides = array<i32>} : memref<2x96xi32, #tpu.memory_space<vmem>>, vector<1x16xi32>,
    %swap3A_1200 = vector.shape_cast %swap3A_1199 : vector<1x16xi32> to vector<16xi32>
    %swap3A_1201 = vector.shape_cast %add3A_1195 : vector<16xi32> to vector<1x16xi32>
    tpu.vector_store %arg6[%swap3A_1197, %swap3A_1198], %swap3A_1201 {strides = array<i32>} : memref<2x96xi32, #tpu.memory_space<vmem>>, vector<1x16xi32>,
    %add3A_1202 = arith.constant 536 : i32
    %add3A_1203 = arith.addi %multiple_of3A, %add3A_1202 : i32
    %add3A_1204 = arith.constant 80 : i32
    %add3A_1205 = arith.addi %add3A_1203, %add3A_1204 : i32
    %iota3A_1206 = tpu.iota {dimensions = array<i32: 0>} : vector<16xi32>
    %add3A_1207 = vector.broadcast %add3A_1205 : i32 to vector<16xi32>
    %add3A_1208 = arith.addi %add3A_1207, %iota3A_1206 : vector<16xi32>
    %swap3A_1209 = arith.constant 0 : i32
    %swap3A_1210 = arith.index_cast %swap3A_1209 : i32 to index
    %swap3A_1211 = arith.constant 80 : index
    %swap3A_1212 = tpu.vector_load %arg6[%swap3A_1210, %swap3A_1211] {strides = array<i32>} : memref<2x96xi32, #tpu.memory_space<vmem>>, vector<1x16xi32>,
    %swap3A_1213 = vector.shape_cast %swap3A_1212 : vector<1x16xi32> to vector<16xi32>
    %swap3A_1214 = vector.shape_cast %add3A_1208 : vector<16xi32> to vector<1x16xi32>
    tpu.vector_store %arg6[%swap3A_1210, %swap3A_1211], %swap3A_1214 {strides = array<i32>} : memref<2x96xi32, #tpu.memory_space<vmem>>, vector<1x16xi32>,
    %dma_start3A_1215 = arith.constant 0 : i32
    %dma_start3A_1216 = arith.constant 0 : i32
    %dma_start3A_1217 = tpu.memref_slice %arg6[%dma_start3A_1215, %dma_start3A_1216] : memref<2x96xi32, #tpu.memory_space<vmem>> -> memref<1x96xi32, #tpu.memory_space<vmem>>
    %dma_start3A_1218 = tpu.memref_squeeze %dma_start3A_1217 : memref<1x96xi32, #tpu.memory_space<vmem>> -> memref<96xi32, #tpu.memory_space<vmem>>
    %dma_start3A_1219 = arith.constant 0 : i32
    %dma_start3A_1220 = arith.constant 0 : i32
    %dma_start3A_1221 = tpu.memref_slice %arg5[%dma_start3A_1219, %dma_start3A_1220] : memref<10112x128xf32, #tpu.memory_space<vmem_shared>> -> memref<10112x128xf32, #tpu.memory_space<vmem_shared>>
    tpu.enqueue_indirect_dma source(%dma_start3A_1221 : memref<10112x128xf32, #tpu.memory_space<vmem_shared>>) target(%arg8 : memref<96x128xf32, #tpu.memory_space<vmem>>) offsets(%dma_start3A_1218 : memref<96xi32, #tpu.memory_space<vmem>>) semaphore(%arg10 : memref<!tpu.dma_semaphore, #tpu.memory_space<semaphore_mem>>)
    %dma_wait3A_1222 = arith.constant 0 : i32
    %dma_wait3A_1223 = arith.constant 0 : i32
    %dma_wait3A_1224 = tpu.memref_slice %arg6[%dma_wait3A_1222, %dma_wait3A_1223] : memref<2x96xi32, #tpu.memory_space<vmem>> -> memref<1x96xi32, #tpu.memory_space<vmem>>
    %dma_wait3A_1225 = tpu.memref_squeeze %dma_wait3A_1224 : memref<1x96xi32, #tpu.memory_space<vmem>> -> memref<96xi32, #tpu.memory_space<vmem>>
    %dma_wait3A_1226 = arith.constant 0 : i32
    %dma_wait3A_1227 = arith.constant 0 : i32
    %dma_wait3A_1228 = tpu.memref_slice %arg5[%dma_wait3A_1226, %dma_wait3A_1227] : memref<10112x128xf32, #tpu.memory_space<vmem_shared>> -> memref<10112x128xf32, #tpu.memory_space<vmem_shared>>
    tpu.wait_indirect_dma semaphore(%arg10 : memref<!tpu.dma_semaphore, #tpu.memory_space<semaphore_mem>>) src(%dma_wait3A_1228 : memref<10112x128xf32, #tpu.memory_space<vmem_shared>>) dst(%arg8 : memref<96x128xf32, #tpu.memory_space<vmem>>)
    %add3A_1229 = arith.constant 536 : i32
    %add3A_1230 = arith.addi %multiple_of3A, %add3A_1229 : i32
    "tpu.region"() ({
      %run_scoped3A_1231 = tpu.sem_alloc : memref<!tpu.dma_semaphore, #tpu.memory_space<semaphore_mem>>
      %dma_start3A_1232 = arith.constant 0 : i32
      %dma_start3A_1233 = tpu.memref_slice %arg4[%arg0, %add3A_1230, %dma_start3A_1232] : memref<2x10112x128xf32, #tpu.memory_space<hbm>> -> memref<1x96x128xf32, #tpu.memory_space<hbm>>
      %dma_start3A_1234 = tpu.memref_squeeze %dma_start3A_1233 : memref<1x96x128xf32, #tpu.memory_space<hbm>> -> memref<96x128xf32, #tpu.memory_space<hbm>>
      %dma_start3A_1235 = arith.constant 0 : i32
      %dma_start3A_1236 = tpu.memref_slice %arg4[%arg0, %add3A_1230, %dma_start3A_1235] : memref<2x10112x128xf32, #tpu.memory_space<hbm>> -> memref<1x96x128xf32, #tpu.memory_space<hbm>>
      %dma_start3A_1237 = tpu.memref_squeeze %dma_start3A_1236 : memref<1x96x128xf32, #tpu.memory_space<hbm>> -> memref<96x128xf32, #tpu.memory_space<hbm>>
      tpu.enqueue_dma source(%arg8 : memref<96x128xf32, #tpu.memory_space<vmem>>) target(%dma_start3A_1237 : memref<96x128xf32, #tpu.memory_space<hbm>>) target_semaphore(%run_scoped3A_1231 : memref<!tpu.dma_semaphore, #tpu.memory_space<semaphore_mem>>)
      %dma_wait3A_1238 = arith.constant 0 : i32
      %dma_wait3A_1239 = tpu.memref_slice %arg4[%arg0, %add3A_1230, %dma_wait3A_1238] : memref<2x10112x128xf32, #tpu.memory_space<hbm>> -> memref<1x96x128xf32, #tpu.memory_space<hbm>>
      %dma_wait3A_1240 = tpu.memref_squeeze %dma_wait3A_1239 : memref<1x96x128xf32, #tpu.memory_space<hbm>> -> memref<96x128xf32, #tpu.memory_space<hbm>>
      %dma_wait3A_1241 = arith.constant 0 : i32
      %dma_wait3A_1242 = tpu.memref_slice %arg4[%arg0, %add3A_1230, %dma_wait3A_1241] : memref<2x10112x128xf32, #tpu.memory_space<hbm>> -> memref<1x96x128xf32, #tpu.memory_space<hbm>>
      %dma_wait3A_1243 = tpu.memref_squeeze %dma_wait3A_1242 : memref<1x96x128xf32, #tpu.memory_space<hbm>> -> memref<96x128xf32, #tpu.memory_space<hbm>>
      tpu.wait_dma2 semaphore(%run_scoped3A_1231 : memref<!tpu.dma_semaphore, #tpu.memory_space<semaphore_mem>>) src(%arg8 : memref<96x128xf32, #tpu.memory_space<vmem>>) dst(%dma_wait3A_1243 : memref<96x128xf32, #tpu.memory_space<hbm>>)
      tpu.yield
    }) : () -> ()
    return
  }
}

#map = affine_map<(d0, d1) -> (0, 0)>
#map1 = affine_map<(d0, d1) -> (0, 0, 0)>
module attributes {stable_mosaic.version = 14 : i64} {
  func.func @body(%arg0: i32, %arg1: i32, %arg2: memref<10000x128xf32, #tpu.memory_space<hbm>>, %arg3: memref<3392x2x96xi32, #tpu.memory_space<hbm>>, %arg4: memref<2x10112x128xf32, #tpu.memory_space<hbm>>, %arg5: memref<10112x128xf32, #tpu.memory_space<vmem_shared>>, %arg6: memref<2x96xi32, #tpu.memory_space<vmem>>, %arg7: memref<2x96xi32, #tpu.memory_space<vmem>>, %arg8: memref<96x128xf32, #tpu.memory_space<vmem>>, %arg9: memref<96x128xf32, #tpu.memory_space<vmem>>, %arg10: memref<!tpu.dma_semaphore, #tpu.memory_space<semaphore_mem>>, %arg11: memref<!tpu.dma_semaphore, #tpu.memory_space<semaphore_mem>>) attributes {dimension_semantics = [#tpu.dimension_semantics<core_parallel>, #tpu.dimension_semantics<subcore_parallel>], iteration_bounds = array<i64: 2, 16>, scalar_prefetch = 0 : i64, scratch_operands = 7 : i64, tpu.core_type = #tpu.core_type<sc_vector_subcore>, window_params = [{transform_indices = #map}, {transform_indices = #map1}, {transform_indices = #map1}]} {
    %mul3A = arith.constant 16 : i32
    %mul3A_0 = arith.muli %arg0, %mul3A : i32
    %add3A = arith.addi %mul3A_0, %arg1 : i32
    %broadcast_in_dim3A = arith.constant 0.000000e+00 : f32
    %broadcast_in_dim3A_1 = vector.broadcast %broadcast_in_dim3A : f32 to vector<16xf32>
    %scan3A = arith.constant 0 : i32
    %scan3A_2 = arith.constant 0 : i32
    %scan3A_3 = arith.constant 96 : i32
    %scan3A_4 = arith.addi %scan3A_2, %scan3A_3 : i32
    %scan3A_5 = arith.constant 1 : i32
    scf.for %scan3A_1231 = %scan3A_2 to %scan3A_4 step %scan3A_5  : i32 {
      %swap3A_1232 = arith.index_cast %scan3A_1231 : i32 to index
      %swap3A_1233 = arith.constant 0 : index
      %swap3A_1234 = tpu.vector_load %arg8[%swap3A_1232, %swap3A_1233] {strides = array<i32>} : memref<96x128xf32, #tpu.memory_space<vmem>>, vector<1x16xf32>,
      %swap3A_1235 = vector.shape_cast %swap3A_1234 : vector<1x16xf32> to vector<16xf32>
      %swap3A_1236 = vector.shape_cast %broadcast_in_dim3A_1 : vector<16xf32> to vector<1x16xf32>
      tpu.vector_store %arg8[%swap3A_1232, %swap3A_1233], %swap3A_1236 {strides = array<i32>} : memref<96x128xf32, #tpu.memory_space<vmem>>, vector<1x16xf32>,
      %swap3A_1237 = arith.index_cast %scan3A_1231 : i32 to index
      %swap3A_1238 = arith.constant 16 : index
      %swap3A_1239 = tpu.vector_load %arg8[%swap3A_1237, %swap3A_1238] {strides = array<i32>} : memref<96x128xf32, #tpu.memory_space<vmem>>, vector<1x16xf32>,
      %swap3A_1240 = vector.shape_cast %swap3A_1239 : vector<1x16xf32> to vector<16xf32>
      %swap3A_1241 = vector.shape_cast %broadcast_in_dim3A_1 : vector<16xf32> to vector<1x16xf32>
      tpu.vector_store %arg8[%swap3A_1237, %swap3A_1238], %swap3A_1241 {strides = array<i32>} : memref<96x128xf32, #tpu.memory_space<vmem>>, vector<1x16xf32>,
      %swap3A_1242 = arith.index_cast %scan3A_1231 : i32 to index
      %swap3A_1243 = arith.constant 32 : index
      %swap3A_1244 = tpu.vector_load %arg8[%swap3A_1242, %swap3A_1243] {strides = array<i32>} : memref<96x128xf32, #tpu.memory_space<vmem>>, vector<1x16xf32>,
      %swap3A_1245 = vector.shape_cast %swap3A_1244 : vector<1x16xf32> to vector<16xf32>
      %swap3A_1246 = vector.shape_cast %broadcast_in_dim3A_1 : vector<16xf32> to vector<1x16xf32>
      tpu.vector_store %arg8[%swap3A_1242, %swap3A_1243], %swap3A_1246 {strides = array<i32>} : memref<96x128xf32, #tpu.memory_space<vmem>>, vector<1x16xf32>,
      %swap3A_1247 = arith.index_cast %scan3A_1231 : i32 to index
      %swap3A_1248 = arith.constant 48 : index
      %swap3A_1249 = tpu.vector_load %arg8[%swap3A_1247, %swap3A_1248] {strides = array<i32>} : memref<96x128xf32, #tpu.memory_space<vmem>>, vector<1x16xf32>,
      %swap3A_1250 = vector.shape_cast %swap3A_1249 : vector<1x16xf32> to vector<16xf32>
      %swap3A_1251 = vector.shape_cast %broadcast_in_dim3A_1 : vector<16xf32> to vector<1x16xf32>
      tpu.vector_store %arg8[%swap3A_1247, %swap3A_1248], %swap3A_1251 {strides = array<i32>} : memref<96x128xf32, #tpu.memory_space<vmem>>, vector<1x16xf32>,
      %swap3A_1252 = arith.index_cast %scan3A_1231 : i32 to index
      %swap3A_1253 = arith.constant 64 : index
      %swap3A_1254 = tpu.vector_load %arg8[%swap3A_1252, %swap3A_1253] {strides = array<i32>} : memref<96x128xf32, #tpu.memory_space<vmem>>, vector<1x16xf32>,
      %swap3A_1255 = vector.shape_cast %swap3A_1254 : vector<1x16xf32> to vector<16xf32>
      %swap3A_1256 = vector.shape_cast %broadcast_in_dim3A_1 : vector<16xf32> to vector<1x16xf32>
      tpu.vector_store %arg8[%swap3A_1252, %swap3A_1253], %swap3A_1256 {strides = array<i32>} : memref<96x128xf32, #tpu.memory_space<vmem>>, vector<1x16xf32>,
      %swap3A_1257 = arith.index_cast %scan3A_1231 : i32 to index
      %swap3A_1258 = arith.constant 80 : index
      %swap3A_1259 = tpu.vector_load %arg8[%swap3A_1257, %swap3A_1258] {strides = array<i32>} : memref<96x128xf32, #tpu.memory_space<vmem>>, vector<1x16xf32>,
      %swap3A_1260 = vector.shape_cast %swap3A_1259 : vector<1x16xf32> to vector<16xf32>
      %swap3A_1261 = vector.shape_cast %broadcast_in_dim3A_1 : vector<16xf32> to vector<1x16xf32>
      tpu.vector_store %arg8[%swap3A_1257, %swap3A_1258], %swap3A_1261 {strides = array<i32>} : memref<96x128xf32, #tpu.memory_space<vmem>>, vector<1x16xf32>,
      %swap3A_1262 = arith.index_cast %scan3A_1231 : i32 to index
      %swap3A_1263 = arith.constant 96 : index
      %swap3A_1264 = tpu.vector_load %arg8[%swap3A_1262, %swap3A_1263] {strides = array<i32>} : memref<96x128xf32, #tpu.memory_space<vmem>>, vector<1x16xf32>,
      %swap3A_1265 = vector.shape_cast %swap3A_1264 : vector<1x16xf32> to vector<16xf32>
      %swap3A_1266 = vector.shape_cast %broadcast_in_dim3A_1 : vector<16xf32> to vector<1x16xf32>
      tpu.vector_store %arg8[%swap3A_1262, %swap3A_1263], %swap3A_1266 {strides = array<i32>} : memref<96x128xf32, #tpu.memory_space<vmem>>, vector<1x16xf32>,
      %swap3A_1267 = arith.index_cast %scan3A_1231 : i32 to index
      %swap3A_1268 = arith.constant 112 : index
      %swap3A_1269 = tpu.vector_load %arg8[%swap3A_1267, %swap3A_1268] {strides = array<i32>} : memref<96x128xf32, #tpu.memory_space<vmem>>, vector<1x16xf32>,
      %swap3A_1270 = vector.shape_cast %swap3A_1269 : vector<1x16xf32> to vector<16xf32>
      %swap3A_1271 = vector.shape_cast %broadcast_in_dim3A_1 : vector<16xf32> to vector<1x16xf32>
      tpu.vector_store %arg8[%swap3A_1267, %swap3A_1268], %swap3A_1271 {strides = array<i32>} : memref<96x128xf32, #tpu.memory_space<vmem>>, vector<1x16xf32>,
    }
    %scan3A_6 = arith.constant 96 : i32
    %mul3A_7 = arith.constant 632 : i32
    %mul3A_8 = arith.muli %arg1, %mul3A_7 : i32
    %multiple_of3A = tpu.assume_multiple %mul3A_8, 8 : i32
    %add3A_9 = arith.constant 0 : i32
    %add3A_10 = arith.addi %multiple_of3A, %add3A_9 : i32
    %add3A_11 = arith.constant 0 : i32
    %add3A_12 = arith.addi %add3A_10, %add3A_11 : i32
    %iota3A = tpu.iota {dimensions = array<i32: 0>} : vector<16xi32>
    %add3A_13 = vector.broadcast %add3A_12 : i32 to vector<16xi32>
    %add3A_14 = arith.addi %add3A_13, %iota3A : vector<16xi32>
    %swap3A = arith.constant 0 : i32
    %swap3A_15 = arith.index_cast %swap3A : i32 to index
    %swap3A_16 = arith.constant 0 : index
    %swap3A_17 = tpu.vector_load %arg6[%swap3A_15, %swap3A_16] {strides = array<i32>} : memref<2x96xi32, #tpu.memory_space<vmem>>, vector<1x16xi32>,
    %swap3A_18 = vector.shape_cast %swap3A_17 : vector<1x16xi32> to vector<16xi32>
    %swap3A_19 = vector.shape_cast %add3A_14 : vector<16xi32> to vector<1x16xi32>
    tpu.vector_store %arg6[%swap3A_15, %swap3A_16], %swap3A_19 {strides = array<i32>} : memref<2x96xi32, #tpu.memory_space<vmem>>, vector<1x16xi32>,
    %add3A_20 = arith.constant 0 : i32
    %add3A_21 = arith.addi %multiple_of3A, %add3A_20 : i32
    %add3A_22 = arith.constant 16 : i32
    %add3A_23 = arith.addi %add3A_21, %add3A_22 : i32
    %iota3A_24 = tpu.iota {dimensions = array<i32: 0>} : vector<16xi32>
    %add3A_25 = vector.broadcast %add3A_23 : i32 to vector<16xi32>
    %add3A_26 = arith.addi %add3A_25, %iota3A_24 : vector<16xi32>
    %swap3A_27 = arith.constant 0 : i32
    %swap3A_28 = arith.index_cast %swap3A_27 : i32 to index
    %swap3A_29 = arith.constant 16 : index
    %swap3A_30 = tpu.vector_load %arg6[%swap3A_28, %swap3A_29] {strides = array<i32>} : memref<2x96xi32, #tpu.memory_space<vmem>>, vector<1x16xi32>,
    %swap3A_31 = vector.shape_cast %swap3A_30 : vector<1x16xi32> to vector<16xi32>
    %swap3A_32 = vector.shape_cast %add3A_26 : vector<16xi32> to vector<1x16xi32>
    tpu.vector_store %arg6[%swap3A_28, %swap3A_29], %swap3A_32 {strides = array<i32>} : memref<2x96xi32, #tpu.memory_space<vmem>>, vector<1x16xi32>,
    %add3A_33 = arith.constant 0 : i32
    %add3A_34 = arith.addi %multiple_of3A, %add3A_33 : i32
    %add3A_35 = arith.constant 32 : i32
    %add3A_36 = arith.addi %add3A_34, %add3A_35 : i32
    %iota3A_37 = tpu.iota {dimensions = array<i32: 0>} : vector<16xi32>
    %add3A_38 = vector.broadcast %add3A_36 : i32 to vector<16xi32>
    %add3A_39 = arith.addi %add3A_38, %iota3A_37 : vector<16xi32>
    %swap3A_40 = arith.constant 0 : i32
    %swap3A_41 = arith.index_cast %swap3A_40 : i32 to index
    %swap3A_42 = arith.constant 32 : index
    %swap3A_43 = tpu.vector_load %arg6[%swap3A_41, %swap3A_42] {strides = array<i32>} : memref<2x96xi32, #tpu.memory_space<vmem>>, vector<1x16xi32>,
    %swap3A_44 = vector.shape_cast %swap3A_43 : vector<1x16xi32> to vector<16xi32>
    %swap3A_45 = vector.shape_cast %add3A_39 : vector<16xi32> to vector<1x16xi32>
    tpu.vector_store %arg6[%swap3A_41, %swap3A_42], %swap3A_45 {strides = array<i32>} : memref<2x96xi32, #tpu.memory_space<vmem>>, vector<1x16xi32>,
    %add3A_46 = arith.constant 0 : i32
    %add3A_47 = arith.addi %multiple_of3A, %add3A_46 : i32
    %add3A_48 = arith.constant 48 : i32
    %add3A_49 = arith.addi %add3A_47, %add3A_48 : i32
    %iota3A_50 = tpu.iota {dimensions = array<i32: 0>} : vector<16xi32>
    %add3A_51 = vector.broadcast %add3A_49 : i32 to vector<16xi32>
    %add3A_52 = arith.addi %add3A_51, %iota3A_50 : vector<16xi32>
    %swap3A_53 = arith.constant 0 : i32
    %swap3A_54 = arith.index_cast %swap3A_53 : i32 to index
    %swap3A_55 = arith.constant 48 : index
    %swap3A_56 = tpu.vector_load %arg6[%swap3A_54, %swap3A_55] {strides = array<i32>} : memref<2x96xi32, #tpu.memory_space<vmem>>, vector<1x16xi32>,
    %swap3A_57 = vector.shape_cast %swap3A_56 : vector<1x16xi32> to vector<16xi32>
    %swap3A_58 = vector.shape_cast %add3A_52 : vector<16xi32> to vector<1x16xi32>
    tpu.vector_store %arg6[%swap3A_54, %swap3A_55], %swap3A_58 {strides = array<i32>} : memref<2x96xi32, #tpu.memory_space<vmem>>, vector<1x16xi32>,
    %add3A_59 = arith.constant 0 : i32
    %add3A_60 = arith.addi %multiple_of3A, %add3A_59 : i32
    %add3A_61 = arith.constant 64 : i32
    %add3A_62 = arith.addi %add3A_60, %add3A_61 : i32
    %iota3A_63 = tpu.iota {dimensions = array<i32: 0>} : vector<16xi32>
    %add3A_64 = vector.broadcast %add3A_62 : i32 to vector<16xi32>
    %add3A_65 = arith.addi %add3A_64, %iota3A_63 : vector<16xi32>
    %swap3A_66 = arith.constant 0 : i32
    %swap3A_67 = arith.index_cast %swap3A_66 : i32 to index
    %swap3A_68 = arith.constant 64 : index
    %swap3A_69 = tpu.vector_load %arg6[%swap3A_67, %swap3A_68] {strides = array<i32>} : memref<2x96xi32, #tpu.memory_space<vmem>>, vector<1x16xi32>,
    %swap3A_70 = vector.shape_cast %swap3A_69 : vector<1x16xi32> to vector<16xi32>
    %swap3A_71 = vector.shape_cast %add3A_65 : vector<16xi32> to vector<1x16xi32>
    tpu.vector_store %arg6[%swap3A_67, %swap3A_68], %swap3A_71 {strides = array<i32>} : memref<2x96xi32, #tpu.memory_space<vmem>>, vector<1x16xi32>,
    %add3A_72 = arith.constant 0 : i32
    %add3A_73 = arith.addi %multiple_of3A, %add3A_72 : i32
    %add3A_74 = arith.constant 80 : i32
    %add3A_75 = arith.addi %add3A_73, %add3A_74 : i32
    %iota3A_76 = tpu.iota {dimensions = array<i32: 0>} : vector<16xi32>
    %add3A_77 = vector.broadcast %add3A_75 : i32 to vector<16xi32>
    %add3A_78 = arith.addi %add3A_77, %iota3A_76 : vector<16xi32>
    %swap3A_79 = arith.constant 0 : i32
    %swap3A_80 = arith.index_cast %swap3A_79 : i32 to index
    %swap3A_81 = arith.constant 80 : index
    %swap3A_82 = tpu.vector_load %arg6[%swap3A_80, %swap3A_81] {strides = array<i32>} : memref<2x96xi32, #tpu.memory_space<vmem>>, vector<1x16xi32>,
    %swap3A_83 = vector.shape_cast %swap3A_82 : vector<1x16xi32> to vector<16xi32>
    %swap3A_84 = vector.shape_cast %add3A_78 : vector<16xi32> to vector<1x16xi32>
    tpu.vector_store %arg6[%swap3A_80, %swap3A_81], %swap3A_84 {strides = array<i32>} : memref<2x96xi32, #tpu.memory_space<vmem>>, vector<1x16xi32>,
    %run_scoped3A = arith.constant 0 : i32
    "tpu.region"() ({
      %run_scoped3A_1231 = tpu.sem_alloc : memref<!tpu.dma_semaphore, #tpu.memory_space<semaphore_mem>>
      %dma_start3A_1232 = arith.constant 0 : i32
      %dma_start3A_1233 = tpu.memref_slice %arg6[%run_scoped3A, %dma_start3A_1232] : memref<2x96xi32, #tpu.memory_space<vmem>> -> memref<1x96xi32, #tpu.memory_space<vmem>>
      %dma_start3A_1234 = tpu.memref_squeeze %dma_start3A_1233 : memref<1x96xi32, #tpu.memory_space<vmem>> -> memref<96xi32, #tpu.memory_space<vmem>>
      %dma_start3A_1235 = arith.constant 0 : i32
      %dma_start3A_1236 = arith.constant 0 : i32
      %dma_start3A_1237 = tpu.memref_slice %arg5[%dma_start3A_1235, %dma_start3A_1236] : memref<10112x128xf32, #tpu.memory_space<vmem_shared>> -> memref<10112x128xf32, #tpu.memory_space<vmem_shared>>
      tpu.enqueue_indirect_dma source(%arg8 : memref<96x128xf32, #tpu.memory_space<vmem>>) target(%dma_start3A_1237 : memref<10112x128xf32, #tpu.memory_space<vmem_shared>>) offsets(%dma_start3A_1234 : memref<96xi32, #tpu.memory_space<vmem>>) semaphore(%run_scoped3A_1231 : memref<!tpu.dma_semaphore, #tpu.memory_space<semaphore_mem>>)
      %dma_wait3A_1238 = arith.constant 0 : i32
      %dma_wait3A_1239 = tpu.memref_slice %arg6[%run_scoped3A, %dma_wait3A_1238] : memref<2x96xi32, #tpu.memory_space<vmem>> -> memref<1x96xi32, #tpu.memory_space<vmem>>
      %dma_wait3A_1240 = tpu.memref_squeeze %dma_wait3A_1239 : memref<1x96xi32, #tpu.memory_space<vmem>> -> memref<96xi32, #tpu.memory_space<vmem>>
      %dma_wait3A_1241 = arith.constant 0 : i32
      %dma_wait3A_1242 = arith.constant 0 : i32
      %dma_wait3A_1243 = tpu.memref_slice %arg5[%dma_wait3A_1241, %dma_wait3A_1242] : memref<10112x128xf32, #tpu.memory_space<vmem_shared>> -> memref<10112x128xf32, #tpu.memory_space<vmem_shared>>
      tpu.wait_indirect_dma semaphore(%run_scoped3A_1231 : memref<!tpu.dma_semaphore, #tpu.memory_space<semaphore_mem>>) src(%arg8 : memref<96x128xf32, #tpu.memory_space<vmem>>) dst(%dma_wait3A_1243 : memref<10112x128xf32, #tpu.memory_space<vmem_shared>>)
      tpu.yield
    }) : () -> ()
    %add3A_85 = arith.constant 96 : i32
    %add3A_86 = arith.addi %multiple_of3A, %add3A_85 : i32
    %add3A_87 = arith.constant 0 : i32
    %add3A_88 = arith.addi %add3A_86, %add3A_87 : i32
    %iota3A_89 = tpu.iota {dimensions = array<i32: 0>} : vector<16xi32>
    %add3A_90 = vector.broadcast %add3A_88 : i32 to vector<16xi32>
    %add3A_91 = arith.addi %add3A_90, %iota3A_89 : vector<16xi32>
    %swap3A_92 = arith.constant 0 : i32
    %swap3A_93 = arith.index_cast %swap3A_92 : i32 to index
    %swap3A_94 = arith.constant 0 : index
    %swap3A_95 = tpu.vector_load %arg6[%swap3A_93, %swap3A_94] {strides = array<i32>} : memref<2x96xi32, #tpu.memory_space<vmem>>, vector<1x16xi32>,
    %swap3A_96 = vector.shape_cast %swap3A_95 : vector<1x16xi32> to vector<16xi32>
    %swap3A_97 = vector.shape_cast %add3A_91 : vector<16xi32> to vector<1x16xi32>
    tpu.vector_store %arg6[%swap3A_93, %swap3A_94], %swap3A_97 {strides = array<i32>} : memref<2x96xi32, #tpu.memory_space<vmem>>, vector<1x16xi32>,
    %add3A_98 = arith.constant 96 : i32
    %add3A_99 = arith.addi %multiple_of3A, %add3A_98 : i32
    %add3A_100 = arith.constant 16 : i32
    %add3A_101 = arith.addi %add3A_99, %add3A_100 : i32
    %iota3A_102 = tpu.iota {dimensions = array<i32: 0>} : vector<16xi32>
    %add3A_103 = vector.broadcast %add3A_101 : i32 to vector<16xi32>
    %add3A_104 = arith.addi %add3A_103, %iota3A_102 : vector<16xi32>
    %swap3A_105 = arith.constant 0 : i32
    %swap3A_106 = arith.index_cast %swap3A_105 : i32 to index
    %swap3A_107 = arith.constant 16 : index
    %swap3A_108 = tpu.vector_load %arg6[%swap3A_106, %swap3A_107] {strides = array<i32>} : memref<2x96xi32, #tpu.memory_space<vmem>>, vector<1x16xi32>,
    %swap3A_109 = vector.shape_cast %swap3A_108 : vector<1x16xi32> to vector<16xi32>
    %swap3A_110 = vector.shape_cast %add3A_104 : vector<16xi32> to vector<1x16xi32>
    tpu.vector_store %arg6[%swap3A_106, %swap3A_107], %swap3A_110 {strides = array<i32>} : memref<2x96xi32, #tpu.memory_space<vmem>>, vector<1x16xi32>,
    %add3A_111 = arith.constant 96 : i32
    %add3A_112 = arith.addi %multiple_of3A, %add3A_111 : i32
    %add3A_113 = arith.constant 32 : i32
    %add3A_114 = arith.addi %add3A_112, %add3A_113 : i32
    %iota3A_115 = tpu.iota {dimensions = array<i32: 0>} : vector<16xi32>
    %add3A_116 = vector.broadcast %add3A_114 : i32 to vector<16xi32>
    %add3A_117 = arith.addi %add3A_116, %iota3A_115 : vector<16xi32>
    %swap3A_118 = arith.constant 0 : i32
    %swap3A_119 = arith.index_cast %swap3A_118 : i32 to index
    %swap3A_120 = arith.constant 32 : index
    %swap3A_121 = tpu.vector_load %arg6[%swap3A_119, %swap3A_120] {strides = array<i32>} : memref<2x96xi32, #tpu.memory_space<vmem>>, vector<1x16xi32>,
    %swap3A_122 = vector.shape_cast %swap3A_121 : vector<1x16xi32> to vector<16xi32>
    %swap3A_123 = vector.shape_cast %add3A_117 : vector<16xi32> to vector<1x16xi32>
    tpu.vector_store %arg6[%swap3A_119, %swap3A_120], %swap3A_123 {strides = array<i32>} : memref<2x96xi32, #tpu.memory_space<vmem>>, vector<1x16xi32>,
    %add3A_124 = arith.constant 96 : i32
    %add3A_125 = arith.addi %multiple_of3A, %add3A_124 : i32
    %add3A_126 = arith.constant 48 : i32
    %add3A_127 = arith.addi %add3A_125, %add3A_126 : i32
    %iota3A_128 = tpu.iota {dimensions = array<i32: 0>} : vector<16xi32>
    %add3A_129 = vector.broadcast %add3A_127 : i32 to vector<16xi32>
    %add3A_130 = arith.addi %add3A_129, %iota3A_128 : vector<16xi32>
    %swap3A_131 = arith.constant 0 : i32
    %swap3A_132 = arith.index_cast %swap3A_131 : i32 to index
    %swap3A_133 = arith.constant 48 : index
    %swap3A_134 = tpu.vector_load %arg6[%swap3A_132, %swap3A_133] {strides = array<i32>} : memref<2x96xi32, #tpu.memory_space<vmem>>, vector<1x16xi32>,
    %swap3A_135 = vector.shape_cast %swap3A_134 : vector<1x16xi32> to vector<16xi32>
    %swap3A_136 = vector.shape_cast %add3A_130 : vector<16xi32> to vector<1x16xi32>
    tpu.vector_store %arg6[%swap3A_132, %swap3A_133], %swap3A_136 {strides = array<i32>} : memref<2x96xi32, #tpu.memory_space<vmem>>, vector<1x16xi32>,
    %add3A_137 = arith.constant 96 : i32
    %add3A_138 = arith.addi %multiple_of3A, %add3A_137 : i32
    %add3A_139 = arith.constant 64 : i32
    %add3A_140 = arith.addi %add3A_138, %add3A_139 : i32
    %iota3A_141 = tpu.iota {dimensions = array<i32: 0>} : vector<16xi32>
    %add3A_142 = vector.broadcast %add3A_140 : i32 to vector<16xi32>
    %add3A_143 = arith.addi %add3A_142, %iota3A_141 : vector<16xi32>
    %swap3A_144 = arith.constant 0 : i32
    %swap3A_145 = arith.index_cast %swap3A_144 : i32 to index
    %swap3A_146 = arith.constant 64 : index
    %swap3A_147 = tpu.vector_load %arg6[%swap3A_145, %swap3A_146] {strides = array<i32>} : memref<2x96xi32, #tpu.memory_space<vmem>>, vector<1x16xi32>,
    %swap3A_148 = vector.shape_cast %swap3A_147 : vector<1x16xi32> to vector<16xi32>
    %swap3A_149 = vector.shape_cast %add3A_143 : vector<16xi32> to vector<1x16xi32>
    tpu.vector_store %arg6[%swap3A_145, %swap3A_146], %swap3A_149 {strides = array<i32>} : memref<2x96xi32, #tpu.memory_space<vmem>>, vector<1x16xi32>,
    %add3A_150 = arith.constant 96 : i32
    %add3A_151 = arith.addi %multiple_of3A, %add3A_150 : i32
    %add3A_152 = arith.constant 80 : i32
    %add3A_153 = arith.addi %add3A_151, %add3A_152 : i32
    %iota3A_154 = tpu.iota {dimensions = array<i32: 0>} : vector<16xi32>
    %add3A_155 = vector.broadcast %add3A_153 : i32 to vector<16xi32>
    %add3A_156 = arith.addi %add3A_155, %iota3A_154 : vector<16xi32>
    %swap3A_157 = arith.constant 0 : i32
    %swap3A_158 = arith.index_cast %swap3A_157 : i32 to index
    %swap3A_159 = arith.constant 80 : index
    %swap3A_160 = tpu.vector_load %arg6[%swap3A_158, %swap3A_159] {strides = array<i32>} : memref<2x96xi32, #tpu.memory_space<vmem>>, vector<1x16xi32>,
    %swap3A_161 = vector.shape_cast %swap3A_160 : vector<1x16xi32> to vector<16xi32>
    %swap3A_162 = vector.shape_cast %add3A_156 : vector<16xi32> to vector<1x16xi32>
    tpu.vector_store %arg6[%swap3A_158, %swap3A_159], %swap3A_162 {strides = array<i32>} : memref<2x96xi32, #tpu.memory_space<vmem>>, vector<1x16xi32>,
    %run_scoped3A_163 = arith.constant 0 : i32
    "tpu.region"() ({
      %run_scoped3A_1231 = tpu.sem_alloc : memref<!tpu.dma_semaphore, #tpu.memory_space<semaphore_mem>>
      %dma_start3A_1232 = arith.constant 0 : i32
      %dma_start3A_1233 = tpu.memref_slice %arg6[%run_scoped3A_163, %dma_start3A_1232] : memref<2x96xi32, #tpu.memory_space<vmem>> -> memref<1x96xi32, #tpu.memory_space<vmem>>
      %dma_start3A_1234 = tpu.memref_squeeze %dma_start3A_1233 : memref<1x96xi32, #tpu.memory_space<vmem>> -> memref<96xi32, #tpu.memory_space<vmem>>
      %dma_start3A_1235 = arith.constant 0 : i32
      %dma_start3A_1236 = arith.constant 0 : i32
      %dma_start3A_1237 = tpu.memref_slice %arg5[%dma_start3A_1235, %dma_start3A_1236] : memref<10112x128xf32, #tpu.memory_space<vmem_shared>> -> memref<10112x128xf32, #tpu.memory_space<vmem_shared>>
      tpu.enqueue_indirect_dma source(%arg8 : memref<96x128xf32, #tpu.memory_space<vmem>>) target(%dma_start3A_1237 : memref<10112x128xf32, #tpu.memory_space<vmem_shared>>) offsets(%dma_start3A_1234 : memref<96xi32, #tpu.memory_space<vmem>>) semaphore(%run_scoped3A_1231 : memref<!tpu.dma_semaphore, #tpu.memory_space<semaphore_mem>>)
      %dma_wait3A_1238 = arith.constant 0 : i32
      %dma_wait3A_1239 = tpu.memref_slice %arg6[%run_scoped3A_163, %dma_wait3A_1238] : memref<2x96xi32, #tpu.memory_space<vmem>> -> memref<1x96xi32, #tpu.memory_space<vmem>>
      %dma_wait3A_1240 = tpu.memref_squeeze %dma_wait3A_1239 : memref<1x96xi32, #tpu.memory_space<vmem>> -> memref<96xi32, #tpu.memory_space<vmem>>
      %dma_wait3A_1241 = arith.constant 0 : i32
      %dma_wait3A_1242 = arith.constant 0 : i32
      %dma_wait3A_1243 = tpu.memref_slice %arg5[%dma_wait3A_1241, %dma_wait3A_1242] : memref<10112x128xf32, #tpu.memory_space<vmem_shared>> -> memref<10112x128xf32, #tpu.memory_space<vmem_shared>>
      tpu.wait_indirect_dma semaphore(%run_scoped3A_1231 : memref<!tpu.dma_semaphore, #tpu.memory_space<semaphore_mem>>) src(%arg8 : memref<96x128xf32, #tpu.memory_space<vmem>>) dst(%dma_wait3A_1243 : memref<10112x128xf32, #tpu.memory_space<vmem_shared>>)
      tpu.yield
    }) : () -> ()
    %add3A_164 = arith.constant 192 : i32
    %add3A_165 = arith.addi %multiple_of3A, %add3A_164 : i32
    %add3A_166 = arith.constant 0 : i32
    %add3A_167 = arith.addi %add3A_165, %add3A_166 : i32
    %iota3A_168 = tpu.iota {dimensions = array<i32: 0>} : vector<16xi32>
    %add3A_169 = vector.broadcast %add3A_167 : i32 to vector<16xi32>
    %add3A_170 = arith.addi %add3A_169, %iota3A_168 : vector<16xi32>
    %swap3A_171 = arith.constant 0 : i32
    %swap3A_172 = arith.index_cast %swap3A_171 : i32 to index
    %swap3A_173 = arith.constant 0 : index
    %swap3A_174 = tpu.vector_load %arg6[%swap3A_172, %swap3A_173] {strides = array<i32>} : memref<2x96xi32, #tpu.memory_space<vmem>>, vector<1x16xi32>,
    %swap3A_175 = vector.shape_cast %swap3A_174 : vector<1x16xi32> to vector<16xi32>
    %swap3A_176 = vector.shape_cast %add3A_170 : vector<16xi32> to vector<1x16xi32>
    tpu.vector_store %arg6[%swap3A_172, %swap3A_173], %swap3A_176 {strides = array<i32>} : memref<2x96xi32, #tpu.memory_space<vmem>>, vector<1x16xi32>,
    %add3A_177 = arith.constant 192 : i32
    %add3A_178 = arith.addi %multiple_of3A, %add3A_177 : i32
    %add3A_179 = arith.constant 16 : i32
    %add3A_180 = arith.addi %add3A_178, %add3A_179 : i32
    %iota3A_181 = tpu.iota {dimensions = array<i32: 0>} : vector<16xi32>
    %add3A_182 = vector.broadcast %add3A_180 : i32 to vector<16xi32>
    %add3A_183 = arith.addi %add3A_182, %iota3A_181 : vector<16xi32>
    %swap3A_184 = arith.constant 0 : i32
    %swap3A_185 = arith.index_cast %swap3A_184 : i32 to index
    %swap3A_186 = arith.constant 16 : index
    %swap3A_187 = tpu.vector_load %arg6[%swap3A_185, %swap3A_186] {strides = array<i32>} : memref<2x96xi32, #tpu.memory_space<vmem>>, vector<1x16xi32>,
    %swap3A_188 = vector.shape_cast %swap3A_187 : vector<1x16xi32> to vector<16xi32>
    %swap3A_189 = vector.shape_cast %add3A_183 : vector<16xi32> to vector<1x16xi32>
    tpu.vector_store %arg6[%swap3A_185, %swap3A_186], %swap3A_189 {strides = array<i32>} : memref<2x96xi32, #tpu.memory_space<vmem>>, vector<1x16xi32>,
    %add3A_190 = arith.constant 192 : i32
    %add3A_191 = arith.addi %multiple_of3A, %add3A_190 : i32
    %add3A_192 = arith.constant 32 : i32
    %add3A_193 = arith.addi %add3A_191, %add3A_192 : i32
    %iota3A_194 = tpu.iota {dimensions = array<i32: 0>} : vector<16xi32>
    %add3A_195 = vector.broadcast %add3A_193 : i32 to vector<16xi32>
    %add3A_196 = arith.addi %add3A_195, %iota3A_194 : vector<16xi32>
    %swap3A_197 = arith.constant 0 : i32
    %swap3A_198 = arith.index_cast %swap3A_197 : i32 to index
    %swap3A_199 = arith.constant 32 : index
    %swap3A_200 = tpu.vector_load %arg6[%swap3A_198, %swap3A_199] {strides = array<i32>} : memref<2x96xi32, #tpu.memory_space<vmem>>, vector<1x16xi32>,
    %swap3A_201 = vector.shape_cast %swap3A_200 : vector<1x16xi32> to vector<16xi32>
    %swap3A_202 = vector.shape_cast %add3A_196 : vector<16xi32> to vector<1x16xi32>
    tpu.vector_store %arg6[%swap3A_198, %swap3A_199], %swap3A_202 {strides = array<i32>} : memref<2x96xi32, #tpu.memory_space<vmem>>, vector<1x16xi32>,
    %add3A_203 = arith.constant 192 : i32
    %add3A_204 = arith.addi %multiple_of3A, %add3A_203 : i32
    %add3A_205 = arith.constant 48 : i32
    %add3A_206 = arith.addi %add3A_204, %add3A_205 : i32
    %iota3A_207 = tpu.iota {dimensions = array<i32: 0>} : vector<16xi32>
    %add3A_208 = vector.broadcast %add3A_206 : i32 to vector<16xi32>
    %add3A_209 = arith.addi %add3A_208, %iota3A_207 : vector<16xi32>
    %swap3A_210 = arith.constant 0 : i32
    %swap3A_211 = arith.index_cast %swap3A_210 : i32 to index
    %swap3A_212 = arith.constant 48 : index
    %swap3A_213 = tpu.vector_load %arg6[%swap3A_211, %swap3A_212] {strides = array<i32>} : memref<2x96xi32, #tpu.memory_space<vmem>>, vector<1x16xi32>,
    %swap3A_214 = vector.shape_cast %swap3A_213 : vector<1x16xi32> to vector<16xi32>
    %swap3A_215 = vector.shape_cast %add3A_209 : vector<16xi32> to vector<1x16xi32>
    tpu.vector_store %arg6[%swap3A_211, %swap3A_212], %swap3A_215 {strides = array<i32>} : memref<2x96xi32, #tpu.memory_space<vmem>>, vector<1x16xi32>,
    %add3A_216 = arith.constant 192 : i32
    %add3A_217 = arith.addi %multiple_of3A, %add3A_216 : i32
    %add3A_218 = arith.constant 64 : i32
    %add3A_219 = arith.addi %add3A_217, %add3A_218 : i32
    %iota3A_220 = tpu.iota {dimensions = array<i32: 0>} : vector<16xi32>
    %add3A_221 = vector.broadcast %add3A_219 : i32 to vector<16xi32>
    %add3A_222 = arith.addi %add3A_221, %iota3A_220 : vector<16xi32>
    %swap3A_223 = arith.constant 0 : i32
    %swap3A_224 = arith.index_cast %swap3A_223 : i32 to index
    %swap3A_225 = arith.constant 64 : index
    %swap3A_226 = tpu.vector_load %arg6[%swap3A_224, %swap3A_225] {strides = array<i32>} : memref<2x96xi32, #tpu.memory_space<vmem>>, vector<1x16xi32>,
    %swap3A_227 = vector.shape_cast %swap3A_226 : vector<1x16xi32> to vector<16xi32>
    %swap3A_228 = vector.shape_cast %add3A_222 : vector<16xi32> to vector<1x16xi32>
    tpu.vector_store %arg6[%swap3A_224, %swap3A_225], %swap3A_228 {strides = array<i32>} : memref<2x96xi32, #tpu.memory_space<vmem>>, vector<1x16xi32>,
    %add3A_229 = arith.constant 192 : i32
    %add3A_230 = arith.addi %multiple_of3A, %add3A_229 : i32
    %add3A_231 = arith.constant 80 : i32
    %add3A_232 = arith.addi %add3A_230, %add3A_231 : i32
    %iota3A_233 = tpu.iota {dimensions = array<i32: 0>} : vector<16xi32>
    %add3A_234 = vector.broadcast %add3A_232 : i32 to vector<16xi32>
    %add3A_235 = arith.addi %add3A_234, %iota3A_233 : vector<16xi32>
    %swap3A_236 = arith.constant 0 : i32
    %swap3A_237 = arith.index_cast %swap3A_236 : i32 to index
    %swap3A_238 = arith.constant 80 : index
    %swap3A_239 = tpu.vector_load %arg6[%swap3A_237, %swap3A_238] {strides = array<i32>} : memref<2x96xi32, #tpu.memory_space<vmem>>, vector<1x16xi32>,
    %swap3A_240 = vector.shape_cast %swap3A_239 : vector<1x16xi32> to vector<16xi32>
    %swap3A_241 = vector.shape_cast %add3A_235 : vector<16xi32> to vector<1x16xi32>
    tpu.vector_store %arg6[%swap3A_237, %swap3A_238], %swap3A_241 {strides = array<i32>} : memref<2x96xi32, #tpu.memory_space<vmem>>, vector<1x16xi32>,
    %run_scoped3A_242 = arith.constant 0 : i32
    "tpu.region"() ({
      %run_scoped3A_1231 = tpu.sem_alloc : memref<!tpu.dma_semaphore, #tpu.memory_space<semaphore_mem>>
      %dma_start3A_1232 = arith.constant 0 : i32
      %dma_start3A_1233 = tpu.memref_slice %arg6[%run_scoped3A_242, %dma_start3A_1232] : memref<2x96xi32, #tpu.memory_space<vmem>> -> memref<1x96xi32, #tpu.memory_space<vmem>>
      %dma_start3A_1234 = tpu.memref_squeeze %dma_start3A_1233 : memref<1x96xi32, #tpu.memory_space<vmem>> -> memref<96xi32, #tpu.memory_space<vmem>>
      %dma_start3A_1235 = arith.constant 0 : i32
      %dma_start3A_1236 = arith.constant 0 : i32
      %dma_start3A_1237 = tpu.memref_slice %arg5[%dma_start3A_1235, %dma_start3A_1236] : memref<10112x128xf32, #tpu.memory_space<vmem_shared>> -> memref<10112x128xf32, #tpu.memory_space<vmem_shared>>
      tpu.enqueue_indirect_dma source(%arg8 : memref<96x128xf32, #tpu.memory_space<vmem>>) target(%dma_start3A_1237 : memref<10112x128xf32, #tpu.memory_space<vmem_shared>>) offsets(%dma_start3A_1234 : memref<96xi32, #tpu.memory_space<vmem>>) semaphore(%run_scoped3A_1231 : memref<!tpu.dma_semaphore, #tpu.memory_space<semaphore_mem>>)
      %dma_wait3A_1238 = arith.constant 0 : i32
      %dma_wait3A_1239 = tpu.memref_slice %arg6[%run_scoped3A_242, %dma_wait3A_1238] : memref<2x96xi32, #tpu.memory_space<vmem>> -> memref<1x96xi32, #tpu.memory_space<vmem>>
      %dma_wait3A_1240 = tpu.memref_squeeze %dma_wait3A_1239 : memref<1x96xi32, #tpu.memory_space<vmem>> -> memref<96xi32, #tpu.memory_space<vmem>>
      %dma_wait3A_1241 = arith.constant 0 : i32
      %dma_wait3A_1242 = arith.constant 0 : i32
      %dma_wait3A_1243 = tpu.memref_slice %arg5[%dma_wait3A_1241, %dma_wait3A_1242] : memref<10112x128xf32, #tpu.memory_space<vmem_shared>> -> memref<10112x128xf32, #tpu.memory_space<vmem_shared>>
      tpu.wait_indirect_dma semaphore(%run_scoped3A_1231 : memref<!tpu.dma_semaphore, #tpu.memory_space<semaphore_mem>>) src(%arg8 : memref<96x128xf32, #tpu.memory_space<vmem>>) dst(%dma_wait3A_1243 : memref<10112x128xf32, #tpu.memory_space<vmem_shared>>)
      tpu.yield
    }) : () -> ()
    %add3A_243 = arith.constant 288 : i32
    %add3A_244 = arith.addi %multiple_of3A, %add3A_243 : i32
    %add3A_245 = arith.constant 0 : i32
    %add3A_246 = arith.addi %add3A_244, %add3A_245 : i32
    %iota3A_247 = tpu.iota {dimensions = array<i32: 0>} : vector<16xi32>
    %add3A_248 = vector.broadcast %add3A_246 : i32 to vector<16xi32>
    %add3A_249 = arith.addi %add3A_248, %iota3A_247 : vector<16xi32>
    %swap3A_250 = arith.constant 0 : i32
    %swap3A_251 = arith.index_cast %swap3A_250 : i32 to index
    %swap3A_252 = arith.constant 0 : index
    %swap3A_253 = tpu.vector_load %arg6[%swap3A_251, %swap3A_252] {strides = array<i32>} : memref<2x96xi32, #tpu.memory_space<vmem>>, vector<1x16xi32>,
    %swap3A_254 = vector.shape_cast %swap3A_253 : vector<1x16xi32> to vector<16xi32>
    %swap3A_255 = vector.shape_cast %add3A_249 : vector<16xi32> to vector<1x16xi32>
    tpu.vector_store %arg6[%swap3A_251, %swap3A_252], %swap3A_255 {strides = array<i32>} : memref<2x96xi32, #tpu.memory_space<vmem>>, vector<1x16xi32>,
    %add3A_256 = arith.constant 288 : i32
    %add3A_257 = arith.addi %multiple_of3A, %add3A_256 : i32
    %add3A_258 = arith.constant 16 : i32
    %add3A_259 = arith.addi %add3A_257, %add3A_258 : i32
    %iota3A_260 = tpu.iota {dimensions = array<i32: 0>} : vector<16xi32>
    %add3A_261 = vector.broadcast %add3A_259 : i32 to vector<16xi32>
    %add3A_262 = arith.addi %add3A_261, %iota3A_260 : vector<16xi32>
    %swap3A_263 = arith.constant 0 : i32
    %swap3A_264 = arith.index_cast %swap3A_263 : i32 to index
    %swap3A_265 = arith.constant 16 : index
    %swap3A_266 = tpu.vector_load %arg6[%swap3A_264, %swap3A_265] {strides = array<i32>} : memref<2x96xi32, #tpu.memory_space<vmem>>, vector<1x16xi32>,
    %swap3A_267 = vector.shape_cast %swap3A_266 : vector<1x16xi32> to vector<16xi32>
    %swap3A_268 = vector.shape_cast %add3A_262 : vector<16xi32> to vector<1x16xi32>
    tpu.vector_store %arg6[%swap3A_264, %swap3A_265], %swap3A_268 {strides = array<i32>} : memref<2x96xi32, #tpu.memory_space<vmem>>, vector<1x16xi32>,
    %add3A_269 = arith.constant 288 : i32
    %add3A_270 = arith.addi %multiple_of3A, %add3A_269 : i32
    %add3A_271 = arith.constant 32 : i32
    %add3A_272 = arith.addi %add3A_270, %add3A_271 : i32
    %iota3A_273 = tpu.iota {dimensions = array<i32: 0>} : vector<16xi32>
    %add3A_274 = vector.broadcast %add3A_272 : i32 to vector<16xi32>
    %add3A_275 = arith.addi %add3A_274, %iota3A_273 : vector<16xi32>
    %swap3A_276 = arith.constant 0 : i32
    %swap3A_277 = arith.index_cast %swap3A_276 : i32 to index
    %swap3A_278 = arith.constant 32 : index
    %swap3A_279 = tpu.vector_load %arg6[%swap3A_277, %swap3A_278] {strides = array<i32>} : memref<2x96xi32, #tpu.memory_space<vmem>>, vector<1x16xi32>,
    %swap3A_280 = vector.shape_cast %swap3A_279 : vector<1x16xi32> to vector<16xi32>
    %swap3A_281 = vector.shape_cast %add3A_275 : vector<16xi32> to vector<1x16xi32>
    tpu.vector_store %arg6[%swap3A_277, %swap3A_278], %swap3A_281 {strides = array<i32>} : memref<2x96xi32, #tpu.memory_space<vmem>>, vector<1x16xi32>,
    %add3A_282 = arith.constant 288 : i32
    %add3A_283 = arith.addi %multiple_of3A, %add3A_282 : i32
    %add3A_284 = arith.constant 48 : i32
    %add3A_285 = arith.addi %add3A_283, %add3A_284 : i32
    %iota3A_286 = tpu.iota {dimensions = array<i32: 0>} : vector<16xi32>
    %add3A_287 = vector.broadcast %add3A_285 : i32 to vector<16xi32>
    %add3A_288 = arith.addi %add3A_287, %iota3A_286 : vector<16xi32>
    %swap3A_289 = arith.constant 0 : i32
    %swap3A_290 = arith.index_cast %swap3A_289 : i32 to index
    %swap3A_291 = arith.constant 48 : index
    %swap3A_292 = tpu.vector_load %arg6[%swap3A_290, %swap3A_291] {strides = array<i32>} : memref<2x96xi32, #tpu.memory_space<vmem>>, vector<1x16xi32>,
    %swap3A_293 = vector.shape_cast %swap3A_292 : vector<1x16xi32> to vector<16xi32>
    %swap3A_294 = vector.shape_cast %add3A_288 : vector<16xi32> to vector<1x16xi32>
    tpu.vector_store %arg6[%swap3A_290, %swap3A_291], %swap3A_294 {strides = array<i32>} : memref<2x96xi32, #tpu.memory_space<vmem>>, vector<1x16xi32>,
    %add3A_295 = arith.constant 288 : i32
    %add3A_296 = arith.addi %multiple_of3A, %add3A_295 : i32
    %add3A_297 = arith.constant 64 : i32
    %add3A_298 = arith.addi %add3A_296, %add3A_297 : i32
    %iota3A_299 = tpu.iota {dimensions = array<i32: 0>} : vector<16xi32>
    %add3A_300 = vector.broadcast %add3A_298 : i32 to vector<16xi32>
    %add3A_301 = arith.addi %add3A_300, %iota3A_299 : vector<16xi32>
    %swap3A_302 = arith.constant 0 : i32
    %swap3A_303 = arith.index_cast %swap3A_302 : i32 to index
    %swap3A_304 = arith.constant 64 : index
    %swap3A_305 = tpu.vector_load %arg6[%swap3A_303, %swap3A_304] {strides = array<i32>} : memref<2x96xi32, #tpu.memory_space<vmem>>, vector<1x16xi32>,
    %swap3A_306 = vector.shape_cast %swap3A_305 : vector<1x16xi32> to vector<16xi32>
    %swap3A_307 = vector.shape_cast %add3A_301 : vector<16xi32> to vector<1x16xi32>
    tpu.vector_store %arg6[%swap3A_303, %swap3A_304], %swap3A_307 {strides = array<i32>} : memref<2x96xi32, #tpu.memory_space<vmem>>, vector<1x16xi32>,
    %add3A_308 = arith.constant 288 : i32
    %add3A_309 = arith.addi %multiple_of3A, %add3A_308 : i32
    %add3A_310 = arith.constant 80 : i32
    %add3A_311 = arith.addi %add3A_309, %add3A_310 : i32
    %iota3A_312 = tpu.iota {dimensions = array<i32: 0>} : vector<16xi32>
    %add3A_313 = vector.broadcast %add3A_311 : i32 to vector<16xi32>
    %add3A_314 = arith.addi %add3A_313, %iota3A_312 : vector<16xi32>
    %swap3A_315 = arith.constant 0 : i32
    %swap3A_316 = arith.index_cast %swap3A_315 : i32 to index
    %swap3A_317 = arith.constant 80 : index
    %swap3A_318 = tpu.vector_load %arg6[%swap3A_316, %swap3A_317] {strides = array<i32>} : memref<2x96xi32, #tpu.memory_space<vmem>>, vector<1x16xi32>,
    %swap3A_319 = vector.shape_cast %swap3A_318 : vector<1x16xi32> to vector<16xi32>
    %swap3A_320 = vector.shape_cast %add3A_314 : vector<16xi32> to vector<1x16xi32>
    tpu.vector_store %arg6[%swap3A_316, %swap3A_317], %swap3A_320 {strides = array<i32>} : memref<2x96xi32, #tpu.memory_space<vmem>>, vector<1x16xi32>,
    %run_scoped3A_321 = arith.constant 0 : i32
    "tpu.region"() ({
      %run_scoped3A_1231 = tpu.sem_alloc : memref<!tpu.dma_semaphore, #tpu.memory_space<semaphore_mem>>
      %dma_start3A_1232 = arith.constant 0 : i32
      %dma_start3A_1233 = tpu.memref_slice %arg6[%run_scoped3A_321, %dma_start3A_1232] : memref<2x96xi32, #tpu.memory_space<vmem>> -> memref<1x96xi32, #tpu.memory_space<vmem>>
      %dma_start3A_1234 = tpu.memref_squeeze %dma_start3A_1233 : memref<1x96xi32, #tpu.memory_space<vmem>> -> memref<96xi32, #tpu.memory_space<vmem>>
      %dma_start3A_1235 = arith.constant 0 : i32
      %dma_start3A_1236 = arith.constant 0 : i32
      %dma_start3A_1237 = tpu.memref_slice %arg5[%dma_start3A_1235, %dma_start3A_1236] : memref<10112x128xf32, #tpu.memory_space<vmem_shared>> -> memref<10112x128xf32, #tpu.memory_space<vmem_shared>>
      tpu.enqueue_indirect_dma source(%arg8 : memref<96x128xf32, #tpu.memory_space<vmem>>) target(%dma_start3A_1237 : memref<10112x128xf32, #tpu.memory_space<vmem_shared>>) offsets(%dma_start3A_1234 : memref<96xi32, #tpu.memory_space<vmem>>) semaphore(%run_scoped3A_1231 : memref<!tpu.dma_semaphore, #tpu.memory_space<semaphore_mem>>)
      %dma_wait3A_1238 = arith.constant 0 : i32
      %dma_wait3A_1239 = tpu.memref_slice %arg6[%run_scoped3A_321, %dma_wait3A_1238] : memref<2x96xi32, #tpu.memory_space<vmem>> -> memref<1x96xi32, #tpu.memory_space<vmem>>
      %dma_wait3A_1240 = tpu.memref_squeeze %dma_wait3A_1239 : memref<1x96xi32, #tpu.memory_space<vmem>> -> memref<96xi32, #tpu.memory_space<vmem>>
      %dma_wait3A_1241 = arith.constant 0 : i32
      %dma_wait3A_1242 = arith.constant 0 : i32
      %dma_wait3A_1243 = tpu.memref_slice %arg5[%dma_wait3A_1241, %dma_wait3A_1242] : memref<10112x128xf32, #tpu.memory_space<vmem_shared>> -> memref<10112x128xf32, #tpu.memory_space<vmem_shared>>
      tpu.wait_indirect_dma semaphore(%run_scoped3A_1231 : memref<!tpu.dma_semaphore, #tpu.memory_space<semaphore_mem>>) src(%arg8 : memref<96x128xf32, #tpu.memory_space<vmem>>) dst(%dma_wait3A_1243 : memref<10112x128xf32, #tpu.memory_space<vmem_shared>>)
      tpu.yield
    }) : () -> ()
    %add3A_322 = arith.constant 384 : i32
    %add3A_323 = arith.addi %multiple_of3A, %add3A_322 : i32
    %add3A_324 = arith.constant 0 : i32
    %add3A_325 = arith.addi %add3A_323, %add3A_324 : i32
    %iota3A_326 = tpu.iota {dimensions = array<i32: 0>} : vector<16xi32>
    %add3A_327 = vector.broadcast %add3A_325 : i32 to vector<16xi32>
    %add3A_328 = arith.addi %add3A_327, %iota3A_326 : vector<16xi32>
    %swap3A_329 = arith.constant 0 : i32
    %swap3A_330 = arith.index_cast %swap3A_329 : i32 to index
    %swap3A_331 = arith.constant 0 : index
    %swap3A_332 = tpu.vector_load %arg6[%swap3A_330, %swap3A_331] {strides = array<i32>} : memref<2x96xi32, #tpu.memory_space<vmem>>, vector<1x16xi32>,
    %swap3A_333 = vector.shape_cast %swap3A_332 : vector<1x16xi32> to vector<16xi32>
    %swap3A_334 = vector.shape_cast %add3A_328 : vector<16xi32> to vector<1x16xi32>
    tpu.vector_store %arg6[%swap3A_330, %swap3A_331], %swap3A_334 {strides = array<i32>} : memref<2x96xi32, #tpu.memory_space<vmem>>, vector<1x16xi32>,
    %add3A_335 = arith.constant 384 : i32
    %add3A_336 = arith.addi %multiple_of3A, %add3A_335 : i32
    %add3A_337 = arith.constant 16 : i32
    %add3A_338 = arith.addi %add3A_336, %add3A_337 : i32
    %iota3A_339 = tpu.iota {dimensions = array<i32: 0>} : vector<16xi32>
    %add3A_340 = vector.broadcast %add3A_338 : i32 to vector<16xi32>
    %add3A_341 = arith.addi %add3A_340, %iota3A_339 : vector<16xi32>
    %swap3A_342 = arith.constant 0 : i32
    %swap3A_343 = arith.index_cast %swap3A_342 : i32 to index
    %swap3A_344 = arith.constant 16 : index
    %swap3A_345 = tpu.vector_load %arg6[%swap3A_343, %swap3A_344] {strides = array<i32>} : memref<2x96xi32, #tpu.memory_space<vmem>>, vector<1x16xi32>,
    %swap3A_346 = vector.shape_cast %swap3A_345 : vector<1x16xi32> to vector<16xi32>
    %swap3A_347 = vector.shape_cast %add3A_341 : vector<16xi32> to vector<1x16xi32>
    tpu.vector_store %arg6[%swap3A_343, %swap3A_344], %swap3A_347 {strides = array<i32>} : memref<2x96xi32, #tpu.memory_space<vmem>>, vector<1x16xi32>,
    %add3A_348 = arith.constant 384 : i32
    %add3A_349 = arith.addi %multiple_of3A, %add3A_348 : i32
    %add3A_350 = arith.constant 32 : i32
    %add3A_351 = arith.addi %add3A_349, %add3A_350 : i32
    %iota3A_352 = tpu.iota {dimensions = array<i32: 0>} : vector<16xi32>
    %add3A_353 = vector.broadcast %add3A_351 : i32 to vector<16xi32>
    %add3A_354 = arith.addi %add3A_353, %iota3A_352 : vector<16xi32>
    %swap3A_355 = arith.constant 0 : i32
    %swap3A_356 = arith.index_cast %swap3A_355 : i32 to index
    %swap3A_357 = arith.constant 32 : index
    %swap3A_358 = tpu.vector_load %arg6[%swap3A_356, %swap3A_357] {strides = array<i32>} : memref<2x96xi32, #tpu.memory_space<vmem>>, vector<1x16xi32>,
    %swap3A_359 = vector.shape_cast %swap3A_358 : vector<1x16xi32> to vector<16xi32>
    %swap3A_360 = vector.shape_cast %add3A_354 : vector<16xi32> to vector<1x16xi32>
    tpu.vector_store %arg6[%swap3A_356, %swap3A_357], %swap3A_360 {strides = array<i32>} : memref<2x96xi32, #tpu.memory_space<vmem>>, vector<1x16xi32>,
    %add3A_361 = arith.constant 384 : i32
    %add3A_362 = arith.addi %multiple_of3A, %add3A_361 : i32
    %add3A_363 = arith.constant 48 : i32
    %add3A_364 = arith.addi %add3A_362, %add3A_363 : i32
    %iota3A_365 = tpu.iota {dimensions = array<i32: 0>} : vector<16xi32>
    %add3A_366 = vector.broadcast %add3A_364 : i32 to vector<16xi32>
    %add3A_367 = arith.addi %add3A_366, %iota3A_365 : vector<16xi32>
    %swap3A_368 = arith.constant 0 : i32
    %swap3A_369 = arith.index_cast %swap3A_368 : i32 to index
    %swap3A_370 = arith.constant 48 : index
    %swap3A_371 = tpu.vector_load %arg6[%swap3A_369, %swap3A_370] {strides = array<i32>} : memref<2x96xi32, #tpu.memory_space<vmem>>, vector<1x16xi32>,
    %swap3A_372 = vector.shape_cast %swap3A_371 : vector<1x16xi32> to vector<16xi32>
    %swap3A_373 = vector.shape_cast %add3A_367 : vector<16xi32> to vector<1x16xi32>
    tpu.vector_store %arg6[%swap3A_369, %swap3A_370], %swap3A_373 {strides = array<i32>} : memref<2x96xi32, #tpu.memory_space<vmem>>, vector<1x16xi32>,
    %add3A_374 = arith.constant 384 : i32
    %add3A_375 = arith.addi %multiple_of3A, %add3A_374 : i32
    %add3A_376 = arith.constant 64 : i32
    %add3A_377 = arith.addi %add3A_375, %add3A_376 : i32
    %iota3A_378 = tpu.iota {dimensions = array<i32: 0>} : vector<16xi32>
    %add3A_379 = vector.broadcast %add3A_377 : i32 to vector<16xi32>
    %add3A_380 = arith.addi %add3A_379, %iota3A_378 : vector<16xi32>
    %swap3A_381 = arith.constant 0 : i32
    %swap3A_382 = arith.index_cast %swap3A_381 : i32 to index
    %swap3A_383 = arith.constant 64 : index
    %swap3A_384 = tpu.vector_load %arg6[%swap3A_382, %swap3A_383] {strides = array<i32>} : memref<2x96xi32, #tpu.memory_space<vmem>>, vector<1x16xi32>,
    %swap3A_385 = vector.shape_cast %swap3A_384 : vector<1x16xi32> to vector<16xi32>
    %swap3A_386 = vector.shape_cast %add3A_380 : vector<16xi32> to vector<1x16xi32>
    tpu.vector_store %arg6[%swap3A_382, %swap3A_383], %swap3A_386 {strides = array<i32>} : memref<2x96xi32, #tpu.memory_space<vmem>>, vector<1x16xi32>,
    %add3A_387 = arith.constant 384 : i32
    %add3A_388 = arith.addi %multiple_of3A, %add3A_387 : i32
    %add3A_389 = arith.constant 80 : i32
    %add3A_390 = arith.addi %add3A_388, %add3A_389 : i32
    %iota3A_391 = tpu.iota {dimensions = array<i32: 0>} : vector<16xi32>
    %add3A_392 = vector.broadcast %add3A_390 : i32 to vector<16xi32>
    %add3A_393 = arith.addi %add3A_392, %iota3A_391 : vector<16xi32>
    %swap3A_394 = arith.constant 0 : i32
    %swap3A_395 = arith.index_cast %swap3A_394 : i32 to index
    %swap3A_396 = arith.constant 80 : index
    %swap3A_397 = tpu.vector_load %arg6[%swap3A_395, %swap3A_396] {strides = array<i32>} : memref<2x96xi32, #tpu.memory_space<vmem>>, vector<1x16xi32>,
    %swap3A_398 = vector.shape_cast %swap3A_397 : vector<1x16xi32> to vector<16xi32>
    %swap3A_399 = vector.shape_cast %add3A_393 : vector<16xi32> to vector<1x16xi32>
    tpu.vector_store %arg6[%swap3A_395, %swap3A_396], %swap3A_399 {strides = array<i32>} : memref<2x96xi32, #tpu.memory_space<vmem>>, vector<1x16xi32>,
    %run_scoped3A_400 = arith.constant 0 : i32
    "tpu.region"() ({
      %run_scoped3A_1231 = tpu.sem_alloc : memref<!tpu.dma_semaphore, #tpu.memory_space<semaphore_mem>>
      %dma_start3A_1232 = arith.constant 0 : i32
      %dma_start3A_1233 = tpu.memref_slice %arg6[%run_scoped3A_400, %dma_start3A_1232] : memref<2x96xi32, #tpu.memory_space<vmem>> -> memref<1x96xi32, #tpu.memory_space<vmem>>
      %dma_start3A_1234 = tpu.memref_squeeze %dma_start3A_1233 : memref<1x96xi32, #tpu.memory_space<vmem>> -> memref<96xi32, #tpu.memory_space<vmem>>
      %dma_start3A_1235 = arith.constant 0 : i32
      %dma_start3A_1236 = arith.constant 0 : i32
      %dma_start3A_1237 = tpu.memref_slice %arg5[%dma_start3A_1235, %dma_start3A_1236] : memref<10112x128xf32, #tpu.memory_space<vmem_shared>> -> memref<10112x128xf32, #tpu.memory_space<vmem_shared>>
      tpu.enqueue_indirect_dma source(%arg8 : memref<96x128xf32, #tpu.memory_space<vmem>>) target(%dma_start3A_1237 : memref<10112x128xf32, #tpu.memory_space<vmem_shared>>) offsets(%dma_start3A_1234 : memref<96xi32, #tpu.memory_space<vmem>>) semaphore(%run_scoped3A_1231 : memref<!tpu.dma_semaphore, #tpu.memory_space<semaphore_mem>>)
      %dma_wait3A_1238 = arith.constant 0 : i32
      %dma_wait3A_1239 = tpu.memref_slice %arg6[%run_scoped3A_400, %dma_wait3A_1238] : memref<2x96xi32, #tpu.memory_space<vmem>> -> memref<1x96xi32, #tpu.memory_space<vmem>>
      %dma_wait3A_1240 = tpu.memref_squeeze %dma_wait3A_1239 : memref<1x96xi32, #tpu.memory_space<vmem>> -> memref<96xi32, #tpu.memory_space<vmem>>
      %dma_wait3A_1241 = arith.constant 0 : i32
      %dma_wait3A_1242 = arith.constant 0 : i32
      %dma_wait3A_1243 = tpu.memref_slice %arg5[%dma_wait3A_1241, %dma_wait3A_1242] : memref<10112x128xf32, #tpu.memory_space<vmem_shared>> -> memref<10112x128xf32, #tpu.memory_space<vmem_shared>>
      tpu.wait_indirect_dma semaphore(%run_scoped3A_1231 : memref<!tpu.dma_semaphore, #tpu.memory_space<semaphore_mem>>) src(%arg8 : memref<96x128xf32, #tpu.memory_space<vmem>>) dst(%dma_wait3A_1243 : memref<10112x128xf32, #tpu.memory_space<vmem_shared>>)
      tpu.yield
    }) : () -> ()
    %add3A_401 = arith.constant 480 : i32
    %add3A_402 = arith.addi %multiple_of3A, %add3A_401 : i32
    %add3A_403 = arith.constant 0 : i32
    %add3A_404 = arith.addi %add3A_402, %add3A_403 : i32
    %iota3A_405 = tpu.iota {dimensions = array<i32: 0>} : vector<16xi32>
    %add3A_406 = vector.broadcast %add3A_404 : i32 to vector<16xi32>
    %add3A_407 = arith.addi %add3A_406, %iota3A_405 : vector<16xi32>
    %swap3A_408 = arith.constant 0 : i32
    %swap3A_409 = arith.index_cast %swap3A_408 : i32 to index
    %swap3A_410 = arith.constant 0 : index
    %swap3A_411 = tpu.vector_load %arg6[%swap3A_409, %swap3A_410] {strides = array<i32>} : memref<2x96xi32, #tpu.memory_space<vmem>>, vector<1x16xi32>,
    %swap3A_412 = vector.shape_cast %swap3A_411 : vector<1x16xi32> to vector<16xi32>
    %swap3A_413 = vector.shape_cast %add3A_407 : vector<16xi32> to vector<1x16xi32>
    tpu.vector_store %arg6[%swap3A_409, %swap3A_410], %swap3A_413 {strides = array<i32>} : memref<2x96xi32, #tpu.memory_space<vmem>>, vector<1x16xi32>,
    %add3A_414 = arith.constant 480 : i32
    %add3A_415 = arith.addi %multiple_of3A, %add3A_414 : i32
    %add3A_416 = arith.constant 16 : i32
    %add3A_417 = arith.addi %add3A_415, %add3A_416 : i32
    %iota3A_418 = tpu.iota {dimensions = array<i32: 0>} : vector<16xi32>
    %add3A_419 = vector.broadcast %add3A_417 : i32 to vector<16xi32>
    %add3A_420 = arith.addi %add3A_419, %iota3A_418 : vector<16xi32>
    %swap3A_421 = arith.constant 0 : i32
    %swap3A_422 = arith.index_cast %swap3A_421 : i32 to index
    %swap3A_423 = arith.constant 16 : index
    %swap3A_424 = tpu.vector_load %arg6[%swap3A_422, %swap3A_423] {strides = array<i32>} : memref<2x96xi32, #tpu.memory_space<vmem>>, vector<1x16xi32>,
    %swap3A_425 = vector.shape_cast %swap3A_424 : vector<1x16xi32> to vector<16xi32>
    %swap3A_426 = vector.shape_cast %add3A_420 : vector<16xi32> to vector<1x16xi32>
    tpu.vector_store %arg6[%swap3A_422, %swap3A_423], %swap3A_426 {strides = array<i32>} : memref<2x96xi32, #tpu.memory_space<vmem>>, vector<1x16xi32>,
    %add3A_427 = arith.constant 480 : i32
    %add3A_428 = arith.addi %multiple_of3A, %add3A_427 : i32
    %add3A_429 = arith.constant 32 : i32
    %add3A_430 = arith.addi %add3A_428, %add3A_429 : i32
    %iota3A_431 = tpu.iota {dimensions = array<i32: 0>} : vector<16xi32>
    %add3A_432 = vector.broadcast %add3A_430 : i32 to vector<16xi32>
    %add3A_433 = arith.addi %add3A_432, %iota3A_431 : vector<16xi32>
    %swap3A_434 = arith.constant 0 : i32
    %swap3A_435 = arith.index_cast %swap3A_434 : i32 to index
    %swap3A_436 = arith.constant 32 : index
    %swap3A_437 = tpu.vector_load %arg6[%swap3A_435, %swap3A_436] {strides = array<i32>} : memref<2x96xi32, #tpu.memory_space<vmem>>, vector<1x16xi32>,
    %swap3A_438 = vector.shape_cast %swap3A_437 : vector<1x16xi32> to vector<16xi32>
    %swap3A_439 = vector.shape_cast %add3A_433 : vector<16xi32> to vector<1x16xi32>
    tpu.vector_store %arg6[%swap3A_435, %swap3A_436], %swap3A_439 {strides = array<i32>} : memref<2x96xi32, #tpu.memory_space<vmem>>, vector<1x16xi32>,
    %add3A_440 = arith.constant 480 : i32
    %add3A_441 = arith.addi %multiple_of3A, %add3A_440 : i32
    %add3A_442 = arith.constant 48 : i32
    %add3A_443 = arith.addi %add3A_441, %add3A_442 : i32
    %iota3A_444 = tpu.iota {dimensions = array<i32: 0>} : vector<16xi32>
    %add3A_445 = vector.broadcast %add3A_443 : i32 to vector<16xi32>
    %add3A_446 = arith.addi %add3A_445, %iota3A_444 : vector<16xi32>
    %swap3A_447 = arith.constant 0 : i32
    %swap3A_448 = arith.index_cast %swap3A_447 : i32 to index
    %swap3A_449 = arith.constant 48 : index
    %swap3A_450 = tpu.vector_load %arg6[%swap3A_448, %swap3A_449] {strides = array<i32>} : memref<2x96xi32, #tpu.memory_space<vmem>>, vector<1x16xi32>,
    %swap3A_451 = vector.shape_cast %swap3A_450 : vector<1x16xi32> to vector<16xi32>
    %swap3A_452 = vector.shape_cast %add3A_446 : vector<16xi32> to vector<1x16xi32>
    tpu.vector_store %arg6[%swap3A_448, %swap3A_449], %swap3A_452 {strides = array<i32>} : memref<2x96xi32, #tpu.memory_space<vmem>>, vector<1x16xi32>,
    %add3A_453 = arith.constant 480 : i32
    %add3A_454 = arith.addi %multiple_of3A, %add3A_453 : i32
    %add3A_455 = arith.constant 64 : i32
    %add3A_456 = arith.addi %add3A_454, %add3A_455 : i32
    %iota3A_457 = tpu.iota {dimensions = array<i32: 0>} : vector<16xi32>
    %add3A_458 = vector.broadcast %add3A_456 : i32 to vector<16xi32>
    %add3A_459 = arith.addi %add3A_458, %iota3A_457 : vector<16xi32>
    %swap3A_460 = arith.constant 0 : i32
    %swap3A_461 = arith.index_cast %swap3A_460 : i32 to index
    %swap3A_462 = arith.constant 64 : index
    %swap3A_463 = tpu.vector_load %arg6[%swap3A_461, %swap3A_462] {strides = array<i32>} : memref<2x96xi32, #tpu.memory_space<vmem>>, vector<1x16xi32>,
    %swap3A_464 = vector.shape_cast %swap3A_463 : vector<1x16xi32> to vector<16xi32>
    %swap3A_465 = vector.shape_cast %add3A_459 : vector<16xi32> to vector<1x16xi32>
    tpu.vector_store %arg6[%swap3A_461, %swap3A_462], %swap3A_465 {strides = array<i32>} : memref<2x96xi32, #tpu.memory_space<vmem>>, vector<1x16xi32>,
    %add3A_466 = arith.constant 480 : i32
    %add3A_467 = arith.addi %multiple_of3A, %add3A_466 : i32
    %add3A_468 = arith.constant 80 : i32
    %add3A_469 = arith.addi %add3A_467, %add3A_468 : i32
    %iota3A_470 = tpu.iota {dimensions = array<i32: 0>} : vector<16xi32>
    %add3A_471 = vector.broadcast %add3A_469 : i32 to vector<16xi32>
    %add3A_472 = arith.addi %add3A_471, %iota3A_470 : vector<16xi32>
    %swap3A_473 = arith.constant 0 : i32
    %swap3A_474 = arith.index_cast %swap3A_473 : i32 to index
    %swap3A_475 = arith.constant 80 : index
    %swap3A_476 = tpu.vector_load %arg6[%swap3A_474, %swap3A_475] {strides = array<i32>} : memref<2x96xi32, #tpu.memory_space<vmem>>, vector<1x16xi32>,
    %swap3A_477 = vector.shape_cast %swap3A_476 : vector<1x16xi32> to vector<16xi32>
    %swap3A_478 = vector.shape_cast %add3A_472 : vector<16xi32> to vector<1x16xi32>
    tpu.vector_store %arg6[%swap3A_474, %swap3A_475], %swap3A_478 {strides = array<i32>} : memref<2x96xi32, #tpu.memory_space<vmem>>, vector<1x16xi32>,
    %run_scoped3A_479 = arith.constant 0 : i32
    "tpu.region"() ({
      %run_scoped3A_1231 = tpu.sem_alloc : memref<!tpu.dma_semaphore, #tpu.memory_space<semaphore_mem>>
      %dma_start3A_1232 = arith.constant 0 : i32
      %dma_start3A_1233 = tpu.memref_slice %arg6[%run_scoped3A_479, %dma_start3A_1232] : memref<2x96xi32, #tpu.memory_space<vmem>> -> memref<1x96xi32, #tpu.memory_space<vmem>>
      %dma_start3A_1234 = tpu.memref_squeeze %dma_start3A_1233 : memref<1x96xi32, #tpu.memory_space<vmem>> -> memref<96xi32, #tpu.memory_space<vmem>>
      %dma_start3A_1235 = arith.constant 0 : i32
      %dma_start3A_1236 = arith.constant 0 : i32
      %dma_start3A_1237 = tpu.memref_slice %arg5[%dma_start3A_1235, %dma_start3A_1236] : memref<10112x128xf32, #tpu.memory_space<vmem_shared>> -> memref<10112x128xf32, #tpu.memory_space<vmem_shared>>
      tpu.enqueue_indirect_dma source(%arg8 : memref<96x128xf32, #tpu.memory_space<vmem>>) target(%dma_start3A_1237 : memref<10112x128xf32, #tpu.memory_space<vmem_shared>>) offsets(%dma_start3A_1234 : memref<96xi32, #tpu.memory_space<vmem>>) semaphore(%run_scoped3A_1231 : memref<!tpu.dma_semaphore, #tpu.memory_space<semaphore_mem>>)
      %dma_wait3A_1238 = arith.constant 0 : i32
      %dma_wait3A_1239 = tpu.memref_slice %arg6[%run_scoped3A_479, %dma_wait3A_1238] : memref<2x96xi32, #tpu.memory_space<vmem>> -> memref<1x96xi32, #tpu.memory_space<vmem>>
      %dma_wait3A_1240 = tpu.memref_squeeze %dma_wait3A_1239 : memref<1x96xi32, #tpu.memory_space<vmem>> -> memref<96xi32, #tpu.memory_space<vmem>>
      %dma_wait3A_1241 = arith.constant 0 : i32
      %dma_wait3A_1242 = arith.constant 0 : i32
      %dma_wait3A_1243 = tpu.memref_slice %arg5[%dma_wait3A_1241, %dma_wait3A_1242] : memref<10112x128xf32, #tpu.memory_space<vmem_shared>> -> memref<10112x128xf32, #tpu.memory_space<vmem_shared>>
      tpu.wait_indirect_dma semaphore(%run_scoped3A_1231 : memref<!tpu.dma_semaphore, #tpu.memory_space<semaphore_mem>>) src(%arg8 : memref<96x128xf32, #tpu.memory_space<vmem>>) dst(%dma_wait3A_1243 : memref<10112x128xf32, #tpu.memory_space<vmem_shared>>)
      tpu.yield
    }) : () -> ()
    %add3A_480 = arith.constant 536 : i32
    %add3A_481 = arith.addi %multiple_of3A, %add3A_480 : i32
    %add3A_482 = arith.constant 0 : i32
    %add3A_483 = arith.addi %add3A_481, %add3A_482 : i32
    %iota3A_484 = tpu.iota {dimensions = array<i32: 0>} : vector<16xi32>
    %add3A_485 = vector.broadcast %add3A_483 : i32 to vector<16xi32>
    %add3A_486 = arith.addi %add3A_485, %iota3A_484 : vector<16xi32>
    %swap3A_487 = arith.constant 0 : i32
    %swap3A_488 = arith.index_cast %swap3A_487 : i32 to index
    %swap3A_489 = arith.constant 0 : index
    %swap3A_490 = tpu.vector_load %arg6[%swap3A_488, %swap3A_489] {strides = array<i32>} : memref<2x96xi32, #tpu.memory_space<vmem>>, vector<1x16xi32>,
    %swap3A_491 = vector.shape_cast %swap3A_490 : vector<1x16xi32> to vector<16xi32>
    %swap3A_492 = vector.shape_cast %add3A_486 : vector<16xi32> to vector<1x16xi32>
    tpu.vector_store %arg6[%swap3A_488, %swap3A_489], %swap3A_492 {strides = array<i32>} : memref<2x96xi32, #tpu.memory_space<vmem>>, vector<1x16xi32>,
    %add3A_493 = arith.constant 536 : i32
    %add3A_494 = arith.addi %multiple_of3A, %add3A_493 : i32
    %add3A_495 = arith.constant 16 : i32
    %add3A_496 = arith.addi %add3A_494, %add3A_495 : i32
    %iota3A_497 = tpu.iota {dimensions = array<i32: 0>} : vector<16xi32>
    %add3A_498 = vector.broadcast %add3A_496 : i32 to vector<16xi32>
    %add3A_499 = arith.addi %add3A_498, %iota3A_497 : vector<16xi32>
    %swap3A_500 = arith.constant 0 : i32
    %swap3A_501 = arith.index_cast %swap3A_500 : i32 to index
    %swap3A_502 = arith.constant 16 : index
    %swap3A_503 = tpu.vector_load %arg6[%swap3A_501, %swap3A_502] {strides = array<i32>} : memref<2x96xi32, #tpu.memory_space<vmem>>, vector<1x16xi32>,
    %swap3A_504 = vector.shape_cast %swap3A_503 : vector<1x16xi32> to vector<16xi32>
    %swap3A_505 = vector.shape_cast %add3A_499 : vector<16xi32> to vector<1x16xi32>
    tpu.vector_store %arg6[%swap3A_501, %swap3A_502], %swap3A_505 {strides = array<i32>} : memref<2x96xi32, #tpu.memory_space<vmem>>, vector<1x16xi32>,
    %add3A_506 = arith.constant 536 : i32
    %add3A_507 = arith.addi %multiple_of3A, %add3A_506 : i32
    %add3A_508 = arith.constant 32 : i32
    %add3A_509 = arith.addi %add3A_507, %add3A_508 : i32
    %iota3A_510 = tpu.iota {dimensions = array<i32: 0>} : vector<16xi32>
    %add3A_511 = vector.broadcast %add3A_509 : i32 to vector<16xi32>
    %add3A_512 = arith.addi %add3A_511, %iota3A_510 : vector<16xi32>
    %swap3A_513 = arith.constant 0 : i32
    %swap3A_514 = arith.index_cast %swap3A_513 : i32 to index
    %swap3A_515 = arith.constant 32 : index
    %swap3A_516 = tpu.vector_load %arg6[%swap3A_514, %swap3A_515] {strides = array<i32>} : memref<2x96xi32, #tpu.memory_space<vmem>>, vector<1x16xi32>,
    %swap3A_517 = vector.shape_cast %swap3A_516 : vector<1x16xi32> to vector<16xi32>
    %swap3A_518 = vector.shape_cast %add3A_512 : vector<16xi32> to vector<1x16xi32>
    tpu.vector_store %arg6[%swap3A_514, %swap3A_515], %swap3A_518 {strides = array<i32>} : memref<2x96xi32, #tpu.memory_space<vmem>>, vector<1x16xi32>,
    %add3A_519 = arith.constant 536 : i32
    %add3A_520 = arith.addi %multiple_of3A, %add3A_519 : i32
    %add3A_521 = arith.constant 48 : i32
    %add3A_522 = arith.addi %add3A_520, %add3A_521 : i32
    %iota3A_523 = tpu.iota {dimensions = array<i32: 0>} : vector<16xi32>
    %add3A_524 = vector.broadcast %add3A_522 : i32 to vector<16xi32>
    %add3A_525 = arith.addi %add3A_524, %iota3A_523 : vector<16xi32>
    %swap3A_526 = arith.constant 0 : i32
    %swap3A_527 = arith.index_cast %swap3A_526 : i32 to index
    %swap3A_528 = arith.constant 48 : index
    %swap3A_529 = tpu.vector_load %arg6[%swap3A_527, %swap3A_528] {strides = array<i32>} : memref<2x96xi32, #tpu.memory_space<vmem>>, vector<1x16xi32>,
    %swap3A_530 = vector.shape_cast %swap3A_529 : vector<1x16xi32> to vector<16xi32>
    %swap3A_531 = vector.shape_cast %add3A_525 : vector<16xi32> to vector<1x16xi32>
    tpu.vector_store %arg6[%swap3A_527, %swap3A_528], %swap3A_531 {strides = array<i32>} : memref<2x96xi32, #tpu.memory_space<vmem>>, vector<1x16xi32>,
    %add3A_532 = arith.constant 536 : i32
    %add3A_533 = arith.addi %multiple_of3A, %add3A_532 : i32
    %add3A_534 = arith.constant 64 : i32
    %add3A_535 = arith.addi %add3A_533, %add3A_534 : i32
    %iota3A_536 = tpu.iota {dimensions = array<i32: 0>} : vector<16xi32>
    %add3A_537 = vector.broadcast %add3A_535 : i32 to vector<16xi32>
    %add3A_538 = arith.addi %add3A_537, %iota3A_536 : vector<16xi32>
    %swap3A_539 = arith.constant 0 : i32
    %swap3A_540 = arith.index_cast %swap3A_539 : i32 to index
    %swap3A_541 = arith.constant 64 : index
    %swap3A_542 = tpu.vector_load %arg6[%swap3A_540, %swap3A_541] {strides = array<i32>} : memref<2x96xi32, #tpu.memory_space<vmem>>, vector<1x16xi32>,
    %swap3A_543 = vector.shape_cast %swap3A_542 : vector<1x16xi32> to vector<16xi32>
    %swap3A_544 = vector.shape_cast %add3A_538 : vector<16xi32> to vector<1x16xi32>
    tpu.vector_store %arg6[%swap3A_540, %swap3A_541], %swap3A_544 {strides = array<i32>} : memref<2x96xi32, #tpu.memory_space<vmem>>, vector<1x16xi32>,
    %add3A_545 = arith.constant 536 : i32
    %add3A_546 = arith.addi %multiple_of3A, %add3A_545 : i32
    %add3A_547 = arith.constant 80 : i32
    %add3A_548 = arith.addi %add3A_546, %add3A_547 : i32
    %iota3A_549 = tpu.iota {dimensions = array<i32: 0>} : vector<16xi32>
    %add3A_550 = vector.broadcast %add3A_548 : i32 to vector<16xi32>
    %add3A_551 = arith.addi %add3A_550, %iota3A_549 : vector<16xi32>
    %swap3A_552 = arith.constant 0 : i32
    %swap3A_553 = arith.index_cast %swap3A_552 : i32 to index
    %swap3A_554 = arith.constant 80 : index
    %swap3A_555 = tpu.vector_load %arg6[%swap3A_553, %swap3A_554] {strides = array<i32>} : memref<2x96xi32, #tpu.memory_space<vmem>>, vector<1x16xi32>,
    %swap3A_556 = vector.shape_cast %swap3A_555 : vector<1x16xi32> to vector<16xi32>
    %swap3A_557 = vector.shape_cast %add3A_551 : vector<16xi32> to vector<1x16xi32>
    tpu.vector_store %arg6[%swap3A_553, %swap3A_554], %swap3A_557 {strides = array<i32>} : memref<2x96xi32, #tpu.memory_space<vmem>>, vector<1x16xi32>,
    %run_scoped3A_558 = arith.constant 0 : i32
    "tpu.region"() ({
      %run_scoped3A_1231 = tpu.sem_alloc : memref<!tpu.dma_semaphore, #tpu.memory_space<semaphore_mem>>
      %dma_start3A_1232 = arith.constant 0 : i32
      %dma_start3A_1233 = tpu.memref_slice %arg6[%run_scoped3A_558, %dma_start3A_1232] : memref<2x96xi32, #tpu.memory_space<vmem>> -> memref<1x96xi32, #tpu.memory_space<vmem>>
      %dma_start3A_1234 = tpu.memref_squeeze %dma_start3A_1233 : memref<1x96xi32, #tpu.memory_space<vmem>> -> memref<96xi32, #tpu.memory_space<vmem>>
      %dma_start3A_1235 = arith.constant 0 : i32
      %dma_start3A_1236 = arith.constant 0 : i32
      %dma_start3A_1237 = tpu.memref_slice %arg5[%dma_start3A_1235, %dma_start3A_1236] : memref<10112x128xf32, #tpu.memory_space<vmem_shared>> -> memref<10112x128xf32, #tpu.memory_space<vmem_shared>>
      tpu.enqueue_indirect_dma source(%arg8 : memref<96x128xf32, #tpu.memory_space<vmem>>) target(%dma_start3A_1237 : memref<10112x128xf32, #tpu.memory_space<vmem_shared>>) offsets(%dma_start3A_1234 : memref<96xi32, #tpu.memory_space<vmem>>) semaphore(%run_scoped3A_1231 : memref<!tpu.dma_semaphore, #tpu.memory_space<semaphore_mem>>)
      %dma_wait3A_1238 = arith.constant 0 : i32
      %dma_wait3A_1239 = tpu.memref_slice %arg6[%run_scoped3A_558, %dma_wait3A_1238] : memref<2x96xi32, #tpu.memory_space<vmem>> -> memref<1x96xi32, #tpu.memory_space<vmem>>
      %dma_wait3A_1240 = tpu.memref_squeeze %dma_wait3A_1239 : memref<1x96xi32, #tpu.memory_space<vmem>> -> memref<96xi32, #tpu.memory_space<vmem>>
      %dma_wait3A_1241 = arith.constant 0 : i32
      %dma_wait3A_1242 = arith.constant 0 : i32
      %dma_wait3A_1243 = tpu.memref_slice %arg5[%dma_wait3A_1241, %dma_wait3A_1242] : memref<10112x128xf32, #tpu.memory_space<vmem_shared>> -> memref<10112x128xf32, #tpu.memory_space<vmem_shared>>
      tpu.wait_indirect_dma semaphore(%run_scoped3A_1231 : memref<!tpu.dma_semaphore, #tpu.memory_space<semaphore_mem>>) src(%arg8 : memref<96x128xf32, #tpu.memory_space<vmem>>) dst(%dma_wait3A_1243 : memref<10112x128xf32, #tpu.memory_space<vmem_shared>>)
      tpu.yield
    }) : () -> ()
    %barrier3A = arith.constant 0 : index
    tpu.barrier barrier_id(%barrier3A)
    %mul3A_559 = arith.constant 106 : i32
    %mul3A_560 = arith.muli %add3A, %mul3A_559 : i32
    "tpu.region"() ({
      %run_scoped3A_1231 = tpu.sem_alloc : memref<!tpu.dma_semaphore, #tpu.memory_space<semaphore_mem>>
      %dma_start3A_1232 = arith.constant 0 : i32
      %dma_start3A_1233 = arith.constant 0 : i32
      %dma_start3A_1234 = tpu.memref_slice %arg3[%mul3A_560, %dma_start3A_1232, %dma_start3A_1233] : memref<3392x2x96xi32, #tpu.memory_space<hbm>> -> memref<1x2x96xi32, #tpu.memory_space<hbm>>
      %dma_start3A_1235 = tpu.memref_squeeze %dma_start3A_1234 : memref<1x2x96xi32, #tpu.memory_space<hbm>> -> memref<2x96xi32, #tpu.memory_space<hbm>>
      %dma_start3A_1236 = arith.constant 0 : i32
      %dma_start3A_1237 = arith.constant 0 : i32
      %dma_start3A_1238 = tpu.memref_slice %arg3[%mul3A_560, %dma_start3A_1236, %dma_start3A_1237] : memref<3392x2x96xi32, #tpu.memory_space<hbm>> -> memref<1x2x96xi32, #tpu.memory_space<hbm>>
      %dma_start3A_1239 = tpu.memref_squeeze %dma_start3A_1238 : memref<1x2x96xi32, #tpu.memory_space<hbm>> -> memref<2x96xi32, #tpu.memory_space<hbm>>
      tpu.enqueue_dma source(%dma_start3A_1239 : memref<2x96xi32, #tpu.memory_space<hbm>>) target(%arg6 : memref<2x96xi32, #tpu.memory_space<vmem>>) target_semaphore(%run_scoped3A_1231 : memref<!tpu.dma_semaphore, #tpu.memory_space<semaphore_mem>>)
      %dma_wait3A_1240 = arith.constant 0 : i32
      %dma_wait3A_1241 = arith.constant 0 : i32
      %dma_wait3A_1242 = tpu.memref_slice %arg3[%mul3A_560, %dma_wait3A_1240, %dma_wait3A_1241] : memref<3392x2x96xi32, #tpu.memory_space<hbm>> -> memref<1x2x96xi32, #tpu.memory_space<hbm>>
      %dma_wait3A_1243 = tpu.memref_squeeze %dma_wait3A_1242 : memref<1x2x96xi32, #tpu.memory_space<hbm>> -> memref<2x96xi32, #tpu.memory_space<hbm>>
      %dma_wait3A_1244 = arith.constant 0 : i32
      %dma_wait3A_1245 = arith.constant 0 : i32
      %dma_wait3A_1246 = tpu.memref_slice %arg3[%mul3A_560, %dma_wait3A_1244, %dma_wait3A_1245] : memref<3392x2x96xi32, #tpu.memory_space<hbm>> -> memref<1x2x96xi32, #tpu.memory_space<hbm>>
      %dma_wait3A_1247 = tpu.memref_squeeze %dma_wait3A_1246 : memref<1x2x96xi32, #tpu.memory_space<hbm>> -> memref<2x96xi32, #tpu.memory_space<hbm>>
      tpu.wait_dma2 semaphore(%run_scoped3A_1231 : memref<!tpu.dma_semaphore, #tpu.memory_space<semaphore_mem>>) src(%dma_wait3A_1247 : memref<2x96xi32, #tpu.memory_space<hbm>>) dst(%arg6 : memref<2x96xi32, #tpu.memory_space<vmem>>)
      tpu.yield
    }) : () -> ()
    %dma_start3A = arith.constant 0 : i32
    %dma_start3A_561 = arith.constant 0 : i32
    %dma_start3A_562 = tpu.memref_slice %arg6[%dma_start3A, %dma_start3A_561] : memref<2x96xi32, #tpu.memory_space<vmem>> -> memref<1x96xi32, #tpu.memory_space<vmem>>
    %dma_start3A_563 = tpu.memref_squeeze %dma_start3A_562 : memref<1x96xi32, #tpu.memory_space<vmem>> -> memref<96xi32, #tpu.memory_space<vmem>>
    %dma_start3A_564 = arith.constant 0 : i32
    %dma_start3A_565 = arith.constant 0 : i32
    %dma_start3A_566 = tpu.memref_slice %arg2[%dma_start3A_564, %dma_start3A_565] : memref<10000x128xf32, #tpu.memory_space<hbm>> -> memref<10000x128xf32, #tpu.memory_space<hbm>>
    tpu.enqueue_indirect_dma source(%dma_start3A_566 : memref<10000x128xf32, #tpu.memory_space<hbm>>) target(%arg8 : memref<96x128xf32, #tpu.memory_space<vmem>>) offsets(%dma_start3A_563 : memref<96xi32, #tpu.memory_space<vmem>>) semaphore(%arg10 : memref<!tpu.dma_semaphore, #tpu.memory_space<semaphore_mem>>)
    %scan3A_567 = arith.constant 0 : i32
    %scan3A_568 = arith.constant 0 : i32
    %scan3A_569 = arith.constant 53 : i32
    %scan3A_570 = arith.addi %scan3A_568, %scan3A_569 : i32
    %scan3A_571 = arith.constant 1 : i32
    scf.for %scan3A_1231 = %scan3A_568 to %scan3A_570 step %scan3A_571  : i32 {
      %mul3A_1232 = arith.constant 2 : i32
      %mul3A_1233 = arith.muli %scan3A_1231, %mul3A_1232 : i32
      %add3A_1234 = arith.constant 0 : i32
      %add3A_1235 = arith.addi %mul3A_1233, %add3A_1234 : i32
      %add3A_1236 = arith.constant 1 : i32
      %add3A_1237 = arith.addi %add3A_1235, %add3A_1236 : i32
      %lt3A = arith.constant 106 : i32
      %lt3A_1238 = arith.cmpi slt, %add3A_1237, %lt3A : i32
      %convert_element_type3A = arith.extui %lt3A_1238 : i1 to i32
      %cond3A = arith.constant 0 : i32
      %cond3A_1239 = arith.cmpi ne, %convert_element_type3A, %cond3A : i32
      scf.if %cond3A_1239 {
        %add3A_1267 = arith.addi %mul3A_560, %add3A_1235 : i32
        %add3A_1268 = arith.constant 1 : i32
        %add3A_1269 = arith.addi %add3A_1267, %add3A_1268 : i32
        "tpu.region"() ({
          %run_scoped3A_1277 = tpu.sem_alloc : memref<!tpu.dma_semaphore, #tpu.memory_space<semaphore_mem>>
          %dma_start3A_1278 = arith.constant 0 : i32
          %dma_start3A_1279 = arith.constant 0 : i32
          %dma_start3A_1280 = tpu.memref_slice %arg3[%add3A_1269, %dma_start3A_1278, %dma_start3A_1279] : memref<3392x2x96xi32, #tpu.memory_space<hbm>> -> memref<1x2x96xi32, #tpu.memory_space<hbm>>
          %dma_start3A_1281 = tpu.memref_squeeze %dma_start3A_1280 : memref<1x2x96xi32, #tpu.memory_space<hbm>> -> memref<2x96xi32, #tpu.memory_space<hbm>>
          %dma_start3A_1282 = arith.constant 0 : i32
          %dma_start3A_1283 = arith.constant 0 : i32
          %dma_start3A_1284 = tpu.memref_slice %arg3[%add3A_1269, %dma_start3A_1282, %dma_start3A_1283] : memref<3392x2x96xi32, #tpu.memory_space<hbm>> -> memref<1x2x96xi32, #tpu.memory_space<hbm>>
          %dma_start3A_1285 = tpu.memref_squeeze %dma_start3A_1284 : memref<1x2x96xi32, #tpu.memory_space<hbm>> -> memref<2x96xi32, #tpu.memory_space<hbm>>
          tpu.enqueue_dma source(%dma_start3A_1285 : memref<2x96xi32, #tpu.memory_space<hbm>>) target(%arg7 : memref<2x96xi32, #tpu.memory_space<vmem>>) target_semaphore(%run_scoped3A_1277 : memref<!tpu.dma_semaphore, #tpu.memory_space<semaphore_mem>>)
          %dma_wait3A_1286 = arith.constant 0 : i32
          %dma_wait3A_1287 = arith.constant 0 : i32
          %dma_wait3A_1288 = tpu.memref_slice %arg3[%add3A_1269, %dma_wait3A_1286, %dma_wait3A_1287] : memref<3392x2x96xi32, #tpu.memory_space<hbm>> -> memref<1x2x96xi32, #tpu.memory_space<hbm>>
          %dma_wait3A_1289 = tpu.memref_squeeze %dma_wait3A_1288 : memref<1x2x96xi32, #tpu.memory_space<hbm>> -> memref<2x96xi32, #tpu.memory_space<hbm>>
          %dma_wait3A_1290 = arith.constant 0 : i32
          %dma_wait3A_1291 = arith.constant 0 : i32
          %dma_wait3A_1292 = tpu.memref_slice %arg3[%add3A_1269, %dma_wait3A_1290, %dma_wait3A_1291] : memref<3392x2x96xi32, #tpu.memory_space<hbm>> -> memref<1x2x96xi32, #tpu.memory_space<hbm>>
          %dma_wait3A_1293 = tpu.memref_squeeze %dma_wait3A_1292 : memref<1x2x96xi32, #tpu.memory_space<hbm>> -> memref<2x96xi32, #tpu.memory_space<hbm>>
          tpu.wait_dma2 semaphore(%run_scoped3A_1277 : memref<!tpu.dma_semaphore, #tpu.memory_space<semaphore_mem>>) src(%dma_wait3A_1293 : memref<2x96xi32, #tpu.memory_space<hbm>>) dst(%arg7 : memref<2x96xi32, #tpu.memory_space<vmem>>)
          tpu.yield
        }) : () -> ()
        %dma_start3A_1270 = arith.constant 0 : i32
        %dma_start3A_1271 = arith.constant 0 : i32
        %dma_start3A_1272 = tpu.memref_slice %arg7[%dma_start3A_1270, %dma_start3A_1271] : memref<2x96xi32, #tpu.memory_space<vmem>> -> memref<1x96xi32, #tpu.memory_space<vmem>>
        %dma_start3A_1273 = tpu.memref_squeeze %dma_start3A_1272 : memref<1x96xi32, #tpu.memory_space<vmem>> -> memref<96xi32, #tpu.memory_space<vmem>>
        %dma_start3A_1274 = arith.constant 0 : i32
        %dma_start3A_1275 = arith.constant 0 : i32
        %dma_start3A_1276 = tpu.memref_slice %arg2[%dma_start3A_1274, %dma_start3A_1275] : memref<10000x128xf32, #tpu.memory_space<hbm>> -> memref<10000x128xf32, #tpu.memory_space<hbm>>
        tpu.enqueue_indirect_dma source(%dma_start3A_1276 : memref<10000x128xf32, #tpu.memory_space<hbm>>) target(%arg9 : memref<96x128xf32, #tpu.memory_space<vmem>>) offsets(%dma_start3A_1273 : memref<96xi32, #tpu.memory_space<vmem>>) semaphore(%arg11 : memref<!tpu.dma_semaphore, #tpu.memory_space<semaphore_mem>>)
      } else {
      }
      %dma_wait3A_1240 = arith.constant 0 : i32
      %dma_wait3A_1241 = arith.constant 0 : i32
      %dma_wait3A_1242 = tpu.memref_slice %arg6[%dma_wait3A_1240, %dma_wait3A_1241] : memref<2x96xi32, #tpu.memory_space<vmem>> -> memref<1x96xi32, #tpu.memory_space<vmem>>
      %dma_wait3A_1243 = tpu.memref_squeeze %dma_wait3A_1242 : memref<1x96xi32, #tpu.memory_space<vmem>> -> memref<96xi32, #tpu.memory_space<vmem>>
      %dma_wait3A_1244 = arith.constant 0 : i32
      %dma_wait3A_1245 = arith.constant 0 : i32
      %dma_wait3A_1246 = tpu.memref_slice %arg2[%dma_wait3A_1244, %dma_wait3A_1245] : memref<10000x128xf32, #tpu.memory_space<hbm>> -> memref<10000x128xf32, #tpu.memory_space<hbm>>
      tpu.wait_indirect_dma semaphore(%arg10 : memref<!tpu.dma_semaphore, #tpu.memory_space<semaphore_mem>>) src(%dma_wait3A_1246 : memref<10000x128xf32, #tpu.memory_space<hbm>>) dst(%arg8 : memref<96x128xf32, #tpu.memory_space<vmem>>)
      %run_scoped3A_1247 = arith.constant 1 : i32
      "tpu.region"() ({
        %run_scoped3A_1267 = tpu.sem_alloc : memref<!tpu.dma_semaphore, #tpu.memory_space<semaphore_mem>>
        %dma_start3A_1268 = arith.constant 0 : i32
        %dma_start3A_1269 = tpu.memref_slice %arg6[%run_scoped3A_1247, %dma_start3A_1268] : memref<2x96xi32, #tpu.memory_space<vmem>> -> memref<1x96xi32, #tpu.memory_space<vmem>>
        %dma_start3A_1270 = tpu.memref_squeeze %dma_start3A_1269 : memref<1x96xi32, #tpu.memory_space<vmem>> -> memref<96xi32, #tpu.memory_space<vmem>>
        %dma_start3A_1271 = arith.constant 0 : i32
        %dma_start3A_1272 = arith.constant 0 : i32
        %dma_start3A_1273 = tpu.memref_slice %arg5[%dma_start3A_1271, %dma_start3A_1272] : memref<10112x128xf32, #tpu.memory_space<vmem_shared>> -> memref<10112x128xf32, #tpu.memory_space<vmem_shared>>
        tpu.enqueue_indirect_dma source(%arg8 : memref<96x128xf32, #tpu.memory_space<vmem>>) target(%dma_start3A_1273 : memref<10112x128xf32, #tpu.memory_space<vmem_shared>>) offsets(%dma_start3A_1270 : memref<96xi32, #tpu.memory_space<vmem>>) semaphore(%run_scoped3A_1267 : memref<!tpu.dma_semaphore, #tpu.memory_space<semaphore_mem>>) {add = true}
        %dma_wait3A_1274 = arith.constant 0 : i32
        %dma_wait3A_1275 = tpu.memref_slice %arg6[%run_scoped3A_1247, %dma_wait3A_1274] : memref<2x96xi32, #tpu.memory_space<vmem>> -> memref<1x96xi32, #tpu.memory_space<vmem>>
        %dma_wait3A_1276 = tpu.memref_squeeze %dma_wait3A_1275 : memref<1x96xi32, #tpu.memory_space<vmem>> -> memref<96xi32, #tpu.memory_space<vmem>>
        %dma_wait3A_1277 = arith.constant 0 : i32
        %dma_wait3A_1278 = arith.constant 0 : i32
        %dma_wait3A_1279 = tpu.memref_slice %arg5[%dma_wait3A_1277, %dma_wait3A_1278] : memref<10112x128xf32, #tpu.memory_space<vmem_shared>> -> memref<10112x128xf32, #tpu.memory_space<vmem_shared>>
        tpu.wait_indirect_dma semaphore(%run_scoped3A_1267 : memref<!tpu.dma_semaphore, #tpu.memory_space<semaphore_mem>>) src(%arg8 : memref<96x128xf32, #tpu.memory_space<vmem>>) dst(%dma_wait3A_1279 : memref<10112x128xf32, #tpu.memory_space<vmem_shared>>)
        tpu.yield
      }) : () -> ()
      %mul3A_1248 = arith.constant 2 : i32
      %mul3A_1249 = arith.muli %scan3A_1231, %mul3A_1248 : i32
      %add3A_1250 = arith.constant 1 : i32
      %add3A_1251 = arith.addi %mul3A_1249, %add3A_1250 : i32
      %add3A_1252 = arith.constant 1 : i32
      %add3A_1253 = arith.addi %add3A_1251, %add3A_1252 : i32
      %lt3A_1254 = arith.constant 106 : i32
      %lt3A_1255 = arith.cmpi slt, %add3A_1253, %lt3A_1254 : i32
      %convert_element_type3A_1256 = arith.extui %lt3A_1255 : i1 to i32
      %cond3A_1257 = arith.constant 0 : i32
      %cond3A_1258 = arith.cmpi ne, %convert_element_type3A_1256, %cond3A_1257 : i32
      scf.if %cond3A_1258 {
        %add3A_1267 = arith.addi %mul3A_560, %add3A_1251 : i32
        %add3A_1268 = arith.constant 1 : i32
        %add3A_1269 = arith.addi %add3A_1267, %add3A_1268 : i32
        "tpu.region"() ({
          %run_scoped3A_1277 = tpu.sem_alloc : memref<!tpu.dma_semaphore, #tpu.memory_space<semaphore_mem>>
          %dma_start3A_1278 = arith.constant 0 : i32
          %dma_start3A_1279 = arith.constant 0 : i32
          %dma_start3A_1280 = tpu.memref_slice %arg3[%add3A_1269, %dma_start3A_1278, %dma_start3A_1279] : memref<3392x2x96xi32, #tpu.memory_space<hbm>> -> memref<1x2x96xi32, #tpu.memory_space<hbm>>
          %dma_start3A_1281 = tpu.memref_squeeze %dma_start3A_1280 : memref<1x2x96xi32, #tpu.memory_space<hbm>> -> memref<2x96xi32, #tpu.memory_space<hbm>>
          %dma_start3A_1282 = arith.constant 0 : i32
          %dma_start3A_1283 = arith.constant 0 : i32
          %dma_start3A_1284 = tpu.memref_slice %arg3[%add3A_1269, %dma_start3A_1282, %dma_start3A_1283] : memref<3392x2x96xi32, #tpu.memory_space<hbm>> -> memref<1x2x96xi32, #tpu.memory_space<hbm>>
          %dma_start3A_1285 = tpu.memref_squeeze %dma_start3A_1284 : memref<1x2x96xi32, #tpu.memory_space<hbm>> -> memref<2x96xi32, #tpu.memory_space<hbm>>
          tpu.enqueue_dma source(%dma_start3A_1285 : memref<2x96xi32, #tpu.memory_space<hbm>>) target(%arg6 : memref<2x96xi32, #tpu.memory_space<vmem>>) target_semaphore(%run_scoped3A_1277 : memref<!tpu.dma_semaphore, #tpu.memory_space<semaphore_mem>>)
          %dma_wait3A_1286 = arith.constant 0 : i32
          %dma_wait3A_1287 = arith.constant 0 : i32
          %dma_wait3A_1288 = tpu.memref_slice %arg3[%add3A_1269, %dma_wait3A_1286, %dma_wait3A_1287] : memref<3392x2x96xi32, #tpu.memory_space<hbm>> -> memref<1x2x96xi32, #tpu.memory_space<hbm>>
          %dma_wait3A_1289 = tpu.memref_squeeze %dma_wait3A_1288 : memref<1x2x96xi32, #tpu.memory_space<hbm>> -> memref<2x96xi32, #tpu.memory_space<hbm>>
          %dma_wait3A_1290 = arith.constant 0 : i32
          %dma_wait3A_1291 = arith.constant 0 : i32
          %dma_wait3A_1292 = tpu.memref_slice %arg3[%add3A_1269, %dma_wait3A_1290, %dma_wait3A_1291] : memref<3392x2x96xi32, #tpu.memory_space<hbm>> -> memref<1x2x96xi32, #tpu.memory_space<hbm>>
          %dma_wait3A_1293 = tpu.memref_squeeze %dma_wait3A_1292 : memref<1x2x96xi32, #tpu.memory_space<hbm>> -> memref<2x96xi32, #tpu.memory_space<hbm>>
          tpu.wait_dma2 semaphore(%run_scoped3A_1277 : memref<!tpu.dma_semaphore, #tpu.memory_space<semaphore_mem>>) src(%dma_wait3A_1293 : memref<2x96xi32, #tpu.memory_space<hbm>>) dst(%arg6 : memref<2x96xi32, #tpu.memory_space<vmem>>)
          tpu.yield
        }) : () -> ()
        %dma_start3A_1270 = arith.constant 0 : i32
        %dma_start3A_1271 = arith.constant 0 : i32
        %dma_start3A_1272 = tpu.memref_slice %arg6[%dma_start3A_1270, %dma_start3A_1271] : memref<2x96xi32, #tpu.memory_space<vmem>> -> memref<1x96xi32, #tpu.memory_space<vmem>>
        %dma_start3A_1273 = tpu.memref_squeeze %dma_start3A_1272 : memref<1x96xi32, #tpu.memory_space<vmem>> -> memref<96xi32, #tpu.memory_space<vmem>>
        %dma_start3A_1274 = arith.constant 0 : i32
        %dma_start3A_1275 = arith.constant 0 : i32
        %dma_start3A_1276 = tpu.memref_slice %arg2[%dma_start3A_1274, %dma_start3A_1275] : memref<10000x128xf32, #tpu.memory_space<hbm>> -> memref<10000x128xf32, #tpu.memory_space<hbm>>
        tpu.enqueue_indirect_dma source(%dma_start3A_1276 : memref<10000x128xf32, #tpu.memory_space<hbm>>) target(%arg8 : memref<96x128xf32, #tpu.memory_space<vmem>>) offsets(%dma_start3A_1273 : memref<96xi32, #tpu.memory_space<vmem>>) semaphore(%arg10 : memref<!tpu.dma_semaphore, #tpu.memory_space<semaphore_mem>>)
      } else {
      }
      %dma_wait3A_1259 = arith.constant 0 : i32
      %dma_wait3A_1260 = arith.constant 0 : i32
      %dma_wait3A_1261 = tpu.memref_slice %arg7[%dma_wait3A_1259, %dma_wait3A_1260] : memref<2x96xi32, #tpu.memory_space<vmem>> -> memref<1x96xi32, #tpu.memory_space<vmem>>
      %dma_wait3A_1262 = tpu.memref_squeeze %dma_wait3A_1261 : memref<1x96xi32, #tpu.memory_space<vmem>> -> memref<96xi32, #tpu.memory_space<vmem>>
      %dma_wait3A_1263 = arith.constant 0 : i32
      %dma_wait3A_1264 = arith.constant 0 : i32
      %dma_wait3A_1265 = tpu.memref_slice %arg2[%dma_wait3A_1263, %dma_wait3A_1264] : memref<10000x128xf32, #tpu.memory_space<hbm>> -> memref<10000x128xf32, #tpu.memory_space<hbm>>
      tpu.wait_indirect_dma semaphore(%arg11 : memref<!tpu.dma_semaphore, #tpu.memory_space<semaphore_mem>>) src(%dma_wait3A_1265 : memref<10000x128xf32, #tpu.memory_space<hbm>>) dst(%arg9 : memref<96x128xf32, #tpu.memory_space<vmem>>)
      %run_scoped3A_1266 = arith.constant 1 : i32
      "tpu.region"() ({
        %run_scoped3A_1267 = tpu.sem_alloc : memref<!tpu.dma_semaphore, #tpu.memory_space<semaphore_mem>>
        %dma_start3A_1268 = arith.constant 0 : i32
        %dma_start3A_1269 = tpu.memref_slice %arg7[%run_scoped3A_1266, %dma_start3A_1268] : memref<2x96xi32, #tpu.memory_space<vmem>> -> memref<1x96xi32, #tpu.memory_space<vmem>>
        %dma_start3A_1270 = tpu.memref_squeeze %dma_start3A_1269 : memref<1x96xi32, #tpu.memory_space<vmem>> -> memref<96xi32, #tpu.memory_space<vmem>>
        %dma_start3A_1271 = arith.constant 0 : i32
        %dma_start3A_1272 = arith.constant 0 : i32
        %dma_start3A_1273 = tpu.memref_slice %arg5[%dma_start3A_1271, %dma_start3A_1272] : memref<10112x128xf32, #tpu.memory_space<vmem_shared>> -> memref<10112x128xf32, #tpu.memory_space<vmem_shared>>
        tpu.enqueue_indirect_dma source(%arg9 : memref<96x128xf32, #tpu.memory_space<vmem>>) target(%dma_start3A_1273 : memref<10112x128xf32, #tpu.memory_space<vmem_shared>>) offsets(%dma_start3A_1270 : memref<96xi32, #tpu.memory_space<vmem>>) semaphore(%run_scoped3A_1267 : memref<!tpu.dma_semaphore, #tpu.memory_space<semaphore_mem>>) {add = true}
        %dma_wait3A_1274 = arith.constant 0 : i32
        %dma_wait3A_1275 = tpu.memref_slice %arg7[%run_scoped3A_1266, %dma_wait3A_1274] : memref<2x96xi32, #tpu.memory_space<vmem>> -> memref<1x96xi32, #tpu.memory_space<vmem>>
        %dma_wait3A_1276 = tpu.memref_squeeze %dma_wait3A_1275 : memref<1x96xi32, #tpu.memory_space<vmem>> -> memref<96xi32, #tpu.memory_space<vmem>>
        %dma_wait3A_1277 = arith.constant 0 : i32
        %dma_wait3A_1278 = arith.constant 0 : i32
        %dma_wait3A_1279 = tpu.memref_slice %arg5[%dma_wait3A_1277, %dma_wait3A_1278] : memref<10112x128xf32, #tpu.memory_space<vmem_shared>> -> memref<10112x128xf32, #tpu.memory_space<vmem_shared>>
        tpu.wait_indirect_dma semaphore(%run_scoped3A_1267 : memref<!tpu.dma_semaphore, #tpu.memory_space<semaphore_mem>>) src(%arg9 : memref<96x128xf32, #tpu.memory_space<vmem>>) dst(%dma_wait3A_1279 : memref<10112x128xf32, #tpu.memory_space<vmem_shared>>)
        tpu.yield
      }) : () -> ()
    }
    %scan3A_572 = arith.constant 53 : i32
    %barrier3A_573 = arith.constant 0 : index
    tpu.barrier barrier_id(%barrier3A_573)
    %add3A_574 = arith.constant 0 : i32
    %add3A_575 = arith.addi %multiple_of3A, %add3A_574 : i32
    %add3A_576 = arith.constant 0 : i32
    %add3A_577 = arith.addi %add3A_575, %add3A_576 : i32
    %iota3A_578 = tpu.iota {dimensions = array<i32: 0>} : vector<16xi32>
    %add3A_579 = vector.broadcast %add3A_577 : i32 to vector<16xi32>
    %add3A_580 = arith.addi %add3A_579, %iota3A_578 : vector<16xi32>
    %swap3A_581 = arith.constant 0 : i32
    %swap3A_582 = arith.index_cast %swap3A_581 : i32 to index
    %swap3A_583 = arith.constant 0 : index
    %swap3A_584 = tpu.vector_load %arg6[%swap3A_582, %swap3A_583] {strides = array<i32>} : memref<2x96xi32, #tpu.memory_space<vmem>>, vector<1x16xi32>,
    %swap3A_585 = vector.shape_cast %swap3A_584 : vector<1x16xi32> to vector<16xi32>
    %swap3A_586 = vector.shape_cast %add3A_580 : vector<16xi32> to vector<1x16xi32>
    tpu.vector_store %arg6[%swap3A_582, %swap3A_583], %swap3A_586 {strides = array<i32>} : memref<2x96xi32, #tpu.memory_space<vmem>>, vector<1x16xi32>,
    %add3A_587 = arith.constant 0 : i32
    %add3A_588 = arith.addi %multiple_of3A, %add3A_587 : i32
    %add3A_589 = arith.constant 16 : i32
    %add3A_590 = arith.addi %add3A_588, %add3A_589 : i32
    %iota3A_591 = tpu.iota {dimensions = array<i32: 0>} : vector<16xi32>
    %add3A_592 = vector.broadcast %add3A_590 : i32 to vector<16xi32>
    %add3A_593 = arith.addi %add3A_592, %iota3A_591 : vector<16xi32>
    %swap3A_594 = arith.constant 0 : i32
    %swap3A_595 = arith.index_cast %swap3A_594 : i32 to index
    %swap3A_596 = arith.constant 16 : index
    %swap3A_597 = tpu.vector_load %arg6[%swap3A_595, %swap3A_596] {strides = array<i32>} : memref<2x96xi32, #tpu.memory_space<vmem>>, vector<1x16xi32>,
    %swap3A_598 = vector.shape_cast %swap3A_597 : vector<1x16xi32> to vector<16xi32>
    %swap3A_599 = vector.shape_cast %add3A_593 : vector<16xi32> to vector<1x16xi32>
    tpu.vector_store %arg6[%swap3A_595, %swap3A_596], %swap3A_599 {strides = array<i32>} : memref<2x96xi32, #tpu.memory_space<vmem>>, vector<1x16xi32>,
    %add3A_600 = arith.constant 0 : i32
    %add3A_601 = arith.addi %multiple_of3A, %add3A_600 : i32
    %add3A_602 = arith.constant 32 : i32
    %add3A_603 = arith.addi %add3A_601, %add3A_602 : i32
    %iota3A_604 = tpu.iota {dimensions = array<i32: 0>} : vector<16xi32>
    %add3A_605 = vector.broadcast %add3A_603 : i32 to vector<16xi32>
    %add3A_606 = arith.addi %add3A_605, %iota3A_604 : vector<16xi32>
    %swap3A_607 = arith.constant 0 : i32
    %swap3A_608 = arith.index_cast %swap3A_607 : i32 to index
    %swap3A_609 = arith.constant 32 : index
    %swap3A_610 = tpu.vector_load %arg6[%swap3A_608, %swap3A_609] {strides = array<i32>} : memref<2x96xi32, #tpu.memory_space<vmem>>, vector<1x16xi32>,
    %swap3A_611 = vector.shape_cast %swap3A_610 : vector<1x16xi32> to vector<16xi32>
    %swap3A_612 = vector.shape_cast %add3A_606 : vector<16xi32> to vector<1x16xi32>
    tpu.vector_store %arg6[%swap3A_608, %swap3A_609], %swap3A_612 {strides = array<i32>} : memref<2x96xi32, #tpu.memory_space<vmem>>, vector<1x16xi32>,
    %add3A_613 = arith.constant 0 : i32
    %add3A_614 = arith.addi %multiple_of3A, %add3A_613 : i32
    %add3A_615 = arith.constant 48 : i32
    %add3A_616 = arith.addi %add3A_614, %add3A_615 : i32
    %iota3A_617 = tpu.iota {dimensions = array<i32: 0>} : vector<16xi32>
    %add3A_618 = vector.broadcast %add3A_616 : i32 to vector<16xi32>
    %add3A_619 = arith.addi %add3A_618, %iota3A_617 : vector<16xi32>
    %swap3A_620 = arith.constant 0 : i32
    %swap3A_621 = arith.index_cast %swap3A_620 : i32 to index
    %swap3A_622 = arith.constant 48 : index
    %swap3A_623 = tpu.vector_load %arg6[%swap3A_621, %swap3A_622] {strides = array<i32>} : memref<2x96xi32, #tpu.memory_space<vmem>>, vector<1x16xi32>,
    %swap3A_624 = vector.shape_cast %swap3A_623 : vector<1x16xi32> to vector<16xi32>
    %swap3A_625 = vector.shape_cast %add3A_619 : vector<16xi32> to vector<1x16xi32>
    tpu.vector_store %arg6[%swap3A_621, %swap3A_622], %swap3A_625 {strides = array<i32>} : memref<2x96xi32, #tpu.memory_space<vmem>>, vector<1x16xi32>,
    %add3A_626 = arith.constant 0 : i32
    %add3A_627 = arith.addi %multiple_of3A, %add3A_626 : i32
    %add3A_628 = arith.constant 64 : i32
    %add3A_629 = arith.addi %add3A_627, %add3A_628 : i32
    %iota3A_630 = tpu.iota {dimensions = array<i32: 0>} : vector<16xi32>
    %add3A_631 = vector.broadcast %add3A_629 : i32 to vector<16xi32>
    %add3A_632 = arith.addi %add3A_631, %iota3A_630 : vector<16xi32>
    %swap3A_633 = arith.constant 0 : i32
    %swap3A_634 = arith.index_cast %swap3A_633 : i32 to index
    %swap3A_635 = arith.constant 64 : index
    %swap3A_636 = tpu.vector_load %arg6[%swap3A_634, %swap3A_635] {strides = array<i32>} : memref<2x96xi32, #tpu.memory_space<vmem>>, vector<1x16xi32>,
    %swap3A_637 = vector.shape_cast %swap3A_636 : vector<1x16xi32> to vector<16xi32>
    %swap3A_638 = vector.shape_cast %add3A_632 : vector<16xi32> to vector<1x16xi32>
    tpu.vector_store %arg6[%swap3A_634, %swap3A_635], %swap3A_638 {strides = array<i32>} : memref<2x96xi32, #tpu.memory_space<vmem>>, vector<1x16xi32>,
    %add3A_639 = arith.constant 0 : i32
    %add3A_640 = arith.addi %multiple_of3A, %add3A_639 : i32
    %add3A_641 = arith.constant 80 : i32
    %add3A_642 = arith.addi %add3A_640, %add3A_641 : i32
    %iota3A_643 = tpu.iota {dimensions = array<i32: 0>} : vector<16xi32>
    %add3A_644 = vector.broadcast %add3A_642 : i32 to vector<16xi32>
    %add3A_645 = arith.addi %add3A_644, %iota3A_643 : vector<16xi32>
    %swap3A_646 = arith.constant 0 : i32
    %swap3A_647 = arith.index_cast %swap3A_646 : i32 to index
    %swap3A_648 = arith.constant 80 : index
    %swap3A_649 = tpu.vector_load %arg6[%swap3A_647, %swap3A_648] {strides = array<i32>} : memref<2x96xi32, #tpu.memory_space<vmem>>, vector<1x16xi32>,
    %swap3A_650 = vector.shape_cast %swap3A_649 : vector<1x16xi32> to vector<16xi32>
    %swap3A_651 = vector.shape_cast %add3A_645 : vector<16xi32> to vector<1x16xi32>
    tpu.vector_store %arg6[%swap3A_647, %swap3A_648], %swap3A_651 {strides = array<i32>} : memref<2x96xi32, #tpu.memory_space<vmem>>, vector<1x16xi32>,
    %dma_start3A_652 = arith.constant 0 : i32
    %dma_start3A_653 = arith.constant 0 : i32
    %dma_start3A_654 = tpu.memref_slice %arg6[%dma_start3A_652, %dma_start3A_653] : memref<2x96xi32, #tpu.memory_space<vmem>> -> memref<1x96xi32, #tpu.memory_space<vmem>>
    %dma_start3A_655 = tpu.memref_squeeze %dma_start3A_654 : memref<1x96xi32, #tpu.memory_space<vmem>> -> memref<96xi32, #tpu.memory_space<vmem>>
    %dma_start3A_656 = arith.constant 0 : i32
    %dma_start3A_657 = arith.constant 0 : i32
    %dma_start3A_658 = tpu.memref_slice %arg5[%dma_start3A_656, %dma_start3A_657] : memref<10112x128xf32, #tpu.memory_space<vmem_shared>> -> memref<10112x128xf32, #tpu.memory_space<vmem_shared>>
    tpu.enqueue_indirect_dma source(%dma_start3A_658 : memref<10112x128xf32, #tpu.memory_space<vmem_shared>>) target(%arg8 : memref<96x128xf32, #tpu.memory_space<vmem>>) offsets(%dma_start3A_655 : memref<96xi32, #tpu.memory_space<vmem>>) semaphore(%arg10 : memref<!tpu.dma_semaphore, #tpu.memory_space<semaphore_mem>>)
    %dma_wait3A = arith.constant 0 : i32
    %dma_wait3A_659 = arith.constant 0 : i32
    %dma_wait3A_660 = tpu.memref_slice %arg6[%dma_wait3A, %dma_wait3A_659] : memref<2x96xi32, #tpu.memory_space<vmem>> -> memref<1x96xi32, #tpu.memory_space<vmem>>
    %dma_wait3A_661 = tpu.memref_squeeze %dma_wait3A_660 : memref<1x96xi32, #tpu.memory_space<vmem>> -> memref<96xi32, #tpu.memory_space<vmem>>
    %dma_wait3A_662 = arith.constant 0 : i32
    %dma_wait3A_663 = arith.constant 0 : i32
    %dma_wait3A_664 = tpu.memref_slice %arg5[%dma_wait3A_662, %dma_wait3A_663] : memref<10112x128xf32, #tpu.memory_space<vmem_shared>> -> memref<10112x128xf32, #tpu.memory_space<vmem_shared>>
    tpu.wait_indirect_dma semaphore(%arg10 : memref<!tpu.dma_semaphore, #tpu.memory_space<semaphore_mem>>) src(%dma_wait3A_664 : memref<10112x128xf32, #tpu.memory_space<vmem_shared>>) dst(%arg8 : memref<96x128xf32, #tpu.memory_space<vmem>>)
    %add3A_665 = arith.constant 0 : i32
    %add3A_666 = arith.addi %multiple_of3A, %add3A_665 : i32
    "tpu.region"() ({
      %run_scoped3A_1231 = tpu.sem_alloc : memref<!tpu.dma_semaphore, #tpu.memory_space<semaphore_mem>>
      %dma_start3A_1232 = arith.constant 0 : i32
      %dma_start3A_1233 = tpu.memref_slice %arg4[%arg0, %add3A_666, %dma_start3A_1232] : memref<2x10112x128xf32, #tpu.memory_space<hbm>> -> memref<1x96x128xf32, #tpu.memory_space<hbm>>
      %dma_start3A_1234 = tpu.memref_squeeze %dma_start3A_1233 : memref<1x96x128xf32, #tpu.memory_space<hbm>> -> memref<96x128xf32, #tpu.memory_space<hbm>>
      %dma_start3A_1235 = arith.constant 0 : i32
      %dma_start3A_1236 = tpu.memref_slice %arg4[%arg0, %add3A_666, %dma_start3A_1235] : memref<2x10112x128xf32, #tpu.memory_space<hbm>> -> memref<1x96x128xf32, #tpu.memory_space<hbm>>
      %dma_start3A_1237 = tpu.memref_squeeze %dma_start3A_1236 : memref<1x96x128xf32, #tpu.memory_space<hbm>> -> memref<96x128xf32, #tpu.memory_space<hbm>>
      tpu.enqueue_dma source(%arg8 : memref<96x128xf32, #tpu.memory_space<vmem>>) target(%dma_start3A_1237 : memref<96x128xf32, #tpu.memory_space<hbm>>) target_semaphore(%run_scoped3A_1231 : memref<!tpu.dma_semaphore, #tpu.memory_space<semaphore_mem>>)
      %dma_wait3A_1238 = arith.constant 0 : i32
      %dma_wait3A_1239 = tpu.memref_slice %arg4[%arg0, %add3A_666, %dma_wait3A_1238] : memref<2x10112x128xf32, #tpu.memory_space<hbm>> -> memref<1x96x128xf32, #tpu.memory_space<hbm>>
      %dma_wait3A_1240 = tpu.memref_squeeze %dma_wait3A_1239 : memref<1x96x128xf32, #tpu.memory_space<hbm>> -> memref<96x128xf32, #tpu.memory_space<hbm>>
      %dma_wait3A_1241 = arith.constant 0 : i32
      %dma_wait3A_1242 = tpu.memref_slice %arg4[%arg0, %add3A_666, %dma_wait3A_1241] : memref<2x10112x128xf32, #tpu.memory_space<hbm>> -> memref<1x96x128xf32, #tpu.memory_space<hbm>>
      %dma_wait3A_1243 = tpu.memref_squeeze %dma_wait3A_1242 : memref<1x96x128xf32, #tpu.memory_space<hbm>> -> memref<96x128xf32, #tpu.memory_space<hbm>>
      tpu.wait_dma2 semaphore(%run_scoped3A_1231 : memref<!tpu.dma_semaphore, #tpu.memory_space<semaphore_mem>>) src(%arg8 : memref<96x128xf32, #tpu.memory_space<vmem>>) dst(%dma_wait3A_1243 : memref<96x128xf32, #tpu.memory_space<hbm>>)
      tpu.yield
    }) : () -> ()
    %add3A_667 = arith.constant 96 : i32
    %add3A_668 = arith.addi %multiple_of3A, %add3A_667 : i32
    %add3A_669 = arith.constant 0 : i32
    %add3A_670 = arith.addi %add3A_668, %add3A_669 : i32
    %iota3A_671 = tpu.iota {dimensions = array<i32: 0>} : vector<16xi32>
    %add3A_672 = vector.broadcast %add3A_670 : i32 to vector<16xi32>
    %add3A_673 = arith.addi %add3A_672, %iota3A_671 : vector<16xi32>
    %swap3A_674 = arith.constant 0 : i32
    %swap3A_675 = arith.index_cast %swap3A_674 : i32 to index
    %swap3A_676 = arith.constant 0 : index
    %swap3A_677 = tpu.vector_load %arg6[%swap3A_675, %swap3A_676] {strides = array<i32>} : memref<2x96xi32, #tpu.memory_space<vmem>>, vector<1x16xi32>,
    %swap3A_678 = vector.shape_cast %swap3A_677 : vector<1x16xi32> to vector<16xi32>
    %swap3A_679 = vector.shape_cast %add3A_673 : vector<16xi32> to vector<1x16xi32>
    tpu.vector_store %arg6[%swap3A_675, %swap3A_676], %swap3A_679 {strides = array<i32>} : memref<2x96xi32, #tpu.memory_space<vmem>>, vector<1x16xi32>,
    %add3A_680 = arith.constant 96 : i32
    %add3A_681 = arith.addi %multiple_of3A, %add3A_680 : i32
    %add3A_682 = arith.constant 16 : i32
    %add3A_683 = arith.addi %add3A_681, %add3A_682 : i32
    %iota3A_684 = tpu.iota {dimensions = array<i32: 0>} : vector<16xi32>
    %add3A_685 = vector.broadcast %add3A_683 : i32 to vector<16xi32>
    %add3A_686 = arith.addi %add3A_685, %iota3A_684 : vector<16xi32>
    %swap3A_687 = arith.constant 0 : i32
    %swap3A_688 = arith.index_cast %swap3A_687 : i32 to index
    %swap3A_689 = arith.constant 16 : index
    %swap3A_690 = tpu.vector_load %arg6[%swap3A_688, %swap3A_689] {strides = array<i32>} : memref<2x96xi32, #tpu.memory_space<vmem>>, vector<1x16xi32>,
    %swap3A_691 = vector.shape_cast %swap3A_690 : vector<1x16xi32> to vector<16xi32>
    %swap3A_692 = vector.shape_cast %add3A_686 : vector<16xi32> to vector<1x16xi32>
    tpu.vector_store %arg6[%swap3A_688, %swap3A_689], %swap3A_692 {strides = array<i32>} : memref<2x96xi32, #tpu.memory_space<vmem>>, vector<1x16xi32>,
    %add3A_693 = arith.constant 96 : i32
    %add3A_694 = arith.addi %multiple_of3A, %add3A_693 : i32
    %add3A_695 = arith.constant 32 : i32
    %add3A_696 = arith.addi %add3A_694, %add3A_695 : i32
    %iota3A_697 = tpu.iota {dimensions = array<i32: 0>} : vector<16xi32>
    %add3A_698 = vector.broadcast %add3A_696 : i32 to vector<16xi32>
    %add3A_699 = arith.addi %add3A_698, %iota3A_697 : vector<16xi32>
    %swap3A_700 = arith.constant 0 : i32
    %swap3A_701 = arith.index_cast %swap3A_700 : i32 to index
    %swap3A_702 = arith.constant 32 : index
    %swap3A_703 = tpu.vector_load %arg6[%swap3A_701, %swap3A_702] {strides = array<i32>} : memref<2x96xi32, #tpu.memory_space<vmem>>, vector<1x16xi32>,
    %swap3A_704 = vector.shape_cast %swap3A_703 : vector<1x16xi32> to vector<16xi32>
    %swap3A_705 = vector.shape_cast %add3A_699 : vector<16xi32> to vector<1x16xi32>
    tpu.vector_store %arg6[%swap3A_701, %swap3A_702], %swap3A_705 {strides = array<i32>} : memref<2x96xi32, #tpu.memory_space<vmem>>, vector<1x16xi32>,
    %add3A_706 = arith.constant 96 : i32
    %add3A_707 = arith.addi %multiple_of3A, %add3A_706 : i32
    %add3A_708 = arith.constant 48 : i32
    %add3A_709 = arith.addi %add3A_707, %add3A_708 : i32
    %iota3A_710 = tpu.iota {dimensions = array<i32: 0>} : vector<16xi32>
    %add3A_711 = vector.broadcast %add3A_709 : i32 to vector<16xi32>
    %add3A_712 = arith.addi %add3A_711, %iota3A_710 : vector<16xi32>
    %swap3A_713 = arith.constant 0 : i32
    %swap3A_714 = arith.index_cast %swap3A_713 : i32 to index
    %swap3A_715 = arith.constant 48 : index
    %swap3A_716 = tpu.vector_load %arg6[%swap3A_714, %swap3A_715] {strides = array<i32>} : memref<2x96xi32, #tpu.memory_space<vmem>>, vector<1x16xi32>,
    %swap3A_717 = vector.shape_cast %swap3A_716 : vector<1x16xi32> to vector<16xi32>
    %swap3A_718 = vector.shape_cast %add3A_712 : vector<16xi32> to vector<1x16xi32>
    tpu.vector_store %arg6[%swap3A_714, %swap3A_715], %swap3A_718 {strides = array<i32>} : memref<2x96xi32, #tpu.memory_space<vmem>>, vector<1x16xi32>,
    %add3A_719 = arith.constant 96 : i32
    %add3A_720 = arith.addi %multiple_of3A, %add3A_719 : i32
    %add3A_721 = arith.constant 64 : i32
    %add3A_722 = arith.addi %add3A_720, %add3A_721 : i32
    %iota3A_723 = tpu.iota {dimensions = array<i32: 0>} : vector<16xi32>
    %add3A_724 = vector.broadcast %add3A_722 : i32 to vector<16xi32>
    %add3A_725 = arith.addi %add3A_724, %iota3A_723 : vector<16xi32>
    %swap3A_726 = arith.constant 0 : i32
    %swap3A_727 = arith.index_cast %swap3A_726 : i32 to index
    %swap3A_728 = arith.constant 64 : index
    %swap3A_729 = tpu.vector_load %arg6[%swap3A_727, %swap3A_728] {strides = array<i32>} : memref<2x96xi32, #tpu.memory_space<vmem>>, vector<1x16xi32>,
    %swap3A_730 = vector.shape_cast %swap3A_729 : vector<1x16xi32> to vector<16xi32>
    %swap3A_731 = vector.shape_cast %add3A_725 : vector<16xi32> to vector<1x16xi32>
    tpu.vector_store %arg6[%swap3A_727, %swap3A_728], %swap3A_731 {strides = array<i32>} : memref<2x96xi32, #tpu.memory_space<vmem>>, vector<1x16xi32>,
    %add3A_732 = arith.constant 96 : i32
    %add3A_733 = arith.addi %multiple_of3A, %add3A_732 : i32
    %add3A_734 = arith.constant 80 : i32
    %add3A_735 = arith.addi %add3A_733, %add3A_734 : i32
    %iota3A_736 = tpu.iota {dimensions = array<i32: 0>} : vector<16xi32>
    %add3A_737 = vector.broadcast %add3A_735 : i32 to vector<16xi32>
    %add3A_738 = arith.addi %add3A_737, %iota3A_736 : vector<16xi32>
    %swap3A_739 = arith.constant 0 : i32
    %swap3A_740 = arith.index_cast %swap3A_739 : i32 to index
    %swap3A_741 = arith.constant 80 : index
    %swap3A_742 = tpu.vector_load %arg6[%swap3A_740, %swap3A_741] {strides = array<i32>} : memref<2x96xi32, #tpu.memory_space<vmem>>, vector<1x16xi32>,
    %swap3A_743 = vector.shape_cast %swap3A_742 : vector<1x16xi32> to vector<16xi32>
    %swap3A_744 = vector.shape_cast %add3A_738 : vector<16xi32> to vector<1x16xi32>
    tpu.vector_store %arg6[%swap3A_740, %swap3A_741], %swap3A_744 {strides = array<i32>} : memref<2x96xi32, #tpu.memory_space<vmem>>, vector<1x16xi32>,
    %dma_start3A_745 = arith.constant 0 : i32
    %dma_start3A_746 = arith.constant 0 : i32
    %dma_start3A_747 = tpu.memref_slice %arg6[%dma_start3A_745, %dma_start3A_746] : memref<2x96xi32, #tpu.memory_space<vmem>> -> memref<1x96xi32, #tpu.memory_space<vmem>>
    %dma_start3A_748 = tpu.memref_squeeze %dma_start3A_747 : memref<1x96xi32, #tpu.memory_space<vmem>> -> memref<96xi32, #tpu.memory_space<vmem>>
    %dma_start3A_749 = arith.constant 0 : i32
    %dma_start3A_750 = arith.constant 0 : i32
    %dma_start3A_751 = tpu.memref_slice %arg5[%dma_start3A_749, %dma_start3A_750] : memref<10112x128xf32, #tpu.memory_space<vmem_shared>> -> memref<10112x128xf32, #tpu.memory_space<vmem_shared>>
    tpu.enqueue_indirect_dma source(%dma_start3A_751 : memref<10112x128xf32, #tpu.memory_space<vmem_shared>>) target(%arg8 : memref<96x128xf32, #tpu.memory_space<vmem>>) offsets(%dma_start3A_748 : memref<96xi32, #tpu.memory_space<vmem>>) semaphore(%arg10 : memref<!tpu.dma_semaphore, #tpu.memory_space<semaphore_mem>>)
    %dma_wait3A_752 = arith.constant 0 : i32
    %dma_wait3A_753 = arith.constant 0 : i32
    %dma_wait3A_754 = tpu.memref_slice %arg6[%dma_wait3A_752, %dma_wait3A_753] : memref<2x96xi32, #tpu.memory_space<vmem>> -> memref<1x96xi32, #tpu.memory_space<vmem>>
    %dma_wait3A_755 = tpu.memref_squeeze %dma_wait3A_754 : memref<1x96xi32, #tpu.memory_space<vmem>> -> memref<96xi32, #tpu.memory_space<vmem>>
    %dma_wait3A_756 = arith.constant 0 : i32
    %dma_wait3A_757 = arith.constant 0 : i32
    %dma_wait3A_758 = tpu.memref_slice %arg5[%dma_wait3A_756, %dma_wait3A_757] : memref<10112x128xf32, #tpu.memory_space<vmem_shared>> -> memref<10112x128xf32, #tpu.memory_space<vmem_shared>>
    tpu.wait_indirect_dma semaphore(%arg10 : memref<!tpu.dma_semaphore, #tpu.memory_space<semaphore_mem>>) src(%dma_wait3A_758 : memref<10112x128xf32, #tpu.memory_space<vmem_shared>>) dst(%arg8 : memref<96x128xf32, #tpu.memory_space<vmem>>)
    %add3A_759 = arith.constant 96 : i32
    %add3A_760 = arith.addi %multiple_of3A, %add3A_759 : i32
    "tpu.region"() ({
      %run_scoped3A_1231 = tpu.sem_alloc : memref<!tpu.dma_semaphore, #tpu.memory_space<semaphore_mem>>
      %dma_start3A_1232 = arith.constant 0 : i32
      %dma_start3A_1233 = tpu.memref_slice %arg4[%arg0, %add3A_760, %dma_start3A_1232] : memref<2x10112x128xf32, #tpu.memory_space<hbm>> -> memref<1x96x128xf32, #tpu.memory_space<hbm>>
      %dma_start3A_1234 = tpu.memref_squeeze %dma_start3A_1233 : memref<1x96x128xf32, #tpu.memory_space<hbm>> -> memref<96x128xf32, #tpu.memory_space<hbm>>
      %dma_start3A_1235 = arith.constant 0 : i32
      %dma_start3A_1236 = tpu.memref_slice %arg4[%arg0, %add3A_760, %dma_start3A_1235] : memref<2x10112x128xf32, #tpu.memory_space<hbm>> -> memref<1x96x128xf32, #tpu.memory_space<hbm>>
      %dma_start3A_1237 = tpu.memref_squeeze %dma_start3A_1236 : memref<1x96x128xf32, #tpu.memory_space<hbm>> -> memref<96x128xf32, #tpu.memory_space<hbm>>
      tpu.enqueue_dma source(%arg8 : memref<96x128xf32, #tpu.memory_space<vmem>>) target(%dma_start3A_1237 : memref<96x128xf32, #tpu.memory_space<hbm>>) target_semaphore(%run_scoped3A_1231 : memref<!tpu.dma_semaphore, #tpu.memory_space<semaphore_mem>>)
      %dma_wait3A_1238 = arith.constant 0 : i32
      %dma_wait3A_1239 = tpu.memref_slice %arg4[%arg0, %add3A_760, %dma_wait3A_1238] : memref<2x10112x128xf32, #tpu.memory_space<hbm>> -> memref<1x96x128xf32, #tpu.memory_space<hbm>>
      %dma_wait3A_1240 = tpu.memref_squeeze %dma_wait3A_1239 : memref<1x96x128xf32, #tpu.memory_space<hbm>> -> memref<96x128xf32, #tpu.memory_space<hbm>>
      %dma_wait3A_1241 = arith.constant 0 : i32
      %dma_wait3A_1242 = tpu.memref_slice %arg4[%arg0, %add3A_760, %dma_wait3A_1241] : memref<2x10112x128xf32, #tpu.memory_space<hbm>> -> memref<1x96x128xf32, #tpu.memory_space<hbm>>
      %dma_wait3A_1243 = tpu.memref_squeeze %dma_wait3A_1242 : memref<1x96x128xf32, #tpu.memory_space<hbm>> -> memref<96x128xf32, #tpu.memory_space<hbm>>
      tpu.wait_dma2 semaphore(%run_scoped3A_1231 : memref<!tpu.dma_semaphore, #tpu.memory_space<semaphore_mem>>) src(%arg8 : memref<96x128xf32, #tpu.memory_space<vmem>>) dst(%dma_wait3A_1243 : memref<96x128xf32, #tpu.memory_space<hbm>>)
      tpu.yield
    }) : () -> ()
    %add3A_761 = arith.constant 192 : i32
    %add3A_762 = arith.addi %multiple_of3A, %add3A_761 : i32
    %add3A_763 = arith.constant 0 : i32
    %add3A_764 = arith.addi %add3A_762, %add3A_763 : i32
    %iota3A_765 = tpu.iota {dimensions = array<i32: 0>} : vector<16xi32>
    %add3A_766 = vector.broadcast %add3A_764 : i32 to vector<16xi32>
    %add3A_767 = arith.addi %add3A_766, %iota3A_765 : vector<16xi32>
    %swap3A_768 = arith.constant 0 : i32
    %swap3A_769 = arith.index_cast %swap3A_768 : i32 to index
    %swap3A_770 = arith.constant 0 : index
    %swap3A_771 = tpu.vector_load %arg6[%swap3A_769, %swap3A_770] {strides = array<i32>} : memref<2x96xi32, #tpu.memory_space<vmem>>, vector<1x16xi32>,
    %swap3A_772 = vector.shape_cast %swap3A_771 : vector<1x16xi32> to vector<16xi32>
    %swap3A_773 = vector.shape_cast %add3A_767 : vector<16xi32> to vector<1x16xi32>
    tpu.vector_store %arg6[%swap3A_769, %swap3A_770], %swap3A_773 {strides = array<i32>} : memref<2x96xi32, #tpu.memory_space<vmem>>, vector<1x16xi32>,
    %add3A_774 = arith.constant 192 : i32
    %add3A_775 = arith.addi %multiple_of3A, %add3A_774 : i32
    %add3A_776 = arith.constant 16 : i32
    %add3A_777 = arith.addi %add3A_775, %add3A_776 : i32
    %iota3A_778 = tpu.iota {dimensions = array<i32: 0>} : vector<16xi32>
    %add3A_779 = vector.broadcast %add3A_777 : i32 to vector<16xi32>
    %add3A_780 = arith.addi %add3A_779, %iota3A_778 : vector<16xi32>
    %swap3A_781 = arith.constant 0 : i32
    %swap3A_782 = arith.index_cast %swap3A_781 : i32 to index
    %swap3A_783 = arith.constant 16 : index
    %swap3A_784 = tpu.vector_load %arg6[%swap3A_782, %swap3A_783] {strides = array<i32>} : memref<2x96xi32, #tpu.memory_space<vmem>>, vector<1x16xi32>,
    %swap3A_785 = vector.shape_cast %swap3A_784 : vector<1x16xi32> to vector<16xi32>
    %swap3A_786 = vector.shape_cast %add3A_780 : vector<16xi32> to vector<1x16xi32>
    tpu.vector_store %arg6[%swap3A_782, %swap3A_783], %swap3A_786 {strides = array<i32>} : memref<2x96xi32, #tpu.memory_space<vmem>>, vector<1x16xi32>,
    %add3A_787 = arith.constant 192 : i32
    %add3A_788 = arith.addi %multiple_of3A, %add3A_787 : i32
    %add3A_789 = arith.constant 32 : i32
    %add3A_790 = arith.addi %add3A_788, %add3A_789 : i32
    %iota3A_791 = tpu.iota {dimensions = array<i32: 0>} : vector<16xi32>
    %add3A_792 = vector.broadcast %add3A_790 : i32 to vector<16xi32>
    %add3A_793 = arith.addi %add3A_792, %iota3A_791 : vector<16xi32>
    %swap3A_794 = arith.constant 0 : i32
    %swap3A_795 = arith.index_cast %swap3A_794 : i32 to index
    %swap3A_796 = arith.constant 32 : index
    %swap3A_797 = tpu.vector_load %arg6[%swap3A_795, %swap3A_796] {strides = array<i32>} : memref<2x96xi32, #tpu.memory_space<vmem>>, vector<1x16xi32>,
    %swap3A_798 = vector.shape_cast %swap3A_797 : vector<1x16xi32> to vector<16xi32>
    %swap3A_799 = vector.shape_cast %add3A_793 : vector<16xi32> to vector<1x16xi32>
    tpu.vector_store %arg6[%swap3A_795, %swap3A_796], %swap3A_799 {strides = array<i32>} : memref<2x96xi32, #tpu.memory_space<vmem>>, vector<1x16xi32>,
    %add3A_800 = arith.constant 192 : i32
    %add3A_801 = arith.addi %multiple_of3A, %add3A_800 : i32
    %add3A_802 = arith.constant 48 : i32
    %add3A_803 = arith.addi %add3A_801, %add3A_802 : i32
    %iota3A_804 = tpu.iota {dimensions = array<i32: 0>} : vector<16xi32>
    %add3A_805 = vector.broadcast %add3A_803 : i32 to vector<16xi32>
    %add3A_806 = arith.addi %add3A_805, %iota3A_804 : vector<16xi32>
    %swap3A_807 = arith.constant 0 : i32
    %swap3A_808 = arith.index_cast %swap3A_807 : i32 to index
    %swap3A_809 = arith.constant 48 : index
    %swap3A_810 = tpu.vector_load %arg6[%swap3A_808, %swap3A_809] {strides = array<i32>} : memref<2x96xi32, #tpu.memory_space<vmem>>, vector<1x16xi32>,
    %swap3A_811 = vector.shape_cast %swap3A_810 : vector<1x16xi32> to vector<16xi32>
    %swap3A_812 = vector.shape_cast %add3A_806 : vector<16xi32> to vector<1x16xi32>
    tpu.vector_store %arg6[%swap3A_808, %swap3A_809], %swap3A_812 {strides = array<i32>} : memref<2x96xi32, #tpu.memory_space<vmem>>, vector<1x16xi32>,
    %add3A_813 = arith.constant 192 : i32
    %add3A_814 = arith.addi %multiple_of3A, %add3A_813 : i32
    %add3A_815 = arith.constant 64 : i32
    %add3A_816 = arith.addi %add3A_814, %add3A_815 : i32
    %iota3A_817 = tpu.iota {dimensions = array<i32: 0>} : vector<16xi32>
    %add3A_818 = vector.broadcast %add3A_816 : i32 to vector<16xi32>
    %add3A_819 = arith.addi %add3A_818, %iota3A_817 : vector<16xi32>
    %swap3A_820 = arith.constant 0 : i32
    %swap3A_821 = arith.index_cast %swap3A_820 : i32 to index
    %swap3A_822 = arith.constant 64 : index
    %swap3A_823 = tpu.vector_load %arg6[%swap3A_821, %swap3A_822] {strides = array<i32>} : memref<2x96xi32, #tpu.memory_space<vmem>>, vector<1x16xi32>,
    %swap3A_824 = vector.shape_cast %swap3A_823 : vector<1x16xi32> to vector<16xi32>
    %swap3A_825 = vector.shape_cast %add3A_819 : vector<16xi32> to vector<1x16xi32>
    tpu.vector_store %arg6[%swap3A_821, %swap3A_822], %swap3A_825 {strides = array<i32>} : memref<2x96xi32, #tpu.memory_space<vmem>>, vector<1x16xi32>,
    %add3A_826 = arith.constant 192 : i32
    %add3A_827 = arith.addi %multiple_of3A, %add3A_826 : i32
    %add3A_828 = arith.constant 80 : i32
    %add3A_829 = arith.addi %add3A_827, %add3A_828 : i32
    %iota3A_830 = tpu.iota {dimensions = array<i32: 0>} : vector<16xi32>
    %add3A_831 = vector.broadcast %add3A_829 : i32 to vector<16xi32>
    %add3A_832 = arith.addi %add3A_831, %iota3A_830 : vector<16xi32>
    %swap3A_833 = arith.constant 0 : i32
    %swap3A_834 = arith.index_cast %swap3A_833 : i32 to index
    %swap3A_835 = arith.constant 80 : index
    %swap3A_836 = tpu.vector_load %arg6[%swap3A_834, %swap3A_835] {strides = array<i32>} : memref<2x96xi32, #tpu.memory_space<vmem>>, vector<1x16xi32>,
    %swap3A_837 = vector.shape_cast %swap3A_836 : vector<1x16xi32> to vector<16xi32>
    %swap3A_838 = vector.shape_cast %add3A_832 : vector<16xi32> to vector<1x16xi32>
    tpu.vector_store %arg6[%swap3A_834, %swap3A_835], %swap3A_838 {strides = array<i32>} : memref<2x96xi32, #tpu.memory_space<vmem>>, vector<1x16xi32>,
    %dma_start3A_839 = arith.constant 0 : i32
    %dma_start3A_840 = arith.constant 0 : i32
    %dma_start3A_841 = tpu.memref_slice %arg6[%dma_start3A_839, %dma_start3A_840] : memref<2x96xi32, #tpu.memory_space<vmem>> -> memref<1x96xi32, #tpu.memory_space<vmem>>
    %dma_start3A_842 = tpu.memref_squeeze %dma_start3A_841 : memref<1x96xi32, #tpu.memory_space<vmem>> -> memref<96xi32, #tpu.memory_space<vmem>>
    %dma_start3A_843 = arith.constant 0 : i32
    %dma_start3A_844 = arith.constant 0 : i32
    %dma_start3A_845 = tpu.memref_slice %arg5[%dma_start3A_843, %dma_start3A_844] : memref<10112x128xf32, #tpu.memory_space<vmem_shared>> -> memref<10112x128xf32, #tpu.memory_space<vmem_shared>>
    tpu.enqueue_indirect_dma source(%dma_start3A_845 : memref<10112x128xf32, #tpu.memory_space<vmem_shared>>) target(%arg8 : memref<96x128xf32, #tpu.memory_space<vmem>>) offsets(%dma_start3A_842 : memref<96xi32, #tpu.memory_space<vmem>>) semaphore(%arg10 : memref<!tpu.dma_semaphore, #tpu.memory_space<semaphore_mem>>)
    %dma_wait3A_846 = arith.constant 0 : i32
    %dma_wait3A_847 = arith.constant 0 : i32
    %dma_wait3A_848 = tpu.memref_slice %arg6[%dma_wait3A_846, %dma_wait3A_847] : memref<2x96xi32, #tpu.memory_space<vmem>> -> memref<1x96xi32, #tpu.memory_space<vmem>>
    %dma_wait3A_849 = tpu.memref_squeeze %dma_wait3A_848 : memref<1x96xi32, #tpu.memory_space<vmem>> -> memref<96xi32, #tpu.memory_space<vmem>>
    %dma_wait3A_850 = arith.constant 0 : i32
    %dma_wait3A_851 = arith.constant 0 : i32
    %dma_wait3A_852 = tpu.memref_slice %arg5[%dma_wait3A_850, %dma_wait3A_851] : memref<10112x128xf32, #tpu.memory_space<vmem_shared>> -> memref<10112x128xf32, #tpu.memory_space<vmem_shared>>
    tpu.wait_indirect_dma semaphore(%arg10 : memref<!tpu.dma_semaphore, #tpu.memory_space<semaphore_mem>>) src(%dma_wait3A_852 : memref<10112x128xf32, #tpu.memory_space<vmem_shared>>) dst(%arg8 : memref<96x128xf32, #tpu.memory_space<vmem>>)
    %add3A_853 = arith.constant 192 : i32
    %add3A_854 = arith.addi %multiple_of3A, %add3A_853 : i32
    "tpu.region"() ({
      %run_scoped3A_1231 = tpu.sem_alloc : memref<!tpu.dma_semaphore, #tpu.memory_space<semaphore_mem>>
      %dma_start3A_1232 = arith.constant 0 : i32
      %dma_start3A_1233 = tpu.memref_slice %arg4[%arg0, %add3A_854, %dma_start3A_1232] : memref<2x10112x128xf32, #tpu.memory_space<hbm>> -> memref<1x96x128xf32, #tpu.memory_space<hbm>>
      %dma_start3A_1234 = tpu.memref_squeeze %dma_start3A_1233 : memref<1x96x128xf32, #tpu.memory_space<hbm>> -> memref<96x128xf32, #tpu.memory_space<hbm>>
      %dma_start3A_1235 = arith.constant 0 : i32
      %dma_start3A_1236 = tpu.memref_slice %arg4[%arg0, %add3A_854, %dma_start3A_1235] : memref<2x10112x128xf32, #tpu.memory_space<hbm>> -> memref<1x96x128xf32, #tpu.memory_space<hbm>>
      %dma_start3A_1237 = tpu.memref_squeeze %dma_start3A_1236 : memref<1x96x128xf32, #tpu.memory_space<hbm>> -> memref<96x128xf32, #tpu.memory_space<hbm>>
      tpu.enqueue_dma source(%arg8 : memref<96x128xf32, #tpu.memory_space<vmem>>) target(%dma_start3A_1237 : memref<96x128xf32, #tpu.memory_space<hbm>>) target_semaphore(%run_scoped3A_1231 : memref<!tpu.dma_semaphore, #tpu.memory_space<semaphore_mem>>)
      %dma_wait3A_1238 = arith.constant 0 : i32
      %dma_wait3A_1239 = tpu.memref_slice %arg4[%arg0, %add3A_854, %dma_wait3A_1238] : memref<2x10112x128xf32, #tpu.memory_space<hbm>> -> memref<1x96x128xf32, #tpu.memory_space<hbm>>
      %dma_wait3A_1240 = tpu.memref_squeeze %dma_wait3A_1239 : memref<1x96x128xf32, #tpu.memory_space<hbm>> -> memref<96x128xf32, #tpu.memory_space<hbm>>
      %dma_wait3A_1241 = arith.constant 0 : i32
      %dma_wait3A_1242 = tpu.memref_slice %arg4[%arg0, %add3A_854, %dma_wait3A_1241] : memref<2x10112x128xf32, #tpu.memory_space<hbm>> -> memref<1x96x128xf32, #tpu.memory_space<hbm>>
      %dma_wait3A_1243 = tpu.memref_squeeze %dma_wait3A_1242 : memref<1x96x128xf32, #tpu.memory_space<hbm>> -> memref<96x128xf32, #tpu.memory_space<hbm>>
      tpu.wait_dma2 semaphore(%run_scoped3A_1231 : memref<!tpu.dma_semaphore, #tpu.memory_space<semaphore_mem>>) src(%arg8 : memref<96x128xf32, #tpu.memory_space<vmem>>) dst(%dma_wait3A_1243 : memref<96x128xf32, #tpu.memory_space<hbm>>)
      tpu.yield
    }) : () -> ()
    %add3A_855 = arith.constant 288 : i32
    %add3A_856 = arith.addi %multiple_of3A, %add3A_855 : i32
    %add3A_857 = arith.constant 0 : i32
    %add3A_858 = arith.addi %add3A_856, %add3A_857 : i32
    %iota3A_859 = tpu.iota {dimensions = array<i32: 0>} : vector<16xi32>
    %add3A_860 = vector.broadcast %add3A_858 : i32 to vector<16xi32>
    %add3A_861 = arith.addi %add3A_860, %iota3A_859 : vector<16xi32>
    %swap3A_862 = arith.constant 0 : i32
    %swap3A_863 = arith.index_cast %swap3A_862 : i32 to index
    %swap3A_864 = arith.constant 0 : index
    %swap3A_865 = tpu.vector_load %arg6[%swap3A_863, %swap3A_864] {strides = array<i32>} : memref<2x96xi32, #tpu.memory_space<vmem>>, vector<1x16xi32>,
    %swap3A_866 = vector.shape_cast %swap3A_865 : vector<1x16xi32> to vector<16xi32>
    %swap3A_867 = vector.shape_cast %add3A_861 : vector<16xi32> to vector<1x16xi32>
    tpu.vector_store %arg6[%swap3A_863, %swap3A_864], %swap3A_867 {strides = array<i32>} : memref<2x96xi32, #tpu.memory_space<vmem>>, vector<1x16xi32>,
    %add3A_868 = arith.constant 288 : i32
    %add3A_869 = arith.addi %multiple_of3A, %add3A_868 : i32
    %add3A_870 = arith.constant 16 : i32
    %add3A_871 = arith.addi %add3A_869, %add3A_870 : i32
    %iota3A_872 = tpu.iota {dimensions = array<i32: 0>} : vector<16xi32>
    %add3A_873 = vector.broadcast %add3A_871 : i32 to vector<16xi32>
    %add3A_874 = arith.addi %add3A_873, %iota3A_872 : vector<16xi32>
    %swap3A_875 = arith.constant 0 : i32
    %swap3A_876 = arith.index_cast %swap3A_875 : i32 to index
    %swap3A_877 = arith.constant 16 : index
    %swap3A_878 = tpu.vector_load %arg6[%swap3A_876, %swap3A_877] {strides = array<i32>} : memref<2x96xi32, #tpu.memory_space<vmem>>, vector<1x16xi32>,
    %swap3A_879 = vector.shape_cast %swap3A_878 : vector<1x16xi32> to vector<16xi32>
    %swap3A_880 = vector.shape_cast %add3A_874 : vector<16xi32> to vector<1x16xi32>
    tpu.vector_store %arg6[%swap3A_876, %swap3A_877], %swap3A_880 {strides = array<i32>} : memref<2x96xi32, #tpu.memory_space<vmem>>, vector<1x16xi32>,
    %add3A_881 = arith.constant 288 : i32
    %add3A_882 = arith.addi %multiple_of3A, %add3A_881 : i32
    %add3A_883 = arith.constant 32 : i32
    %add3A_884 = arith.addi %add3A_882, %add3A_883 : i32
    %iota3A_885 = tpu.iota {dimensions = array<i32: 0>} : vector<16xi32>
    %add3A_886 = vector.broadcast %add3A_884 : i32 to vector<16xi32>
    %add3A_887 = arith.addi %add3A_886, %iota3A_885 : vector<16xi32>
    %swap3A_888 = arith.constant 0 : i32
    %swap3A_889 = arith.index_cast %swap3A_888 : i32 to index
    %swap3A_890 = arith.constant 32 : index
    %swap3A_891 = tpu.vector_load %arg6[%swap3A_889, %swap3A_890] {strides = array<i32>} : memref<2x96xi32, #tpu.memory_space<vmem>>, vector<1x16xi32>,
    %swap3A_892 = vector.shape_cast %swap3A_891 : vector<1x16xi32> to vector<16xi32>
    %swap3A_893 = vector.shape_cast %add3A_887 : vector<16xi32> to vector<1x16xi32>
    tpu.vector_store %arg6[%swap3A_889, %swap3A_890], %swap3A_893 {strides = array<i32>} : memref<2x96xi32, #tpu.memory_space<vmem>>, vector<1x16xi32>,
    %add3A_894 = arith.constant 288 : i32
    %add3A_895 = arith.addi %multiple_of3A, %add3A_894 : i32
    %add3A_896 = arith.constant 48 : i32
    %add3A_897 = arith.addi %add3A_895, %add3A_896 : i32
    %iota3A_898 = tpu.iota {dimensions = array<i32: 0>} : vector<16xi32>
    %add3A_899 = vector.broadcast %add3A_897 : i32 to vector<16xi32>
    %add3A_900 = arith.addi %add3A_899, %iota3A_898 : vector<16xi32>
    %swap3A_901 = arith.constant 0 : i32
    %swap3A_902 = arith.index_cast %swap3A_901 : i32 to index
    %swap3A_903 = arith.constant 48 : index
    %swap3A_904 = tpu.vector_load %arg6[%swap3A_902, %swap3A_903] {strides = array<i32>} : memref<2x96xi32, #tpu.memory_space<vmem>>, vector<1x16xi32>,
    %swap3A_905 = vector.shape_cast %swap3A_904 : vector<1x16xi32> to vector<16xi32>
    %swap3A_906 = vector.shape_cast %add3A_900 : vector<16xi32> to vector<1x16xi32>
    tpu.vector_store %arg6[%swap3A_902, %swap3A_903], %swap3A_906 {strides = array<i32>} : memref<2x96xi32, #tpu.memory_space<vmem>>, vector<1x16xi32>,
    %add3A_907 = arith.constant 288 : i32
    %add3A_908 = arith.addi %multiple_of3A, %add3A_907 : i32
    %add3A_909 = arith.constant 64 : i32
    %add3A_910 = arith.addi %add3A_908, %add3A_909 : i32
    %iota3A_911 = tpu.iota {dimensions = array<i32: 0>} : vector<16xi32>
    %add3A_912 = vector.broadcast %add3A_910 : i32 to vector<16xi32>
    %add3A_913 = arith.addi %add3A_912, %iota3A_911 : vector<16xi32>
    %swap3A_914 = arith.constant 0 : i32
    %swap3A_915 = arith.index_cast %swap3A_914 : i32 to index
    %swap3A_916 = arith.constant 64 : index
    %swap3A_917 = tpu.vector_load %arg6[%swap3A_915, %swap3A_916] {strides = array<i32>} : memref<2x96xi32, #tpu.memory_space<vmem>>, vector<1x16xi32>,
    %swap3A_918 = vector.shape_cast %swap3A_917 : vector<1x16xi32> to vector<16xi32>
    %swap3A_919 = vector.shape_cast %add3A_913 : vector<16xi32> to vector<1x16xi32>
    tpu.vector_store %arg6[%swap3A_915, %swap3A_916], %swap3A_919 {strides = array<i32>} : memref<2x96xi32, #tpu.memory_space<vmem>>, vector<1x16xi32>,
    %add3A_920 = arith.constant 288 : i32
    %add3A_921 = arith.addi %multiple_of3A, %add3A_920 : i32
    %add3A_922 = arith.constant 80 : i32
    %add3A_923 = arith.addi %add3A_921, %add3A_922 : i32
    %iota3A_924 = tpu.iota {dimensions = array<i32: 0>} : vector<16xi32>
    %add3A_925 = vector.broadcast %add3A_923 : i32 to vector<16xi32>
    %add3A_926 = arith.addi %add3A_925, %iota3A_924 : vector<16xi32>
    %swap3A_927 = arith.constant 0 : i32
    %swap3A_928 = arith.index_cast %swap3A_927 : i32 to index
    %swap3A_929 = arith.constant 80 : index
    %swap3A_930 = tpu.vector_load %arg6[%swap3A_928, %swap3A_929] {strides = array<i32>} : memref<2x96xi32, #tpu.memory_space<vmem>>, vector<1x16xi32>,
    %swap3A_931 = vector.shape_cast %swap3A_930 : vector<1x16xi32> to vector<16xi32>
    %swap3A_932 = vector.shape_cast %add3A_926 : vector<16xi32> to vector<1x16xi32>
    tpu.vector_store %arg6[%swap3A_928, %swap3A_929], %swap3A_932 {strides = array<i32>} : memref<2x96xi32, #tpu.memory_space<vmem>>, vector<1x16xi32>,
    %dma_start3A_933 = arith.constant 0 : i32
    %dma_start3A_934 = arith.constant 0 : i32
    %dma_start3A_935 = tpu.memref_slice %arg6[%dma_start3A_933, %dma_start3A_934] : memref<2x96xi32, #tpu.memory_space<vmem>> -> memref<1x96xi32, #tpu.memory_space<vmem>>
    %dma_start3A_936 = tpu.memref_squeeze %dma_start3A_935 : memref<1x96xi32, #tpu.memory_space<vmem>> -> memref<96xi32, #tpu.memory_space<vmem>>
    %dma_start3A_937 = arith.constant 0 : i32
    %dma_start3A_938 = arith.constant 0 : i32
    %dma_start3A_939 = tpu.memref_slice %arg5[%dma_start3A_937, %dma_start3A_938] : memref<10112x128xf32, #tpu.memory_space<vmem_shared>> -> memref<10112x128xf32, #tpu.memory_space<vmem_shared>>
    tpu.enqueue_indirect_dma source(%dma_start3A_939 : memref<10112x128xf32, #tpu.memory_space<vmem_shared>>) target(%arg8 : memref<96x128xf32, #tpu.memory_space<vmem>>) offsets(%dma_start3A_936 : memref<96xi32, #tpu.memory_space<vmem>>) semaphore(%arg10 : memref<!tpu.dma_semaphore, #tpu.memory_space<semaphore_mem>>)
    %dma_wait3A_940 = arith.constant 0 : i32
    %dma_wait3A_941 = arith.constant 0 : i32
    %dma_wait3A_942 = tpu.memref_slice %arg6[%dma_wait3A_940, %dma_wait3A_941] : memref<2x96xi32, #tpu.memory_space<vmem>> -> memref<1x96xi32, #tpu.memory_space<vmem>>
    %dma_wait3A_943 = tpu.memref_squeeze %dma_wait3A_942 : memref<1x96xi32, #tpu.memory_space<vmem>> -> memref<96xi32, #tpu.memory_space<vmem>>
    %dma_wait3A_944 = arith.constant 0 : i32
    %dma_wait3A_945 = arith.constant 0 : i32
    %dma_wait3A_946 = tpu.memref_slice %arg5[%dma_wait3A_944, %dma_wait3A_945] : memref<10112x128xf32, #tpu.memory_space<vmem_shared>> -> memref<10112x128xf32, #tpu.memory_space<vmem_shared>>
    tpu.wait_indirect_dma semaphore(%arg10 : memref<!tpu.dma_semaphore, #tpu.memory_space<semaphore_mem>>) src(%dma_wait3A_946 : memref<10112x128xf32, #tpu.memory_space<vmem_shared>>) dst(%arg8 : memref<96x128xf32, #tpu.memory_space<vmem>>)
    %add3A_947 = arith.constant 288 : i32
    %add3A_948 = arith.addi %multiple_of3A, %add3A_947 : i32
    "tpu.region"() ({
      %run_scoped3A_1231 = tpu.sem_alloc : memref<!tpu.dma_semaphore, #tpu.memory_space<semaphore_mem>>
      %dma_start3A_1232 = arith.constant 0 : i32
      %dma_start3A_1233 = tpu.memref_slice %arg4[%arg0, %add3A_948, %dma_start3A_1232] : memref<2x10112x128xf32, #tpu.memory_space<hbm>> -> memref<1x96x128xf32, #tpu.memory_space<hbm>>
      %dma_start3A_1234 = tpu.memref_squeeze %dma_start3A_1233 : memref<1x96x128xf32, #tpu.memory_space<hbm>> -> memref<96x128xf32, #tpu.memory_space<hbm>>
      %dma_start3A_1235 = arith.constant 0 : i32
      %dma_start3A_1236 = tpu.memref_slice %arg4[%arg0, %add3A_948, %dma_start3A_1235] : memref<2x10112x128xf32, #tpu.memory_space<hbm>> -> memref<1x96x128xf32, #tpu.memory_space<hbm>>
      %dma_start3A_1237 = tpu.memref_squeeze %dma_start3A_1236 : memref<1x96x128xf32, #tpu.memory_space<hbm>> -> memref<96x128xf32, #tpu.memory_space<hbm>>
      tpu.enqueue_dma source(%arg8 : memref<96x128xf32, #tpu.memory_space<vmem>>) target(%dma_start3A_1237 : memref<96x128xf32, #tpu.memory_space<hbm>>) target_semaphore(%run_scoped3A_1231 : memref<!tpu.dma_semaphore, #tpu.memory_space<semaphore_mem>>)
      %dma_wait3A_1238 = arith.constant 0 : i32
      %dma_wait3A_1239 = tpu.memref_slice %arg4[%arg0, %add3A_948, %dma_wait3A_1238] : memref<2x10112x128xf32, #tpu.memory_space<hbm>> -> memref<1x96x128xf32, #tpu.memory_space<hbm>>
      %dma_wait3A_1240 = tpu.memref_squeeze %dma_wait3A_1239 : memref<1x96x128xf32, #tpu.memory_space<hbm>> -> memref<96x128xf32, #tpu.memory_space<hbm>>
      %dma_wait3A_1241 = arith.constant 0 : i32
      %dma_wait3A_1242 = tpu.memref_slice %arg4[%arg0, %add3A_948, %dma_wait3A_1241] : memref<2x10112x128xf32, #tpu.memory_space<hbm>> -> memref<1x96x128xf32, #tpu.memory_space<hbm>>
      %dma_wait3A_1243 = tpu.memref_squeeze %dma_wait3A_1242 : memref<1x96x128xf32, #tpu.memory_space<hbm>> -> memref<96x128xf32, #tpu.memory_space<hbm>>
      tpu.wait_dma2 semaphore(%run_scoped3A_1231 : memref<!tpu.dma_semaphore, #tpu.memory_space<semaphore_mem>>) src(%arg8 : memref<96x128xf32, #tpu.memory_space<vmem>>) dst(%dma_wait3A_1243 : memref<96x128xf32, #tpu.memory_space<hbm>>)
      tpu.yield
    }) : () -> ()
    %add3A_949 = arith.constant 384 : i32
    %add3A_950 = arith.addi %multiple_of3A, %add3A_949 : i32
    %add3A_951 = arith.constant 0 : i32
    %add3A_952 = arith.addi %add3A_950, %add3A_951 : i32
    %iota3A_953 = tpu.iota {dimensions = array<i32: 0>} : vector<16xi32>
    %add3A_954 = vector.broadcast %add3A_952 : i32 to vector<16xi32>
    %add3A_955 = arith.addi %add3A_954, %iota3A_953 : vector<16xi32>
    %swap3A_956 = arith.constant 0 : i32
    %swap3A_957 = arith.index_cast %swap3A_956 : i32 to index
    %swap3A_958 = arith.constant 0 : index
    %swap3A_959 = tpu.vector_load %arg6[%swap3A_957, %swap3A_958] {strides = array<i32>} : memref<2x96xi32, #tpu.memory_space<vmem>>, vector<1x16xi32>,
    %swap3A_960 = vector.shape_cast %swap3A_959 : vector<1x16xi32> to vector<16xi32>
    %swap3A_961 = vector.shape_cast %add3A_955 : vector<16xi32> to vector<1x16xi32>
    tpu.vector_store %arg6[%swap3A_957, %swap3A_958], %swap3A_961 {strides = array<i32>} : memref<2x96xi32, #tpu.memory_space<vmem>>, vector<1x16xi32>,
    %add3A_962 = arith.constant 384 : i32
    %add3A_963 = arith.addi %multiple_of3A, %add3A_962 : i32
    %add3A_964 = arith.constant 16 : i32
    %add3A_965 = arith.addi %add3A_963, %add3A_964 : i32
    %iota3A_966 = tpu.iota {dimensions = array<i32: 0>} : vector<16xi32>
    %add3A_967 = vector.broadcast %add3A_965 : i32 to vector<16xi32>
    %add3A_968 = arith.addi %add3A_967, %iota3A_966 : vector<16xi32>
    %swap3A_969 = arith.constant 0 : i32
    %swap3A_970 = arith.index_cast %swap3A_969 : i32 to index
    %swap3A_971 = arith.constant 16 : index
    %swap3A_972 = tpu.vector_load %arg6[%swap3A_970, %swap3A_971] {strides = array<i32>} : memref<2x96xi32, #tpu.memory_space<vmem>>, vector<1x16xi32>,
    %swap3A_973 = vector.shape_cast %swap3A_972 : vector<1x16xi32> to vector<16xi32>
    %swap3A_974 = vector.shape_cast %add3A_968 : vector<16xi32> to vector<1x16xi32>
    tpu.vector_store %arg6[%swap3A_970, %swap3A_971], %swap3A_974 {strides = array<i32>} : memref<2x96xi32, #tpu.memory_space<vmem>>, vector<1x16xi32>,
    %add3A_975 = arith.constant 384 : i32
    %add3A_976 = arith.addi %multiple_of3A, %add3A_975 : i32
    %add3A_977 = arith.constant 32 : i32
    %add3A_978 = arith.addi %add3A_976, %add3A_977 : i32
    %iota3A_979 = tpu.iota {dimensions = array<i32: 0>} : vector<16xi32>
    %add3A_980 = vector.broadcast %add3A_978 : i32 to vector<16xi32>
    %add3A_981 = arith.addi %add3A_980, %iota3A_979 : vector<16xi32>
    %swap3A_982 = arith.constant 0 : i32
    %swap3A_983 = arith.index_cast %swap3A_982 : i32 to index
    %swap3A_984 = arith.constant 32 : index
    %swap3A_985 = tpu.vector_load %arg6[%swap3A_983, %swap3A_984] {strides = array<i32>} : memref<2x96xi32, #tpu.memory_space<vmem>>, vector<1x16xi32>,
    %swap3A_986 = vector.shape_cast %swap3A_985 : vector<1x16xi32> to vector<16xi32>
    %swap3A_987 = vector.shape_cast %add3A_981 : vector<16xi32> to vector<1x16xi32>
    tpu.vector_store %arg6[%swap3A_983, %swap3A_984], %swap3A_987 {strides = array<i32>} : memref<2x96xi32, #tpu.memory_space<vmem>>, vector<1x16xi32>,
    %add3A_988 = arith.constant 384 : i32
    %add3A_989 = arith.addi %multiple_of3A, %add3A_988 : i32
    %add3A_990 = arith.constant 48 : i32
    %add3A_991 = arith.addi %add3A_989, %add3A_990 : i32
    %iota3A_992 = tpu.iota {dimensions = array<i32: 0>} : vector<16xi32>
    %add3A_993 = vector.broadcast %add3A_991 : i32 to vector<16xi32>
    %add3A_994 = arith.addi %add3A_993, %iota3A_992 : vector<16xi32>
    %swap3A_995 = arith.constant 0 : i32
    %swap3A_996 = arith.index_cast %swap3A_995 : i32 to index
    %swap3A_997 = arith.constant 48 : index
    %swap3A_998 = tpu.vector_load %arg6[%swap3A_996, %swap3A_997] {strides = array<i32>} : memref<2x96xi32, #tpu.memory_space<vmem>>, vector<1x16xi32>,
    %swap3A_999 = vector.shape_cast %swap3A_998 : vector<1x16xi32> to vector<16xi32>
    %swap3A_1000 = vector.shape_cast %add3A_994 : vector<16xi32> to vector<1x16xi32>
    tpu.vector_store %arg6[%swap3A_996, %swap3A_997], %swap3A_1000 {strides = array<i32>} : memref<2x96xi32, #tpu.memory_space<vmem>>, vector<1x16xi32>,
    %add3A_1001 = arith.constant 384 : i32
    %add3A_1002 = arith.addi %multiple_of3A, %add3A_1001 : i32
    %add3A_1003 = arith.constant 64 : i32
    %add3A_1004 = arith.addi %add3A_1002, %add3A_1003 : i32
    %iota3A_1005 = tpu.iota {dimensions = array<i32: 0>} : vector<16xi32>
    %add3A_1006 = vector.broadcast %add3A_1004 : i32 to vector<16xi32>
    %add3A_1007 = arith.addi %add3A_1006, %iota3A_1005 : vector<16xi32>
    %swap3A_1008 = arith.constant 0 : i32
    %swap3A_1009 = arith.index_cast %swap3A_1008 : i32 to index
    %swap3A_1010 = arith.constant 64 : index
    %swap3A_1011 = tpu.vector_load %arg6[%swap3A_1009, %swap3A_1010] {strides = array<i32>} : memref<2x96xi32, #tpu.memory_space<vmem>>, vector<1x16xi32>,
    %swap3A_1012 = vector.shape_cast %swap3A_1011 : vector<1x16xi32> to vector<16xi32>
    %swap3A_1013 = vector.shape_cast %add3A_1007 : vector<16xi32> to vector<1x16xi32>
    tpu.vector_store %arg6[%swap3A_1009, %swap3A_1010], %swap3A_1013 {strides = array<i32>} : memref<2x96xi32, #tpu.memory_space<vmem>>, vector<1x16xi32>,
    %add3A_1014 = arith.constant 384 : i32
    %add3A_1015 = arith.addi %multiple_of3A, %add3A_1014 : i32
    %add3A_1016 = arith.constant 80 : i32
    %add3A_1017 = arith.addi %add3A_1015, %add3A_1016 : i32
    %iota3A_1018 = tpu.iota {dimensions = array<i32: 0>} : vector<16xi32>
    %add3A_1019 = vector.broadcast %add3A_1017 : i32 to vector<16xi32>
    %add3A_1020 = arith.addi %add3A_1019, %iota3A_1018 : vector<16xi32>
    %swap3A_1021 = arith.constant 0 : i32
    %swap3A_1022 = arith.index_cast %swap3A_1021 : i32 to index
    %swap3A_1023 = arith.constant 80 : index
    %swap3A_1024 = tpu.vector_load %arg6[%swap3A_1022, %swap3A_1023] {strides = array<i32>} : memref<2x96xi32, #tpu.memory_space<vmem>>, vector<1x16xi32>,
    %swap3A_1025 = vector.shape_cast %swap3A_1024 : vector<1x16xi32> to vector<16xi32>
    %swap3A_1026 = vector.shape_cast %add3A_1020 : vector<16xi32> to vector<1x16xi32>
    tpu.vector_store %arg6[%swap3A_1022, %swap3A_1023], %swap3A_1026 {strides = array<i32>} : memref<2x96xi32, #tpu.memory_space<vmem>>, vector<1x16xi32>,
    %dma_start3A_1027 = arith.constant 0 : i32
    %dma_start3A_1028 = arith.constant 0 : i32
    %dma_start3A_1029 = tpu.memref_slice %arg6[%dma_start3A_1027, %dma_start3A_1028] : memref<2x96xi32, #tpu.memory_space<vmem>> -> memref<1x96xi32, #tpu.memory_space<vmem>>
    %dma_start3A_1030 = tpu.memref_squeeze %dma_start3A_1029 : memref<1x96xi32, #tpu.memory_space<vmem>> -> memref<96xi32, #tpu.memory_space<vmem>>
    %dma_start3A_1031 = arith.constant 0 : i32
    %dma_start3A_1032 = arith.constant 0 : i32
    %dma_start3A_1033 = tpu.memref_slice %arg5[%dma_start3A_1031, %dma_start3A_1032] : memref<10112x128xf32, #tpu.memory_space<vmem_shared>> -> memref<10112x128xf32, #tpu.memory_space<vmem_shared>>
    tpu.enqueue_indirect_dma source(%dma_start3A_1033 : memref<10112x128xf32, #tpu.memory_space<vmem_shared>>) target(%arg8 : memref<96x128xf32, #tpu.memory_space<vmem>>) offsets(%dma_start3A_1030 : memref<96xi32, #tpu.memory_space<vmem>>) semaphore(%arg10 : memref<!tpu.dma_semaphore, #tpu.memory_space<semaphore_mem>>)
    %dma_wait3A_1034 = arith.constant 0 : i32
    %dma_wait3A_1035 = arith.constant 0 : i32
    %dma_wait3A_1036 = tpu.memref_slice %arg6[%dma_wait3A_1034, %dma_wait3A_1035] : memref<2x96xi32, #tpu.memory_space<vmem>> -> memref<1x96xi32, #tpu.memory_space<vmem>>
    %dma_wait3A_1037 = tpu.memref_squeeze %dma_wait3A_1036 : memref<1x96xi32, #tpu.memory_space<vmem>> -> memref<96xi32, #tpu.memory_space<vmem>>
    %dma_wait3A_1038 = arith.constant 0 : i32
    %dma_wait3A_1039 = arith.constant 0 : i32
    %dma_wait3A_1040 = tpu.memref_slice %arg5[%dma_wait3A_1038, %dma_wait3A_1039] : memref<10112x128xf32, #tpu.memory_space<vmem_shared>> -> memref<10112x128xf32, #tpu.memory_space<vmem_shared>>
    tpu.wait_indirect_dma semaphore(%arg10 : memref<!tpu.dma_semaphore, #tpu.memory_space<semaphore_mem>>) src(%dma_wait3A_1040 : memref<10112x128xf32, #tpu.memory_space<vmem_shared>>) dst(%arg8 : memref<96x128xf32, #tpu.memory_space<vmem>>)
    %add3A_1041 = arith.constant 384 : i32
    %add3A_1042 = arith.addi %multiple_of3A, %add3A_1041 : i32
    "tpu.region"() ({
      %run_scoped3A_1231 = tpu.sem_alloc : memref<!tpu.dma_semaphore, #tpu.memory_space<semaphore_mem>>
      %dma_start3A_1232 = arith.constant 0 : i32
      %dma_start3A_1233 = tpu.memref_slice %arg4[%arg0, %add3A_1042, %dma_start3A_1232] : memref<2x10112x128xf32, #tpu.memory_space<hbm>> -> memref<1x96x128xf32, #tpu.memory_space<hbm>>
      %dma_start3A_1234 = tpu.memref_squeeze %dma_start3A_1233 : memref<1x96x128xf32, #tpu.memory_space<hbm>> -> memref<96x128xf32, #tpu.memory_space<hbm>>
      %dma_start3A_1235 = arith.constant 0 : i32
      %dma_start3A_1236 = tpu.memref_slice %arg4[%arg0, %add3A_1042, %dma_start3A_1235] : memref<2x10112x128xf32, #tpu.memory_space<hbm>> -> memref<1x96x128xf32, #tpu.memory_space<hbm>>
      %dma_start3A_1237 = tpu.memref_squeeze %dma_start3A_1236 : memref<1x96x128xf32, #tpu.memory_space<hbm>> -> memref<96x128xf32, #tpu.memory_space<hbm>>
      tpu.enqueue_dma source(%arg8 : memref<96x128xf32, #tpu.memory_space<vmem>>) target(%dma_start3A_1237 : memref<96x128xf32, #tpu.memory_space<hbm>>) target_semaphore(%run_scoped3A_1231 : memref<!tpu.dma_semaphore, #tpu.memory_space<semaphore_mem>>)
      %dma_wait3A_1238 = arith.constant 0 : i32
      %dma_wait3A_1239 = tpu.memref_slice %arg4[%arg0, %add3A_1042, %dma_wait3A_1238] : memref<2x10112x128xf32, #tpu.memory_space<hbm>> -> memref<1x96x128xf32, #tpu.memory_space<hbm>>
      %dma_wait3A_1240 = tpu.memref_squeeze %dma_wait3A_1239 : memref<1x96x128xf32, #tpu.memory_space<hbm>> -> memref<96x128xf32, #tpu.memory_space<hbm>>
      %dma_wait3A_1241 = arith.constant 0 : i32
      %dma_wait3A_1242 = tpu.memref_slice %arg4[%arg0, %add3A_1042, %dma_wait3A_1241] : memref<2x10112x128xf32, #tpu.memory_space<hbm>> -> memref<1x96x128xf32, #tpu.memory_space<hbm>>
      %dma_wait3A_1243 = tpu.memref_squeeze %dma_wait3A_1242 : memref<1x96x128xf32, #tpu.memory_space<hbm>> -> memref<96x128xf32, #tpu.memory_space<hbm>>
      tpu.wait_dma2 semaphore(%run_scoped3A_1231 : memref<!tpu.dma_semaphore, #tpu.memory_space<semaphore_mem>>) src(%arg8 : memref<96x128xf32, #tpu.memory_space<vmem>>) dst(%dma_wait3A_1243 : memref<96x128xf32, #tpu.memory_space<hbm>>)
      tpu.yield
    }) : () -> ()
    %add3A_1043 = arith.constant 480 : i32
    %add3A_1044 = arith.addi %multiple_of3A, %add3A_1043 : i32
    %add3A_1045 = arith.constant 0 : i32
    %add3A_1046 = arith.addi %add3A_1044, %add3A_1045 : i32
    %iota3A_1047 = tpu.iota {dimensions = array<i32: 0>} : vector<16xi32>
    %add3A_1048 = vector.broadcast %add3A_1046 : i32 to vector<16xi32>
    %add3A_1049 = arith.addi %add3A_1048, %iota3A_1047 : vector<16xi32>
    %swap3A_1050 = arith.constant 0 : i32
    %swap3A_1051 = arith.index_cast %swap3A_1050 : i32 to index
    %swap3A_1052 = arith.constant 0 : index
    %swap3A_1053 = tpu.vector_load %arg6[%swap3A_1051, %swap3A_1052] {strides = array<i32>} : memref<2x96xi32, #tpu.memory_space<vmem>>, vector<1x16xi32>,
    %swap3A_1054 = vector.shape_cast %swap3A_1053 : vector<1x16xi32> to vector<16xi32>
    %swap3A_1055 = vector.shape_cast %add3A_1049 : vector<16xi32> to vector<1x16xi32>
    tpu.vector_store %arg6[%swap3A_1051, %swap3A_1052], %swap3A_1055 {strides = array<i32>} : memref<2x96xi32, #tpu.memory_space<vmem>>, vector<1x16xi32>,
    %add3A_1056 = arith.constant 480 : i32
    %add3A_1057 = arith.addi %multiple_of3A, %add3A_1056 : i32
    %add3A_1058 = arith.constant 16 : i32
    %add3A_1059 = arith.addi %add3A_1057, %add3A_1058 : i32
    %iota3A_1060 = tpu.iota {dimensions = array<i32: 0>} : vector<16xi32>
    %add3A_1061 = vector.broadcast %add3A_1059 : i32 to vector<16xi32>
    %add3A_1062 = arith.addi %add3A_1061, %iota3A_1060 : vector<16xi32>
    %swap3A_1063 = arith.constant 0 : i32
    %swap3A_1064 = arith.index_cast %swap3A_1063 : i32 to index
    %swap3A_1065 = arith.constant 16 : index
    %swap3A_1066 = tpu.vector_load %arg6[%swap3A_1064, %swap3A_1065] {strides = array<i32>} : memref<2x96xi32, #tpu.memory_space<vmem>>, vector<1x16xi32>,
    %swap3A_1067 = vector.shape_cast %swap3A_1066 : vector<1x16xi32> to vector<16xi32>
    %swap3A_1068 = vector.shape_cast %add3A_1062 : vector<16xi32> to vector<1x16xi32>
    tpu.vector_store %arg6[%swap3A_1064, %swap3A_1065], %swap3A_1068 {strides = array<i32>} : memref<2x96xi32, #tpu.memory_space<vmem>>, vector<1x16xi32>,
    %add3A_1069 = arith.constant 480 : i32
    %add3A_1070 = arith.addi %multiple_of3A, %add3A_1069 : i32
    %add3A_1071 = arith.constant 32 : i32
    %add3A_1072 = arith.addi %add3A_1070, %add3A_1071 : i32
    %iota3A_1073 = tpu.iota {dimensions = array<i32: 0>} : vector<16xi32>
    %add3A_1074 = vector.broadcast %add3A_1072 : i32 to vector<16xi32>
    %add3A_1075 = arith.addi %add3A_1074, %iota3A_1073 : vector<16xi32>
    %swap3A_1076 = arith.constant 0 : i32
    %swap3A_1077 = arith.index_cast %swap3A_1076 : i32 to index
    %swap3A_1078 = arith.constant 32 : index
    %swap3A_1079 = tpu.vector_load %arg6[%swap3A_1077, %swap3A_1078] {strides = array<i32>} : memref<2x96xi32, #tpu.memory_space<vmem>>, vector<1x16xi32>,
    %swap3A_1080 = vector.shape_cast %swap3A_1079 : vector<1x16xi32> to vector<16xi32>
    %swap3A_1081 = vector.shape_cast %add3A_1075 : vector<16xi32> to vector<1x16xi32>
    tpu.vector_store %arg6[%swap3A_1077, %swap3A_1078], %swap3A_1081 {strides = array<i32>} : memref<2x96xi32, #tpu.memory_space<vmem>>, vector<1x16xi32>,
    %add3A_1082 = arith.constant 480 : i32
    %add3A_1083 = arith.addi %multiple_of3A, %add3A_1082 : i32
    %add3A_1084 = arith.constant 48 : i32
    %add3A_1085 = arith.addi %add3A_1083, %add3A_1084 : i32
    %iota3A_1086 = tpu.iota {dimensions = array<i32: 0>} : vector<16xi32>
    %add3A_1087 = vector.broadcast %add3A_1085 : i32 to vector<16xi32>
    %add3A_1088 = arith.addi %add3A_1087, %iota3A_1086 : vector<16xi32>
    %swap3A_1089 = arith.constant 0 : i32
    %swap3A_1090 = arith.index_cast %swap3A_1089 : i32 to index
    %swap3A_1091 = arith.constant 48 : index
    %swap3A_1092 = tpu.vector_load %arg6[%swap3A_1090, %swap3A_1091] {strides = array<i32>} : memref<2x96xi32, #tpu.memory_space<vmem>>, vector<1x16xi32>,
    %swap3A_1093 = vector.shape_cast %swap3A_1092 : vector<1x16xi32> to vector<16xi32>
    %swap3A_1094 = vector.shape_cast %add3A_1088 : vector<16xi32> to vector<1x16xi32>
    tpu.vector_store %arg6[%swap3A_1090, %swap3A_1091], %swap3A_1094 {strides = array<i32>} : memref<2x96xi32, #tpu.memory_space<vmem>>, vector<1x16xi32>,
    %add3A_1095 = arith.constant 480 : i32
    %add3A_1096 = arith.addi %multiple_of3A, %add3A_1095 : i32
    %add3A_1097 = arith.constant 64 : i32
    %add3A_1098 = arith.addi %add3A_1096, %add3A_1097 : i32
    %iota3A_1099 = tpu.iota {dimensions = array<i32: 0>} : vector<16xi32>
    %add3A_1100 = vector.broadcast %add3A_1098 : i32 to vector<16xi32>
    %add3A_1101 = arith.addi %add3A_1100, %iota3A_1099 : vector<16xi32>
    %swap3A_1102 = arith.constant 0 : i32
    %swap3A_1103 = arith.index_cast %swap3A_1102 : i32 to index
    %swap3A_1104 = arith.constant 64 : index
    %swap3A_1105 = tpu.vector_load %arg6[%swap3A_1103, %swap3A_1104] {strides = array<i32>} : memref<2x96xi32, #tpu.memory_space<vmem>>, vector<1x16xi32>,
    %swap3A_1106 = vector.shape_cast %swap3A_1105 : vector<1x16xi32> to vector<16xi32>
    %swap3A_1107 = vector.shape_cast %add3A_1101 : vector<16xi32> to vector<1x16xi32>
    tpu.vector_store %arg6[%swap3A_1103, %swap3A_1104], %swap3A_1107 {strides = array<i32>} : memref<2x96xi32, #tpu.memory_space<vmem>>, vector<1x16xi32>,
    %add3A_1108 = arith.constant 480 : i32
    %add3A_1109 = arith.addi %multiple_of3A, %add3A_1108 : i32
    %add3A_1110 = arith.constant 80 : i32
    %add3A_1111 = arith.addi %add3A_1109, %add3A_1110 : i32
    %iota3A_1112 = tpu.iota {dimensions = array<i32: 0>} : vector<16xi32>
    %add3A_1113 = vector.broadcast %add3A_1111 : i32 to vector<16xi32>
    %add3A_1114 = arith.addi %add3A_1113, %iota3A_1112 : vector<16xi32>
    %swap3A_1115 = arith.constant 0 : i32
    %swap3A_1116 = arith.index_cast %swap3A_1115 : i32 to index
    %swap3A_1117 = arith.constant 80 : index
    %swap3A_1118 = tpu.vector_load %arg6[%swap3A_1116, %swap3A_1117] {strides = array<i32>} : memref<2x96xi32, #tpu.memory_space<vmem>>, vector<1x16xi32>,
    %swap3A_1119 = vector.shape_cast %swap3A_1118 : vector<1x16xi32> to vector<16xi32>
    %swap3A_1120 = vector.shape_cast %add3A_1114 : vector<16xi32> to vector<1x16xi32>
    tpu.vector_store %arg6[%swap3A_1116, %swap3A_1117], %swap3A_1120 {strides = array<i32>} : memref<2x96xi32, #tpu.memory_space<vmem>>, vector<1x16xi32>,
    %dma_start3A_1121 = arith.constant 0 : i32
    %dma_start3A_1122 = arith.constant 0 : i32
    %dma_start3A_1123 = tpu.memref_slice %arg6[%dma_start3A_1121, %dma_start3A_1122] : memref<2x96xi32, #tpu.memory_space<vmem>> -> memref<1x96xi32, #tpu.memory_space<vmem>>
    %dma_start3A_1124 = tpu.memref_squeeze %dma_start3A_1123 : memref<1x96xi32, #tpu.memory_space<vmem>> -> memref<96xi32, #tpu.memory_space<vmem>>
    %dma_start3A_1125 = arith.constant 0 : i32
    %dma_start3A_1126 = arith.constant 0 : i32
    %dma_start3A_1127 = tpu.memref_slice %arg5[%dma_start3A_1125, %dma_start3A_1126] : memref<10112x128xf32, #tpu.memory_space<vmem_shared>> -> memref<10112x128xf32, #tpu.memory_space<vmem_shared>>
    tpu.enqueue_indirect_dma source(%dma_start3A_1127 : memref<10112x128xf32, #tpu.memory_space<vmem_shared>>) target(%arg8 : memref<96x128xf32, #tpu.memory_space<vmem>>) offsets(%dma_start3A_1124 : memref<96xi32, #tpu.memory_space<vmem>>) semaphore(%arg10 : memref<!tpu.dma_semaphore, #tpu.memory_space<semaphore_mem>>)
    %dma_wait3A_1128 = arith.constant 0 : i32
    %dma_wait3A_1129 = arith.constant 0 : i32
    %dma_wait3A_1130 = tpu.memref_slice %arg6[%dma_wait3A_1128, %dma_wait3A_1129] : memref<2x96xi32, #tpu.memory_space<vmem>> -> memref<1x96xi32, #tpu.memory_space<vmem>>
    %dma_wait3A_1131 = tpu.memref_squeeze %dma_wait3A_1130 : memref<1x96xi32, #tpu.memory_space<vmem>> -> memref<96xi32, #tpu.memory_space<vmem>>
    %dma_wait3A_1132 = arith.constant 0 : i32
    %dma_wait3A_1133 = arith.constant 0 : i32
    %dma_wait3A_1134 = tpu.memref_slice %arg5[%dma_wait3A_1132, %dma_wait3A_1133] : memref<10112x128xf32, #tpu.memory_space<vmem_shared>> -> memref<10112x128xf32, #tpu.memory_space<vmem_shared>>
    tpu.wait_indirect_dma semaphore(%arg10 : memref<!tpu.dma_semaphore, #tpu.memory_space<semaphore_mem>>) src(%dma_wait3A_1134 : memref<10112x128xf32, #tpu.memory_space<vmem_shared>>) dst(%arg8 : memref<96x128xf32, #tpu.memory_space<vmem>>)
    %add3A_1135 = arith.constant 480 : i32
    %add3A_1136 = arith.addi %multiple_of3A, %add3A_1135 : i32
    "tpu.region"() ({
      %run_scoped3A_1231 = tpu.sem_alloc : memref<!tpu.dma_semaphore, #tpu.memory_space<semaphore_mem>>
      %dma_start3A_1232 = arith.constant 0 : i32
      %dma_start3A_1233 = tpu.memref_slice %arg4[%arg0, %add3A_1136, %dma_start3A_1232] : memref<2x10112x128xf32, #tpu.memory_space<hbm>> -> memref<1x96x128xf32, #tpu.memory_space<hbm>>
      %dma_start3A_1234 = tpu.memref_squeeze %dma_start3A_1233 : memref<1x96x128xf32, #tpu.memory_space<hbm>> -> memref<96x128xf32, #tpu.memory_space<hbm>>
      %dma_start3A_1235 = arith.constant 0 : i32
      %dma_start3A_1236 = tpu.memref_slice %arg4[%arg0, %add3A_1136, %dma_start3A_1235] : memref<2x10112x128xf32, #tpu.memory_space<hbm>> -> memref<1x96x128xf32, #tpu.memory_space<hbm>>
      %dma_start3A_1237 = tpu.memref_squeeze %dma_start3A_1236 : memref<1x96x128xf32, #tpu.memory_space<hbm>> -> memref<96x128xf32, #tpu.memory_space<hbm>>
      tpu.enqueue_dma source(%arg8 : memref<96x128xf32, #tpu.memory_space<vmem>>) target(%dma_start3A_1237 : memref<96x128xf32, #tpu.memory_space<hbm>>) target_semaphore(%run_scoped3A_1231 : memref<!tpu.dma_semaphore, #tpu.memory_space<semaphore_mem>>)
      %dma_wait3A_1238 = arith.constant 0 : i32
      %dma_wait3A_1239 = tpu.memref_slice %arg4[%arg0, %add3A_1136, %dma_wait3A_1238] : memref<2x10112x128xf32, #tpu.memory_space<hbm>> -> memref<1x96x128xf32, #tpu.memory_space<hbm>>
      %dma_wait3A_1240 = tpu.memref_squeeze %dma_wait3A_1239 : memref<1x96x128xf32, #tpu.memory_space<hbm>> -> memref<96x128xf32, #tpu.memory_space<hbm>>
      %dma_wait3A_1241 = arith.constant 0 : i32
      %dma_wait3A_1242 = tpu.memref_slice %arg4[%arg0, %add3A_1136, %dma_wait3A_1241] : memref<2x10112x128xf32, #tpu.memory_space<hbm>> -> memref<1x96x128xf32, #tpu.memory_space<hbm>>
      %dma_wait3A_1243 = tpu.memref_squeeze %dma_wait3A_1242 : memref<1x96x128xf32, #tpu.memory_space<hbm>> -> memref<96x128xf32, #tpu.memory_space<hbm>>
      tpu.wait_dma2 semaphore(%run_scoped3A_1231 : memref<!tpu.dma_semaphore, #tpu.memory_space<semaphore_mem>>) src(%arg8 : memref<96x128xf32, #tpu.memory_space<vmem>>) dst(%dma_wait3A_1243 : memref<96x128xf32, #tpu.memory_space<hbm>>)
      tpu.yield
    }) : () -> ()
    %add3A_1137 = arith.constant 536 : i32
    %add3A_1138 = arith.addi %multiple_of3A, %add3A_1137 : i32
    %add3A_1139 = arith.constant 0 : i32
    %add3A_1140 = arith.addi %add3A_1138, %add3A_1139 : i32
    %iota3A_1141 = tpu.iota {dimensions = array<i32: 0>} : vector<16xi32>
    %add3A_1142 = vector.broadcast %add3A_1140 : i32 to vector<16xi32>
    %add3A_1143 = arith.addi %add3A_1142, %iota3A_1141 : vector<16xi32>
    %swap3A_1144 = arith.constant 0 : i32
    %swap3A_1145 = arith.index_cast %swap3A_1144 : i32 to index
    %swap3A_1146 = arith.constant 0 : index
    %swap3A_1147 = tpu.vector_load %arg6[%swap3A_1145, %swap3A_1146] {strides = array<i32>} : memref<2x96xi32, #tpu.memory_space<vmem>>, vector<1x16xi32>,
    %swap3A_1148 = vector.shape_cast %swap3A_1147 : vector<1x16xi32> to vector<16xi32>
    %swap3A_1149 = vector.shape_cast %add3A_1143 : vector<16xi32> to vector<1x16xi32>
    tpu.vector_store %arg6[%swap3A_1145, %swap3A_1146], %swap3A_1149 {strides = array<i32>} : memref<2x96xi32, #tpu.memory_space<vmem>>, vector<1x16xi32>,
    %add3A_1150 = arith.constant 536 : i32
    %add3A_1151 = arith.addi %multiple_of3A, %add3A_1150 : i32
    %add3A_1152 = arith.constant 16 : i32
    %add3A_1153 = arith.addi %add3A_1151, %add3A_1152 : i32
    %iota3A_1154 = tpu.iota {dimensions = array<i32: 0>} : vector<16xi32>
    %add3A_1155 = vector.broadcast %add3A_1153 : i32 to vector<16xi32>
    %add3A_1156 = arith.addi %add3A_1155, %iota3A_1154 : vector<16xi32>
    %swap3A_1157 = arith.constant 0 : i32
    %swap3A_1158 = arith.index_cast %swap3A_1157 : i32 to index
    %swap3A_1159 = arith.constant 16 : index
    %swap3A_1160 = tpu.vector_load %arg6[%swap3A_1158, %swap3A_1159] {strides = array<i32>} : memref<2x96xi32, #tpu.memory_space<vmem>>, vector<1x16xi32>,
    %swap3A_1161 = vector.shape_cast %swap3A_1160 : vector<1x16xi32> to vector<16xi32>
    %swap3A_1162 = vector.shape_cast %add3A_1156 : vector<16xi32> to vector<1x16xi32>
    tpu.vector_store %arg6[%swap3A_1158, %swap3A_1159], %swap3A_1162 {strides = array<i32>} : memref<2x96xi32, #tpu.memory_space<vmem>>, vector<1x16xi32>,
    %add3A_1163 = arith.constant 536 : i32
    %add3A_1164 = arith.addi %multiple_of3A, %add3A_1163 : i32
    %add3A_1165 = arith.constant 32 : i32
    %add3A_1166 = arith.addi %add3A_1164, %add3A_1165 : i32
    %iota3A_1167 = tpu.iota {dimensions = array<i32: 0>} : vector<16xi32>
    %add3A_1168 = vector.broadcast %add3A_1166 : i32 to vector<16xi32>
    %add3A_1169 = arith.addi %add3A_1168, %iota3A_1167 : vector<16xi32>
    %swap3A_1170 = arith.constant 0 : i32
    %swap3A_1171 = arith.index_cast %swap3A_1170 : i32 to index
    %swap3A_1172 = arith.constant 32 : index
    %swap3A_1173 = tpu.vector_load %arg6[%swap3A_1171, %swap3A_1172] {strides = array<i32>} : memref<2x96xi32, #tpu.memory_space<vmem>>, vector<1x16xi32>,
    %swap3A_1174 = vector.shape_cast %swap3A_1173 : vector<1x16xi32> to vector<16xi32>
    %swap3A_1175 = vector.shape_cast %add3A_1169 : vector<16xi32> to vector<1x16xi32>
    tpu.vector_store %arg6[%swap3A_1171, %swap3A_1172], %swap3A_1175 {strides = array<i32>} : memref<2x96xi32, #tpu.memory_space<vmem>>, vector<1x16xi32>,
    %add3A_1176 = arith.constant 536 : i32
    %add3A_1177 = arith.addi %multiple_of3A, %add3A_1176 : i32
    %add3A_1178 = arith.constant 48 : i32
    %add3A_1179 = arith.addi %add3A_1177, %add3A_1178 : i32
    %iota3A_1180 = tpu.iota {dimensions = array<i32: 0>} : vector<16xi32>
    %add3A_1181 = vector.broadcast %add3A_1179 : i32 to vector<16xi32>
    %add3A_1182 = arith.addi %add3A_1181, %iota3A_1180 : vector<16xi32>
    %swap3A_1183 = arith.constant 0 : i32
    %swap3A_1184 = arith.index_cast %swap3A_1183 : i32 to index
    %swap3A_1185 = arith.constant 48 : index
    %swap3A_1186 = tpu.vector_load %arg6[%swap3A_1184, %swap3A_1185] {strides = array<i32>} : memref<2x96xi32, #tpu.memory_space<vmem>>, vector<1x16xi32>,
    %swap3A_1187 = vector.shape_cast %swap3A_1186 : vector<1x16xi32> to vector<16xi32>
    %swap3A_1188 = vector.shape_cast %add3A_1182 : vector<16xi32> to vector<1x16xi32>
    tpu.vector_store %arg6[%swap3A_1184, %swap3A_1185], %swap3A_1188 {strides = array<i32>} : memref<2x96xi32, #tpu.memory_space<vmem>>, vector<1x16xi32>,
    %add3A_1189 = arith.constant 536 : i32
    %add3A_1190 = arith.addi %multiple_of3A, %add3A_1189 : i32
    %add3A_1191 = arith.constant 64 : i32
    %add3A_1192 = arith.addi %add3A_1190, %add3A_1191 : i32
    %iota3A_1193 = tpu.iota {dimensions = array<i32: 0>} : vector<16xi32>
    %add3A_1194 = vector.broadcast %add3A_1192 : i32 to vector<16xi32>
    %add3A_1195 = arith.addi %add3A_1194, %iota3A_1193 : vector<16xi32>
    %swap3A_1196 = arith.constant 0 : i32
    %swap3A_1197 = arith.index_cast %swap3A_1196 : i32 to index
    %swap3A_1198 = arith.constant 64 : index
    %swap3A_1199 = tpu.vector_load %arg6[%swap3A_1197, %swap3A_1198] {strides = array<i32>} : memref<2x96xi32, #tpu.memory_space<vmem>>, vector<1x16xi32>,
    %swap3A_1200 = vector.shape_cast %swap3A_1199 : vector<1x16xi32> to vector<16xi32>
    %swap3A_1201 = vector.shape_cast %add3A_1195 : vector<16xi32> to vector<1x16xi32>
    tpu.vector_store %arg6[%swap3A_1197, %swap3A_1198], %swap3A_1201 {strides = array<i32>} : memref<2x96xi32, #tpu.memory_space<vmem>>, vector<1x16xi32>,
    %add3A_1202 = arith.constant 536 : i32
    %add3A_1203 = arith.addi %multiple_of3A, %add3A_1202 : i32
    %add3A_1204 = arith.constant 80 : i32
    %add3A_1205 = arith.addi %add3A_1203, %add3A_1204 : i32
    %iota3A_1206 = tpu.iota {dimensions = array<i32: 0>} : vector<16xi32>
    %add3A_1207 = vector.broadcast %add3A_1205 : i32 to vector<16xi32>
    %add3A_1208 = arith.addi %add3A_1207, %iota3A_1206 : vector<16xi32>
    %swap3A_1209 = arith.constant 0 : i32
    %swap3A_1210 = arith.index_cast %swap3A_1209 : i32 to index
    %swap3A_1211 = arith.constant 80 : index
    %swap3A_1212 = tpu.vector_load %arg6[%swap3A_1210, %swap3A_1211] {strides = array<i32>} : memref<2x96xi32, #tpu.memory_space<vmem>>, vector<1x16xi32>,
    %swap3A_1213 = vector.shape_cast %swap3A_1212 : vector<1x16xi32> to vector<16xi32>
    %swap3A_1214 = vector.shape_cast %add3A_1208 : vector<16xi32> to vector<1x16xi32>
    tpu.vector_store %arg6[%swap3A_1210, %swap3A_1211], %swap3A_1214 {strides = array<i32>} : memref<2x96xi32, #tpu.memory_space<vmem>>, vector<1x16xi32>,
    %dma_start3A_1215 = arith.constant 0 : i32
    %dma_start3A_1216 = arith.constant 0 : i32
    %dma_start3A_1217 = tpu.memref_slice %arg6[%dma_start3A_1215, %dma_start3A_1216] : memref<2x96xi32, #tpu.memory_space<vmem>> -> memref<1x96xi32, #tpu.memory_space<vmem>>
    %dma_start3A_1218 = tpu.memref_squeeze %dma_start3A_1217 : memref<1x96xi32, #tpu.memory_space<vmem>> -> memref<96xi32, #tpu.memory_space<vmem>>
    %dma_start3A_1219 = arith.constant 0 : i32
    %dma_start3A_1220 = arith.constant 0 : i32
    %dma_start3A_1221 = tpu.memref_slice %arg5[%dma_start3A_1219, %dma_start3A_1220] : memref<10112x128xf32, #tpu.memory_space<vmem_shared>> -> memref<10112x128xf32, #tpu.memory_space<vmem_shared>>
    tpu.enqueue_indirect_dma source(%dma_start3A_1221 : memref<10112x128xf32, #tpu.memory_space<vmem_shared>>) target(%arg8 : memref<96x128xf32, #tpu.memory_space<vmem>>) offsets(%dma_start3A_1218 : memref<96xi32, #tpu.memory_space<vmem>>) semaphore(%arg10 : memref<!tpu.dma_semaphore, #tpu.memory_space<semaphore_mem>>)
    %dma_wait3A_1222 = arith.constant 0 : i32
    %dma_wait3A_1223 = arith.constant 0 : i32
    %dma_wait3A_1224 = tpu.memref_slice %arg6[%dma_wait3A_1222, %dma_wait3A_1223] : memref<2x96xi32, #tpu.memory_space<vmem>> -> memref<1x96xi32, #tpu.memory_space<vmem>>
    %dma_wait3A_1225 = tpu.memref_squeeze %dma_wait3A_1224 : memref<1x96xi32, #tpu.memory_space<vmem>> -> memref<96xi32, #tpu.memory_space<vmem>>
    %dma_wait3A_1226 = arith.constant 0 : i32
    %dma_wait3A_1227 = arith.constant 0 : i32
    %dma_wait3A_1228 = tpu.memref_slice %arg5[%dma_wait3A_1226, %dma_wait3A_1227] : memref<10112x128xf32, #tpu.memory_space<vmem_shared>> -> memref<10112x128xf32, #tpu.memory_space<vmem_shared>>
    tpu.wait_indirect_dma semaphore(%arg10 : memref<!tpu.dma_semaphore, #tpu.memory_space<semaphore_mem>>) src(%dma_wait3A_1228 : memref<10112x128xf32, #tpu.memory_space<vmem_shared>>) dst(%arg8 : memref<96x128xf32, #tpu.memory_space<vmem>>)
    %add3A_1229 = arith.constant 536 : i32
    %add3A_1230 = arith.addi %multiple_of3A, %add3A_1229 : i32
    "tpu.region"() ({
      %run_scoped3A_1231 = tpu.sem_alloc : memref<!tpu.dma_semaphore, #tpu.memory_space<semaphore_mem>>
      %dma_start3A_1232 = arith.constant 0 : i32
      %dma_start3A_1233 = tpu.memref_slice %arg4[%arg0, %add3A_1230, %dma_start3A_1232] : memref<2x10112x128xf32, #tpu.memory_space<hbm>> -> memref<1x96x128xf32, #tpu.memory_space<hbm>>
      %dma_start3A_1234 = tpu.memref_squeeze %dma_start3A_1233 : memref<1x96x128xf32, #tpu.memory_space<hbm>> -> memref<96x128xf32, #tpu.memory_space<hbm>>
      %dma_start3A_1235 = arith.constant 0 : i32
      %dma_start3A_1236 = tpu.memref_slice %arg4[%arg0, %add3A_1230, %dma_start3A_1235] : memref<2x10112x128xf32, #tpu.memory_space<hbm>> -> memref<1x96x128xf32, #tpu.memory_space<hbm>>
      %dma_start3A_1237 = tpu.memref_squeeze %dma_start3A_1236 : memref<1x96x128xf32, #tpu.memory_space<hbm>> -> memref<96x128xf32, #tpu.memory_space<hbm>>
      tpu.enqueue_dma source(%arg8 : memref<96x128xf32, #tpu.memory_space<vmem>>) target(%dma_start3A_1237 : memref<96x128xf32, #tpu.memory_space<hbm>>) target_semaphore(%run_scoped3A_1231 : memref<!tpu.dma_semaphore, #tpu.memory_space<semaphore_mem>>)
      %dma_wait3A_1238 = arith.constant 0 : i32
      %dma_wait3A_1239 = tpu.memref_slice %arg4[%arg0, %add3A_1230, %dma_wait3A_1238] : memref<2x10112x128xf32, #tpu.memory_space<hbm>> -> memref<1x96x128xf32, #tpu.memory_space<hbm>>
      %dma_wait3A_1240 = tpu.memref_squeeze %dma_wait3A_1239 : memref<1x96x128xf32, #tpu.memory_space<hbm>> -> memref<96x128xf32, #tpu.memory_space<hbm>>
      %dma_wait3A_1241 = arith.constant 0 : i32
      %dma_wait3A_1242 = tpu.memref_slice %arg4[%arg0, %add3A_1230, %dma_wait3A_1241] : memref<2x10112x128xf32, #tpu.memory_space<hbm>> -> memref<1x96x128xf32, #tpu.memory_space<hbm>>
      %dma_wait3A_1243 = tpu.memref_squeeze %dma_wait3A_1242 : memref<1x96x128xf32, #tpu.memory_space<hbm>> -> memref<96x128xf32, #tpu.memory_space<hbm>>
      tpu.wait_dma2 semaphore(%run_scoped3A_1231 : memref<!tpu.dma_semaphore, #tpu.memory_space<semaphore_mem>>) src(%arg8 : memref<96x128xf32, #tpu.memory_space<vmem>>) dst(%dma_wait3A_1243 : memref<96x128xf32, #tpu.memory_space<hbm>>)
      tpu.yield
    }) : () -> ()
    return
  }
}

module attributes {stable_mosaic.version = 14 : i64} {
  func.func @_dense1_body(%arg0: i32, %arg1: memref<2x400x128xf32, #tpu.memory_space<vmem>>, %arg2: memref<400x8xf32, #tpu.memory_space<vmem>>, %arg3: memref<400x128xf32, #tpu.memory_space<vmem>>, %arg4: memref<128x128xf32, #tpu.memory_space<vmem>>, %arg5: memref<128xf32, #tpu.memory_space<vmem>>, %arg6: memref<128x128xf32, #tpu.memory_space<vmem>>, %arg7: memref<400x128xf32, #tpu.memory_space<vmem>>) attributes {dimension_semantics = [#tpu.dimension_semantics<arbitrary>], iteration_bounds = array<i64: 25>, scalar_prefetch = 0 : i64, scratch_operands = 0 : i64, tpu.core_type = #tpu.core_type<tc>, window_params = [{transform_indices = @transform_0, window_bounds = array<i64: 2, 400, 128>}, {transform_indices = @transform_1, window_bounds = array<i64: 400, 8>}, {transform_indices = @transform_2, window_bounds = array<i64: 400, 128>}, {pipeline_mode = #tpu.pipeline_mode<synchronous>, transform_indices = @transform_3, window_bounds = array<i64: 128, 128>}, {pipeline_mode = #tpu.pipeline_mode<synchronous>, transform_indices = @transform_4, window_bounds = array<i64: 128>}, {pipeline_mode = #tpu.pipeline_mode<synchronous>, transform_indices = @transform_5, window_bounds = array<i64: 128, 128>}, {transform_indices = @transform_6, window_bounds = array<i64: 400, 128>}]} {
    %get3A = arith.constant 0 : index
    %get3A_0 = arith.constant 0 : index
    %get3A_1 = vector.load %arg2[%get3A, %get3A_0] : memref<400x8xf32, #tpu.memory_space<vmem>>, vector<400x1xf32>
    %get3A_2 = vector.shape_cast %get3A_1 : vector<400x1xf32> to vector<400xf32>
    %jit3A = arith.constant 1.000000e+00 : f32
    %max3A = vector.broadcast %jit3A : f32 to vector<400xf32>
    %max3A_3 = arith.maximumf %max3A, %get3A_2 : vector<400xf32>
    %div3A = arith.constant 1.000000e+00 : f32
    %div3A_4 = vector.broadcast %div3A : f32 to vector<400xf32>
    %div3A_5 = arith.divf %div3A_4, %max3A_3 : vector<400xf32>
    %get3A_6 = arith.constant 0 : index
    %get3A_7 = arith.constant 0 : index
    %get3A_8 = arith.constant 0 : index
    %get3A_9 = vector.load %arg1[%get3A_6, %get3A_7, %get3A_8] : memref<2x400x128xf32, #tpu.memory_space<vmem>>, vector<1x400x128xf32>
    %get3A_10 = vector.shape_cast %get3A_9 : vector<1x400x128xf32> to vector<400x128xf32>
    %get3A_11 = arith.constant 1 : index
    %get3A_12 = arith.constant 0 : index
    %get3A_13 = arith.constant 0 : index
    %get3A_14 = vector.load %arg1[%get3A_11, %get3A_12, %get3A_13] : memref<2x400x128xf32, #tpu.memory_space<vmem>>, vector<1x400x128xf32>
    %get3A_15 = vector.shape_cast %get3A_14 : vector<1x400x128xf32> to vector<400x128xf32>
    %add3A = arith.addf %get3A_10, %get3A_15 : vector<400x128xf32>
    %broadcast_in_dim3A = vector.shape_cast %div3A_5 : vector<400xf32> to vector<400x1xf32>
    %mul3A = vector.broadcast %broadcast_in_dim3A : vector<400x1xf32> to vector<400x128xf32>
    %mul3A_16 = arith.mulf %add3A, %mul3A : vector<400x128xf32>
    %get3A_17 = arith.constant 0 : index
    %get3A_18 = arith.constant 0 : index
    %get3A_19 = vector.load %arg4[%get3A_17, %get3A_18] : memref<128x128xf32, #tpu.memory_space<vmem>>, vector<128x128xf32>
    %dot_general3A = arith.constant dense<0.000000e+00> : vector<400x128xf32>
    %dot_general3A_20 = tpu.matmul %mul3A_16, %get3A_19, %dot_general3A {dimension_numbers = #tpu.dot_dimension_numbers<[1], [0], [0], [1], [0, 0, 1, 1], [], []>, transpose_lhs_hint = false} : vector<400x128xf32>, vector<128x128xf32>, vector<400x128xf32> -> vector<400x128xf32>
    %get3A_21 = arith.constant 0 : index
    %get3A_22 = vector.load %arg5[%get3A_21] : memref<128xf32, #tpu.memory_space<vmem>>, vector<128xf32>
    %broadcast_in_dim3A_23 = vector.shape_cast %get3A_22 : vector<128xf32> to vector<1x128xf32>
    %add3A_24 = vector.broadcast %broadcast_in_dim3A_23 : vector<1x128xf32> to vector<400x128xf32>
    %add3A_25 = arith.addf %dot_general3A_20, %add3A_24 : vector<400x128xf32>
    %get3A_26 = arith.constant 0 : index
    %get3A_27 = arith.constant 0 : index
    %get3A_28 = vector.load %arg3[%get3A_26, %get3A_27] : memref<400x128xf32, #tpu.memory_space<vmem>>, vector<400x128xf32>
    %get3A_29 = arith.constant 0 : index
    %get3A_30 = arith.constant 0 : index
    %get3A_31 = vector.load %arg6[%get3A_29, %get3A_30] : memref<128x128xf32, #tpu.memory_space<vmem>>, vector<128x128xf32>
    %dot_general3A_32 = arith.constant dense<0.000000e+00> : vector<400x128xf32>
    %dot_general3A_33 = tpu.matmul %get3A_28, %get3A_31, %dot_general3A_32 {dimension_numbers = #tpu.dot_dimension_numbers<[1], [0], [0], [1], [0, 0, 1, 1], [], []>, transpose_lhs_hint = false} : vector<400x128xf32>, vector<128x128xf32>, vector<400x128xf32> -> vector<400x128xf32>
    %add3A_34 = arith.addf %add3A_25, %dot_general3A_33 : vector<400x128xf32>
    %max3A_35 = arith.constant 0.000000e+00 : f32
    %max3A_36 = vector.broadcast %max3A_35 : f32 to vector<400x128xf32>
    %max3A_37 = arith.maximumf %add3A_34, %max3A_36 : vector<400x128xf32>
    %swap3A = arith.constant 0 : index
    %swap3A_38 = arith.constant 0 : index
    %swap3A_39 = vector.load %arg7[%swap3A, %swap3A_38] : memref<400x128xf32, #tpu.memory_space<vmem>>, vector<400x128xf32>
    tpu.vector_store %arg7[%swap3A, %swap3A_38], %max3A_37 {strides = array<i32>} : memref<400x128xf32, #tpu.memory_space<vmem>>, vector<400x128xf32>,
    return
  }
  func.func @transform_0(%arg0: i32) -> (i32, i32, i32) {
    %c0_i32 = arith.constant 0 : i32
    %c0_i32_0 = arith.constant 0 : i32
    %c0_i32_1 = arith.constant 0 : i32
    return %c0_i32, %arg0, %c0_i32_0 : i32, i32, i32
  }
  func.func @transform_1(%arg0: i32) -> (i32, i32) {
    %c0_i32 = arith.constant 0 : i32
    %c0_i32_0 = arith.constant 0 : i32
    return %arg0, %c0_i32 : i32, i32
  }
  func.func @transform_2(%arg0: i32) -> (i32, i32) {
    %c0_i32 = arith.constant 0 : i32
    %c0_i32_0 = arith.constant 0 : i32
    return %arg0, %c0_i32 : i32, i32
  }
  func.func @transform_3(%arg0: i32) -> (i32, i32) {
    %c0_i32 = arith.constant 0 : i32
    %c0_i32_0 = arith.constant 0 : i32
    %c0_i32_1 = arith.constant 0 : i32
    return %c0_i32, %c0_i32_0 : i32, i32
  }
  func.func @transform_4(%arg0: i32) -> i32 {
    %c0_i32 = arith.constant 0 : i32
    %c0_i32_0 = arith.constant 0 : i32
    return %c0_i32 : i32
  }
  func.func @transform_5(%arg0: i32) -> (i32, i32) {
    %c0_i32 = arith.constant 0 : i32
    %c0_i32_0 = arith.constant 0 : i32
    %c0_i32_1 = arith.constant 0 : i32
    return %c0_i32, %c0_i32_0 : i32, i32
  }
  func.func @transform_6(%arg0: i32) -> (i32, i32) {
    %c0_i32 = arith.constant 0 : i32
    %c0_i32_0 = arith.constant 0 : i32
    return %arg0, %c0_i32 : i32, i32
  }
}

module attributes {stable_mosaic.version = 14 : i64} {
  func.func @_dense2_body(%arg0: i32, %arg1: memref<2x400x128xf32, #tpu.memory_space<vmem>>, %arg2: memref<400x8xf32, #tpu.memory_space<vmem>>, %arg3: memref<400x128xf32, #tpu.memory_space<vmem>>, %arg4: memref<128x128xf32, #tpu.memory_space<vmem>>, %arg5: memref<128xf32, #tpu.memory_space<vmem>>, %arg6: memref<128x128xf32, #tpu.memory_space<vmem>>, %arg7: memref<128x128xf32, #tpu.memory_space<vmem>>, %arg8: memref<128xf32, #tpu.memory_space<vmem>>, %arg9: memref<128x128xf32, #tpu.memory_space<vmem>>, %arg10: memref<128xf32, #tpu.memory_space<vmem>>, %arg11: memref<400x128xf32, #tpu.memory_space<vmem>>) attributes {dimension_semantics = [#tpu.dimension_semantics<arbitrary>], iteration_bounds = array<i64: 25>, scalar_prefetch = 0 : i64, scratch_operands = 0 : i64, tpu.core_type = #tpu.core_type<tc>, window_params = [{transform_indices = @transform_0, window_bounds = array<i64: 2, 400, 128>}, {transform_indices = @transform_1, window_bounds = array<i64: 400, 8>}, {transform_indices = @transform_2, window_bounds = array<i64: 400, 128>}, {pipeline_mode = #tpu.pipeline_mode<synchronous>, transform_indices = @transform_3, window_bounds = array<i64: 128, 128>}, {pipeline_mode = #tpu.pipeline_mode<synchronous>, transform_indices = @transform_4, window_bounds = array<i64: 128>}, {pipeline_mode = #tpu.pipeline_mode<synchronous>, transform_indices = @transform_5, window_bounds = array<i64: 128, 128>}, {pipeline_mode = #tpu.pipeline_mode<synchronous>, transform_indices = @transform_6, window_bounds = array<i64: 128, 128>}, {pipeline_mode = #tpu.pipeline_mode<synchronous>, transform_indices = @transform_7, window_bounds = array<i64: 128>}, {pipeline_mode = #tpu.pipeline_mode<synchronous>, transform_indices = @transform_8, window_bounds = array<i64: 128, 128>}, {pipeline_mode = #tpu.pipeline_mode<synchronous>, transform_indices = @transform_9, window_bounds = array<i64: 128>}, {transform_indices = @transform_10, window_bounds = array<i64: 400, 128>}]} {
    %get3A = arith.constant 0 : index
    %get3A_0 = arith.constant 0 : index
    %get3A_1 = vector.load %arg2[%get3A, %get3A_0] : memref<400x8xf32, #tpu.memory_space<vmem>>, vector<400x1xf32>
    %get3A_2 = vector.shape_cast %get3A_1 : vector<400x1xf32> to vector<400xf32>
    %jit3A = arith.constant 1.000000e+00 : f32
    %max3A = vector.broadcast %jit3A : f32 to vector<400xf32>
    %max3A_3 = arith.maximumf %max3A, %get3A_2 : vector<400xf32>
    %div3A = arith.constant 1.000000e+00 : f32
    %div3A_4 = vector.broadcast %div3A : f32 to vector<400xf32>
    %div3A_5 = arith.divf %div3A_4, %max3A_3 : vector<400xf32>
    %get3A_6 = arith.constant 0 : index
    %get3A_7 = arith.constant 0 : index
    %get3A_8 = arith.constant 0 : index
    %get3A_9 = vector.load %arg1[%get3A_6, %get3A_7, %get3A_8] : memref<2x400x128xf32, #tpu.memory_space<vmem>>, vector<1x400x128xf32>
    %get3A_10 = vector.shape_cast %get3A_9 : vector<1x400x128xf32> to vector<400x128xf32>
    %get3A_11 = arith.constant 1 : index
    %get3A_12 = arith.constant 0 : index
    %get3A_13 = arith.constant 0 : index
    %get3A_14 = vector.load %arg1[%get3A_11, %get3A_12, %get3A_13] : memref<2x400x128xf32, #tpu.memory_space<vmem>>, vector<1x400x128xf32>
    %get3A_15 = vector.shape_cast %get3A_14 : vector<1x400x128xf32> to vector<400x128xf32>
    %add3A = arith.addf %get3A_10, %get3A_15 : vector<400x128xf32>
    %broadcast_in_dim3A = vector.shape_cast %div3A_5 : vector<400xf32> to vector<400x1xf32>
    %mul3A = vector.broadcast %broadcast_in_dim3A : vector<400x1xf32> to vector<400x128xf32>
    %mul3A_16 = arith.mulf %add3A, %mul3A : vector<400x128xf32>
    %get3A_17 = arith.constant 0 : index
    %get3A_18 = arith.constant 0 : index
    %get3A_19 = vector.load %arg4[%get3A_17, %get3A_18] : memref<128x128xf32, #tpu.memory_space<vmem>>, vector<128x128xf32>
    %dot_general3A = arith.constant dense<0.000000e+00> : vector<400x128xf32>
    %dot_general3A_20 = tpu.matmul %mul3A_16, %get3A_19, %dot_general3A {dimension_numbers = #tpu.dot_dimension_numbers<[1], [0], [0], [1], [0, 0, 1, 1], [], []>, transpose_lhs_hint = false} : vector<400x128xf32>, vector<128x128xf32>, vector<400x128xf32> -> vector<400x128xf32>
    %get3A_21 = arith.constant 0 : index
    %get3A_22 = vector.load %arg5[%get3A_21] : memref<128xf32, #tpu.memory_space<vmem>>, vector<128xf32>
    %broadcast_in_dim3A_23 = vector.shape_cast %get3A_22 : vector<128xf32> to vector<1x128xf32>
    %add3A_24 = vector.broadcast %broadcast_in_dim3A_23 : vector<1x128xf32> to vector<400x128xf32>
    %add3A_25 = arith.addf %dot_general3A_20, %add3A_24 : vector<400x128xf32>
    %get3A_26 = arith.constant 0 : index
    %get3A_27 = arith.constant 0 : index
    %get3A_28 = vector.load %arg3[%get3A_26, %get3A_27] : memref<400x128xf32, #tpu.memory_space<vmem>>, vector<400x128xf32>
    %get3A_29 = arith.constant 0 : index
    %get3A_30 = arith.constant 0 : index
    %get3A_31 = vector.load %arg6[%get3A_29, %get3A_30] : memref<128x128xf32, #tpu.memory_space<vmem>>, vector<128x128xf32>
    %dot_general3A_32 = arith.constant dense<0.000000e+00> : vector<400x128xf32>
    %dot_general3A_33 = tpu.matmul %get3A_28, %get3A_31, %dot_general3A_32 {dimension_numbers = #tpu.dot_dimension_numbers<[1], [0], [0], [1], [0, 0, 1, 1], [], []>, transpose_lhs_hint = false} : vector<400x128xf32>, vector<128x128xf32>, vector<400x128xf32> -> vector<400x128xf32>
    %add3A_34 = arith.addf %add3A_25, %dot_general3A_33 : vector<400x128xf32>
    %max3A_35 = arith.constant 0.000000e+00 : f32
    %max3A_36 = vector.broadcast %max3A_35 : f32 to vector<400x128xf32>
    %max3A_37 = arith.maximumf %add3A_34, %max3A_36 : vector<400x128xf32>
    %get3A_38 = arith.constant 0 : index
    %get3A_39 = arith.constant 0 : index
    %get3A_40 = vector.load %arg7[%get3A_38, %get3A_39] : memref<128x128xf32, #tpu.memory_space<vmem>>, vector<128x128xf32>
    %dot_general3A_41 = arith.constant dense<0.000000e+00> : vector<400x128xf32>
    %dot_general3A_42 = tpu.matmul %max3A_37, %get3A_40, %dot_general3A_41 {dimension_numbers = #tpu.dot_dimension_numbers<[1], [0], [0], [1], [0, 0, 1, 1], [], []>, transpose_lhs_hint = false} : vector<400x128xf32>, vector<128x128xf32>, vector<400x128xf32> -> vector<400x128xf32>
    %get3A_43 = arith.constant 0 : index
    %get3A_44 = vector.load %arg8[%get3A_43] : memref<128xf32, #tpu.memory_space<vmem>>, vector<128xf32>
    %broadcast_in_dim3A_45 = vector.shape_cast %get3A_44 : vector<128xf32> to vector<1x128xf32>
    %add3A_46 = vector.broadcast %broadcast_in_dim3A_45 : vector<1x128xf32> to vector<400x128xf32>
    %add3A_47 = arith.addf %dot_general3A_42, %add3A_46 : vector<400x128xf32>
    %max3A_48 = arith.constant 0.000000e+00 : f32
    %max3A_49 = vector.broadcast %max3A_48 : f32 to vector<400x128xf32>
    %max3A_50 = arith.maximumf %add3A_47, %max3A_49 : vector<400x128xf32>
    %get3A_51 = arith.constant 0 : index
    %get3A_52 = arith.constant 0 : index
    %get3A_53 = vector.load %arg9[%get3A_51, %get3A_52] : memref<128x128xf32, #tpu.memory_space<vmem>>, vector<128x128xf32>
    %dot_general3A_54 = arith.constant dense<0.000000e+00> : vector<400x128xf32>
    %dot_general3A_55 = tpu.matmul %max3A_50, %get3A_53, %dot_general3A_54 {dimension_numbers = #tpu.dot_dimension_numbers<[1], [0], [0], [1], [0, 0, 1, 1], [], []>, transpose_lhs_hint = false} : vector<400x128xf32>, vector<128x128xf32>, vector<400x128xf32> -> vector<400x128xf32>
    %get3A_56 = arith.constant 0 : index
    %get3A_57 = vector.load %arg10[%get3A_56] : memref<128xf32, #tpu.memory_space<vmem>>, vector<128xf32>
    %broadcast_in_dim3A_58 = vector.shape_cast %get3A_57 : vector<128xf32> to vector<1x128xf32>
    %add3A_59 = vector.broadcast %broadcast_in_dim3A_58 : vector<1x128xf32> to vector<400x128xf32>
    %add3A_60 = arith.addf %dot_general3A_55, %add3A_59 : vector<400x128xf32>
    %swap3A = arith.constant 0 : index
    %swap3A_61 = arith.constant 0 : index
    %swap3A_62 = vector.load %arg11[%swap3A, %swap3A_61] : memref<400x128xf32, #tpu.memory_space<vmem>>, vector<400x128xf32>
    tpu.vector_store %arg11[%swap3A, %swap3A_61], %add3A_60 {strides = array<i32>} : memref<400x128xf32, #tpu.memory_space<vmem>>, vector<400x128xf32>,
    return
  }
  func.func @transform_0(%arg0: i32) -> (i32, i32, i32) {
    %c0_i32 = arith.constant 0 : i32
    %c0_i32_0 = arith.constant 0 : i32
    %c0_i32_1 = arith.constant 0 : i32
    return %c0_i32, %arg0, %c0_i32_0 : i32, i32, i32
  }
  func.func @transform_1(%arg0: i32) -> (i32, i32) {
    %c0_i32 = arith.constant 0 : i32
    %c0_i32_0 = arith.constant 0 : i32
    return %arg0, %c0_i32 : i32, i32
  }
  func.func @transform_2(%arg0: i32) -> (i32, i32) {
    %c0_i32 = arith.constant 0 : i32
    %c0_i32_0 = arith.constant 0 : i32
    return %arg0, %c0_i32 : i32, i32
  }
  func.func @transform_3(%arg0: i32) -> (i32, i32) {
    %c0_i32 = arith.constant 0 : i32
    %c0_i32_0 = arith.constant 0 : i32
    %c0_i32_1 = arith.constant 0 : i32
    return %c0_i32, %c0_i32_0 : i32, i32
  }
  func.func @transform_4(%arg0: i32) -> i32 {
    %c0_i32 = arith.constant 0 : i32
    %c0_i32_0 = arith.constant 0 : i32
    return %c0_i32 : i32
  }
  func.func @transform_5(%arg0: i32) -> (i32, i32) {
    %c0_i32 = arith.constant 0 : i32
    %c0_i32_0 = arith.constant 0 : i32
    %c0_i32_1 = arith.constant 0 : i32
    return %c0_i32, %c0_i32_0 : i32, i32
  }
  func.func @transform_6(%arg0: i32) -> (i32, i32) {
    %c0_i32 = arith.constant 0 : i32
    %c0_i32_0 = arith.constant 0 : i32
    %c0_i32_1 = arith.constant 0 : i32
    return %c0_i32, %c0_i32_0 : i32, i32
  }
  func.func @transform_7(%arg0: i32) -> i32 {
    %c0_i32 = arith.constant 0 : i32
    %c0_i32_0 = arith.constant 0 : i32
    return %c0_i32 : i32
  }
  func.func @transform_8(%arg0: i32) -> (i32, i32) {
    %c0_i32 = arith.constant 0 : i32
    %c0_i32_0 = arith.constant 0 : i32
    %c0_i32_1 = arith.constant 0 : i32
    return %c0_i32, %c0_i32_0 : i32, i32
  }
  func.func @transform_9(%arg0: i32) -> i32 {
    %c0_i32 = arith.constant 0 : i32
    %c0_i32_0 = arith.constant 0 : i32
    return %c0_i32 : i32
  }
  func.func @transform_10(%arg0: i32) -> (i32, i32) {
    %c0_i32 = arith.constant 0 : i32
    %c0_i32_0 = arith.constant 0 : i32
    return %arg0, %c0_i32 : i32, i32
  }
}

</mosaic_0001>

<sc_bundles>
// kernel: kernel.6.cloned.1.call-start
scs
__scs_entry_jumppad:
0x0: {  	(pc) =	sbr.rel $0x88, $3  }
0x1: {  	(tag) =	ssettag $0x0;
	lr =	simm.s32 $0x1  }
0x2: {  	[smem:$0x3F95] =	sst lr;
	_ =	strace $0xD0000000  }
0x3: {  	_ = 	snop  }
0x4: {  	_ = 	snop  }
0x5: {  	_ = 	snop  }
0x6: {  	_ = 	snop  }
0x7: {  	_ = 	snop  }
__scs_overlays_trampoline_lowered:
0x8: {  	[smem:$0x3FA4] =	sst s0  }
0x9: {  	[smem:$0x3FA5] =	sst s1  }
0xa: {  	[smem:$0x3FA6] =	sst s2  }
0xb: {  	[smem:$0x3FA7] =	sst s3  }
0xc: {  	[smem:$0x3FA8] =	sst s4  }
0xd: {  	[smem:$0x3FA9] =	sst s5  }
0xe: {  	[smem:$0x3FAA] =	sst s6  }
0xf: {  	[smem:$0x3FAB] =	sst s7  }
0x10: {  	[smem:$0x3FAC] =	sst s8  }
0x11: {  	[smem:$0x3FAD] =	sst s9;
	s0 =	simm.s32 @!p0 $0x0  }
0x12: {  	s1 =	sld [smem:$0x3F93];
	s0 =	simm.s32 @p0 $0x1  }
0x13: {  	[smem:$0x3FAE] =	sst s0;
	s0 =	simm.s32 @!p1 $0x0  }
0x14: {  	s2 =	sld [smem:$0x3F92];
	s0 =	simm.s32 @p1 $0x1  }
0x15: {  	[smem:$0x3FAF] =	sst s0;
	s0 =	simm.s32 @!p2 $0x0  }
0x16: {  	s3 =	sld [smem:$0x3FDB];
	s0 =	simm.s32 @p2 $0x1  }
0x17: {  	s4 =	simm.s32 $0x1BF5;
	[smem:$0x3FB1] =	sst s0  }
0x18: {  	s0 =	sld [smem:$0x3F94];
	_ =	swait.ge [sflag:s4], $0x0  }
0x19: {  	s7 =	sld [smem:$0x3F95]  }
0x1a: {  	s8 =	sadd.s32 $0xFFFFE003, lr  }
0x1b: {  	s9 =	sadd.s32 $0xFFFFFEF7, lr;
	s5 =	simm.s32 $0xFFFFFFFF;
	p2 =	slt.u32 s8, $0xFFFFF086  }
0x1c: {  	p1 =	slt.u32 s9, $0xF7A;
	s5 =	simm.s32 @!p2 $0x0  }
0x1d: {  	s5 =	simm.s32 @p1 $0x1;
	p0 =	seq.s32 s7, s2  }
0x1e: {  	s7 =	smul.u32 @!p0 $0xF7A, s2;
	p2 =	seq.s32 @!p0 s5, $0x0  }
0x1f: {  	s9 =	smul.u32 $0xF7A, s1;
	s8 =	simm.s32 @!p0 $0x1BF5;
	p2 =	por !p2, p0  }
0x20: {  	[sflag:s8] =	ssyncset.s32 @!p0 $0xFFFFF086;
	s6 =	sadd.s32 @!p0 s3, s7;
	s7 =	simm.s32 @!p0 $0x108  }
0x21: {  	s3 =	sadd.s32 s3, s9;
	s6 =	sadd.s32 @!p0 $0x88, s6;
	s7 =	simm.s32 @p2 $0x1082  }
0x22: {  	[simem:s7], [sflag:s8] =	dma.local @!p0 [hbm:s6], $0xF7A  }
0x23: {  	s9 =	sor.u32 $0xD0000000, s2;
	s6 =	simm.s32 $0x108;
	_ =	swait.ge @!p0 [sflag:s8], $0x0  }
0x24: {  	s3 =	sadd.s32 $0x88, s3;
	s6 =	simm.s32 @!p1 $0x1082;
	[sflag:s4] =	ssyncset.s32 $0xFFFFF086  }
0x25: {  	[simem:s6], [sflag:s4] =	dma.local [hbm:s3], $0xF7A  }
0x26: {  	[smem:$0x3F95] =	sst s1;
	(tag) =	ssettag s2;
	_ =	strace s9  }
0x27: {  	s1 =	sld [smem:$0x3FA5]  }
0x28: {  	s2 =	sld [smem:$0x3FA6]  }
0x29: {  	s4 =	sld [smem:$0x3FA8]  }
0x2a: {  	p0 =	seq.s32 s5, $0x0;
	s5 =	sld [smem:$0x3FA9]  }
0x2b: {  	s6 =	sld [smem:$0x3FAA]  }
0x2c: {  	s7 =	sld [smem:$0x3FAB]  }
0x2d: {  	s3 =	simm.s32 $0x108;
	s8 =	sld [smem:$0x3FAC]  }
0x2e: {  	s3 =	simm.s32 @!p0 $0x1082;
	s9 =	sld [smem:$0x3FAD]  }
0x2f: {  	lr =	sadd.s32 s0, s3;
	s0 =	sld [smem:$0x3FA4]  }
0x30: {  	s3 =	sld [smem:$0x3FA7]  }
0x31: {  	[smem:$0x3FB0] =	sst s10  }
0x32: {  	s10 =	sld [smem:$0x3FAE];
	_ =	sdelay $0x3  }
0x33: {  	p0 =	seq.s32 s10, $0x1;
	s10 =	sld [smem:$0x3FB0];
	_ =	sdelay $0x3  }
0x34: {  	[smem:$0x3FB0] =	sst s10  }
0x35: {  	s10 =	sld [smem:$0x3FAF];
	_ =	sdelay $0x3  }
0x36: {  	p1 =	seq.s32 s10, $0x1;
	s10 =	sld [smem:$0x3FB0];
	_ =	sdelay $0x3  }
0x37: {  	[smem:$0x3FB0] =	sst s10  }
0x38: {  	s10 =	sld [smem:$0x3FB1]  }
0x39: {  	_ = 	snop;
	(pc) =	sbr.ind lr, $3  }
0x3a: {  	_ = 	snop  }
0x3b: {  	_ = 	snop  }
0x3c: {  	p2 =	seq.s32 s10, $0x1;
	s10 =	sld [smem:$0x3FB0]  }
0x3d: {  	_ =	shalt  }
0x3e: {  	_ =	shalt  }
0x3f: {  	_ =	shalt  }
0x40: {  	_ =	shalt  }
0x41: {  	_ =	shalt  }
0x42: {  	_ =	shalt  }
0x43: {  	_ =	shalt  }
0x44: {  	_ =	shalt  }
0x45: {  	_ =	shalt  }
0x46: {  	_ =	shalt  }
0x47: {  	_ =	shalt  }
0x48: {  	_ =	shalt  }
0x49: {  	_ =	shalt  }
0x4a: {  	_ =	shalt  }
0x4b: {  	_ =	shalt  }
0x4c: {  	_ =	shalt  }
0x4d: {  	_ =	shalt  }
0x4e: {  	_ =	shalt  }
0x4f: {  	_ =	shalt  }
0x50: {  	_ =	shalt  }
0x51: {  	_ =	shalt  }
0x52: {  	_ =	shalt  }
0x53: {  	_ =	shalt  }
0x54: {  	_ =	shalt  }
0x55: {  	_ =	shalt  }
0x56: {  	_ =	shalt  }
0x57: {  	_ =	shalt  }
0x58: {  	_ =	shalt  }
0x59: {  	_ =	shalt  }
0x5a: {  	_ =	shalt  }
0x5b: {  	_ =	shalt  }
0x5c: {  	_ =	shalt  }
0x5d: {  	_ =	shalt  }
0x5e: {  	_ =	shalt  }
0x5f: {  	_ =	shalt  }
0x60: {  	_ =	shalt  }
0x61: {  	_ =	shalt  }
0x62: {  	_ =	shalt  }
0x63: {  	_ =	shalt  }
0x64: {  	_ =	shalt  }
0x65: {  	_ =	shalt  }
0x66: {  	_ =	shalt  }
0x67: {  	_ =	shalt  }
0x68: {  	_ =	shalt  }
0x69: {  	_ =	shalt  }
0x6a: {  	_ =	shalt  }
0x6b: {  	_ =	shalt  }
0x6c: {  	_ =	shalt  }
0x6d: {  	_ =	shalt  }
0x6e: {  	_ =	shalt  }
0x6f: {  	_ =	shalt  }
0x70: {  	_ =	shalt  }
0x71: {  	_ =	shalt  }
0x72: {  	_ =	shalt  }
0x73: {  	_ =	shalt  }
0x74: {  	_ =	shalt  }
0x75: {  	_ =	shalt  }
0x76: {  	_ =	shalt  }
0x77: {  	_ =	shalt  }
0x78: {  	_ =	shalt  }
0x79: {  	_ =	shalt  }
0x7a: {  	_ =	shalt  }
0x7b: {  	_ =	shalt  }
0x7c: {  	_ =	shalt  }
0x7d: {  	_ =	shalt  }
0x7e: {  	_ =	shalt  }
0x7f: {  	_ =	shalt  }
0x80: {  	_ =	shalt  }
0x81: {  	_ =	shalt  }
0x82: {  	_ =	shalt  }
0x83: {  	_ =	shalt  }
0x84: {  	_ =	shalt  }
0x85: {  	_ =	shalt  }
0x86: {  	_ =	shalt  }
0x87: {  	_ =	shalt  }
.Lfunc_end0:
.L_simem_size_0:
called_computation.1_lowered:
.L_overlay_start_0:
0x88: {  	s2 =	sld [smem:$0x3FD9]  }
0x89: {  	s3 =	sld [smem:$0x3FFE];
	_ =	sdelay $0x1  }
0x8a: {  	s1 =	srdreg.scid  }
0x8b: {  	s0 =	sand.u32 $0x1, s1  }
0x8c: {  	s17 =	sshll.u32 s0, $0xA;
	s2 =	sadd.s32 s3, s2  }
0x8d: {  	s2 =	sadd.s32 s2, s17  }
0x8e: {  	[smem:$0x3FBC] =	sst s2  }
0x8f: {  	_ = 	snop  }
0x90: {  	s18 =	sld [smem:$0x3FC9];
	(tm) =	ssettm $0x1  }
0x91: {  	s19 =	sld [smem:$0x3FFB];
	_ =	sdelay $0x3  }
0x92: {  	_ =	strace s19  }
0x93: {  	s2 =	sld [smem:$0x3FFC];
	_ =	sdelay $0x3  }
0x94: {  	_ =	strace s2  }
0x95: {  	s2 =	sld [smem:$0x3FFD];
	_ =	sdelay $0x3  }
0x96: {  	_ =	strace s2  }
0x97: {  	_ =	strace $0x8FFFFFFF  }
0x98: {  	s20 =	sld [smem:$0x3FDB];
	_ =	sdelay $0x1  }
0x99: {  	s4 =	simm.s32 $_scs_section_size  }
0x9a: {  	s5 =	simm.s32 $_size__tile_overlayer_lowered;
	s6 =	simm.s32 $_tile_overlayer_lowered  }
0x9b: {  	s7 =	simm.s32 $0x1BFF;
	s21 =	sshll.u32 s6, $0x1;
	s4 =	sadd.s32 s4, s20  }
0x9c: {  	s22 =	simm.s32 $0x0;
	s5 =	sshll.u32 s5, $0x1;
	s6 =	sadd.s32 s21, s4  }
0x9d: {  	[timem:s22], [sflag:s7] =	dma.local [hbm:s6], s5  }
0x9e: {  	_ =	swait.ge [sflag:s7], s5  }
0x9f: {  	s5 =	ssub.s32 $0x0, s5;
	[sflag:s7] =	ssyncset.done $0x0  }
0xa0: {  	[sflag:s7] =	ssyncadd.s32 s5;
	_ =	sdelay $0x1  }
0xa1: {  	s23 =	simm.s32 $0x1B8B  }
0xa2: {  	_ =	swait.ge [sflag:s23], $0x1  }
0xa3: {  	[sflag:s23] =	ssyncset.done $0x0  }
0xa4: {  	[sflag:s23] =	ssyncadd.s32 $0xFFFFFFFF  }
0xa5: {  	s5 =	sld [smem:$0x0]  }
0xa6: {  	s6 =	sand.u32 $0xFFFFFFFE, s1  }
0xa7: {  	p0 =	sne.s32 s1, s6  }
0xa8: {  	s6 =	sshll.u32 @p0 s6, $0xE  }
0xa9: {  	s6 =	sadd.s32 @p0 $0x11B8D, s6;
	s7 =	sshll.u32 @p0 s5, $0x11  }
0xaa: {  	s6 =	sor.u32 @p0 s7, s6  }
0xab: {  	[sflag:s6] =	ssyncadd.remote.s32 @p0 $0x1;
	_ =	sdelay $0x1  }
0xac: {  	s6 =	simm.s32 @p0 $0x1B8D  }
0xad: {  	_ =	swait.eq @p0 [sflag:s6], $0x1  }
0xae: {  	[sflag:s6] =	ssyncadd.s32 @p0 $0xFFFFFFFF  }
0xaf: {  	s7 =	sshll.u32 @!p0 s1, $0xE  }
0xb0: {  	s7 =	sor.u32 @!p0 $0x4000, s7;
	s6 =	simm.s32 @!p0 $0x1B8D  }
0xb1: {  	s5 =	sshll.u32 @!p0 s5, $0x11;
	s7 =	sadd.s32 @!p0 $0x11B8D, s7;
	_ =	swait.eq @!p0 [sflag:s6], $0x1  }
0xb2: {  	s5 =	sor.u32 @!p0 s5, s7;
	[sflag:s6] =	ssyncadd.s32 @!p0 $0xFFFFFFFF  }
0xb3: {  	s25 =	simm.s32 $0x1B8E;
	s24 =	sld [smem:$0x3FFE];
	[sflag:s5] =	ssyncadd.remote.s32 @!p0 $0x1  }
0xb4: {  	s26 =	simm.s32 $execute0_lowered;
	[smem:$0x3FD2] =	sst s25  }
0xb5: {  	s6 =	sshll.u32 s26, $0x1;
	_ =	strace $0x80000049;
	[dreg:$0x1] =	wrdreg $0xFFFFFFFF  }
0xb6: {  	s28 =	simm.s32 $_size_execute0_lowered;
	s4 =	sadd.s32 s4, s6;
	[dreg:$0x0] =	wrdreg $0x0  }
0xb7: {  	s6 =	sshll.u32 s28, $0x1;
	[dreg:$0x2] =	wrdreg s4  }
0xb8: {  	[dreg:$0x3] =	wrdreg s6  }
0xb9: {  	[dreg:$0x4] =	wrdreg $0xC0  }
0xba: {  	_ =	task [dreg:s22], $0x5FFFF  }
0xbb: {  	[dreg:$0x1] =	wrdreg $0xFFFFFFFF  }
0xbc: {  	[dreg:$0x0] =	wrdreg $0x60  }
0xbd: {  	[dreg:$0x2] =	wrdreg s18  }
0xbe: {  	[dreg:$0x3] =	wrdreg s24  }
0xbf: {  	[dreg:$0x4] =	wrdreg $0x0  }
0xc0: {  	[dreg:$0x5] =	wrdreg $0xA  }
0xc1: {  	_ =	task.clear_ibuf [dreg:s22], $0x6FFFF;
	_ =	strace $0x90000049  }
0xc2: {  	s29 =	simm.s32 $0xA;
	_ =	strace $0x8000004B  }
0xc3: {  	_ =	swait.ge [sflag:s29], $0x1  }
0xc4: {  	[sflag:s29] =	ssyncadd.s32 $0xFFFFFFFF  }
0xc5: {  	_ =	strace $0x9000004B  }
0xc6: {  	_ =	sfence  }
0xc7: {  	s30 =	sld [smem:$0x0];
	_ =	sdelay $0x2  }
0xc8: {  	s31 =	sshll.u32 s1, $0xD;
	s1 =	sshrl.u32 s1, $0x2  }
0xc9: {  	s4 =	sand.u32 $0x4000, s31;
	s1 =	sadd.s32 s1, s30  }
0xca: {  	s0 =	sor.u32 s4, s0;
	s1 =	sshll.u32 s1, $0x11  }
0xcb: {  	s0 =	sor.u32 s1, s0  }
0xcc: {  	s0 =	sadd.s32 $0x8F2B, s0  }
0xcd: {  	[sflag:s0] =	ssyncadd.remote.s32 $0x1  }
0xce: {  	_ =	sfence.sel $0xFFFF  }
0xcf: {  	[dreg:$0x0] =	wrdreg $0xFFFFFFFF;
	(pc) =	sbr.abs _section_cstart, $3  }
0xd0: {  	[dreg:$0x1] =	wrdreg $0xFFFFFFFF  }
0xd1: {  	_ =	task.clear_ibuf [dreg:s22], $0x2FFFF;
	_ =	strace $0x9FFFFFFF  }
0xd2: {  	(tm) =	ssettm $0x7FFFFFFF  }
0xd3: {  	_ =	shalt  }
tec
execute0_lowered:
.L_overlay_start_1:
0x0: {  	(tag) =	ssettag $0x1  }
0x1: {  	s1 =	rddreg [dreg:$0x0]  }
0x2: {  	s5 =	rddreg [dreg:$0x1]  }
0x3: {  	s2 =	rddreg [dreg:$0x2];
	s4 =	srdreg.scid  }
0x4: {  	s3 =	simm.s32 $0x0;
	s11 =	sand.u32 $0x1, s4;
	s4 =	stileid.u32  }
0x5: {  	[smem:$0x7FF] =	sst s3;
	s19 =	sadd.s32 $0xB600, s5;
	s13 =	smul.u32 $0x278, s4  }
0x6: {  	s12 =	sadd.s32 $0x26400, s5;
	_ =	strace $0x8000004A;
	s31 =	smul.u32 $0x13C000, s11  }
0x7: {  	s6 =	ssub.s32 $0x2, s11;
	s30 =	sshll.u32 s11, $0x4;
	s0 =	smul.u32 $0x13C00, s4  }
0x8: {  	s29 =	smul.u32 $0xD400, s11;
	s7 =	sshrl.u32 s6, $0x1;
	s5 =	sor.u32 s4, s30  }
0x9: {  	s14 =	ssub.s32 s6, s7;
	s21 =	sadd.s32 $0x10, s13;
	s22 =	sadd.s32 $0x60, s13  }
0xa: {  	s20 =	sadd.s32 $0xC0, s13;
	s17 =	sadd.s32 $0x120, s13;
	s16 =	sadd.s32 $0x180, s13  }
0xb: {  	s15 =	sadd.s32 $0x1E0, s13;
	s18 =	sadd.s32 $0x218, s13;
	s7 =	sadd.s32 s0, s31  }
0xc: {  	s26 =	sadd.s32 $0x20, s13;
	s28 =	smul.u32 $0xD40, s5;
	s30 =	sadd.s32 $0x40, s13  }
0xd: {  	s0 =	sadd.s32 $0x70, s13;
	s8 =	sshll.u32 s22, $0x7;
	s9 =	sshll.u32 s20, $0x7  }
0xe: {  	v41 =	vlaneseq.u32;
	s10 =	sshll.u32 s17, $0x7;
	s23 =	sshll.u32 s16, $0x7;
	s24 =	sshll.u32 s15, $0x7  }
0xf: {  	s25 =	sshll.u32 s18, $0x7;
	s7 =	sshrl.u32 s7, $0x3;
	v1 =	vadd.s32 s26, v41;
	s26 =	sadd.s32 $0xB0, s13  }
0x10: {  	v3 =	vadd.s32 s30, v41;
	s30 =	sadd.s32 $0xD0, s13;
	v5 =	vadd.s32 s22, v41;
	v6 =	vadd.s32 s0, v41;
	s22 =	sadd.s32 $0xE0, s13;
	s0 =	sadd.s32 $0x100, s13  }
0x11: {  	v0 =	vadd.s32 s21, v41;
	v11 =	vadd.s32 s20, v41;
	v17 =	vadd.s32 s17, v41;
	s20 =	sadd.s32 $0x200, s13;
	s21 =	sadd.s32 $0x230, s13;
	s17 =	smul.u32 $0xD40, s4  }
0x12: {  	v23 =	vadd.s32 s16, v41;
	s16 =	simm.s32 $0x60;
	v36 =	vadd.s32 s18, v41;
	s18 =	simm.s32 $0x13E00;
	s8 =	sadd.s32 s31, s8  }
0x13: {  	s9 =	sadd.s32 s31, s9;
	s10 =	sadd.s32 s31, s10;
	s23 =	sadd.s32 s31, s23  }
0x14: {  	s24 =	sadd.s32 s31, s24;
	s25 =	sadd.s32 s31, s25;
	s5 =	sadd.s32 s12, s7  }
0x15: {  	s31 =	sadd.s32 $0x80, s13;
	v10 =	vadd.s32 s26, v41;
	v12 =	vadd.s32 s30, v41;
	s26 =	sadd.s32 $0x160, s13;
	s30 =	sadd.s32 $0x170, s13  }
0x16: {  	v13 =	vadd.s32 s22, v41;
	v15 =	vadd.s32 s0, v41;
	s22 =	sadd.s32 $0x190, s13;
	s0 =	sadd.s32 $0x1B0, s13;
	v32 =	vadd.s32 s20, v41;
	s20 =	simm.s32 $0x13D00  }
0x17: {  	v35 =	vadd.s32 s21, v41;
	s21 =	simm.s32 $0x16E00;
	s8 =	sshrl.u32 s8, $0x3;
	s9 =	sshrl.u32 s9, $0x3  }
0x18: {  	s10 =	sshrl.u32 s10, $0x3;
	s23 =	sshrl.u32 s23, $0x3;
	s24 =	sshrl.u32 s24, $0x3  }
0x19: {  	s25 =	sshrl.u32 s25, $0x3;
	v7 =	vadd.s32 s31, v41;
	s31 =	sadd.s32 $0x130, s13;
	v21 =	vadd.s32 s26, v41;
	s26 =	sadd.s32 $0x228, s13  }
0x1a: {  	v22 =	vadd.s32 s30, v41;
	v24 =	vadd.s32 s22, v41;
	s30 =	sadd.s32 $0x238, s13;
	v26 =	vadd.s32 s0, v41;
	s0 =	sadd.s32 $0x258, s13;
	s22 =	simm.s32 $0x1  }
0x1b: {  	s6 =	sadd.s32 s12, s8;
	s7 =	sadd.s32 s12, s9;
	s8 =	sadd.s32 s12, s10  }
0x1c: {  	s9 =	sadd.s32 s12, s23;
	s10 =	sadd.s32 s12, s24;
	s11 =	sadd.s32 s12, s25  }
0x1d: {  	s23 =	sadd.s32 $0x30, s13;
	s12 =	sadd.s32 s19, s28;
	s19 =	sadd.s32 s29, s19  }
0x1e: {  	v42 =	vimm.f32 $0.0e+00;
	v30 =	vadd.s32 s13, v41;
	s25 =	sadd.s32 $0x50, s13;
	s29 =	sadd.s32 $0x90, s13;
	s24 =	sadd.s32 $0xA0, s13  }
0x1f: {  	v29 =	vadd.s32 s15, v41;
	v18 =	vadd.s32 s31, v41;
	s31 =	sadd.s32 $0x1D0, s13;
	s28 =	sadd.s32 $0x1F0, s13;
	v37 =	vadd.s32 s26, v41;
	s26 =	simm.s32 $0x0  }
0x20: {  	v2 =	vadd.s32 s23, v41;
	v4 =	vadd.s32 s25, v41;
	s25 =	sadd.s32 $0xF0, s13;
	v8 =	vadd.s32 s29, v41;
	s23 =	sadd.s32 $0x110, s13;
	s29 =	sadd.s32 $0x140, s13  }
0x21: {  	v38 =	vadd.s32 s30, v41;
	v9 =	vadd.s32 s24, v41;
	s24 =	sadd.s32 $0x150, s13;
	v28 =	vadd.s32 s31, v41;
	s31 =	sadd.s32 $0x268, s13;
	s15 =	sadd.s32 s17, s19  }
0x22: {  	v40 =	vadd.s32 s0, v41;
	v31 =	vadd.s32 s28, v41;
	s17 =	simm.s32 $0x13C00;
	s19 =	simm.s32 $0x3;
	v14 =	vadd.s32 s25, v41;
	s25 =	sadd.s32 $0x1A0, s13  }
0x23: {  	v16 =	vadd.s32 s23, v41;
	s23 =	sadd.s32 $0x1C0, s13;
	v19 =	vadd.s32 s29, v41;
	v20 =	vadd.s32 s24, v41;
	s24 =	sadd.s32 $0x210, s13;
	s29 =	sadd.s32 $0x220, s13  }
0x24: {  	v25 =	vadd.s32 s25, v41;
	v27 =	vadd.s32 s23, v41;
	s25 =	sadd.s32 $0x248, s13;
	s13 =	smax.u32 s14, $0x1;
	s14 =	sadd.s32 $0xD20, s12;
	v33 =	vadd.s32 s24, v41  }
0x25: {  	v34 =	vadd.s32 s29, v41;
	s23 =	simm.s32 $0x13C80;
	s24 =	simm.s32 $0x2;
	v39 =	vadd.s32 s25, v41;
	v41 =	vadd.s32 s31, v41;
	s25 =	simm.s32 $0x13D80  }
.LBB2_1:
0x26: {  	s28 =	simm.s32 $0x0;
	s29 =	simm.s32 $0x200  }
.LBB2_2:
0x27: {  	p0 =	sne.s32 s29, $0xBE00;
	[tilespmem:s28+$0x13E70] =	vst v42  }
0x28: {  	[tilespmem:s28+$0x13E00] =	vst v42  }
0x29: {  	[tilespmem:s28+$0x13E10] =	vst v42  }
.Ltmp0:
0x2a: {  	[tilespmem:s28+$0x13E20] =	vst v42;
	(pc) =	sbr.rel @p0 .LBB2_2-.Ltmp0, $4  }
0x2b: {  	[tilespmem:s28+$0x13E30] =	vst v42  }
0x2c: {  	[tilespmem:s28+$0x13E40] =	vst v42  }
0x2d: {  	[tilespmem:s28+$0x13E50] =	vst v42  }
0x2e: {  	[tilespmem:s28+$0x13E60] =	vst v42;
	s28 =	sshra.s32 s29, $0x2;
	s29 =	sadd.s32 $0x200, s29  }
0x2f: {  	[tilespmem:s28+$0x13E70] =	vst v42  }
0x30: {  	[tilespmem:s28+$0x13E00] =	vst v42  }
0x31: {  	[tilespmem:s28+$0x13E10] =	vst v42  }
0x32: {  	[tilespmem:s28+$0x13E20] =	vst v42  }
0x33: {  	[tilespmem:s28+$0x13E30] =	vst v42  }
0x34: {  	[tilespmem:s28+$0x13E40] =	vst v42  }
0x35: {  	[tilespmem:s28+$0x13E50] =	vst v42  }
0x36: {  	[tilespmem:s28+$0x13E60] =	vst v42  }
0x37: {  	[tilespmem:$0x13C00] =	vst v30  }
0x38: {  	[tilespmem:$0x13C10] =	vst v0  }
0x39: {  	[tilespmem:$0x13C20] =	vst v1  }
0x3a: {  	[tilespmem:$0x13C30] =	vst v2  }
0x3b: {  	[tilespmem:$0x13C40] =	vst v3  }
0x3c: {  	[tilespmem:$0x13C50] =	vst v4  }
0x3d: {  	[spmem:s2] =	stream.indirect.scatter [tilespmem:s18], [sflag:$0x3], $0x80, s17, s16, $0xb8;
	[tilespmem:$0x19E00] =	vst v63  }
0x3e: {  	_ =	swait.ge [sflag:s19], $0x3000  }
0x3f: {  	[sflag:s19] =	ssyncset.done $0x0  }
0x40: {  	[sflag:s19] =	ssyncadd.s32 $0xFFFFD000  }
0x41: {  	[tilespmem:$0x13C00] =	vst v5  }
0x42: {  	[tilespmem:$0x13C10] =	vst v6  }
0x43: {  	[tilespmem:$0x13C20] =	vst v7  }
0x44: {  	[tilespmem:$0x13C30] =	vst v8  }
0x45: {  	[tilespmem:$0x13C40] =	vst v9  }
0x46: {  	[tilespmem:$0x13C50] =	vst v10  }
0x47: {  	[spmem:s2] =	stream.indirect.scatter [tilespmem:s18], [sflag:$0x3], $0x80, s17, s16, $0xb8;
	[tilespmem:$0x19E00] =	vst v63  }
0x48: {  	_ =	swait.ge [sflag:s19], $0x3000  }
0x49: {  	[sflag:s19] =	ssyncset.done $0x0  }
0x4a: {  	[sflag:s19] =	ssyncadd.s32 $0xFFFFD000  }
0x4b: {  	[tilespmem:$0x13C00] =	vst v11  }
0x4c: {  	[tilespmem:$0x13C10] =	vst v12  }
0x4d: {  	[tilespmem:$0x13C20] =	vst v13  }
0x4e: {  	[tilespmem:$0x13C30] =	vst v14  }
0x4f: {  	[tilespmem:$0x13C40] =	vst v15  }
0x50: {  	[tilespmem:$0x13C50] =	vst v16  }
0x51: {  	[spmem:s2] =	stream.indirect.scatter [tilespmem:s18], [sflag:$0x3], $0x80, s17, s16, $0xb8;
	[tilespmem:$0x19E00] =	vst v63  }
0x52: {  	_ =	swait.ge [sflag:s19], $0x3000  }
0x53: {  	[sflag:s19] =	ssyncset.done $0x0  }
0x54: {  	[sflag:s19] =	ssyncadd.s32 $0xFFFFD000  }
0x55: {  	[tilespmem:$0x13C00] =	vst v17  }
0x56: {  	[tilespmem:$0x13C10] =	vst v18  }
0x57: {  	[tilespmem:$0x13C20] =	vst v19  }
0x58: {  	[tilespmem:$0x13C30] =	vst v20  }
0x59: {  	[tilespmem:$0x13C40] =	vst v21  }
0x5a: {  	[tilespmem:$0x13C50] =	vst v22  }
0x5b: {  	[spmem:s2] =	stream.indirect.scatter [tilespmem:s18], [sflag:$0x3], $0x80, s17, s16, $0xb8;
	[tilespmem:$0x19E00] =	vst v63  }
0x5c: {  	_ =	swait.ge [sflag:s19], $0x3000  }
0x5d: {  	[sflag:s19] =	ssyncset.done $0x0  }
0x5e: {  	[sflag:s19] =	ssyncadd.s32 $0xFFFFD000  }
0x5f: {  	[tilespmem:$0x13C00] =	vst v23  }
0x60: {  	[tilespmem:$0x13C10] =	vst v24  }
0x61: {  	[tilespmem:$0x13C20] =	vst v25  }
0x62: {  	[tilespmem:$0x13C30] =	vst v26  }
0x63: {  	[tilespmem:$0x13C40] =	vst v27  }
0x64: {  	[tilespmem:$0x13C50] =	vst v28  }
0x65: {  	[spmem:s2] =	stream.indirect.scatter [tilespmem:s18], [sflag:$0x3], $0x80, s17, s16, $0xb8;
	[tilespmem:$0x19E00] =	vst v63  }
0x66: {  	_ =	swait.ge [sflag:s19], $0x3000  }
0x67: {  	[sflag:s19] =	ssyncset.done $0x0  }
0x68: {  	[sflag:s19] =	ssyncadd.s32 $0xFFFFD000  }
0x69: {  	[tilespmem:$0x13C00] =	vst v29  }
0x6a: {  	[tilespmem:$0x13C10] =	vst v31  }
0x6b: {  	[tilespmem:$0x13C20] =	vst v32  }
0x6c: {  	[tilespmem:$0x13C30] =	vst v33  }
0x6d: {  	[tilespmem:$0x13C40] =	vst v34  }
0x6e: {  	[tilespmem:$0x13C50] =	vst v35  }
0x6f: {  	[spmem:s2] =	stream.indirect.scatter [tilespmem:s18], [sflag:$0x3], $0x80, s17, s16, $0xb8;
	[tilespmem:$0x19E00] =	vst v63  }
0x70: {  	_ =	swait.ge [sflag:s19], $0x3000  }
0x71: {  	[sflag:s19] =	ssyncset.done $0x0  }
0x72: {  	[sflag:s19] =	ssyncadd.s32 $0xFFFFD000  }
0x73: {  	[tilespmem:$0x13C00] =	vst v36  }
0x74: {  	[tilespmem:$0x13C10] =	vst v37  }
0x75: {  	[tilespmem:$0x13C20] =	vst v38  }
0x76: {  	[tilespmem:$0x13C30] =	vst v39  }
0x77: {  	[tilespmem:$0x13C40] =	vst v40  }
0x78: {  	[tilespmem:$0x13C50] =	vst v41  }
0x79: {  	[spmem:s2] =	stream.indirect.scatter [tilespmem:s18], [sflag:$0x3], $0x80, s17, s16, $0xb8;
	[tilespmem:$0x19E00] =	vst v63  }
0x7a: {  	_ =	swait.ge [sflag:s19], $0x3000  }
0x7b: {  	[sflag:s19] =	ssyncset.done $0x0  }
0x7c: {  	[sflag:s19] =	ssyncadd.s32 $0xFFFFD000  }
0x7d: {  	[bflag:$0x0] =	sbarrier.arrive $0xFFFF  }
0x7e: {  	[tilespmem:s17], [sflag:$0x3] =	stream.linear.gather [hbm4b:s12+s3], $0x100, $0x38;
	[tilespmem:$0x19E00] =	vst v63  }
0x7f: {  	_ =	swait.ge [sflag:s19], $0x100  }
0x80: {  	[sflag:s19] =	ssyncset.done $0x0  }
0x81: {  	s28 =	sadd.s32 $0xFFFFF300, s15;
	[sflag:s19] =	ssyncadd.s32 $0xFFFFFF00  }
0x82: {  	[tilespmem:s18], [sflag:$0x1] =	stream.indirect.gather [hbm4b:s1+s16], $0x80, s17, s16, $0xb8;
	[tilespmem:$0x19E00] =	vst v63  }
0x83: {  	s29 =	sadd.s32 $0xD20, s28  }
0x84: {  	[tilespmem:s20], [sflag:$0x3] =	stream.linear.gather [hbm4b:s29+s3], $0x100, $0x38;
	[tilespmem:$0x19E00] =	vst v63  }
0x85: {  	_ =	swait.ge [sflag:s19], $0x100  }
0x86: {  	[sflag:s19] =	ssyncset.done $0x0  }
0x87: {  	[sflag:s19] =	ssyncadd.s32 $0xFFFFFF00  }
0x88: {  	[tilespmem:s21], [sflag:$0x2] =	stream.indirect.gather [hbm4b:s1+s16], $0x80, s20, s16, $0xb8;
	[tilespmem:$0x19E00] =	vst v63  }
0x89: {  	_ =	swait.ge [sflag:s22], $0x3000  }
0x8a: {  	[sflag:s22] =	ssyncset.done $0x0  }
0x8b: {  	[sflag:s22] =	ssyncadd.s32 $0xFFFFD000  }
0x8c: {  	[spmem:s2] =	stream.indirect.scatter.add.f32 [tilespmem:s18], [sflag:$0x3], $0x80, s23, s16, $0xb8;
	[tilespmem:$0x19E00] =	vst v63  }
0x8d: {  	_ =	swait.ge [sflag:s19], $0x3000  }
0x8e: {  	[sflag:s19] =	ssyncset.done $0x0  }
0x8f: {  	s28 =	sadd.s32 $0xD40, s28;
	[sflag:s19] =	ssyncadd.s32 $0xFFFFD000  }
0x90: {  	[tilespmem:s17], [sflag:$0x3] =	stream.linear.gather [hbm4b:s28+s3], $0x100, $0x38;
	[tilespmem:$0x19E00] =	vst v63  }
0x91: {  	_ =	swait.ge [sflag:s19], $0x100  }
0x92: {  	[sflag:s19] =	ssyncset.done $0x0  }
0x93: {  	[sflag:s19] =	ssyncadd.s32 $0xFFFFFF00  }
0x94: {  	[tilespmem:s18], [sflag:$0x1] =	stream.indirect.gather [hbm4b:s1+s16], $0x80, s17, s16, $0xb8;
	[tilespmem:$0x19E00] =	vst v63  }
0x95: {  	_ =	swait.ge [sflag:s24], $0x3000  }
0x96: {  	[sflag:s24] =	ssyncset.done $0x0  }
0x97: {  	[sflag:s24] =	ssyncadd.s32 $0xFFFFD000  }
0x98: {  	[spmem:s2] =	stream.indirect.scatter.add.f32 [tilespmem:s21], [sflag:$0x3], $0x80, s25, s16, $0xb8;
	[tilespmem:$0x19E00] =	vst v63  }
0x99: {  	_ =	swait.ge [sflag:s19], $0x3000  }
0x9a: {  	s29 =	simm.s32 $0xFFFFF380;
	s28 =	sadd.s32 $0xFFFFF340, s15;
	[sflag:s19] =	ssyncset.done $0x0  }
.LBB2_4:
0x9b: {  	s30 =	sadd.s32 $0xD20, s28  }
0x9c: {  	[sflag:s19] =	ssyncadd.s32 $0xFFFFD000;
	s31 =	smov.u32 s29;
	s0 =	sadd.s32 $0x40, s29  }
0x9d: {  	[tilespmem:s20], [sflag:$0x3] =	stream.linear.gather [hbm4b:s30+s3], $0x100, $0x38;
	[tilespmem:$0x19E00] =	vst v63  }
0x9e: {  	p0 =	sne.s32 s29, $0xFFFFFFC0;
	_ =	swait.ge [sflag:s19], $0x100  }
0x9f: {  	[sflag:s19] =	ssyncset.done $0x0  }
0xa0: {  	[sflag:s19] =	ssyncadd.s32 $0xFFFFFF00  }
0xa1: {  	[tilespmem:s21], [sflag:$0x2] =	stream.indirect.gather [hbm4b:s1+s16], $0x80, s20, s16, $0xb8;
	[tilespmem:$0x19E00] =	vst v63  }
0xa2: {  	_ =	swait.ge [sflag:s22], $0x3000  }
0xa3: {  	[sflag:s22] =	ssyncset.done $0x0  }
0xa4: {  	[sflag:s22] =	ssyncadd.s32 $0xFFFFD000  }
0xa5: {  	[spmem:s2] =	stream.indirect.scatter.add.f32 [tilespmem:s18], [sflag:$0x3], $0x80, s23, s16, $0xb8;
	[tilespmem:$0x19E00] =	vst v63  }
0xa6: {  	_ =	swait.ge [sflag:s19], $0x3000  }
0xa7: {  	[sflag:s19] =	ssyncset.done $0x0  }
0xa8: {  	s28 =	sadd.s32 $0xD40, s28;
	[sflag:s19] =	ssyncadd.s32 $0xFFFFD000  }
0xa9: {  	[tilespmem:s17], [sflag:$0x3] =	stream.linear.gather [hbm4b:s28+s3], $0x100, $0x38;
	[tilespmem:$0x19E00] =	vst v63  }
0xaa: {  	_ =	swait.ge [sflag:s19], $0x100  }
0xab: {  	[sflag:s19] =	ssyncset.done $0x0  }
0xac: {  	[sflag:s19] =	ssyncadd.s32 $0xFFFFFF00  }
0xad: {  	[tilespmem:s18], [sflag:$0x1] =	stream.indirect.gather [hbm4b:s1+s16], $0x80, s17, s16, $0xb8;
	[tilespmem:$0x19E00] =	vst v63  }
0xae: {  	_ =	swait.ge [sflag:s24], $0x3000  }
.Ltmp1:
0xaf: {  	[sflag:s24] =	ssyncset.done $0x0;
	(pc) =	sbr.rel @p0 .LBB2_4-.Ltmp1, $4  }
0xb0: {  	[sflag:s24] =	ssyncadd.s32 $0xFFFFD000  }
0xb1: {  	[spmem:s2] =	stream.indirect.scatter.add.f32 [tilespmem:s21], [sflag:$0x3], $0x80, s25, s16, $0xb8;
	[tilespmem:$0x19E00] =	vst v63  }
0xb2: {  	_ =	swait.ge [sflag:s19], $0x3000  }
0xb3: {  	s29 =	smov.u32 s0;
	s28 =	sadd.s32 s31, s15;
	[sflag:s19] =	ssyncset.done $0x0  }
0xb4: {  	s0 =	sadd.s32 $0xD20, s28;
	[sflag:s19] =	ssyncadd.s32 $0xFFFFD000  }
0xb5: {  	[tilespmem:s20], [sflag:$0x3] =	stream.linear.gather [hbm4b:s0+s3], $0x100, $0x38;
	[tilespmem:$0x19E00] =	vst v63  }
0xb6: {  	_ =	swait.ge [sflag:s19], $0x100  }
0xb7: {  	[sflag:s19] =	ssyncset.done $0x0  }
0xb8: {  	[sflag:s19] =	ssyncadd.s32 $0xFFFFFF00  }
0xb9: {  	[tilespmem:s21], [sflag:$0x2] =	stream.indirect.gather [hbm4b:s1+s16], $0x80, s20, s16, $0xb8;
	[tilespmem:$0x19E00] =	vst v63  }
0xba: {  	_ =	swait.ge [sflag:s22], $0x3000  }
0xbb: {  	[sflag:s22] =	ssyncset.done $0x0  }
0xbc: {  	[sflag:s22] =	ssyncadd.s32 $0xFFFFD000  }
0xbd: {  	[spmem:s2] =	stream.indirect.scatter.add.f32 [tilespmem:s18], [sflag:$0x3], $0x80, s23, s16, $0xb8;
	[tilespmem:$0x19E00] =	vst v63  }
0xbe: {  	_ =	swait.ge [sflag:s19], $0x3000  }
0xbf: {  	[sflag:s19] =	ssyncset.done $0x0  }
0xc0: {  	s31 =	sadd.s32 $0xD40, s28;
	[sflag:s19] =	ssyncadd.s32 $0xFFFFD000  }
0xc1: {  	[tilespmem:s17], [sflag:$0x3] =	stream.linear.gather [hbm4b:s31+s3], $0x100, $0x38;
	[tilespmem:$0x19E00] =	vst v63  }
0xc2: {  	_ =	swait.ge [sflag:s19], $0x100  }
0xc3: {  	[sflag:s19] =	ssyncset.done $0x0  }
0xc4: {  	[sflag:s19] =	ssyncadd.s32 $0xFFFFFF00  }
0xc5: {  	[tilespmem:s18], [sflag:$0x1] =	stream.indirect.gather [hbm4b:s1+s16], $0x80, s17, s16, $0xb8;
	[tilespmem:$0x19E00] =	vst v63  }
0xc6: {  	_ =	swait.ge [sflag:s24], $0x3000  }
0xc7: {  	[sflag:s24] =	ssyncset.done $0x0  }
0xc8: {  	[sflag:s24] =	ssyncadd.s32 $0xFFFFD000  }
0xc9: {  	[spmem:s2] =	stream.indirect.scatter.add.f32 [tilespmem:s21], [sflag:$0x3], $0x80, s25, s16, $0xb8;
	[tilespmem:$0x19E00] =	vst v63  }
0xca: {  	_ =	swait.ge [sflag:s19], $0x3000  }
0xcb: {  	[sflag:s19] =	ssyncset.done $0x0  }
0xcc: {  	[sflag:s19] =	ssyncadd.s32 $0xFFFFD000  }
0xcd: {  	[tilespmem:s20], [sflag:$0x3] =	stream.linear.gather [hbm4b:s14+s3], $0x100, $0x38;
	[tilespmem:$0x19E00] =	vst v63  }
0xce: {  	_ =	swait.ge [sflag:s19], $0x100  }
0xcf: {  	[sflag:s19] =	ssyncset.done $0x0  }
0xd0: {  	[sflag:s19] =	ssyncadd.s32 $0xFFFFFF00  }
0xd1: {  	[tilespmem:s21], [sflag:$0x2] =	stream.indirect.gather [hbm4b:s1+s16], $0x80, s20, s16, $0xb8;
	[tilespmem:$0x19E00] =	vst v63  }
0xd2: {  	_ =	swait.ge [sflag:s22], $0x3000  }
0xd3: {  	[sflag:s22] =	ssyncset.done $0x0  }
0xd4: {  	[sflag:s22] =	ssyncadd.s32 $0xFFFFD000  }
0xd5: {  	[spmem:s2] =	stream.indirect.scatter.add.f32 [tilespmem:s18], [sflag:$0x3], $0x80, s23, s16, $0xb8;
	[tilespmem:$0x19E00] =	vst v63  }
0xd6: {  	_ =	swait.ge [sflag:s19], $0x3000  }
0xd7: {  	[sflag:s19] =	ssyncset.done $0x0  }
0xd8: {  	[sflag:s19] =	ssyncadd.s32 $0xFFFFD000  }
0xd9: {  	_ =	swait.ge [sflag:s24], $0x3000  }
0xda: {  	[sflag:s24] =	ssyncset.done $0x0  }
0xdb: {  	[sflag:s24] =	ssyncadd.s32 $0xFFFFD000  }
0xdc: {  	[spmem:s2] =	stream.indirect.scatter.add.f32 [tilespmem:s21], [sflag:$0x3], $0x80, s25, s16, $0xb8;
	[tilespmem:$0x19E00] =	vst v63  }
0xdd: {  	_ =	swait.ge [sflag:s19], $0x3000  }
0xde: {  	[sflag:s19] =	ssyncset.done $0x0  }
0xdf: {  	[sflag:s19] =	ssyncadd.s32 $0xFFFFD000  }
0xe0: {  	[bflag:$0x0] =	sbarrier.arrive $0xFFFF  }
0xe1: {  	[tilespmem:$0x13C00] =	vst v30  }
0xe2: {  	[tilespmem:$0x13C10] =	vst v0  }
0xe3: {  	[tilespmem:$0x13C20] =	vst v1  }
0xe4: {  	[tilespmem:$0x13C30] =	vst v2  }
0xe5: {  	[tilespmem:$0x13C40] =	vst v3  }
0xe6: {  	[tilespmem:$0x13C50] =	vst v4  }
0xe7: {  	[tilespmem:s18], [sflag:$0x1] =	stream.indirect.gather [spmem:s2], $0x80, s17, s16, $0xb8;
	[tilespmem:$0x19E00] =	vst v63  }
0xe8: {  	_ =	swait.ge [sflag:s22], $0x3000  }
0xe9: {  	[sflag:s22] =	ssyncset.done $0x0  }
0xea: {  	[sflag:s22] =	ssyncadd.s32 $0xFFFFD000  }
0xeb: {  	[hbm4b:s5+s3] =	stream.linear.scatter [tilespmem:s18], [sflag:$0x3], $0x3000, $0x38;
	[tilespmem:$0x19E00] =	vst v63  }
0xec: {  	_ =	swait.ge [sflag:s19], $0x3000  }
0xed: {  	[sflag:s19] =	ssyncset.done $0x0  }
0xee: {  	[sflag:s19] =	ssyncadd.s32 $0xFFFFD000  }
0xef: {  	[tilespmem:$0x13C00] =	vst v5  }
0xf0: {  	[tilespmem:$0x13C10] =	vst v6  }
0xf1: {  	[tilespmem:$0x13C20] =	vst v7  }
0xf2: {  	[tilespmem:$0x13C30] =	vst v8  }
0xf3: {  	[tilespmem:$0x13C40] =	vst v9  }
0xf4: {  	[tilespmem:$0x13C50] =	vst v10  }
0xf5: {  	[tilespmem:s18], [sflag:$0x1] =	stream.indirect.gather [spmem:s2], $0x80, s17, s16, $0xb8;
	[tilespmem:$0x19E00] =	vst v63  }
0xf6: {  	_ =	swait.ge [sflag:s22], $0x3000  }
0xf7: {  	[sflag:s22] =	ssyncset.done $0x0  }
0xf8: {  	[sflag:s22] =	ssyncadd.s32 $0xFFFFD000  }
0xf9: {  	[hbm4b:s6+s3] =	stream.linear.scatter [tilespmem:s18], [sflag:$0x3], $0x3000, $0x38;
	[tilespmem:$0x19E00] =	vst v63  }
0xfa: {  	_ =	swait.ge [sflag:s19], $0x3000  }
0xfb: {  	[sflag:s19] =	ssyncset.done $0x0  }
0xfc: {  	[sflag:s19] =	ssyncadd.s32 $0xFFFFD000  }
0xfd: {  	[tilespmem:$0x13C00] =	vst v11  }
0xfe: {  	[tilespmem:$0x13C10] =	vst v12  }
0xff: {  	[tilespmem:$0x13C20] =	vst v13  }
0x100: {  	[tilespmem:$0x13C30] =	vst v14  }
0x101: {  	[tilespmem:$0x13C40] =	vst v15  }
0x102: {  	[tilespmem:$0x13C50] =	vst v16  }
0x103: {  	[tilespmem:s18], [sflag:$0x1] =	stream.indirect.gather [spmem:s2], $0x80, s17, s16, $0xb8;
	[tilespmem:$0x19E00] =	vst v63  }
0x104: {  	_ =	swait.ge [sflag:s22], $0x3000  }
0x105: {  	[sflag:s22] =	ssyncset.done $0x0  }
0x106: {  	[sflag:s22] =	ssyncadd.s32 $0xFFFFD000  }
0x107: {  	[hbm4b:s7+s3] =	stream.linear.scatter [tilespmem:s18], [sflag:$0x3], $0x3000, $0x38;
	[tilespmem:$0x19E00] =	vst v63  }
0x108: {  	_ =	swait.ge [sflag:s19], $0x3000  }
0x109: {  	[sflag:s19] =	ssyncset.done $0x0  }
0x10a: {  	[sflag:s19] =	ssyncadd.s32 $0xFFFFD000  }
0x10b: {  	[tilespmem:$0x13C00] =	vst v17  }
0x10c: {  	[tilespmem:$0x13C10] =	vst v18  }
0x10d: {  	[tilespmem:$0x13C20] =	vst v19  }
0x10e: {  	[tilespmem:$0x13C30] =	vst v20  }
0x10f: {  	[tilespmem:$0x13C40] =	vst v21  }
0x110: {  	[tilespmem:$0x13C50] =	vst v22  }
0x111: {  	[tilespmem:s18], [sflag:$0x1] =	stream.indirect.gather [spmem:s2], $0x80, s17, s16, $0xb8;
	[tilespmem:$0x19E00] =	vst v63  }
0x112: {  	_ =	swait.ge [sflag:s22], $0x3000  }
0x113: {  	[sflag:s22] =	ssyncset.done $0x0  }
0x114: {  	[sflag:s22] =	ssyncadd.s32 $0xFFFFD000  }
0x115: {  	[hbm4b:s8+s3] =	stream.linear.scatter [tilespmem:s18], [sflag:$0x3], $0x3000, $0x38;
	[tilespmem:$0x19E00] =	vst v63  }
0x116: {  	_ =	swait.ge [sflag:s19], $0x3000  }
0x117: {  	[sflag:s19] =	ssyncset.done $0x0  }
0x118: {  	[sflag:s19] =	ssyncadd.s32 $0xFFFFD000  }
0x119: {  	[tilespmem:$0x13C00] =	vst v23  }
0x11a: {  	[tilespmem:$0x13C10] =	vst v24  }
0x11b: {  	[tilespmem:$0x13C20] =	vst v25  }
0x11c: {  	[tilespmem:$0x13C30] =	vst v26  }
0x11d: {  	[tilespmem:$0x13C40] =	vst v27  }
0x11e: {  	[tilespmem:$0x13C50] =	vst v28  }
0x11f: {  	[tilespmem:s18], [sflag:$0x1] =	stream.indirect.gather [spmem:s2], $0x80, s17, s16, $0xb8;
	[tilespmem:$0x19E00] =	vst v63  }
0x120: {  	_ =	swait.ge [sflag:s22], $0x3000  }
0x121: {  	[sflag:s22] =	ssyncset.done $0x0  }
0x122: {  	[sflag:s22] =	ssyncadd.s32 $0xFFFFD000  }
0x123: {  	[hbm4b:s9+s3] =	stream.linear.scatter [tilespmem:s18], [sflag:$0x3], $0x3000, $0x38;
	[tilespmem:$0x19E00] =	vst v63  }
0x124: {  	_ =	swait.ge [sflag:s19], $0x3000  }
0x125: {  	[sflag:s19] =	ssyncset.done $0x0  }
0x126: {  	[sflag:s19] =	ssyncadd.s32 $0xFFFFD000  }
0x127: {  	[tilespmem:$0x13C00] =	vst v29  }
0x128: {  	[tilespmem:$0x13C10] =	vst v31  }
0x129: {  	[tilespmem:$0x13C20] =	vst v32  }
0x12a: {  	[tilespmem:$0x13C30] =	vst v33  }
0x12b: {  	[tilespmem:$0x13C40] =	vst v34  }
0x12c: {  	[tilespmem:$0x13C50] =	vst v35  }
0x12d: {  	[tilespmem:s18], [sflag:$0x1] =	stream.indirect.gather [spmem:s2], $0x80, s17, s16, $0xb8;
	[tilespmem:$0x19E00] =	vst v63  }
0x12e: {  	_ =	swait.ge [sflag:s22], $0x3000  }
0x12f: {  	[sflag:s22] =	ssyncset.done $0x0  }
0x130: {  	[sflag:s22] =	ssyncadd.s32 $0xFFFFD000  }
0x131: {  	[hbm4b:s10+s3] =	stream.linear.scatter [tilespmem:s18], [sflag:$0x3], $0x3000, $0x38;
	[tilespmem:$0x19E00] =	vst v63  }
0x132: {  	_ =	swait.ge [sflag:s19], $0x3000  }
0x133: {  	[sflag:s19] =	ssyncset.done $0x0  }
0x134: {  	[sflag:s19] =	ssyncadd.s32 $0xFFFFD000  }
0x135: {  	[tilespmem:$0x13C00] =	vst v36  }
0x136: {  	[tilespmem:$0x13C10] =	vst v37  }
0x137: {  	[tilespmem:$0x13C20] =	vst v38  }
0x138: {  	[tilespmem:$0x13C30] =	vst v39  }
0x139: {  	[tilespmem:$0x13C40] =	vst v40  }
0x13a: {  	[tilespmem:$0x13C50] =	vst v41  }
0x13b: {  	[tilespmem:s18], [sflag:$0x1] =	stream.indirect.gather [spmem:s2], $0x80, s17, s16, $0xb8;
	[tilespmem:$0x19E00] =	vst v63  }
0x13c: {  	s26 =	sadd.s32 $0x1, s26;
	_ =	swait.ge [sflag:s22], $0x3000  }
0x13d: {  	p0 =	sne.s32 s26, s13;
	[sflag:s22] =	ssyncset.done $0x0  }
.Ltmp2:
0x13e: {  	[sflag:s22] =	ssyncadd.s32 $0xFFFFD000;
	(pc) =	sbr.rel @p0 .LBB2_1-.Ltmp2, $4  }
0x13f: {  	[hbm4b:s11+s3] =	stream.linear.scatter [tilespmem:s18], [sflag:$0x3], $0x3000, $0x38;
	[tilespmem:$0x19E00] =	vst v63  }
0x140: {  	_ =	swait.ge [sflag:s19], $0x3000  }
0x141: {  	[sflag:s19] =	ssyncset.done $0x0  }
0x142: {  	[sflag:s19] =	ssyncadd.s32 $0xFFFFD000  }
0x143: {  	_ =	sfence.sel $0x180000  }
0x144: {  	[bflag:$0x0] =	sbarrier.arrive $0xFFFF  }
0x145: {  	_ =	strace $0x9000004A  }
0x146: {  	[bflag:$0x2] =	sbarrier.arrive $0xFFFF  }
0x147: {  	p0 =	sne.s32 s4, $0x0;
	s0 =	rddreg [dreg:$0x3]  }
0x148: {  	s0 =	sadd.s32 @!p0 $0x100000, s0  }
0x149: {  	[sflag:s0] =	ssyncadd.tile.s32 @!p0 $0x1;
	_ =	shalt  }
.Lfunc_end2:
_tile_overlayer_lowered:
.L_overlay_start_2:
0x14a: {  	(tag) =	ssettag $0x2  }
0x14b: {  	s0 =	rddreg [dreg:$0x0];
	s2 =	stileid.u32  }
0x14c: {  	s1 =	rddreg [dreg:$0x1];
	p0 =	sne.s32 s2, $0x0  }
0x14d: {  	s3 =	rddreg [dreg:$0x2];
	[bflag:$0x3] =	sbarrier.arrive $0xFFFF;
	s2 =	simm.s32 @!p0 $0x1C03  }
0x14e: {  	[timem:s3], [sflag:s2] =	dma.local @!p0 [hbm:s0], s1  }
0x14f: {  	s0 =	simm.s32 @!p0 $0x3  }
0x150: {  	_ =	swait.ge @!p0 [sflag:s0], s1  }
0x151: {  	s1 =	ssub.s32 @!p0 $0x0, s1;
	[sflag:s0] =	ssyncset.done @!p0 $0x0  }
0x152: {  	[sflag:s0] =	ssyncadd.s32 @!p0 s1  }
0x153: {  	[bflag:$0x3] =	sbarrier.arrive $0xFFFF  }
0x154: {  	_ =	shalt  }

// kernel: kernel.9.cloned.1.call-start
scs
__scs_entry_jumppad:
0x0: {  	(pc) =	sbr.rel $0x88, $3  }
0x1: {  	(tag) =	ssettag $0x0;
	lr =	simm.s32 $0x1  }
0x2: {  	[smem:$0x3F95] =	sst lr;
	_ =	strace $0xD0000000  }
0x3: {  	_ = 	snop  }
0x4: {  	_ = 	snop  }
0x5: {  	_ = 	snop  }
0x6: {  	_ = 	snop  }
0x7: {  	_ = 	snop  }
__scs_overlays_trampoline_lowered:
0x8: {  	[smem:$0x3FA4] =	sst s0  }
0x9: {  	[smem:$0x3FA5] =	sst s1  }
0xa: {  	[smem:$0x3FA6] =	sst s2  }
0xb: {  	[smem:$0x3FA7] =	sst s3  }
0xc: {  	[smem:$0x3FA8] =	sst s4  }
0xd: {  	[smem:$0x3FA9] =	sst s5  }
0xe: {  	[smem:$0x3FAA] =	sst s6  }
0xf: {  	[smem:$0x3FAB] =	sst s7  }
0x10: {  	[smem:$0x3FAC] =	sst s8  }
0x11: {  	[smem:$0x3FAD] =	sst s9;
	s0 =	simm.s32 @!p0 $0x0  }
0x12: {  	s1 =	sld [smem:$0x3F93];
	s0 =	simm.s32 @p0 $0x1  }
0x13: {  	[smem:$0x3FAE] =	sst s0;
	s0 =	simm.s32 @!p1 $0x0  }
0x14: {  	s2 =	sld [smem:$0x3F92];
	s0 =	simm.s32 @p1 $0x1  }
0x15: {  	[smem:$0x3FAF] =	sst s0;
	s0 =	simm.s32 @!p2 $0x0  }
0x16: {  	s3 =	sld [smem:$0x3FDB];
	s0 =	simm.s32 @p2 $0x1  }
0x17: {  	s4 =	simm.s32 $0x1BF5;
	[smem:$0x3FB1] =	sst s0  }
0x18: {  	s0 =	sld [smem:$0x3F94];
	_ =	swait.ge [sflag:s4], $0x0  }
0x19: {  	s7 =	sld [smem:$0x3F95]  }
0x1a: {  	s8 =	sadd.s32 $0xFFFFE003, lr  }
0x1b: {  	s9 =	sadd.s32 $0xFFFFFEF7, lr;
	s5 =	simm.s32 $0xFFFFFFFF;
	p2 =	slt.u32 s8, $0xFFFFF086  }
0x1c: {  	p1 =	slt.u32 s9, $0xF7A;
	s5 =	simm.s32 @!p2 $0x0  }
0x1d: {  	s5 =	simm.s32 @p1 $0x1;
	p0 =	seq.s32 s7, s2  }
0x1e: {  	s7 =	smul.u32 @!p0 $0xF7A, s2;
	p2 =	seq.s32 @!p0 s5, $0x0  }
0x1f: {  	s9 =	smul.u32 $0xF7A, s1;
	s8 =	simm.s32 @!p0 $0x1BF5;
	p2 =	por !p2, p0  }
0x20: {  	[sflag:s8] =	ssyncset.s32 @!p0 $0xFFFFF086;
	s6 =	sadd.s32 @!p0 s3, s7;
	s7 =	simm.s32 @!p0 $0x108  }
0x21: {  	s3 =	sadd.s32 s3, s9;
	s6 =	sadd.s32 @!p0 $0x88, s6;
	s7 =	simm.s32 @p2 $0x1082  }
0x22: {  	[simem:s7], [sflag:s8] =	dma.local @!p0 [hbm:s6], $0xF7A  }
0x23: {  	s9 =	sor.u32 $0xD0000000, s2;
	s6 =	simm.s32 $0x108;
	_ =	swait.ge @!p0 [sflag:s8], $0x0  }
0x24: {  	s3 =	sadd.s32 $0x88, s3;
	s6 =	simm.s32 @!p1 $0x1082;
	[sflag:s4] =	ssyncset.s32 $0xFFFFF086  }
0x25: {  	[simem:s6], [sflag:s4] =	dma.local [hbm:s3], $0xF7A  }
0x26: {  	[smem:$0x3F95] =	sst s1;
	(tag) =	ssettag s2;
	_ =	strace s9  }
0x27: {  	s1 =	sld [smem:$0x3FA5]  }
0x28: {  	s2 =	sld [smem:$0x3FA6]  }
0x29: {  	s4 =	sld [smem:$0x3FA8]  }
0x2a: {  	p0 =	seq.s32 s5, $0x0;
	s5 =	sld [smem:$0x3FA9]  }
0x2b: {  	s6 =	sld [smem:$0x3FAA]  }
0x2c: {  	s7 =	sld [smem:$0x3FAB]  }
0x2d: {  	s3 =	simm.s32 $0x108;
	s8 =	sld [smem:$0x3FAC]  }
0x2e: {  	s3 =	simm.s32 @!p0 $0x1082;
	s9 =	sld [smem:$0x3FAD]  }
0x2f: {  	lr =	sadd.s32 s0, s3;
	s0 =	sld [smem:$0x3FA4]  }
0x30: {  	s3 =	sld [smem:$0x3FA7]  }
0x31: {  	[smem:$0x3FB0] =	sst s10  }
0x32: {  	s10 =	sld [smem:$0x3FAE];
	_ =	sdelay $0x3  }
0x33: {  	p0 =	seq.s32 s10, $0x1;
	s10 =	sld [smem:$0x3FB0];
	_ =	sdelay $0x3  }
0x34: {  	[smem:$0x3FB0] =	sst s10  }
0x35: {  	s10 =	sld [smem:$0x3FAF];
	_ =	sdelay $0x3  }
0x36: {  	p1 =	seq.s32 s10, $0x1;
	s10 =	sld [smem:$0x3FB0];
	_ =	sdelay $0x3  }
0x37: {  	[smem:$0x3FB0] =	sst s10  }
0x38: {  	s10 =	sld [smem:$0x3FB1]  }
0x39: {  	_ = 	snop;
	(pc) =	sbr.ind lr, $3  }
0x3a: {  	_ = 	snop  }
0x3b: {  	_ = 	snop  }
0x3c: {  	p2 =	seq.s32 s10, $0x1;
	s10 =	sld [smem:$0x3FB0]  }
0x3d: {  	_ =	shalt  }
0x3e: {  	_ =	shalt  }
0x3f: {  	_ =	shalt  }
0x40: {  	_ =	shalt  }
0x41: {  	_ =	shalt  }
0x42: {  	_ =	shalt  }
0x43: {  	_ =	shalt  }
0x44: {  	_ =	shalt  }
0x45: {  	_ =	shalt  }
0x46: {  	_ =	shalt  }
0x47: {  	_ =	shalt  }
0x48: {  	_ =	shalt  }
0x49: {  	_ =	shalt  }
0x4a: {  	_ =	shalt  }
0x4b: {  	_ =	shalt  }
0x4c: {  	_ =	shalt  }
0x4d: {  	_ =	shalt  }
0x4e: {  	_ =	shalt  }
0x4f: {  	_ =	shalt  }
0x50: {  	_ =	shalt  }
0x51: {  	_ =	shalt  }
0x52: {  	_ =	shalt  }
0x53: {  	_ =	shalt  }
0x54: {  	_ =	shalt  }
0x55: {  	_ =	shalt  }
0x56: {  	_ =	shalt  }
0x57: {  	_ =	shalt  }
0x58: {  	_ =	shalt  }
0x59: {  	_ =	shalt  }
0x5a: {  	_ =	shalt  }
0x5b: {  	_ =	shalt  }
0x5c: {  	_ =	shalt  }
0x5d: {  	_ =	shalt  }
0x5e: {  	_ =	shalt  }
0x5f: {  	_ =	shalt  }
0x60: {  	_ =	shalt  }
0x61: {  	_ =	shalt  }
0x62: {  	_ =	shalt  }
0x63: {  	_ =	shalt  }
0x64: {  	_ =	shalt  }
0x65: {  	_ =	shalt  }
0x66: {  	_ =	shalt  }
0x67: {  	_ =	shalt  }
0x68: {  	_ =	shalt  }
0x69: {  	_ =	shalt  }
0x6a: {  	_ =	shalt  }
0x6b: {  	_ =	shalt  }
0x6c: {  	_ =	shalt  }
0x6d: {  	_ =	shalt  }
0x6e: {  	_ =	shalt  }
0x6f: {  	_ =	shalt  }
0x70: {  	_ =	shalt  }
0x71: {  	_ =	shalt  }
0x72: {  	_ =	shalt  }
0x73: {  	_ =	shalt  }
0x74: {  	_ =	shalt  }
0x75: {  	_ =	shalt  }
0x76: {  	_ =	shalt  }
0x77: {  	_ =	shalt  }
0x78: {  	_ =	shalt  }
0x79: {  	_ =	shalt  }
0x7a: {  	_ =	shalt  }
0x7b: {  	_ =	shalt  }
0x7c: {  	_ =	shalt  }
0x7d: {  	_ =	shalt  }
0x7e: {  	_ =	shalt  }
0x7f: {  	_ =	shalt  }
0x80: {  	_ =	shalt  }
0x81: {  	_ =	shalt  }
0x82: {  	_ =	shalt  }
0x83: {  	_ =	shalt  }
0x84: {  	_ =	shalt  }
0x85: {  	_ =	shalt  }
0x86: {  	_ =	shalt  }
0x87: {  	_ =	shalt  }
.Lfunc_end0:
.L_simem_size_0:
called_computation.2_lowered:
.L_overlay_start_0:
0x88: {  	s2 =	sld [smem:$0x3FD9]  }
0x89: {  	s3 =	sld [smem:$0x3FFE];
	_ =	sdelay $0x1  }
0x8a: {  	s1 =	srdreg.scid  }
0x8b: {  	s0 =	sand.u32 $0x1, s1  }
0x8c: {  	s17 =	sshll.u32 s0, $0xA;
	s2 =	sadd.s32 s3, s2  }
0x8d: {  	s2 =	sadd.s32 s2, s17  }
0x8e: {  	[smem:$0x3FBC] =	sst s2  }
0x8f: {  	_ = 	snop  }
0x90: {  	s2 =	sld [smem:$0x3FD0];
	(tm) =	ssettm $0x1  }
0x91: {  	s18 =	sld [smem:$0x3FFB];
	_ =	sdelay $0x3  }
0x92: {  	_ =	strace s18  }
0x93: {  	s3 =	sld [smem:$0x3FFC];
	_ =	sdelay $0x3  }
0x94: {  	_ =	strace s3  }
0x95: {  	s3 =	sld [smem:$0x3FFD];
	_ =	sdelay $0x3  }
0x96: {  	_ =	strace s3  }
0x97: {  	_ =	strace $0x8FFFFFFF  }
0x98: {  	s19 =	sld [smem:$0x3FDB];
	_ =	sdelay $0x1  }
0x99: {  	s4 =	simm.s32 $_scs_section_size  }
0x9a: {  	s5 =	simm.s32 $_size__tile_overlayer_lowered;
	s6 =	simm.s32 $_tile_overlayer_lowered  }
0x9b: {  	s22 =	simm.s32 $0x1BFF;
	s21 =	sshll.u32 s6, $0x1;
	s3 =	sadd.s32 s4, s19  }
0x9c: {  	s7 =	simm.s32 $0x0;
	s20 =	sshll.u32 s5, $0x1;
	s5 =	sadd.s32 s21, s3  }
0x9d: {  	[timem:s7], [sflag:s22] =	dma.local [hbm:s5], s20  }
0x9e: {  	_ =	swait.ge [sflag:s22], s20  }
0x9f: {  	s4 =	ssub.s32 $0x0, s20;
	[sflag:s22] =	ssyncset.done $0x0  }
0xa0: {  	[sflag:s22] =	ssyncadd.s32 s4;
	_ =	sdelay $0x1  }
0xa1: {  	s23 =	simm.s32 $0x1B8B  }
0xa2: {  	_ =	swait.ge [sflag:s23], $0x1  }
0xa3: {  	[sflag:s23] =	ssyncset.done $0x0  }
0xa4: {  	s25 =	simm.s32 $0x1B8E;
	s24 =	sld [smem:$0x3FFE];
	[sflag:s23] =	ssyncadd.s32 $0xFFFFFFFF  }
0xa5: {  	s26 =	simm.s32 $execute0_lowered;
	[smem:$0x3FD2] =	sst s25  }
0xa6: {  	s5 =	sshll.u32 s26, $0x1;
	_ =	strace $0x8000004C;
	[dreg:$0x1] =	wrdreg $0xFFFFFFFF  }
0xa7: {  	s28 =	simm.s32 $_size_execute0_lowered;
	s3 =	sadd.s32 s3, s5;
	[dreg:$0x0] =	wrdreg $0x0  }
0xa8: {  	s5 =	sshll.u32 s28, $0x1;
	[dreg:$0x2] =	wrdreg s3  }
0xa9: {  	[dreg:$0x3] =	wrdreg s5  }
0xaa: {  	[dreg:$0x4] =	wrdreg $0xC0  }
0xab: {  	_ =	task [dreg:s7], $0x5FFFF  }
0xac: {  	[dreg:$0x1] =	wrdreg $0xFFFFFFFF  }
0xad: {  	[dreg:$0x0] =	wrdreg $0x60  }
0xae: {  	[dreg:$0x2] =	wrdreg s2  }
0xaf: {  	[dreg:$0x3] =	wrdreg s24  }
0xb0: {  	[dreg:$0x4] =	wrdreg $0x0  }
0xb1: {  	[dreg:$0x5] =	wrdreg $0x9  }
0xb2: {  	_ =	task.clear_ibuf [dreg:s7], $0x6FFFF;
	_ =	strace $0x9000004C  }
0xb3: {  	s29 =	simm.s32 $0x9;
	_ =	strace $0x8000004E  }
0xb4: {  	_ =	swait.ge [sflag:s29], $0x1  }
0xb5: {  	[sflag:s29] =	ssyncadd.s32 $0xFFFFFFFF  }
0xb6: {  	_ =	strace $0x9000004E  }
0xb7: {  	_ =	sfence  }
0xb8: {  	s30 =	sld [smem:$0x0];
	_ =	sdelay $0x2  }
0xb9: {  	s31 =	sshll.u32 s1, $0xD;
	s1 =	sshrl.u32 s1, $0x2  }
0xba: {  	s3 =	sand.u32 $0x4000, s31;
	s1 =	sadd.s32 s1, s30  }
0xbb: {  	s0 =	sor.u32 s3, s0;
	s1 =	sshll.u32 s1, $0x11  }
0xbc: {  	s0 =	sor.u32 s1, s0  }
0xbd: {  	s0 =	sadd.s32 $0x8F2B, s0  }
0xbe: {  	[sflag:s0] =	ssyncadd.remote.s32 $0x1  }
0xbf: {  	_ =	sfence.sel $0xFFFF  }
0xc0: {  	[dreg:$0x0] =	wrdreg $0xFFFFFFFF;
	(pc) =	sbr.abs _section_cstart, $3  }
0xc1: {  	[dreg:$0x1] =	wrdreg $0xFFFFFFFF  }
0xc2: {  	_ =	task.clear_ibuf [dreg:s7], $0x2FFFF;
	_ =	strace $0x9FFFFFFF  }
0xc3: {  	(tm) =	ssettm $0x7FFFFFFF  }
tec
execute0_lowered:
.L_overlay_start_1:
0x0: {  	(tag) =	ssettag $0x1  }
0x1: {  	s1 =	rddreg [dreg:$0x0]  }
0x2: {  	s5 =	rddreg [dreg:$0x1]  }
0x3: {  	s2 =	rddreg [dreg:$0x2];
	s4 =	srdreg.scid  }
0x4: {  	s3 =	simm.s32 $0x0;
	s11 =	sand.u32 $0x1, s4;
	s4 =	stileid.u32  }
0x5: {  	[smem:$0x7FF] =	sst s3;
	s19 =	sadd.s32 $0xB600, s5;
	s13 =	smul.u32 $0x278, s4  }
0x6: {  	s12 =	sadd.s32 $0x25E00, s5;
	_ =	strace $0x8000004D;
	s31 =	smul.u32 $0x13C000, s11  }
0x7: {  	s6 =	ssub.s32 $0x2, s11;
	s30 =	sshll.u32 s11, $0x4;
	s0 =	smul.u32 $0x13C00, s4  }
0x8: {  	s29 =	smul.u32 $0xD400, s11;
	s7 =	sshrl.u32 s6, $0x1;
	s5 =	sor.u32 s4, s30  }
0x9: {  	s14 =	ssub.s32 s6, s7;
	s21 =	sadd.s32 $0x10, s13;
	s22 =	sadd.s32 $0x60, s13  }
0xa: {  	s20 =	sadd.s32 $0xC0, s13;
	s17 =	sadd.s32 $0x120, s13;
	s16 =	sadd.s32 $0x180, s13  }
0xb: {  	s15 =	sadd.s32 $0x1E0, s13;
	s18 =	sadd.s32 $0x218, s13;
	s7 =	sadd.s32 s0, s31  }
0xc: {  	s26 =	sadd.s32 $0x20, s13;
	s28 =	smul.u32 $0xD40, s5;
	s30 =	sadd.s32 $0x40, s13  }
0xd: {  	s0 =	sadd.s32 $0x70, s13;
	s8 =	sshll.u32 s22, $0x7;
	s9 =	sshll.u32 s20, $0x7  }
0xe: {  	v41 =	vlaneseq.u32;
	s10 =	sshll.u32 s17, $0x7;
	s23 =	sshll.u32 s16, $0x7;
	s24 =	sshll.u32 s15, $0x7  }
0xf: {  	s25 =	sshll.u32 s18, $0x7;
	s7 =	sshrl.u32 s7, $0x3;
	v1 =	vadd.s32 s26, v41;
	s26 =	sadd.s32 $0xB0, s13  }
0x10: {  	v3 =	vadd.s32 s30, v41;
	s30 =	sadd.s32 $0xD0, s13;
	v5 =	vadd.s32 s22, v41;
	v6 =	vadd.s32 s0, v41;
	s22 =	sadd.s32 $0xE0, s13;
	s0 =	sadd.s32 $0x100, s13  }
0x11: {  	v0 =	vadd.s32 s21, v41;
	v11 =	vadd.s32 s20, v41;
	v17 =	vadd.s32 s17, v41;
	s20 =	sadd.s32 $0x200, s13;
	s21 =	sadd.s32 $0x230, s13;
	s17 =	smul.u32 $0xD40, s4  }
0x12: {  	v23 =	vadd.s32 s16, v41;
	s16 =	simm.s32 $0x60;
	v36 =	vadd.s32 s18, v41;
	s18 =	simm.s32 $0x13E00;
	s8 =	sadd.s32 s31, s8  }
0x13: {  	s9 =	sadd.s32 s31, s9;
	s10 =	sadd.s32 s31, s10;
	s23 =	sadd.s32 s31, s23  }
0x14: {  	s24 =	sadd.s32 s31, s24;
	s25 =	sadd.s32 s31, s25;
	s5 =	sadd.s32 s12, s7  }
0x15: {  	s31 =	sadd.s32 $0x80, s13;
	v10 =	vadd.s32 s26, v41;
	v12 =	vadd.s32 s30, v41;
	s26 =	sadd.s32 $0x160, s13;
	s30 =	sadd.s32 $0x170, s13  }
0x16: {  	v13 =	vadd.s32 s22, v41;
	v15 =	vadd.s32 s0, v41;
	s22 =	sadd.s32 $0x190, s13;
	s0 =	sadd.s32 $0x1B0, s13;
	v32 =	vadd.s32 s20, v41;
	s20 =	simm.s32 $0x13D00  }
0x17: {  	v35 =	vadd.s32 s21, v41;
	s21 =	simm.s32 $0x16E00;
	s8 =	sshrl.u32 s8, $0x3;
	s9 =	sshrl.u32 s9, $0x3  }
0x18: {  	s10 =	sshrl.u32 s10, $0x3;
	s23 =	sshrl.u32 s23, $0x3;
	s24 =	sshrl.u32 s24, $0x3  }
0x19: {  	s25 =	sshrl.u32 s25, $0x3;
	v7 =	vadd.s32 s31, v41;
	s31 =	sadd.s32 $0x130, s13;
	v21 =	vadd.s32 s26, v41;
	s26 =	sadd.s32 $0x228, s13  }
0x1a: {  	v22 =	vadd.s32 s30, v41;
	v24 =	vadd.s32 s22, v41;
	s30 =	sadd.s32 $0x238, s13;
	v26 =	vadd.s32 s0, v41;
	s0 =	sadd.s32 $0x258, s13;
	s22 =	simm.s32 $0x1  }
0x1b: {  	s6 =	sadd.s32 s12, s8;
	s7 =	sadd.s32 s12, s9;
	s8 =	sadd.s32 s12, s10  }
0x1c: {  	s9 =	sadd.s32 s12, s23;
	s10 =	sadd.s32 s12, s24;
	s11 =	sadd.s32 s12, s25  }
0x1d: {  	s23 =	sadd.s32 $0x30, s13;
	s12 =	sadd.s32 s19, s28;
	s19 =	sadd.s32 s29, s19  }
0x1e: {  	v42 =	vimm.f32 $0.0e+00;
	v30 =	vadd.s32 s13, v41;
	s25 =	sadd.s32 $0x50, s13;
	s29 =	sadd.s32 $0x90, s13;
	s24 =	sadd.s32 $0xA0, s13  }
0x1f: {  	v29 =	vadd.s32 s15, v41;
	v18 =	vadd.s32 s31, v41;
	s31 =	sadd.s32 $0x1D0, s13;
	s28 =	sadd.s32 $0x1F0, s13;
	v37 =	vadd.s32 s26, v41;
	s26 =	simm.s32 $0x0  }
0x20: {  	v2 =	vadd.s32 s23, v41;
	v4 =	vadd.s32 s25, v41;
	s25 =	sadd.s32 $0xF0, s13;
	v8 =	vadd.s32 s29, v41;
	s23 =	sadd.s32 $0x110, s13;
	s29 =	sadd.s32 $0x140, s13  }
0x21: {  	v38 =	vadd.s32 s30, v41;
	v9 =	vadd.s32 s24, v41;
	s24 =	sadd.s32 $0x150, s13;
	v28 =	vadd.s32 s31, v41;
	s31 =	sadd.s32 $0x268, s13;
	s15 =	sadd.s32 s17, s19  }
0x22: {  	v40 =	vadd.s32 s0, v41;
	v31 =	vadd.s32 s28, v41;
	s17 =	simm.s32 $0x13C00;
	s19 =	simm.s32 $0x3;
	v14 =	vadd.s32 s25, v41;
	s25 =	sadd.s32 $0x1A0, s13  }
0x23: {  	v16 =	vadd.s32 s23, v41;
	s23 =	sadd.s32 $0x1C0, s13;
	v19 =	vadd.s32 s29, v41;
	v20 =	vadd.s32 s24, v41;
	s24 =	sadd.s32 $0x210, s13;
	s29 =	sadd.s32 $0x220, s13  }
0x24: {  	v25 =	vadd.s32 s25, v41;
	v27 =	vadd.s32 s23, v41;
	s25 =	sadd.s32 $0x248, s13;
	s13 =	smax.u32 s14, $0x1;
	s14 =	sadd.s32 $0xD20, s12;
	v33 =	vadd.s32 s24, v41  }
0x25: {  	v34 =	vadd.s32 s29, v41;
	s23 =	simm.s32 $0x13C80;
	s24 =	simm.s32 $0x2;
	v39 =	vadd.s32 s25, v41;
	v41 =	vadd.s32 s31, v41;
	s25 =	simm.s32 $0x13D80  }
.LBB2_1:
0x26: {  	s28 =	simm.s32 $0x0;
	s29 =	simm.s32 $0x200  }
.LBB2_2:
0x27: {  	p0 =	sne.s32 s29, $0xBE00;
	[tilespmem:s28+$0x13E70] =	vst v42  }
0x28: {  	[tilespmem:s28+$0x13E00] =	vst v42  }
0x29: {  	[tilespmem:s28+$0x13E10] =	vst v42  }
.Ltmp0:
0x2a: {  	[tilespmem:s28+$0x13E20] =	vst v42;
	(pc) =	sbr.rel @p0 .LBB2_2-.Ltmp0, $4  }
0x2b: {  	[tilespmem:s28+$0x13E30] =	vst v42  }
0x2c: {  	[tilespmem:s28+$0x13E40] =	vst v42  }
0x2d: {  	[tilespmem:s28+$0x13E50] =	vst v42  }
0x2e: {  	[tilespmem:s28+$0x13E60] =	vst v42;
	s28 =	sshra.s32 s29, $0x2;
	s29 =	sadd.s32 $0x200, s29  }
0x2f: {  	[tilespmem:s28+$0x13E70] =	vst v42  }
0x30: {  	[tilespmem:s28+$0x13E00] =	vst v42  }
0x31: {  	[tilespmem:s28+$0x13E10] =	vst v42  }
0x32: {  	[tilespmem:s28+$0x13E20] =	vst v42  }
0x33: {  	[tilespmem:s28+$0x13E30] =	vst v42  }
0x34: {  	[tilespmem:s28+$0x13E40] =	vst v42  }
0x35: {  	[tilespmem:s28+$0x13E50] =	vst v42  }
0x36: {  	[tilespmem:s28+$0x13E60] =	vst v42  }
0x37: {  	[tilespmem:$0x13C00] =	vst v30  }
0x38: {  	[tilespmem:$0x13C10] =	vst v0  }
0x39: {  	[tilespmem:$0x13C20] =	vst v1  }
0x3a: {  	[tilespmem:$0x13C30] =	vst v2  }
0x3b: {  	[tilespmem:$0x13C40] =	vst v3  }
0x3c: {  	[tilespmem:$0x13C50] =	vst v4  }
0x3d: {  	[spmem:s2] =	stream.indirect.scatter [tilespmem:s18], [sflag:$0x3], $0x80, s17, s16, $0xb8;
	[tilespmem:$0x19E00] =	vst v63  }
0x3e: {  	_ =	swait.ge [sflag:s19], $0x3000  }
0x3f: {  	[sflag:s19] =	ssyncset.done $0x0  }
0x40: {  	[sflag:s19] =	ssyncadd.s32 $0xFFFFD000  }
0x41: {  	[tilespmem:$0x13C00] =	vst v5  }
0x42: {  	[tilespmem:$0x13C10] =	vst v6  }
0x43: {  	[tilespmem:$0x13C20] =	vst v7  }
0x44: {  	[tilespmem:$0x13C30] =	vst v8  }
0x45: {  	[tilespmem:$0x13C40] =	vst v9  }
0x46: {  	[tilespmem:$0x13C50] =	vst v10  }
0x47: {  	[spmem:s2] =	stream.indirect.scatter [tilespmem:s18], [sflag:$0x3], $0x80, s17, s16, $0xb8;
	[tilespmem:$0x19E00] =	vst v63  }
0x48: {  	_ =	swait.ge [sflag:s19], $0x3000  }
0x49: {  	[sflag:s19] =	ssyncset.done $0x0  }
0x4a: {  	[sflag:s19] =	ssyncadd.s32 $0xFFFFD000  }
0x4b: {  	[tilespmem:$0x13C00] =	vst v11  }
0x4c: {  	[tilespmem:$0x13C10] =	vst v12  }
0x4d: {  	[tilespmem:$0x13C20] =	vst v13  }
0x4e: {  	[tilespmem:$0x13C30] =	vst v14  }
0x4f: {  	[tilespmem:$0x13C40] =	vst v15  }
0x50: {  	[tilespmem:$0x13C50] =	vst v16  }
0x51: {  	[spmem:s2] =	stream.indirect.scatter [tilespmem:s18], [sflag:$0x3], $0x80, s17, s16, $0xb8;
	[tilespmem:$0x19E00] =	vst v63  }
0x52: {  	_ =	swait.ge [sflag:s19], $0x3000  }
0x53: {  	[sflag:s19] =	ssyncset.done $0x0  }
0x54: {  	[sflag:s19] =	ssyncadd.s32 $0xFFFFD000  }
0x55: {  	[tilespmem:$0x13C00] =	vst v17  }
0x56: {  	[tilespmem:$0x13C10] =	vst v18  }
0x57: {  	[tilespmem:$0x13C20] =	vst v19  }
0x58: {  	[tilespmem:$0x13C30] =	vst v20  }
0x59: {  	[tilespmem:$0x13C40] =	vst v21  }
0x5a: {  	[tilespmem:$0x13C50] =	vst v22  }
0x5b: {  	[spmem:s2] =	stream.indirect.scatter [tilespmem:s18], [sflag:$0x3], $0x80, s17, s16, $0xb8;
	[tilespmem:$0x19E00] =	vst v63  }
0x5c: {  	_ =	swait.ge [sflag:s19], $0x3000  }
0x5d: {  	[sflag:s19] =	ssyncset.done $0x0  }
0x5e: {  	[sflag:s19] =	ssyncadd.s32 $0xFFFFD000  }
0x5f: {  	[tilespmem:$0x13C00] =	vst v23  }
0x60: {  	[tilespmem:$0x13C10] =	vst v24  }
0x61: {  	[tilespmem:$0x13C20] =	vst v25  }
0x62: {  	[tilespmem:$0x13C30] =	vst v26  }
0x63: {  	[tilespmem:$0x13C40] =	vst v27  }
0x64: {  	[tilespmem:$0x13C50] =	vst v28  }
0x65: {  	[spmem:s2] =	stream.indirect.scatter [tilespmem:s18], [sflag:$0x3], $0x80, s17, s16, $0xb8;
	[tilespmem:$0x19E00] =	vst v63  }
0x66: {  	_ =	swait.ge [sflag:s19], $0x3000  }
0x67: {  	[sflag:s19] =	ssyncset.done $0x0  }
0x68: {  	[sflag:s19] =	ssyncadd.s32 $0xFFFFD000  }
0x69: {  	[tilespmem:$0x13C00] =	vst v29  }
0x6a: {  	[tilespmem:$0x13C10] =	vst v31  }
0x6b: {  	[tilespmem:$0x13C20] =	vst v32  }
0x6c: {  	[tilespmem:$0x13C30] =	vst v33  }
0x6d: {  	[tilespmem:$0x13C40] =	vst v34  }
0x6e: {  	[tilespmem:$0x13C50] =	vst v35  }
0x6f: {  	[spmem:s2] =	stream.indirect.scatter [tilespmem:s18], [sflag:$0x3], $0x80, s17, s16, $0xb8;
	[tilespmem:$0x19E00] =	vst v63  }
0x70: {  	_ =	swait.ge [sflag:s19], $0x3000  }
0x71: {  	[sflag:s19] =	ssyncset.done $0x0  }
0x72: {  	[sflag:s19] =	ssyncadd.s32 $0xFFFFD000  }
0x73: {  	[tilespmem:$0x13C00] =	vst v36  }
0x74: {  	[tilespmem:$0x13C10] =	vst v37  }
0x75: {  	[tilespmem:$0x13C20] =	vst v38  }
0x76: {  	[tilespmem:$0x13C30] =	vst v39  }
0x77: {  	[tilespmem:$0x13C40] =	vst v40  }
0x78: {  	[tilespmem:$0x13C50] =	vst v41  }
0x79: {  	[spmem:s2] =	stream.indirect.scatter [tilespmem:s18], [sflag:$0x3], $0x80, s17, s16, $0xb8;
	[tilespmem:$0x19E00] =	vst v63  }
0x7a: {  	_ =	swait.ge [sflag:s19], $0x3000  }
0x7b: {  	[sflag:s19] =	ssyncset.done $0x0  }
0x7c: {  	[sflag:s19] =	ssyncadd.s32 $0xFFFFD000  }
0x7d: {  	[bflag:$0x0] =	sbarrier.arrive $0xFFFF  }
0x7e: {  	[tilespmem:s17], [sflag:$0x3] =	stream.linear.gather [hbm4b:s12+s3], $0x100, $0x38;
	[tilespmem:$0x19E00] =	vst v63  }
0x7f: {  	_ =	swait.ge [sflag:s19], $0x100  }
0x80: {  	[sflag:s19] =	ssyncset.done $0x0  }
0x81: {  	s28 =	sadd.s32 $0xFFFFF300, s15;
	[sflag:s19] =	ssyncadd.s32 $0xFFFFFF00  }
0x82: {  	[tilespmem:s18], [sflag:$0x1] =	stream.indirect.gather [hbm4b:s1+s16], $0x80, s17, s16, $0xb8;
	[tilespmem:$0x19E00] =	vst v63  }
0x83: {  	s29 =	sadd.s32 $0xD20, s28  }
0x84: {  	[tilespmem:s20], [sflag:$0x3] =	stream.linear.gather [hbm4b:s29+s3], $0x100, $0x38;
	[tilespmem:$0x19E00] =	vst v63  }
0x85: {  	_ =	swait.ge [sflag:s19], $0x100  }
0x86: {  	[sflag:s19] =	ssyncset.done $0x0  }
0x87: {  	[sflag:s19] =	ssyncadd.s32 $0xFFFFFF00  }
0x88: {  	[tilespmem:s21], [sflag:$0x2] =	stream.indirect.gather [hbm4b:s1+s16], $0x80, s20, s16, $0xb8;
	[tilespmem:$0x19E00] =	vst v63  }
0x89: {  	_ =	swait.ge [sflag:s22], $0x3000  }
0x8a: {  	[sflag:s22] =	ssyncset.done $0x0  }
0x8b: {  	[sflag:s22] =	ssyncadd.s32 $0xFFFFD000  }
0x8c: {  	[spmem:s2] =	stream.indirect.scatter.add.f32 [tilespmem:s18], [sflag:$0x3], $0x80, s23, s16, $0xb8;
	[tilespmem:$0x19E00] =	vst v63  }
0x8d: {  	_ =	swait.ge [sflag:s19], $0x3000  }
0x8e: {  	[sflag:s19] =	ssyncset.done $0x0  }
0x8f: {  	s28 =	sadd.s32 $0xD40, s28;
	[sflag:s19] =	ssyncadd.s32 $0xFFFFD000  }
0x90: {  	[tilespmem:s17], [sflag:$0x3] =	stream.linear.gather [hbm4b:s28+s3], $0x100, $0x38;
	[tilespmem:$0x19E00] =	vst v63  }
0x91: {  	_ =	swait.ge [sflag:s19], $0x100  }
0x92: {  	[sflag:s19] =	ssyncset.done $0x0  }
0x93: {  	[sflag:s19] =	ssyncadd.s32 $0xFFFFFF00  }
0x94: {  	[tilespmem:s18], [sflag:$0x1] =	stream.indirect.gather [hbm4b:s1+s16], $0x80, s17, s16, $0xb8;
	[tilespmem:$0x19E00] =	vst v63  }
0x95: {  	_ =	swait.ge [sflag:s24], $0x3000  }
0x96: {  	[sflag:s24] =	ssyncset.done $0x0  }
0x97: {  	[sflag:s24] =	ssyncadd.s32 $0xFFFFD000  }
0x98: {  	[spmem:s2] =	stream.indirect.scatter.add.f32 [tilespmem:s21], [sflag:$0x3], $0x80, s25, s16, $0xb8;
	[tilespmem:$0x19E00] =	vst v63  }
0x99: {  	_ =	swait.ge [sflag:s19], $0x3000  }
0x9a: {  	s29 =	simm.s32 $0xFFFFF380;
	s28 =	sadd.s32 $0xFFFFF340, s15;
	[sflag:s19] =	ssyncset.done $0x0  }
.LBB2_4:
0x9b: {  	s30 =	sadd.s32 $0xD20, s28  }
0x9c: {  	[sflag:s19] =	ssyncadd.s32 $0xFFFFD000;
	s31 =	smov.u32 s29;
	s0 =	sadd.s32 $0x40, s29  }
0x9d: {  	[tilespmem:s20], [sflag:$0x3] =	stream.linear.gather [hbm4b:s30+s3], $0x100, $0x38;
	[tilespmem:$0x19E00] =	vst v63  }
0x9e: {  	p0 =	sne.s32 s29, $0xFFFFFFC0;
	_ =	swait.ge [sflag:s19], $0x100  }
0x9f: {  	[sflag:s19] =	ssyncset.done $0x0  }
0xa0: {  	[sflag:s19] =	ssyncadd.s32 $0xFFFFFF00  }
0xa1: {  	[tilespmem:s21], [sflag:$0x2] =	stream.indirect.gather [hbm4b:s1+s16], $0x80, s20, s16, $0xb8;
	[tilespmem:$0x19E00] =	vst v63  }
0xa2: {  	_ =	swait.ge [sflag:s22], $0x3000  }
0xa3: {  	[sflag:s22] =	ssyncset.done $0x0  }
0xa4: {  	[sflag:s22] =	ssyncadd.s32 $0xFFFFD000  }
0xa5: {  	[spmem:s2] =	stream.indirect.scatter.add.f32 [tilespmem:s18], [sflag:$0x3], $0x80, s23, s16, $0xb8;
	[tilespmem:$0x19E00] =	vst v63  }
0xa6: {  	_ =	swait.ge [sflag:s19], $0x3000  }
0xa7: {  	[sflag:s19] =	ssyncset.done $0x0  }
0xa8: {  	s28 =	sadd.s32 $0xD40, s28;
	[sflag:s19] =	ssyncadd.s32 $0xFFFFD000  }
0xa9: {  	[tilespmem:s17], [sflag:$0x3] =	stream.linear.gather [hbm4b:s28+s3], $0x100, $0x38;
	[tilespmem:$0x19E00] =	vst v63  }
0xaa: {  	_ =	swait.ge [sflag:s19], $0x100  }
0xab: {  	[sflag:s19] =	ssyncset.done $0x0  }
0xac: {  	[sflag:s19] =	ssyncadd.s32 $0xFFFFFF00  }
0xad: {  	[tilespmem:s18], [sflag:$0x1] =	stream.indirect.gather [hbm4b:s1+s16], $0x80, s17, s16, $0xb8;
	[tilespmem:$0x19E00] =	vst v63  }
0xae: {  	_ =	swait.ge [sflag:s24], $0x3000  }
.Ltmp1:
0xaf: {  	[sflag:s24] =	ssyncset.done $0x0;
	(pc) =	sbr.rel @p0 .LBB2_4-.Ltmp1, $4  }
0xb0: {  	[sflag:s24] =	ssyncadd.s32 $0xFFFFD000  }
0xb1: {  	[spmem:s2] =	stream.indirect.scatter.add.f32 [tilespmem:s21], [sflag:$0x3], $0x80, s25, s16, $0xb8;
	[tilespmem:$0x19E00] =	vst v63  }
0xb2: {  	_ =	swait.ge [sflag:s19], $0x3000  }
0xb3: {  	s29 =	smov.u32 s0;
	s28 =	sadd.s32 s31, s15;
	[sflag:s19] =	ssyncset.done $0x0  }
0xb4: {  	s0 =	sadd.s32 $0xD20, s28;
	[sflag:s19] =	ssyncadd.s32 $0xFFFFD000  }
0xb5: {  	[tilespmem:s20], [sflag:$0x3] =	stream.linear.gather [hbm4b:s0+s3], $0x100, $0x38;
	[tilespmem:$0x19E00] =	vst v63  }
0xb6: {  	_ =	swait.ge [sflag:s19], $0x100  }
0xb7: {  	[sflag:s19] =	ssyncset.done $0x0  }
0xb8: {  	[sflag:s19] =	ssyncadd.s32 $0xFFFFFF00  }
0xb9: {  	[tilespmem:s21], [sflag:$0x2] =	stream.indirect.gather [hbm4b:s1+s16], $0x80, s20, s16, $0xb8;
	[tilespmem:$0x19E00] =	vst v63  }
0xba: {  	_ =	swait.ge [sflag:s22], $0x3000  }
0xbb: {  	[sflag:s22] =	ssyncset.done $0x0  }
0xbc: {  	[sflag:s22] =	ssyncadd.s32 $0xFFFFD000  }
0xbd: {  	[spmem:s2] =	stream.indirect.scatter.add.f32 [tilespmem:s18], [sflag:$0x3], $0x80, s23, s16, $0xb8;
	[tilespmem:$0x19E00] =	vst v63  }
0xbe: {  	_ =	swait.ge [sflag:s19], $0x3000  }
0xbf: {  	[sflag:s19] =	ssyncset.done $0x0  }
0xc0: {  	s31 =	sadd.s32 $0xD40, s28;
	[sflag:s19] =	ssyncadd.s32 $0xFFFFD000  }
0xc1: {  	[tilespmem:s17], [sflag:$0x3] =	stream.linear.gather [hbm4b:s31+s3], $0x100, $0x38;
	[tilespmem:$0x19E00] =	vst v63  }
0xc2: {  	_ =	swait.ge [sflag:s19], $0x100  }
0xc3: {  	[sflag:s19] =	ssyncset.done $0x0  }
0xc4: {  	[sflag:s19] =	ssyncadd.s32 $0xFFFFFF00  }
0xc5: {  	[tilespmem:s18], [sflag:$0x1] =	stream.indirect.gather [hbm4b:s1+s16], $0x80, s17, s16, $0xb8;
	[tilespmem:$0x19E00] =	vst v63  }
0xc6: {  	_ =	swait.ge [sflag:s24], $0x3000  }
0xc7: {  	[sflag:s24] =	ssyncset.done $0x0  }
0xc8: {  	[sflag:s24] =	ssyncadd.s32 $0xFFFFD000  }
0xc9: {  	[spmem:s2] =	stream.indirect.scatter.add.f32 [tilespmem:s21], [sflag:$0x3], $0x80, s25, s16, $0xb8;
	[tilespmem:$0x19E00] =	vst v63  }
0xca: {  	_ =	swait.ge [sflag:s19], $0x3000  }
0xcb: {  	[sflag:s19] =	ssyncset.done $0x0  }
0xcc: {  	[sflag:s19] =	ssyncadd.s32 $0xFFFFD000  }
0xcd: {  	[tilespmem:s20], [sflag:$0x3] =	stream.linear.gather [hbm4b:s14+s3], $0x100, $0x38;
	[tilespmem:$0x19E00] =	vst v63  }
0xce: {  	_ =	swait.ge [sflag:s19], $0x100  }
0xcf: {  	[sflag:s19] =	ssyncset.done $0x0  }
0xd0: {  	[sflag:s19] =	ssyncadd.s32 $0xFFFFFF00  }
0xd1: {  	[tilespmem:s21], [sflag:$0x2] =	stream.indirect.gather [hbm4b:s1+s16], $0x80, s20, s16, $0xb8;
	[tilespmem:$0x19E00] =	vst v63  }
0xd2: {  	_ =	swait.ge [sflag:s22], $0x3000  }
0xd3: {  	[sflag:s22] =	ssyncset.done $0x0  }
0xd4: {  	[sflag:s22] =	ssyncadd.s32 $0xFFFFD000  }
0xd5: {  	[spmem:s2] =	stream.indirect.scatter.add.f32 [tilespmem:s18], [sflag:$0x3], $0x80, s23, s16, $0xb8;
	[tilespmem:$0x19E00] =	vst v63  }
0xd6: {  	_ =	swait.ge [sflag:s19], $0x3000  }
0xd7: {  	[sflag:s19] =	ssyncset.done $0x0  }
0xd8: {  	[sflag:s19] =	ssyncadd.s32 $0xFFFFD000  }
0xd9: {  	_ =	swait.ge [sflag:s24], $0x3000  }
0xda: {  	[sflag:s24] =	ssyncset.done $0x0  }
0xdb: {  	[sflag:s24] =	ssyncadd.s32 $0xFFFFD000  }
0xdc: {  	[spmem:s2] =	stream.indirect.scatter.add.f32 [tilespmem:s21], [sflag:$0x3], $0x80, s25, s16, $0xb8;
	[tilespmem:$0x19E00] =	vst v63  }
0xdd: {  	_ =	swait.ge [sflag:s19], $0x3000  }
0xde: {  	[sflag:s19] =	ssyncset.done $0x0  }
0xdf: {  	[sflag:s19] =	ssyncadd.s32 $0xFFFFD000  }
0xe0: {  	[bflag:$0x0] =	sbarrier.arrive $0xFFFF  }
0xe1: {  	[tilespmem:$0x13C00] =	vst v30  }
0xe2: {  	[tilespmem:$0x13C10] =	vst v0  }
0xe3: {  	[tilespmem:$0x13C20] =	vst v1  }
0xe4: {  	[tilespmem:$0x13C30] =	vst v2  }
0xe5: {  	[tilespmem:$0x13C40] =	vst v3  }
0xe6: {  	[tilespmem:$0x13C50] =	vst v4  }
0xe7: {  	[tilespmem:s18], [sflag:$0x1] =	stream.indirect.gather [spmem:s2], $0x80, s17, s16, $0xb8;
	[tilespmem:$0x19E00] =	vst v63  }
0xe8: {  	_ =	swait.ge [sflag:s22], $0x3000  }
0xe9: {  	[sflag:s22] =	ssyncset.done $0x0  }
0xea: {  	[sflag:s22] =	ssyncadd.s32 $0xFFFFD000  }
0xeb: {  	[hbm4b:s5+s3] =	stream.linear.scatter [tilespmem:s18], [sflag:$0x3], $0x3000, $0x38;
	[tilespmem:$0x19E00] =	vst v63  }
0xec: {  	_ =	swait.ge [sflag:s19], $0x3000  }
0xed: {  	[sflag:s19] =	ssyncset.done $0x0  }
0xee: {  	[sflag:s19] =	ssyncadd.s32 $0xFFFFD000  }
0xef: {  	[tilespmem:$0x13C00] =	vst v5  }
0xf0: {  	[tilespmem:$0x13C10] =	vst v6  }
0xf1: {  	[tilespmem:$0x13C20] =	vst v7  }
0xf2: {  	[tilespmem:$0x13C30] =	vst v8  }
0xf3: {  	[tilespmem:$0x13C40] =	vst v9  }
0xf4: {  	[tilespmem:$0x13C50] =	vst v10  }
0xf5: {  	[tilespmem:s18], [sflag:$0x1] =	stream.indirect.gather [spmem:s2], $0x80, s17, s16, $0xb8;
	[tilespmem:$0x19E00] =	vst v63  }
0xf6: {  	_ =	swait.ge [sflag:s22], $0x3000  }
0xf7: {  	[sflag:s22] =	ssyncset.done $0x0  }
0xf8: {  	[sflag:s22] =	ssyncadd.s32 $0xFFFFD000  }
0xf9: {  	[hbm4b:s6+s3] =	stream.linear.scatter [tilespmem:s18], [sflag:$0x3], $0x3000, $0x38;
	[tilespmem:$0x19E00] =	vst v63  }
0xfa: {  	_ =	swait.ge [sflag:s19], $0x3000  }
0xfb: {  	[sflag:s19] =	ssyncset.done $0x0  }
0xfc: {  	[sflag:s19] =	ssyncadd.s32 $0xFFFFD000  }
0xfd: {  	[tilespmem:$0x13C00] =	vst v11  }
0xfe: {  	[tilespmem:$0x13C10] =	vst v12  }
0xff: {  	[tilespmem:$0x13C20] =	vst v13  }
0x100: {  	[tilespmem:$0x13C30] =	vst v14  }
0x101: {  	[tilespmem:$0x13C40] =	vst v15  }
0x102: {  	[tilespmem:$0x13C50] =	vst v16  }
0x103: {  	[tilespmem:s18], [sflag:$0x1] =	stream.indirect.gather [spmem:s2], $0x80, s17, s16, $0xb8;
	[tilespmem:$0x19E00] =	vst v63  }
0x104: {  	_ =	swait.ge [sflag:s22], $0x3000  }
0x105: {  	[sflag:s22] =	ssyncset.done $0x0  }
0x106: {  	[sflag:s22] =	ssyncadd.s32 $0xFFFFD000  }
0x107: {  	[hbm4b:s7+s3] =	stream.linear.scatter [tilespmem:s18], [sflag:$0x3], $0x3000, $0x38;
	[tilespmem:$0x19E00] =	vst v63  }
0x108: {  	_ =	swait.ge [sflag:s19], $0x3000  }
0x109: {  	[sflag:s19] =	ssyncset.done $0x0  }
0x10a: {  	[sflag:s19] =	ssyncadd.s32 $0xFFFFD000  }
0x10b: {  	[tilespmem:$0x13C00] =	vst v17  }
0x10c: {  	[tilespmem:$0x13C10] =	vst v18  }
0x10d: {  	[tilespmem:$0x13C20] =	vst v19  }
0x10e: {  	[tilespmem:$0x13C30] =	vst v20  }
0x10f: {  	[tilespmem:$0x13C40] =	vst v21  }
0x110: {  	[tilespmem:$0x13C50] =	vst v22  }
0x111: {  	[tilespmem:s18], [sflag:$0x1] =	stream.indirect.gather [spmem:s2], $0x80, s17, s16, $0xb8;
	[tilespmem:$0x19E00] =	vst v63  }
0x112: {  	_ =	swait.ge [sflag:s22], $0x3000  }
0x113: {  	[sflag:s22] =	ssyncset.done $0x0  }
0x114: {  	[sflag:s22] =	ssyncadd.s32 $0xFFFFD000  }
0x115: {  	[hbm4b:s8+s3] =	stream.linear.scatter [tilespmem:s18], [sflag:$0x3], $0x3000, $0x38;
	[tilespmem:$0x19E00] =	vst v63  }
0x116: {  	_ =	swait.ge [sflag:s19], $0x3000  }
0x117: {  	[sflag:s19] =	ssyncset.done $0x0  }
0x118: {  	[sflag:s19] =	ssyncadd.s32 $0xFFFFD000  }
0x119: {  	[tilespmem:$0x13C00] =	vst v23  }
0x11a: {  	[tilespmem:$0x13C10] =	vst v24  }
0x11b: {  	[tilespmem:$0x13C20] =	vst v25  }
0x11c: {  	[tilespmem:$0x13C30] =	vst v26  }
0x11d: {  	[tilespmem:$0x13C40] =	vst v27  }
0x11e: {  	[tilespmem:$0x13C50] =	vst v28  }
0x11f: {  	[tilespmem:s18], [sflag:$0x1] =	stream.indirect.gather [spmem:s2], $0x80, s17, s16, $0xb8;
	[tilespmem:$0x19E00] =	vst v63  }
0x120: {  	_ =	swait.ge [sflag:s22], $0x3000  }
0x121: {  	[sflag:s22] =	ssyncset.done $0x0  }
0x122: {  	[sflag:s22] =	ssyncadd.s32 $0xFFFFD000  }
0x123: {  	[hbm4b:s9+s3] =	stream.linear.scatter [tilespmem:s18], [sflag:$0x3], $0x3000, $0x38;
	[tilespmem:$0x19E00] =	vst v63  }
0x124: {  	_ =	swait.ge [sflag:s19], $0x3000  }
0x125: {  	[sflag:s19] =	ssyncset.done $0x0  }
0x126: {  	[sflag:s19] =	ssyncadd.s32 $0xFFFFD000  }
0x127: {  	[tilespmem:$0x13C00] =	vst v29  }
0x128: {  	[tilespmem:$0x13C10] =	vst v31  }
0x129: {  	[tilespmem:$0x13C20] =	vst v32  }
0x12a: {  	[tilespmem:$0x13C30] =	vst v33  }
0x12b: {  	[tilespmem:$0x13C40] =	vst v34  }
0x12c: {  	[tilespmem:$0x13C50] =	vst v35  }
0x12d: {  	[tilespmem:s18], [sflag:$0x1] =	stream.indirect.gather [spmem:s2], $0x80, s17, s16, $0xb8;
	[tilespmem:$0x19E00] =	vst v63  }
0x12e: {  	_ =	swait.ge [sflag:s22], $0x3000  }
0x12f: {  	[sflag:s22] =	ssyncset.done $0x0  }
0x130: {  	[sflag:s22] =	ssyncadd.s32 $0xFFFFD000  }
0x131: {  	[hbm4b:s10+s3] =	stream.linear.scatter [tilespmem:s18], [sflag:$0x3], $0x3000, $0x38;
	[tilespmem:$0x19E00] =	vst v63  }
0x132: {  	_ =	swait.ge [sflag:s19], $0x3000  }
0x133: {  	[sflag:s19] =	ssyncset.done $0x0  }
0x134: {  	[sflag:s19] =	ssyncadd.s32 $0xFFFFD000  }
0x135: {  	[tilespmem:$0x13C00] =	vst v36  }
0x136: {  	[tilespmem:$0x13C10] =	vst v37  }
0x137: {  	[tilespmem:$0x13C20] =	vst v38  }
0x138: {  	[tilespmem:$0x13C30] =	vst v39  }
0x139: {  	[tilespmem:$0x13C40] =	vst v40  }
0x13a: {  	[tilespmem:$0x13C50] =	vst v41  }
0x13b: {  	[tilespmem:s18], [sflag:$0x1] =	stream.indirect.gather [spmem:s2], $0x80, s17, s16, $0xb8;
	[tilespmem:$0x19E00] =	vst v63  }
0x13c: {  	s26 =	sadd.s32 $0x1, s26;
	_ =	swait.ge [sflag:s22], $0x3000  }
0x13d: {  	p0 =	sne.s32 s26, s13;
	[sflag:s22] =	ssyncset.done $0x0  }
.Ltmp2:
0x13e: {  	[sflag:s22] =	ssyncadd.s32 $0xFFFFD000;
	(pc) =	sbr.rel @p0 .LBB2_1-.Ltmp2, $4  }
0x13f: {  	[hbm4b:s11+s3] =	stream.linear.scatter [tilespmem:s18], [sflag:$0x3], $0x3000, $0x38;
	[tilespmem:$0x19E00] =	vst v63  }
0x140: {  	_ =	swait.ge [sflag:s19], $0x3000  }
0x141: {  	[sflag:s19] =	ssyncset.done $0x0  }
0x142: {  	[sflag:s19] =	ssyncadd.s32 $0xFFFFD000  }
0x143: {  	_ =	sfence.sel $0x180000  }
0x144: {  	[bflag:$0x0] =	sbarrier.arrive $0xFFFF  }
0x145: {  	_ =	strace $0x9000004D  }
0x146: {  	[bflag:$0x2] =	sbarrier.arrive $0xFFFF  }
0x147: {  	p0 =	sne.s32 s4, $0x0;
	s0 =	rddreg [dreg:$0x3]  }
0x148: {  	s0 =	sadd.s32 @!p0 $0x100000, s0  }
0x149: {  	[sflag:s0] =	ssyncadd.tile.s32 @!p0 $0x1;
	_ =	shalt  }
.Lfunc_end2:
_tile_overlayer_lowered:
.L_overlay_start_2:
0x14a: {  	(tag) =	ssettag $0x2  }
0x14b: {  	s0 =	rddreg [dreg:$0x0];
	s2 =	stileid.u32  }
0x14c: {  	s1 =	rddreg [dreg:$0x1];
	p0 =	sne.s32 s2, $0x0  }
0x14d: {  	s3 =	rddreg [dreg:$0x2];
	[bflag:$0x3] =	sbarrier.arrive $0xFFFF;
	s2 =	simm.s32 @!p0 $0x1C03  }
0x14e: {  	[timem:s3], [sflag:s2] =	dma.local @!p0 [hbm:s0], s1  }
0x14f: {  	s0 =	simm.s32 @!p0 $0x3  }
0x150: {  	_ =	swait.ge @!p0 [sflag:s0], s1  }
0x151: {  	s1 =	ssub.s32 @!p0 $0x0, s1;
	[sflag:s0] =	ssyncset.done @!p0 $0x0  }
0x152: {  	[sflag:s0] =	ssyncadd.s32 @!p0 s1  }
0x153: {  	[bflag:$0x3] =	sbarrier.arrive $0xFFFF  }
0x154: {  	_ =	shalt  }

// kernel: scatter_offload_async_start
scs
__scs_entry_jumppad:
0x0: {  	(pc) =	sbr.rel $0x88, $3  }
0x1: {  	(tag) =	ssettag $0x0;
	lr =	simm.s32 $0x1  }
0x2: {  	[smem:$0x3F95] =	sst lr;
	_ =	strace $0xD0000000  }
0x3: {  	_ = 	snop  }
0x4: {  	_ = 	snop  }
0x5: {  	_ = 	snop  }
0x6: {  	_ = 	snop  }
0x7: {  	_ = 	snop  }
__scs_overlays_trampoline_lowered:
0x8: {  	[smem:$0x3FA4] =	sst s0  }
0x9: {  	[smem:$0x3FA5] =	sst s1  }
0xa: {  	[smem:$0x3FA6] =	sst s2  }
0xb: {  	[smem:$0x3FA7] =	sst s3  }
0xc: {  	[smem:$0x3FA8] =	sst s4  }
0xd: {  	[smem:$0x3FA9] =	sst s5  }
0xe: {  	[smem:$0x3FAA] =	sst s6  }
0xf: {  	[smem:$0x3FAB] =	sst s7  }
0x10: {  	[smem:$0x3FAC] =	sst s8  }
0x11: {  	[smem:$0x3FAD] =	sst s9;
	s0 =	simm.s32 @!p0 $0x0  }
0x12: {  	s1 =	sld [smem:$0x3F93];
	s0 =	simm.s32 @p0 $0x1  }
0x13: {  	[smem:$0x3FAE] =	sst s0;
	s0 =	simm.s32 @!p1 $0x0  }
0x14: {  	s2 =	sld [smem:$0x3F92];
	s0 =	simm.s32 @p1 $0x1  }
0x15: {  	[smem:$0x3FAF] =	sst s0;
	s0 =	simm.s32 @!p2 $0x0  }
0x16: {  	s3 =	sld [smem:$0x3FDB];
	s0 =	simm.s32 @p2 $0x1  }
0x17: {  	s4 =	simm.s32 $0x1BF5;
	[smem:$0x3FB1] =	sst s0  }
0x18: {  	s0 =	sld [smem:$0x3F94];
	_ =	swait.ge [sflag:s4], $0x0  }
0x19: {  	s7 =	sld [smem:$0x3F95]  }
0x1a: {  	s8 =	sadd.s32 $0xFFFFE003, lr  }
0x1b: {  	s9 =	sadd.s32 $0xFFFFFEF7, lr;
	s5 =	simm.s32 $0xFFFFFFFF;
	p2 =	slt.u32 s8, $0xFFFFF086  }
0x1c: {  	p1 =	slt.u32 s9, $0xF7A;
	s5 =	simm.s32 @!p2 $0x0  }
0x1d: {  	s5 =	simm.s32 @p1 $0x1;
	p0 =	seq.s32 s7, s2  }
0x1e: {  	s7 =	smul.u32 @!p0 $0xF7A, s2;
	p2 =	seq.s32 @!p0 s5, $0x0  }
0x1f: {  	s9 =	smul.u32 $0xF7A, s1;
	s8 =	simm.s32 @!p0 $0x1BF5;
	p2 =	por !p2, p0  }
0x20: {  	[sflag:s8] =	ssyncset.s32 @!p0 $0xFFFFF086;
	s6 =	sadd.s32 @!p0 s3, s7;
	s7 =	simm.s32 @!p0 $0x108  }
0x21: {  	s3 =	sadd.s32 s3, s9;
	s6 =	sadd.s32 @!p0 $0x88, s6;
	s7 =	simm.s32 @p2 $0x1082  }
0x22: {  	[simem:s7], [sflag:s8] =	dma.local @!p0 [hbm:s6], $0xF7A  }
0x23: {  	s9 =	sor.u32 $0xD0000000, s2;
	s6 =	simm.s32 $0x108;
	_ =	swait.ge @!p0 [sflag:s8], $0x0  }
0x24: {  	s3 =	sadd.s32 $0x88, s3;
	s6 =	simm.s32 @!p1 $0x1082;
	[sflag:s4] =	ssyncset.s32 $0xFFFFF086  }
0x25: {  	[simem:s6], [sflag:s4] =	dma.local [hbm:s3], $0xF7A  }
0x26: {  	[smem:$0x3F95] =	sst s1;
	(tag) =	ssettag s2;
	_ =	strace s9  }
0x27: {  	s1 =	sld [smem:$0x3FA5]  }
0x28: {  	s2 =	sld [smem:$0x3FA6]  }
0x29: {  	s4 =	sld [smem:$0x3FA8]  }
0x2a: {  	p0 =	seq.s32 s5, $0x0;
	s5 =	sld [smem:$0x3FA9]  }
0x2b: {  	s6 =	sld [smem:$0x3FAA]  }
0x2c: {  	s7 =	sld [smem:$0x3FAB]  }
0x2d: {  	s3 =	simm.s32 $0x108;
	s8 =	sld [smem:$0x3FAC]  }
0x2e: {  	s3 =	simm.s32 @!p0 $0x1082;
	s9 =	sld [smem:$0x3FAD]  }
0x2f: {  	lr =	sadd.s32 s0, s3;
	s0 =	sld [smem:$0x3FA4]  }
0x30: {  	s3 =	sld [smem:$0x3FA7]  }
0x31: {  	[smem:$0x3FB0] =	sst s10  }
0x32: {  	s10 =	sld [smem:$0x3FAE];
	_ =	sdelay $0x3  }
0x33: {  	p0 =	seq.s32 s10, $0x1;
	s10 =	sld [smem:$0x3FB0];
	_ =	sdelay $0x3  }
0x34: {  	[smem:$0x3FB0] =	sst s10  }
0x35: {  	s10 =	sld [smem:$0x3FAF];
	_ =	sdelay $0x3  }
0x36: {  	p1 =	seq.s32 s10, $0x1;
	s10 =	sld [smem:$0x3FB0];
	_ =	sdelay $0x3  }
0x37: {  	[smem:$0x3FB0] =	sst s10  }
0x38: {  	s10 =	sld [smem:$0x3FB1]  }
0x39: {  	_ = 	snop;
	(pc) =	sbr.ind lr, $3  }
0x3a: {  	_ = 	snop  }
0x3b: {  	_ = 	snop  }
0x3c: {  	p2 =	seq.s32 s10, $0x1;
	s10 =	sld [smem:$0x3FB0]  }
0x3d: {  	_ =	shalt  }
0x3e: {  	_ =	shalt  }
0x3f: {  	_ =	shalt  }
0x40: {  	_ =	shalt  }
0x41: {  	_ =	shalt  }
0x42: {  	_ =	shalt  }
0x43: {  	_ =	shalt  }
0x44: {  	_ =	shalt  }
0x45: {  	_ =	shalt  }
0x46: {  	_ =	shalt  }
0x47: {  	_ =	shalt  }
0x48: {  	_ =	shalt  }
0x49: {  	_ =	shalt  }
0x4a: {  	_ =	shalt  }
0x4b: {  	_ =	shalt  }
0x4c: {  	_ =	shalt  }
0x4d: {  	_ =	shalt  }
0x4e: {  	_ =	shalt  }
0x4f: {  	_ =	shalt  }
0x50: {  	_ =	shalt  }
0x51: {  	_ =	shalt  }
0x52: {  	_ =	shalt  }
0x53: {  	_ =	shalt  }
0x54: {  	_ =	shalt  }
0x55: {  	_ =	shalt  }
0x56: {  	_ =	shalt  }
0x57: {  	_ =	shalt  }
0x58: {  	_ =	shalt  }
0x59: {  	_ =	shalt  }
0x5a: {  	_ =	shalt  }
0x5b: {  	_ =	shalt  }
0x5c: {  	_ =	shalt  }
0x5d: {  	_ =	shalt  }
0x5e: {  	_ =	shalt  }
0x5f: {  	_ =	shalt  }
0x60: {  	_ =	shalt  }
0x61: {  	_ =	shalt  }
0x62: {  	_ =	shalt  }
0x63: {  	_ =	shalt  }
0x64: {  	_ =	shalt  }
0x65: {  	_ =	shalt  }
0x66: {  	_ =	shalt  }
0x67: {  	_ =	shalt  }
0x68: {  	_ =	shalt  }
0x69: {  	_ =	shalt  }
0x6a: {  	_ =	shalt  }
0x6b: {  	_ =	shalt  }
0x6c: {  	_ =	shalt  }
0x6d: {  	_ =	shalt  }
0x6e: {  	_ =	shalt  }
0x6f: {  	_ =	shalt  }
0x70: {  	_ =	shalt  }
0x71: {  	_ =	shalt  }
0x72: {  	_ =	shalt  }
0x73: {  	_ =	shalt  }
0x74: {  	_ =	shalt  }
0x75: {  	_ =	shalt  }
0x76: {  	_ =	shalt  }
0x77: {  	_ =	shalt  }
0x78: {  	_ =	shalt  }
0x79: {  	_ =	shalt  }
0x7a: {  	_ =	shalt  }
0x7b: {  	_ =	shalt  }
0x7c: {  	_ =	shalt  }
0x7d: {  	_ =	shalt  }
0x7e: {  	_ =	shalt  }
0x7f: {  	_ =	shalt  }
0x80: {  	_ =	shalt  }
0x81: {  	_ =	shalt  }
0x82: {  	_ =	shalt  }
0x83: {  	_ =	shalt  }
0x84: {  	_ =	shalt  }
0x85: {  	_ =	shalt  }
0x86: {  	_ =	shalt  }
0x87: {  	_ =	shalt  }
.Lfunc_end0:
.L_simem_size_0:
called_computation_lowered:
.L_overlay_start_0:
0x88: {  	s0 =	sld [smem:$0x3FD9]  }
0x89: {  	s1 =	sld [smem:$0x3FFE];
	_ =	sdelay $0x3  }
0x8a: {  	s0 =	sadd.s32 s1, s0  }
0x8b: {  	[smem:$0x3FBC] =	sst s0  }
0x8c: {  	_ = 	snop  }
0x8d: {  	s0 =	sld [smem:$0x3FD0];
	(tm) =	ssettm $0x1  }
0x8e: {  	s16 =	sld [smem:$0x3FFB];
	_ =	sdelay $0x3  }
0x8f: {  	_ =	strace s16  }
0x90: {  	s1 =	sld [smem:$0x3FFC];
	_ =	sdelay $0x3  }
0x91: {  	_ =	strace s1  }
0x92: {  	s1 =	sld [smem:$0x3FFD];
	_ =	sdelay $0x3  }
0x93: {  	_ =	strace s1  }
0x94: {  	_ =	strace $0x8FFFFFFF  }
0x95: {  	s17 =	sld [smem:$0x3FDB];
	_ =	sdelay $0x1  }
0x96: {  	s2 =	simm.s32 $_scs_section_size  }
0x97: {  	s3 =	simm.s32 $_size__tile_overlayer_lowered;
	s4 =	simm.s32 $_tile_overlayer_lowered  }
0x98: {  	s20 =	simm.s32 $0x1BFF;
	s19 =	sshll.u32 s4, $0x1;
	s1 =	sadd.s32 s2, s17  }
0x99: {  	s5 =	simm.s32 $0x0;
	s18 =	sshll.u32 s3, $0x1;
	s3 =	sadd.s32 s19, s1  }
0x9a: {  	[timem:s5], [sflag:s20] =	dma.local [hbm:s3], s18  }
0x9b: {  	_ =	swait.ge [sflag:s20], s18  }
0x9c: {  	s2 =	ssub.s32 $0x0, s18;
	[sflag:s20] =	ssyncset.done $0x0  }
0x9d: {  	[sflag:s20] =	ssyncadd.s32 s2;
	_ =	sdelay $0x1  }
0x9e: {  	s21 =	simm.s32 $0x1B8B  }
0x9f: {  	_ =	swait.ge [sflag:s21], $0x1  }
0xa0: {  	[sflag:s21] =	ssyncset.done $0x0  }
0xa1: {  	s23 =	simm.s32 $0x1B8E;
	s22 =	sld [smem:$0x3FFE];
	[sflag:s21] =	ssyncadd.s32 $0xFFFFFFFF  }
0xa2: {  	s24 =	simm.s32 $execute0_lowered;
	[smem:$0x3FD2] =	sst s23  }
0xa3: {  	s3 =	sshll.u32 s24, $0x1;
	_ =	strace $0x80000046;
	[dreg:$0x1] =	wrdreg $0xFFFFFFFF  }
0xa4: {  	s25 =	simm.s32 $_size_execute0_lowered;
	s1 =	sadd.s32 s1, s3;
	[dreg:$0x0] =	wrdreg $0x0  }
0xa5: {  	s3 =	sshll.u32 s25, $0x1;
	[dreg:$0x2] =	wrdreg s1  }
0xa6: {  	[dreg:$0x3] =	wrdreg s3  }
0xa7: {  	[dreg:$0x4] =	wrdreg $0xC0  }
0xa8: {  	_ =	task [dreg:s5], $0x5FFFF  }
0xa9: {  	[dreg:$0x1] =	wrdreg $0xFFFFFFFF  }
0xaa: {  	[dreg:$0x0] =	wrdreg $0x60  }
0xab: {  	[dreg:$0x2] =	wrdreg s22  }
0xac: {  	[dreg:$0x3] =	wrdreg s0  }
0xad: {  	[dreg:$0x4] =	wrdreg $0x9  }
0xae: {  	_ =	task.clear_ibuf [dreg:s5], $0x5FFFF;
	_ =	strace $0x90000046  }
0xaf: {  	s26 =	simm.s32 $0x9;
	_ =	strace $0x80000048  }
0xb0: {  	_ =	swait.ge [sflag:s26], $0x1  }
0xb1: {  	[sflag:s26] =	ssyncadd.s32 $0xFFFFFFFF  }
0xb2: {  	_ =	strace $0x90000048  }
0xb3: {  	_ =	sfence  }
0xb4: {  	s28 =	sld [smem:$0x0];
	_ =	sdelay $0x1  }
0xb5: {  	s29 =	srdreg.scid  }
0xb6: {  	s30 =	sshll.u32 s29, $0xD;
	s31 =	sshrl.u32 s29, $0x2  }
0xb7: {  	s2 =	sand.u32 $0x4000, s30;
	s1 =	sand.u32 $0x1, s29;
	s0 =	sadd.s32 s31, s28  }
0xb8: {  	s1 =	sor.u32 s2, s1;
	s0 =	sshll.u32 s0, $0x11  }
0xb9: {  	s0 =	sor.u32 s0, s1  }
0xba: {  	s0 =	sadd.s32 $0x8F2B, s0  }
0xbb: {  	[sflag:s0] =	ssyncadd.remote.s32 $0x1  }
0xbc: {  	_ =	sfence.sel $0xFFFF  }
0xbd: {  	[dreg:$0x0] =	wrdreg $0xFFFFFFFF;
	(pc) =	sbr.abs _section_cstart, $3  }
0xbe: {  	[dreg:$0x1] =	wrdreg $0xFFFFFFFF  }
0xbf: {  	_ =	task.clear_ibuf [dreg:s5], $0x2FFFF;
	_ =	strace $0x9FFFFFFF  }
0xc0: {  	(tm) =	ssettm $0x7FFFFFFF  }
0xc1: {  	_ =	shalt  }
tec
execute0_lowered:
.L_overlay_start_1:
0x0: {  	(tag) =	ssettag $0x1  }
0x1: {  	s0 =	rddreg [dreg:$0x0]  }
0x2: {  	s3 =	rddreg [dreg:$0x1];
	_ =	strace $0x80000047;
	s15 =	stileid.u32  }
0x3: {  	s2 =	simm.s32 $0x1;
	s1 =	smin.u32 s15, $0x8;
	s4 =	sshll.u32 s15, $0x1  }
0x4: {  	v1 =	vimm.s32 $0xFFFFFFFF;
	[sflag:s2] =	ssyncpa.u1 $0x0;
	s1 =	sadd.s32 s1, s4  }
0x5: {  	p0 =	slt.u32 s15, $0x8;
	[tilespmem:$0x10] =	vst v1;
	s5 =	smul.u32 $0x1F40, s1;
	s1 =	simm.s32 $0x5DC0  }
0x6: {  	v0 =	vimm.f32 $0.0e+00;
	[tilespmem:$0x20] =	vst v1;
	s1 =	simm.s32 @!p0 $0x3E80  }
0x7: {  	[tilespmem:$0x30] =	vst v0;
	s1 =	sadd.s32 s1, s5  }
0x8: {  	[tilespmem:$0x40] =	vst v0;
	s6 =	smin.u32 s1, $0x4E200  }
0x9: {  	s7 =	simm.s32 $0x2;
	[tilespmem:$0x50] =	vst v0;
	s9 =	ssub.s32 s6, s5  }
0xa: {  	s8 =	simm.s32 $0x8;
	s31 =	simm.s32 $0x9;
	[tilespmem:$0x60] =	vst v1;
	p0 =	sgt.s32 s9, $0x0  }
0xb: {  	s16 =	simm.s32 $0x0;
	s17 =	simm.s32 $0xF0;
	[tilespmem:$0x70] =	vst v1;
	s9 =	simm.s32 @!p0 $0x0  }
0xc: {  	s18 =	simm.s32 $0xFFFFFFFF;
	s19 =	simm.s32 $0xFFFFC280;
	[tilespmem:$0x80] =	vst v1;
	s30 =	smulhi.u32 $0x10624DD3, s9  }
0xd: {  	s20 =	simm.s32 $0xFFFFFFFE;
	s21 =	simm.s32 $0xF;
	s25 =	simm.s32 $0x0;
	v1 =	vimm.s32 $0x0;
	[tilespmem:$0xB0] =	vst v0  }
0xe: {  	s24 =	simm.s32 $0x0;
	s15 =	sshllo.u32 s15, $0x1;
	[tilespmem:$0x90] =	vst v1;
	s10 =	sshrl.u32 s30, $0x9  }
0xf: {  	[tilespmem:$0xA0] =	vst v1;
	[sflag:s7] =	ssyncpa.u1 $0x0;
	s7 =	simm.s32 $0x7;
	s11 =	smul.u32 $0x1F40, s10  }
.Ltmp0:
0x10: {  	s13 =	sor.u32 $0x80, s4;
	[sflag:s7] =	ssyncpa.u1 $0x0;
	(pc) =	sbr.rel .LBB2_1-.Ltmp0, $4  }
0x11: {  	s14 =	sor.u32 $0x81, s4;
	[sflag:s8] =	ssyncpa.u1 $0x0;
	p0 =	sne.s32 s9, s11  }
0x12: {  	s23 =	smov.u32 s5;
	s1 =	sadd.s32 $0x25E00, s0;
	s2 =	simm.s32 @!p0 $0x0  }
0x13: {  	vm0 =	vmmov $0xffff;
	v2 =	vlaneseq.u32;
	[sflag:s31] =	ssyncpa.u1 $0x0;
	s9 =	sadd.s32 $0x1800, s0;
	s10 =	sadd.s32 s2, s10  }
0x14: {  	vm1 =	vmxor vm1, vm1;
	vm2 =	vmmov $0x1;
	vm3 =	vcmask $0x3F3C;
	p0 =	por $0x0, $0x0;
	s11 =	sadd.s32 $0x1, s10;
	s12 =	sadd.s32 $0x2, s10  }
.LBB2_9:
0x15: {  	p1 =	slt.u32 s24, $0x3  }
0x16: {  	s0 =	simm.s32 @!p1 $0x2  }
0x17: {  	_ =	swait.ge @!p1 [sflag:s0], $0x1F40  }
0x18: {  	[sflag:s0] =	ssyncset.done @!p1 $0x0  }
0x19: {  	[sflag:s0] =	ssyncadd.s32 @!p1 $0xFFFFE0C0;
	s0 =	simm.s32 @!p1 $0x9  }
0x1a: {  	_ =	swait.ge @!p1 [sflag:s0], $0x10  }
0x1b: {  	[sflag:s0] =	ssyncset.done @!p1 $0x0  }
0x1c: {  	[sflag:s0] =	ssyncadd.s32 @!p1 $0xFFFFFFF0;
	p1 =	sne.s32 s24, s12  }
.Ltmp1:
0x1d: {  	s2 =	sadd.s32 $0x1F40, s23;
	(pc) =	sbr.rel @!p1 .LBB2_10-.Ltmp1, $4  }
0x1e: {  	s22 =	smov.u32 s5;
	s31 =	sadd.s32 $0x1, s24;
	s17 =	sadd.s32 $0x1F40, s17  }
0x1f: {  	s18 =	sadd.s32 $0x1, s18;
	s25 =	smov.u32 s23;
	p2 =	slt.s32 s2, s6  }
0x20: {  	p0 =	por !p0, !p0;
	s19 =	sadd.s32 $0x1F40, s19;
	s22 =	smov.u32 @p2 s2  }
0x21: {  	s20 =	sadd.s32 $0x1, s20;
	s23 =	smov.u32 s22;
	s24 =	smov.u32 s31  }
.LBB2_1:
0x22: {  	p1 =	sge.u32 s24, s10  }
0x23: {  	s0 =	smulhi.u32 @!p1 $0xAAAAAAAB, s24;
	_ =	sdelay $0x1  }
0x24: {  	s0 =	sshrl.u32 @!p1 s0, $0x1  }
0x25: {  	s0 =	smul.u32 @!p1 $0x3, s0;
	_ =	sdelay $0x1  }
0x26: {  	s0 =	ssub.s32 @!p1 s24, s0  }
0x27: {  	s0 =	smul.u32 @!p1 $0x7D00, s0;
	_ =	sdelay $0x1  }
0x28: {  	s2 =	sshrl.u32 @!p1 s23, $0x3;
	s0 =	sshrl.u32 @!p1 s0, $0x2  }
0x29: {  	s22 =	sand.u32 @!p1 $0x7, s23;
	s2 =	sadd.s32 @!p1 s3, s2;
	s0 =	sadd.s32 @!p1 $0x100, s0  }
0x2a: {  	[tilespmem:s0], [sflag:$0x7] =	stream.linear.gather @!p1 [hbm4b:s2+s22], $0x1F40, $0x38;
	[tilespmem:$0x11A60] =	vst v63  }
0x2b: {  	s0 =	sadd.s32 $0xFFFFFFFF, s24  }
0x2c: {  	p1 =	sge.u32 s0, s10  }
.Ltmp2:
0x2d: {  	_ = 	snop;
	(pc) =	sbr.rel @p1 .LBB2_5-.Ltmp2, $1  }
0x2e: {  	_ =	sdelay $0x3  }
0x2f: {  	s2 =	smulhi.u32 $0xAAAAAAAB, s0;
	_ =	sdelay $0x1  }
0x30: {  	s2 =	sshrl.u32 s2, $0x1  }
0x31: {  	s2 =	smul.u32 $0x3, s2;
	_ =	sdelay $0x1  }
0x32: {  	s2 =	ssub.s32 s0, s2  }
0x33: {  	s2 =	smul.u32 $0x7D00, s2  }
0x34: {  	_ =	swait.ge [sflag:s7], $0x1F40  }
0x35: {  	[sflag:s7] =	ssyncset.done $0x0;
	s2 =	sshrl.u32 s2, $0x2  }
0x36: {  	[sflag:s7] =	ssyncadd.s32 $0xFFFFE0C0;
	(ifvalue) =	ssetifvalue $0xFFFFFFFF;
	v3 =	vld.msk [tilespmem:s2+$0x100 ss:$0x1], $0xffff;
	_ =	sdelay $0x2  }
0x37: {  	s30 =	smulhi.u32 $0xAAAAAAAB, s18;
	p1 =	sne.s32 s24, $0x1  }
0x38: {  	v4 =	vimm.s32 @!p1 $0x0  }
0x39: {  	s2 =	sshrl.u32 s30, $0x1;
	v4 =	vperm.xlane @!p1 v3, v4  }
0x3a: {  	s22 =	sshll.u32 s24, $0x4;
	s2 =	smul.u32 $0xFFFE8900, s2;
	vm4 =	vlt.u32 v3, $0x2800  }
0x3b: {  	s22 =	sand.u32 $0x10, s22;
	v3 =	vnsel vm4, $0xFFFFFFFE, v3;
	vm4 =	vlt.u32 @!p1 v4, $0x2800  }
0x3c: {  	s2 =	sshra.s32 s2, $0x2;
	[tilespmem:s22+$0x60] =	vst v3;
	v3 =	vnsel @!p1 vm4, $0xFFFFFFFE, v4  }
0x3d: {  	s28 =	sadd.s32 s2, s17;
	[tilespmem:$0x80] =	vst @!p1 v3  }
0x3e: {  	v3 =	vld.msk [tilespmem:s28+$0x0 ss:$0x1], $0xffff;
	_ =	sdelay $0x4  }
0x3f: {  	(xrf1) =	vunique.msk.u32 $0xffff, v3;
	_ =	sdelay $0xd  }
0x40: {  	v4 =	vimm.s32 $0xFFFFFFFF;
	v5, _, _ =	vpop (xrf1)  }
0x41: {  	vm5 =	vne.s32 v3, v4;
	vm4 =	veq.s32 v5, v2  }
0x42: {  	vm6 =	vlt.u32 v3, $0x2800;
	vm4 =	vmand vm5, vm4  }
0x43: {  	vm4 =	vmand vm6, vm4  }
0x44: {  	v4 =	vnsel vm4, $0xFFFFFFFF, v3  }
0x45: {  	s31 =	sand.u32 $0x1, s0  }
0x46: {  	s0 =	simm.s32 $0x1F40;
	p1 =	seq.s32 s31, $0x1  }
0x47: {  	s0 =	simm.s32 @!p1 $0x0  }
0x48: {  	s26 =	sadd.s32 $0x7DF0, s0;
	(ifvalue) =	ssetifvalue $0xFFFFFFFF  }
0x49: {  	v3 =	vperm.xlane v3, v1;
	[tilespmem:s26], [sflag:$0x8] =	stream.indirect_vreg.gather [hbm4b:s1+s16], $0x1, v4, vm0, $0x4038;
	v4 =	vnsel vm6, $0xFFFFFFFE, v4;
	[tilespmem:$0x11A60] =	vst v63  }
0x4a: {  	s2 =	simm.s32 $0x0;
	s22 =	sadd.s32 $0xFFFFFFF0, s28;
	[tilespmem:s28+$0x0] =	vst v4  }
.LBB2_3:
0x4b: {  	v4 =	vld.msk [tilespmem:s22+$0x0 ss:$0x1], $0xffff;
	s2 =	sadd.s32 $0x10, s2;
	v5 =	vmov v3;
	s28 =	smov.u32 s22  }
0x4c: {  	p1 =	slt.u32 s2, $0x1F30;
	_ =	sdelay $0x4  }
0x4d: {  	v3 =	vperm.xlane v4, v1;
	(xrf1) =	vunique.msk.u32 $0xffff, v4;
	_ =	sdelay $0xd  }
0x4e: {  	v6, _, _ =	vpop (xrf1)  }
0x4f: {  	vm5 =	vne.s32 v4, v5;
	vm4 =	veq.s32 v6, v2  }
0x50: {  	vm6 =	vlt.u32 v4, $0x2800;
	vm4 =	vmand vm5, vm4  }
0x51: {  	vm4 =	vmand vm6, vm4  }
0x52: {  	v4 =	vnsel vm4, $0xFFFFFFFF, v4  }
.Ltmp3:
0x53: {  	v5 =	vnsel vm6, $0xFFFFFFFE, v4;
	(pc) =	sbr.rel @p1 .LBB2_3-.Ltmp3, $3  }
0x54: {  	_ =	sdelay $0x1  }
0x55: {  	s22 =	sadd.s32 $0xFFFFFFF0, s22;
	s26 =	sadd.s32 $0xFFFFFFF0, s26;
	(ifvalue) =	ssetifvalue $0xFFFFFFFF  }
0x56: {  	[tilespmem:s26], [sflag:$0x8] =	stream.indirect_vreg.gather [hbm4b:s1+s16], $0x1, v4, vm0, $0x4038;
	[tilespmem:s28+$0x0] =	vst v5  }
0x57: {  	s2 =	sshrl.u32 s25, $0x3  }
0x58: {  	s0 =	sadd.s32 $0x9D40, s0;
	s2 =	sadd.s32 s9, s2  }
0x59: {  	[tilespmem:s0], [sflag:$0x8] =	stream.linear.gather [hbm:s2], $0x1F40, $0x38;
	[tilespmem:$0x11A60] =	vst v63  }
.LBB2_5:
0x5a: {  	p1 =	slt.u32 s24, $0x2  }
0x5b: {  	p2 =	sge.u32 @!p1 s24, s12  }
0x5c: {  	p1 =	por p1, p2  }
.Ltmp4:
0x5d: {  	_ = 	snop;
	(pc) =	sbr.rel @p1 .LBB2_9-.Ltmp4, $1  }
0x5e: {  	_ =	sdelay $0x3  }
0x5f: {  	s0 =	sadd.s32 $0xFFFFFFFE, s24  }
0x60: {  	s2 =	smulhi.u32 $0xAAAAAAAB, s0;
	_ =	sdelay $0x1  }
0x61: {  	s2 =	sshrl.u32 s2, $0x1  }
0x62: {  	s2 =	smul.u32 $0x3, s2;
	_ =	sdelay $0x1  }
0x63: {  	s0 =	ssub.s32 s0, s2  }
0x64: {  	_ =	swait.ge [sflag:s8], $0x3E80;
	s0 =	smul.u32 $0x1F40, s0  }
0x65: {  	p1 =	sne.s32 s24, s11;
	[sflag:s8] =	ssyncset.done $0x0  }
0x66: {  	[sflag:s8] =	ssyncadd.s32 $0xFFFFC180;
	s2 =	sadd.s32 @!p1 $0x203F, s0  }
0x67: {  	[spmem:s14] =	stream.linear.scatter @!p1 [tilespmem:s2], [sflag:$0x1], $0x1, $0x38;
	[tilespmem:$0x11A60] =	vst v63  }
0x68: {  	s2 =	simm.s32 @!p1 $0x1  }
0x69: {  	_ =	swait.ge @!p1 [sflag:s2], $0x1  }
0x6a: {  	s22 =	sshll.u32 s24, $0x4;
	[sflag:s2] =	ssyncset.done @!p1 $0x0  }
0x6b: {  	s25 =	sand.u32 $0x10, s22;
	[sflag:s2] =	ssyncadd.s32 @!p1 $0xFFFFFFFF  }
0x6c: {  	s2 =	sxor.u32 $0x10, s25;
	v4 =	vld [tilespmem:s25+$0x10]  }
0x6d: {  	v5 =	vld [tilespmem:s2+$0x60]  }
0x6e: {  	v3 =	vld [tilespmem:$0x80];
	_ =	sdelay $0x2  }
0x6f: {  	(v2sf) =	vpush v4, $0x0  }
0x70: {  	(v2sf) =	vpush v5, $0x0  }
0x71: {  	(v2sf) =	vpush v3, $0x0;
	_ =	sdelay $0xc  }
0x72: {  	s22 =	spop (v2sf)  }
0x73: {  	s26 =	spop (v2sf)  }
0x74: {  	s28 =	spop (v2sf)  }
0x75: {  	p2 =	seq.s32 s22, s26;
	p3 =	seq.s32 s28, s22  }
0x76: {  	p3 =	por p2, p3  }
0x77: {  	s26 =	sand.u32 $0x1, s24;
	v4 =	vpsel p3, $0xFFFFFFFF, v4  }
0x78: {  	s29 =	smul.u32 $0x1F40, s26;
	[tilespmem:s25+$0x10] =	vst.msk $0x1, v4  }
0x79: {  	v4 =	vld [tilespmem:$0x30]  }
0x7a: {  	v5 =	vld [tilespmem:s29+$0x9D40]  }
0x7b: {  	v6 =	vld [tilespmem:s25+$0x40];
	_ =	sdelay $0x3  }
0x7c: {  	vm4 =	vmmov vm1;
	v5 =	vadd.f32 v5, v4  }
0x7d: {  	vm5 =	vmmov vm2;
	vm4 =	vmmov @p2 vm2;
	s22 =	sshll.u32 s26, $0x4;
	v4 =	vadd.f32 v6, v4  }
0x7e: {  	s26 =	sor.u32 $0x11A40, s22;
	vm5 =	vmmov @p3 vm1;
	[tilespmem:s29+$0x9D40] =	vst.msk vm4, v5  }
0x7f: {  	[tilespmem:s26+$0x0] =	vst.msk vm5, v4  }
0x80: {  	v4 =	vld [tilespmem:s29+$0x7DF0];
	_ =	sdelay $0x3  }
0x81: {  	v5 =	vimm.f32 $0.0e+00  }
0x82: {  	v4 =	vshift.insert v4, v5, s21  }
0x83: {  	s22 =	sor.u32 $0x40, s2  }
0x84: {  	[tilespmem:s22+$0x0] =	vst.msk $0x1, v4  }
0x85: {  	[tilespmem:s29+$0x7DFF] =	vst.msk $0x1, v5  }
0x86: {  	v4 =	vld [tilespmem:s0+$0x2030];
	_ =	sdelay $0x1  }
0x87: {  	s22 =	smulhi.u32 $0xAAAAAAAB, s20;
	s0 =	simm.s32 $0x1  }
0x88: {  	s0 =	simm.s32 @!p0 $0x0  }
0x89: {  	s22 =	sshrl.u32 s22, $0x1;
	s0 =	smul.u32 $0x7D00, s0  }
0x8a: {  	s22 =	smul.u32 $0xFFFE8900, s22;
	v4 =	vshift.insert v4, v1, s21  }
0x8b: {  	s0 =	sshrl.u32 s0, $0x2  }
0x8c: {  	s22 =	sshra.s32 s22, $0x2;
	s30 =	sadd.s32 $0x9D40, s0;
	[tilespmem:s2+$0x10] =	vst.msk $0x1, v4  }
0x8d: {  	s22 =	sadd.s32 s22, s19;
	v6 =	vld [tilespmem:s30+$0x0]  }
0x8e: {  	v7 =	vld [tilespmem:s22+$0x0];
	_ =	sdelay $0x3  }
0x8f: {  	v5 =	vadd.f32 v6, v5  }
0x90: {  	vm4 =	vne.s32 v7, $0xFFFFFFFF  }
0x91: {  	(xrf2) =	vadd.seg.scan.f32 vm4, v5;
	_ =	sdelay $0x3  }
0x92: {  	s31 =	sadd.s32 $0x5EC0, s0;
	v5 =	vperm.xlane v4, v1  }
0x93: {  	v6 =	vld [tilespmem:s31+$0x0]  }
0x94: {  	vm5 =	veq.s32 v7, v3;
	vm6 =	veq.s32 v7, v5  }
0x95: {  	vm7 =	vgt.u32 v7, $0xFFFFFFFD;
	vm6 =	vmor vm6, vm5  }
0x96: {  	vm6 =	vmor vm6, vm7  }
0x97: {  	v9 =	vld [tilespmem:$0xA0];
	v7 =	vsel vm6, $0xFFFFFFFF, v7  }
0x98: {  	v10 =	vld [tilespmem:$0x90];
	v6 =	vsel vm5, $0x0, v6;
	v8, _, _ =	vpop (xrf2)  }
0x99: {  	v6 =	vadd.f32 v8, v6  }
0x9a: {  	s0 =	sadd.s32 $0xDBC0, s0  }
0x9b: {  	vm4 =	vmand vm4, vm3;
	[tilespmem:s0+$0x0] =	vst v6;
	(ifvalue) =	ssetifvalue $0xFFFFFFFF  }
0x9c: {  	vm6 =	veq.s32 v9, $0x1;
	[hbm4b:s1+s16] =	stream.indirect_vreg.scatter [tilespmem:s0], [sflag:$0x2], $0x1, v7, vm0, $0x4038;
	v7 =	vsel vm4, $0x0, v8;
	[tilespmem:$0x11A60] =	vst v63  }
0x9d: {  	s2 =	simm.s32 $0x0;
	s22 =	sadd.s32 $0x10, s22;
	vm4 =	vmor vm6, vm5;
	v6 =	vsel vm5, v8, v10;
	v7 =	vshift.insert v7, v0, s21  }
.LBB2_7:
0x9e: {  	v8 =	vld [tilespmem:s22+$0x0];
	s30 =	sadd.s32 $0x10, s30  }
0x9f: {  	s31 =	sadd.s32 $0x10, s31;
	v9 =	vld [tilespmem:s30+$0x0]  }
0xa0: {  	s2 =	sadd.s32 $0x10, s2;
	v10 =	vld [tilespmem:s31+$0x0]  }
0xa1: {  	p2 =	slt.u32 s2, $0x1F30;
	_ =	sdelay $0x2  }
0xa2: {  	v7 =	vadd.f32 v9, v7  }
0xa3: {  	vm5 =	vne.s32 v8, $0xFFFFFFFF  }
0xa4: {  	vm6 =	vmand vm5, vm3;
	(xrf2) =	vadd.seg.scan.f32 vm5, v7;
	_ =	sdelay $0x5  }
0xa5: {  	vm7 =	veq.s32 v8, v5;
	vm5 =	veq.s32 v8, v3  }
0xa6: {  	vm8 =	vgt.u32 v8, $0xFFFFFFFD;
	vm4 =	vmor vm4, vm5;
	vm7 =	vmor vm7, vm5  }
0xa7: {  	vm7 =	vmor vm7, vm8  }
0xa8: {  	v8 =	vsel vm7, $0xFFFFFFFF, v8  }
.Ltmp5:
0xa9: {  	v7 =	vsel vm5, $0x0, v10;
	v9, _, _ =	vpop (xrf2);
	(pc) =	sbr.rel @p2 .LBB2_7-.Ltmp5, $4  }
0xaa: {  	v6 =	vsel vm5, v9, v6;
	v10 =	vadd.f32 v9, v7;
	v7 =	vsel vm6, $0x0, v9  }
0xab: {  	s0 =	sadd.s32 $0x10, s0;
	v7 =	vshift.insert v7, v0, s21  }
0xac: {  	s22 =	sadd.s32 $0x10, s22;
	[tilespmem:s0+$0x0] =	vst v10;
	(ifvalue) =	ssetifvalue $0xFFFFFFFF  }
0xad: {  	[hbm4b:s1+s16] =	stream.indirect_vreg.scatter [tilespmem:s0], [sflag:$0x2], $0x1, v8, vm0, $0x4038;
	[tilespmem:$0x11A60] =	vst v63  }
0xae: {  	v3 =	vld [tilespmem:s29+$0xFAF0];
	_ =	sdelay $0x4  }
0xaf: {  	v3 =	vshift.insert v3, v0, s21  }
0xb0: {  	s0 =	simm.s32 $0x30  }
0xb1: {  	[tilespmem:s0+$0x0] =	vst.msk $0x1, v3  }
0xb2: {  	v3 =	vsel vm4, $0x1, v1;
	[tilespmem:$0x90] =	vst v6  }
0xb3: {  	s0 =	sadd.s32 @!p1 $0xFAFF, s29;
	[tilespmem:$0xA0] =	vst v3  }
0xb4: {  	[spmem:s15] =	stream.linear.scatter @!p1 [tilespmem:s0], [sflag:$0x1], $0x1, $0x38;
	[tilespmem:$0x11A60] =	vst v63  }
0xb5: {  	s0 =	simm.s32 @!p1 $0x1  }
0xb6: {  	v3 =	vmctz.xlane @!p1 vm4;
	_ =	swait.ge @!p1 [sflag:s0], $0x1  }
0xb7: {  	(v2sf) =	vpush @!p1 v4, $0x0  }
0xb8: {  	(v2sf) =	vpush @!p1 v3, $0x0;
	_ =	sdelay $0xd  }
0xb9: {  	s2 =	spop @!p1 (v2sf)  }
0xba: {  	s22 =	spop @!p1 (v2sf)  }
0xbb: {  	p2 =	sne.s32 @!p1 s28, s2;
	p3 =	slt.s32 @!p1 s22, $0xF  }
0xbc: {  	[sflag:s0] =	ssyncset.done @!p1 $0x0;
	p2 =	por p2, p1;
	p3 =	por !p3, p1  }
0xbd: {  	[sflag:s0] =	ssyncadd.s32 @!p1 $0xFFFFFFFF;
	v3 =	vimm.s32 @!p2 $0xFFFFFFFF;
	s22 =	simm.s32 @p3 $0xF  }
0xbe: {  	[tilespmem:$0x80] =	vst @!p2 v3;
	s2 =	sadd.s32 @!p1 $0x90, s22  }
0xbf: {  	[spmem:s4] =	stream.linear.scatter @!p1 [tilespmem:s2], [sflag:$0x1], $0x1, $0x38;
	[tilespmem:$0x11A60] =	vst v63  }
0xc0: {  	_ =	swait.ge @!p1 [sflag:s0], $0x1  }
0xc1: {  	[sflag:s0] =	ssyncset.done @!p1 $0x0  }
0xc2: {  	s2 =	simm.s32 @!p1 $0x80;
	[sflag:s0] =	ssyncadd.s32 @!p1 $0xFFFFFFFF  }
0xc3: {  	[spmem:s13] =	stream.linear.scatter @!p1 [tilespmem:s2], [sflag:$0x1], $0x1, $0x38;
	[tilespmem:$0x11A60] =	vst v63  }
0xc4: {  	_ =	swait.ge @!p1 [sflag:s0], $0x1  }
0xc5: {  	[sflag:s0] =	ssyncset.done @!p1 $0x0  }
0xc6: {  	[sflag:s0] =	ssyncadd.s32 @!p1 $0xFFFFFFFF;
	(ifvalue) =	ssetifvalue $0xFFFFFFFF;
	v3 =	vld [tilespmem:s25+$0x10];
	_ =	sdelay $0x3  }
.Ltmp6:
0xc7: {  	_ = 	snop;
	(pc) =	sbr.rel .LBB2_9-.Ltmp6, $3  }
0xc8: {  	_ =	sdelay $0x1  }
0xc9: {  	(ifvalue) =	ssetifvalue $0xFFFFFFFF  }
0xca: {  	[hbm4b:s1+s16] =	stream.indirect_vreg.scatter [tilespmem:s26], [sflag:$0x9], $0x1, v3, vm0, $0x4038;
	[tilespmem:$0x11A60] =	vst v63  }
.LBB2_10:
0xcb: {  	_ =	sfence.sel $0x180000  }
0xcc: {  	s0 =	simm.s32 $0x7;
	[bflag:$0x0] =	sbarrier.arrive $0xFFFF  }
0xcd: {  	s26 =	simm.s32 $0x8;
	[sflag:s0] =	ssyncpa.u1 $0x1  }
0xce: {  	s28 =	simm.s32 $0x9;
	[sflag:s26] =	ssyncpa.u1 $0x1  }
0xcf: {  	[sflag:s28] =	ssyncpa.u1 $0x1  }
0xd0: {  	_ =	sfence.stream.spmem  }
0xd1: {  	s29 =	simm.s32 $0x3;
	[bflag:$0x0] =	sbarrier.arrive $0xFFFF  }
0xd2: {  	s30 =	simm.s32 $0x4;
	[sflag:s29] =	ssyncpa.u1 $0x1  }
0xd3: {  	s31 =	simm.s32 $0x3C;
	s2 =	stileid.u32;
	[sflag:s30] =	ssyncpa.u1 $0x1  }
0xd4: {  	p0 =	sne.s32 s2, $0x0;
	[sflag:s31] =	ssyncpa.u1 $0x1  }
0xd5: {  	s0 =	simm.s32 @p0 $0x1;
	_ =	sfence @p0  }
0xd6: {  	[sflag:s0] =	ssyncpa.u1 @p0 $0x1;
	s0 =	simm.s32 @p0 $0x2  }
0xd7: {  	[sflag:s0] =	ssyncpa.u1 @p0 $0x1  }
0xd8: {  	_ =	strace @p0 $0x90000047  }
0xd9: {  	[bflag:$0x2] =	sbarrier.arrive @p0 $0xFFFF  }
0xda: {  	_ =	shalt @p0  }
.LBB2_11:
0xdb: {  	_ =	sfence.stream.spmem;
	s0 =	simm.s32 $0x5  }
0xdc: {  	s2 =	simm.s32 $0x80;
	s3 =	simm.s32 $0xC0;
	[sflag:s0] =	ssyncpa.u1 $0x0  }
0xdd: {  	[tilespmem:s3], [sflag:$0x5] =	stream.linear.gather [spmem:s2], $0x20, $0x38;
	[tilespmem:$0x11A60] =	vst v63  }
0xde: {  	s2 =	simm.s32 $0x0;
	s3 =	simm.s32 $0xE0  }
0xdf: {  	[tilespmem:s3], [sflag:$0x5] =	stream.linear.gather [spmem:s2], $0x20, $0x38;
	[tilespmem:$0x11A60] =	vst v63  }
.Ltmp7:
0xe0: {  	_ = 	snop;
	(pc) =	sbr.rel .LBB2_12-.Ltmp7, $4  }
0xe1: {  	_ =	swait.ge [sflag:s0], $0x40  }
0xe2: {  	[sflag:s0] =	ssyncset.done $0x0  }
0xe3: {  	s31 =	simm.s32 $0x6;
	[sflag:s0] =	ssyncadd.s32 $0xFFFFFFC0  }
0xe4: {  	s4 =	simm.s32 $0x0;
	[sflag:s31] =	ssyncpa.u1 $0x0  }
.LBB2_17:
0xe5: {  	p0 =	sgt.u32 s5, $0x27FF  }
0xe6: {  	s0 =	sshrl.u32 @!p0 s5, $0x3  }
0xe7: {  	s5 =	sand.u32 @!p0 $0x7, s5;
	s6 =	simm.s32 @!p0 $0xB0;
	s0 =	sadd.s32 @!p0 s1, s0  }
0xe8: {  	[tilespmem:s6], [sflag:$0x6] =	stream.linear.gather @!p0 [hbm4b:s0+s5], $0x1, $0x38;
	[tilespmem:$0x11A60] =	vst v63  }
0xe9: {  	s0 =	simm.s32 @!p0 $0x6  }
0xea: {  	_ =	swait.ge @!p0 [sflag:s0], $0x1  }
0xeb: {  	[sflag:s0] =	ssyncset.done @!p0 $0x0  }
0xec: {  	[sflag:s0] =	ssyncadd.s32 @!p0 $0xFFFFFFFF  }
0xed: {  	v2 =	vmov @!p0 s4;
	v1 =	vld.msk @!p0 [tilespmem:$0xB0], $0x1;
	_ =	sdelay $0x3  }
0xee: {  	s0 =	simm.s32 @!p0 $0xE0  }
0xef: {  	[tilespmem:v2+s0+$0x0], v1 =	vst.idx.ret.add.f32.msk @!p0 $0x1, v1  }
0xf0: {  	[tilespmem:s2+$0xC0] =	vst.msk $0x1, v0  }
0xf1: {  	v0 =	vld.msk [tilespmem:s4+$0xE0], $0x1;
	_ =	sdelay $0x4  }
0xf2: {  	[tilespmem:s2+$0xE0] =	vst.msk $0x1, v0;
	s2 =	sadd.s32 $0x1, s2  }
.LBB2_19:
0xf3: {  	s4 =	sadd.s32 $0x1, s4  }
0xf4: {  	p0 =	sne.s32 s4, $0x20  }
.Ltmp8:
0xf5: {  	_ = 	snop;
	(pc) =	sbr.rel @!p0 .LBB2_20-.Ltmp8, $1  }
0xf6: {  	_ =	sdelay $0x3  }
.LBB2_12:
0xf7: {  	v0 =	vld.msk [tilespmem:s4+$0xC0], $0x1;
	_ =	sdelay $0x4  }
0xf8: {  	(v2sf) =	vpush v0, $0x0;
	_ =	sdelay $0xe  }
0xf9: {  	s5 =	spop (v2sf)  }
0xfa: {  	p0 =	seq.s32 s5, $0xFFFFFFFF  }
.Ltmp9:
0xfb: {  	_ = 	snop;
	(pc) =	sbr.rel @p0 .LBB2_19-.Ltmp9, $1  }
0xfc: {  	_ =	sdelay $0x3  }
0xfd: {  	p0 =	slt.s32 s2, $0x1  }
.Ltmp10:
0xfe: {  	_ = 	snop;
	(pc) =	sbr.rel @p0 .LBB2_17-.Ltmp10, $1  }
0xff: {  	_ =	sdelay $0x3  }
0x100: {  	s0 =	simm.s32 $0xC0;
	p0 =	por $0x0, $0x0  }
0x101: {  	v1 =	vld.msk @!p0 [tilespmem:s0+$0x0], $0x1;
	_ =	sdelay $0x4  }
0x102: {  	(v2sf) =	vpush @!p0 v1, $0x0;
	_ =	sdelay $0xd  }
0x103: {  	p2 =	sne.s32 s2, $0x1  }
.Ltmp11:
0x104: {  	s6 =	spop @!p0 (v2sf);
	(pc) =	sbr.rel @!p2 .LBB2_16-.Ltmp11, $4  }
0x105: {  	p1 =	seq.s32 @!p0 s5, s6  }
0x106: {  	s6 =	simm.s32 $0x0;
	p1 =	por !p1, p0  }
0x107: {  	s8 =	simm.s32 $0xFFFFFFFF;
	s6 =	simm.s32 @p1 $0xFFFFFFFF  }
0x108: {  	s7 =	simm.s32 $0x1;
	s6 =	smov.u32 @p0 s8  }
.LBB2_15:
0x109: {  	s8 =	smov.u32 s6;
	p0 =	sne.s32 s6, $0xFFFFFFFF  }
0x10a: {  	s0 =	sadd.s32 $0x1, s0;
	s6 =	smov.u32 s7;
	s7 =	sadd.s32 $0x1, s7  }
0x10b: {  	p1 =	sne.s32 s2, s7;
	v1 =	vld.msk @!p0 [tilespmem:s0+$0x0], $0x1;
	_ =	sdelay $0x4  }
0x10c: {  	(v2sf) =	vpush @!p0 v1, $0x0;
	_ =	sdelay $0xe  }
.Ltmp12:
0x10d: {  	s9 =	spop @!p0 (v2sf);
	(pc) =	sbr.rel @p1 .LBB2_15-.Ltmp12, $4  }
0x10e: {  	p2 =	seq.s32 @!p0 s5, s9  }
0x10f: {  	p2 =	por !p2, p0  }
0x110: {  	s6 =	simm.s32 @p2 $0xFFFFFFFF  }
0x111: {  	s6 =	smov.u32 @p0 s8  }
.LBB2_16:
0x112: {  	p0 =	sne.s32 s6, $0xFFFFFFFF  }
.Ltmp13:
0x113: {  	_ = 	snop;
	(pc) =	sbr.rel @!p0 .LBB2_17-.Ltmp13, $1  }
0x114: {  	_ =	sdelay $0x3  }
0x115: {  	v0 =	vld.msk [tilespmem:s4+$0xE0], $0x1;
	v1 =	vmov s6  }
.Ltmp14:
0x116: {  	_ = 	snop;
	(pc) =	sbr.rel .LBB2_19-.Ltmp14, $2  }
0x117: {  	_ =	sdelay $0x2  }
0x118: {  	[tilespmem:v1+s3+$0x0], v0 =	vst.idx.ret.add.f32.msk $0x1, v0  }
.LBB2_20:
0x119: {  	p0 =	slt.s32 s2, $0x1  }
.Ltmp15:
0x11a: {  	_ = 	snop;
	(pc) =	sbr.rel @p0 .LBB2_24-.Ltmp15, $3  }
0x11b: {  	_ =	sdelay $0x1  }
0x11c: {  	s0 =	simm.s32 $0x6  }
0x11d: {  	s3 =	simm.s32 $0x0;
	[sflag:s0] =	ssyncpa.u1 $0x1  }
0x11e: {  	s0 =	simm.s32 $0xC0  }
0x11f: {  	v0 =	vld.msk [tilespmem:s0+$0x0], $0x1;
	_ =	sdelay $0x4  }
0x120: {  	(v2sf) =	vpush v0, $0x0;
	_ =	sdelay $0xe  }
0x121: {  	s2 =	sadd.s32 $0xFFFFFFFF, s2;
	s4 =	spop (v2sf)  }
0x122: {  	p1 =	sne.s32 s2, $0x0;
	p0 =	sgt.u32 s4, $0x27FF  }
.Ltmp16:
0x123: {  	s5 =	sshrl.u32 @!p0 s4, $0x3;
	(pc) =	sbr.rel @!p1 .LBB2_23-.Ltmp16, $4  }
0x124: {  	s0 =	simm.s32 $0xE0;
	s4 =	sand.u32 @!p0 $0x7, s4;
	s5 =	sadd.s32 @!p0 s1, s5  }
0x125: {  	[hbm4b:s5+s4] =	stream.linear.scatter @!p0 [tilespmem:s0], [sflag:$0x5], $0x1, $0x38;
	[tilespmem:$0x11A60] =	vst v63  }
0x126: {  	s5 =	simm.s32 $0x0  }
0x127: {  	s4 =	simm.s32 $0xC1;
	s5 =	simm.s32 @!p0 $0x4  }
.LBB2_22:
0x128: {  	v0 =	vld.msk [tilespmem:s4+$0x0], $0x1;
	s2 =	sadd.s32 $0xFFFFFFFF, s2;
	s3 =	sadd.s32 s3, s5  }
0x129: {  	p0 =	sne.s32 s2, $0x0;
	_ =	sdelay $0x3  }
0x12a: {  	(v2sf) =	vpush v0, $0x0;
	_ =	sdelay $0xe  }
.Ltmp17:
0x12b: {  	s6 =	spop (v2sf);
	(pc) =	sbr.rel @p0 .LBB2_22-.Ltmp17, $4  }
0x12c: {  	s5 =	simm.s32 $0x0;
	p1 =	sgt.u32 s6, $0x27FF  }
0x12d: {  	s0 =	sadd.s32 $0x1, s0;
	s5 =	simm.s32 @!p1 $0x4;
	s7 =	sshrl.u32 @!p1 s6, $0x3  }
0x12e: {  	s4 =	sadd.s32 $0x1, s4;
	s6 =	sand.u32 @!p1 $0x7, s6;
	s7 =	sadd.s32 @!p1 s1, s7  }
0x12f: {  	[hbm4b:s7+s6] =	stream.linear.scatter @!p1 [tilespmem:s0], [sflag:$0x5], $0x1, $0x38;
	[tilespmem:$0x11A60] =	vst v63  }
.LBB2_23:
0x130: {  	s0 =	sadd.s32 s3, s5  }
0x131: {  	s3 =	sshrl.u32 s0, $0x2  }
.LBB2_24:
0x132: {  	s0 =	simm.s32 $0x5  }
0x133: {  	_ =	swait.ge [sflag:s0], s3  }
0x134: {  	s1 =	ssub.s32 $0x0, s3;
	[sflag:s0] =	ssyncset.done $0x0  }
0x135: {  	[sflag:s0] =	ssyncadd.s32 s1  }
0x136: {  	[sflag:s0] =	ssyncpa.u1 $0x1  }
0x137: {  	s29 =	simm.s32 $0x1;
	_ =	sfence  }
0x138: {  	s30 =	simm.s32 $0x2;
	[sflag:s29] =	ssyncpa.u1 $0x1  }
0x139: {  	[sflag:s30] =	ssyncpa.u1 $0x1  }
0x13a: {  	_ =	strace $0x90000047  }
0x13b: {  	[bflag:$0x2] =	sbarrier.arrive $0xFFFF  }
0x13c: {  	s31 =	rddreg [dreg:$0x2]  }
0x13d: {  	s0 =	sadd.s32 $0x100000, s31  }
0x13e: {  	[sflag:s0] =	ssyncadd.tile.s32 $0x1;
	_ =	shalt  }
.Lfunc_end2:
_tile_overlayer_lowered:
.L_overlay_start_2:
0x13f: {  	(tag) =	ssettag $0x2  }
0x140: {  	s0 =	rddreg [dreg:$0x0];
	s2 =	stileid.u32  }
0x141: {  	s1 =	rddreg [dreg:$0x1];
	p0 =	sne.s32 s2, $0x0  }
0x142: {  	s3 =	rddreg [dreg:$0x2];
	[bflag:$0x3] =	sbarrier.arrive $0xFFFF;
	s2 =	simm.s32 @!p0 $0x1C01  }
0x143: {  	[timem:s3], [sflag:s2] =	dma.local @!p0 [hbm:s0], s1  }
0x144: {  	s0 =	simm.s32 @!p0 $0x1  }
0x145: {  	_ =	swait.ge @!p0 [sflag:s0], s1  }
0x146: {  	s1 =	ssub.s32 @!p0 $0x0, s1;
	[sflag:s0] =	ssyncset.done @!p0 $0x0  }
0x147: {  	[sflag:s0] =	ssyncadd.s32 @!p0 s1  }
0x148: {  	[bflag:$0x3] =	sbarrier.arrive $0xFFFF  }
0x149: {  	_ =	shalt  }

</sc_bundles>
